<compile_context>
chip_gen: v7x
topology: tpu7x:2x2x1
jax: 0.10.2.dev20260603
libtpu: 0.0.44.dev20260713+nightly
codegen_flags: <defaults>
</compile_context>

<pallas_src>
import functools

import jax
import jax.numpy as jnp
from jax import lax
from jax.experimental import pallas as pl
from jax.experimental.pallas import tpu as pltpu
from jax.experimental.pallas import tpu_sc as plsc

NC, NS, NW = 2, 16, 32
N_ENT, N_REL, D = 100000, 500, 128
N_NODES, N_EDGES = 10000, 320000
BS, HIST = 100, 50

NHALF = N_NODES // NC
ACC_ROWS = NHALF + 8
REL_PAD = 512

EK = 128
E_TROWS = 160
E_CH = 8
E_NCH = E_TROWS // E_CH
E_PAD = NS * E_TROWS * EK

ZROWS = 312
ZTAIL = ACC_ROWS - NS * ZROWS

HCHUNK = 40
H_PAD = 10240
H_TROWS = H_PAD // NW // HCHUNK

BCHUNK = 40
B_PAD = 5120
B_TROWS = B_PAD // NW // BCHUNK

_f32 = jnp.float32


def _mesh():
    return plsc.VectorSubcoreMesh(core_axis_name="c", subcore_axis_name="s")


def _gather_nodes_queries(ent, rel, nid3, qe3, qr3):

    @functools.partial(
        pl.kernel,
        out_type=[
            jax.ShapeDtypeStruct((H_PAD, D), _f32),
            jax.ShapeDtypeStruct((128, D), _f32),
            jax.ShapeDtypeStruct((128, D), _f32),
        ],
        mesh=_mesh(),
        scratch_types=[
            pltpu.VMEM((H_TROWS, HCHUNK), jnp.int32),
            pltpu.VMEM((HCHUNK, D), _f32),
            pltpu.VMEM((1, 8), jnp.int32),
            pltpu.VMEM((8, D), _f32),
        ],
    )
    def k(ent_r, rel_r, nid_r, qe_r, qr_r, h_o, qe_o, qr_o,
          nidx_v, buf_v, qidx_v, qbuf_v):
        c = lax.axis_index("c")
        s = lax.axis_index("s")
        wid = c * NS + s

        pltpu.sync_copy(nid_r.at[wid], nidx_v)

        @pl.loop(0, H_TROWS)
        def _(t):
            pltpu.sync_copy(ent_r.at[nidx_v.at[t]], buf_v)
            pltpu.sync_copy(
                buf_v, h_o.at[pl.ds(wid * (H_TROWS * HCHUNK) + t * HCHUNK, HCHUNK)])

        @pl.when(wid < 16)
        def _():
            pltpu.sync_copy(qe_r.at[wid], qidx_v)
            pltpu.sync_copy(ent_r.at[qidx_v.at[0]], qbuf_v)
            pltpu.sync_copy(qbuf_v, qe_o.at[pl.ds(wid * 8, 8)])

        @pl.when((wid >= 16) & (wid < 32))
        def _():
            w = wid - 16
            pltpu.sync_copy(qr_r.at[w], qidx_v)
            pltpu.sync_copy(rel_r.at[qidx_v.at[0]], qbuf_v)
            pltpu.sync_copy(qbuf_v, qr_o.at[pl.ds(w * 8, 8)])

    return k(ent, rel, nid3, qe3, qr3)


def _edge_kernel(ent_h, rel_h, h_h, src3, dstc4, typ3, qrl3, qnt3, bnds,
                 zacc, ones128):
    out_type = [
        jax.ShapeDtypeStruct((NC, ACC_ROWS, D), _f32),
        jax.ShapeDtypeStruct((NC, ACC_ROWS, D), _f32),
    ]
    scratch = [
        pltpu.VMEM((E_CH, EK), jnp.int32),
        pltpu.VMEM((E_CH, EK), jnp.int32),
        pltpu.VMEM((E_CH, EK), jnp.int32),
        pltpu.VMEM((E_CH, EK), jnp.int32),
        pltpu.VMEM((E_CH, EK), jnp.int32),
        pltpu.VMEM((EK, D), _f32),
        pltpu.VMEM((EK, D), _f32),
        pltpu.VMEM((EK, D), _f32),
        pltpu.VMEM((EK, D), _f32),
        pltpu.VMEM_SHARED((ACC_ROWS, D), _f32),
        pltpu.SemaphoreType.DMA,
        pltpu.SemaphoreType.DMA,
    ]

    @functools.partial(pl.kernel, out_type=out_type, mesh=_mesh(),
                       scratch_types=scratch)
    def k(ent_r, rel_r, h_r, src_r, dst_r, typ_r, qrl_r, qnt_r, bnd_r,
          zacc_r, ones_r,
          pre_o, deg_o, src_v, dst_v, typ_v, qrl_v, qnt_v,
          ra_v, rb_v, rc_v, rd_v, acc_s, gsem, ssem):
        c = lax.axis_index("c")
        s = lax.axis_index("s")

        def zero_acc():
            pltpu.sync_copy(zacc_r.at[pl.ds(s * ZROWS, ZROWS)],
                            acc_s.at[pl.ds(s * ZROWS, ZROWS)])

            @pl.when(s == 0)
            def _():
                pltpu.sync_copy(zacc_r.at[pl.ds(NS * ZROWS, ZTAIL)],
                                acc_s.at[pl.ds(NS * ZROWS, ZTAIL)])

        def write_acc(out):
            pltpu.sync_copy(acc_s.at[pl.ds(s * ZROWS, ZROWS)],
                            out.at[c, pl.ds(s * ZROWS, ZROWS)])

            @pl.when(s == 0)
            def _():
                pltpu.sync_copy(acc_s.at[pl.ds(NS * ZROWS, ZTAIL)],
                                out.at[c, pl.ds(NS * ZROWS, ZTAIL)])

        zero_acc()

        plsc.subcore_barrier()

        glo = 0
        ghi = NS * E_TROWS

        @pl.loop(0, E_NCH)
        def _(cc):
            g0 = (cc * E_CH) * NS + s
            g1 = (cc * E_CH + E_CH - 1) * NS + s

            @pl.when((g0 < ghi) & (g1 >= glo))
            def _():
                pltpu.sync_copy(src_r.at[s, pl.ds(cc * E_CH, E_CH)], src_v)
                pltpu.sync_copy(dst_r.at[c, s, pl.ds(cc * E_CH, E_CH)],
                                dst_v)
                pltpu.sync_copy(typ_r.at[s, pl.ds(cc * E_CH, E_CH)], typ_v)
                pltpu.sync_copy(qrl_r.at[s, pl.ds(cc * E_CH, E_CH)], qrl_v)
                pltpu.sync_copy(qnt_r.at[s, pl.ds(cc * E_CH, E_CH)], qnt_v)

                @pl.loop(0, E_CH)
                def _(j):
                    gg = (cc * E_CH + j) * NS + s

                    @pl.when((gg >= glo) & (gg < ghi))
                    def _():
                        dst = dst_v.at[j]
                        gs = [pltpu.async_copy(ent_r.at[qnt_v.at[j]], ra_v,
                                               gsem),
                              pltpu.async_copy(h_r.at[src_v.at[j]], rb_v,
                                               gsem),
                              pltpu.async_copy(rel_r.at[typ_v.at[j]], rc_v,
                                               gsem),
                              pltpu.async_copy(rel_r.at[qrl_v.at[j]], rd_v,
                                               gsem)]
                        for g in gs:
                            g.wait()
                        ss = [pltpu.async_copy(ra_v, acc_s.at[dst], ssem,
                                               add=True),
                              pltpu.async_copy(rb_v, acc_s.at[dst], ssem,
                                               add=True),
                              pltpu.async_copy(rc_v, acc_s.at[dst], ssem,
                                               add=True),
                              pltpu.async_copy(rd_v, acc_s.at[dst], ssem,
                                               add=True)]
                        for sh in ss:
                            sh.wait()

        plsc.subcore_barrier()
        write_acc(pre_o)
        plsc.subcore_barrier()
        zero_acc()
        plsc.subcore_barrier()

        pltpu.sync_copy(ones_r, ra_v)

        @pl.loop(0, E_NCH)
        def _(cc):
            g0 = (cc * E_CH) * NS + s
            g1 = (cc * E_CH + E_CH - 1) * NS + s

            @pl.when((g0 < ghi) & (g1 >= glo))
            def _():
                pltpu.sync_copy(dst_r.at[c, s, pl.ds(cc * E_CH, E_CH)],
                                dst_v)

                ss = [pltpu.async_copy(ra_v, acc_s.at[dst_v.at[j]], ssem,
                                       add=True)
                      for j in range(E_CH)]
                for sh in ss:
                    sh.wait()

        plsc.subcore_barrier()
        write_acc(deg_o)

    return k(ent_h, rel_h, h_h, src3, dstc4, typ3, qrl3, qnt3, bnds,
             zacc, ones128)


def _combine_tc(pre2, deg2, h, W_msg, W_self):
    R = NHALF

    def body(pre_r, deg_r, h_r, wm_r, ws_r, out_r):
        deg = deg_r[0, :, 0:1]
        agg = jnp.dot(pre_r[0], wm_r[...], preferred_element_type=_f32)
        agg = agg / jnp.maximum(deg, 1.0)
        hh = h_r[...]
        out_r[...] = jnp.maximum(
            jnp.dot(hh, ws_r[...], preferred_element_type=_f32) + agg, 0.0) + hh

    return pl.pallas_call(
        body,
        grid=(N_NODES // R,),
        in_specs=[
            pl.BlockSpec((1, R, D), lambda i: (i, 0, 0)),
            pl.BlockSpec((1, R, D), lambda i: (i, 0, 0)),
            pl.BlockSpec((R, D), lambda i: (i, 0)),
            pl.BlockSpec((D, D), lambda i: (0, 0)),
            pl.BlockSpec((D, D), lambda i: (0, 0)),
        ],
        out_specs=pl.BlockSpec((R, D), lambda i: (i, 0)),
        out_shape=jax.ShapeDtypeStruct((N_NODES, D), _f32),
    )(pre2, deg2, h, W_msg, W_self)


def _gather_history(total, bni3):

    @functools.partial(
        pl.kernel,
        out_type=jax.ShapeDtypeStruct((B_PAD, D), _f32),
        mesh=_mesh(),
        scratch_types=[
            pltpu.VMEM((B_TROWS, BCHUNK), jnp.int32),
            pltpu.VMEM((BCHUNK, D), _f32),
        ],
    )
    def k(tot_r, bni_r, out_o, idx_v, buf_v):
        c = lax.axis_index("c")
        s = lax.axis_index("s")
        wid = c * NS + s

        pltpu.sync_copy(bni_r.at[wid], idx_v)

        @pl.loop(0, B_TROWS)
        def _(t):
            pltpu.sync_copy(tot_r.at[idx_v.at[t]], buf_v)
            pltpu.sync_copy(
                buf_v,
                out_o.at[pl.ds(wid * (B_TROWS * BCHUNK) + t * BCHUNK, BCHUNK)])

    return k(total, bni3)


def kernel(ent_embeds, rel_embeds, W_msg, W_self, history_times,
           query_entities, query_relations, node_ids,
           edge_src, edge_dst, edge_type, edge_query_rel, edge_query_ent,
           batch_node_ids):
    ii = jnp.int32
    nid3 = jnp.pad(node_ids.astype(ii),
                   (0, H_PAD - N_NODES)).reshape(NW, H_TROWS, HCHUNK)
    qe3 = jnp.pad(query_entities.astype(ii), (0, 128 - BS)).reshape(16, 1, 8)
    qr3 = jnp.pad(query_relations.astype(ii), (0, 128 - BS)).reshape(16, 1, 8)

    epad = E_PAD - N_EDGES
    dst_p = jnp.pad(edge_dst.astype(ii), (0, epad),
                    constant_values=N_NODES)
    key = jnp.where(dst_p < NHALF, 0,
                    jnp.where(dst_p < N_NODES, 1, 2)).astype(ii)
    order = jnp.argsort(key, stable=True)
    k0 = jnp.sum((key == 0).astype(ii))
    k1 = jnp.sum((key == 1).astype(ii))
    ng0 = (k0 + EK - 1) // EK
    gs1 = k0 // EK
    ge1 = (k0 + k1 + EK - 1) // EK
    bnds = jnp.stack([jnp.stack([jnp.int32(0), ng0]),
                      jnp.stack([gs1, ge1])])
    bnds = jnp.pad(bnds, ((0, 0), (0, 14))).reshape(NC, 1, 16)

    def lay(a):
        return a[order].reshape(E_TROWS, NS, EK).transpose(1, 0, 2)

    src3 = lay(jnp.pad(edge_src.astype(ii), (0, epad)))
    typ3 = lay(jnp.pad(edge_type.astype(ii), (0, epad)))
    qrl3 = lay(jnp.pad(edge_query_rel.astype(ii), (0, epad)))
    qnt3 = lay(jnp.pad(edge_query_ent.astype(ii), (0, epad)))
    dst0 = jnp.where(dst_p < NHALF, dst_p, NHALF)
    d1 = dst_p - NHALF
    dst1 = jnp.where((d1 >= 0) & (d1 < NHALF), d1, NHALF)
    dstc4 = jnp.stack([lay(dst0), lay(dst1)])

    bni3 = jnp.pad(batch_node_ids.astype(ii),
                   (0, B_PAD - BS * HIST)).reshape(NW, B_TROWS, BCHUNK)
    zacc = jnp.zeros((ACC_ROWS, D), _f32)
    ones128 = jnp.ones((EK, D), _f32)

    h, qe_pad, qr_pad = _gather_nodes_queries(ent_embeds, rel_embeds,
                                              nid3, qe3, qr3)

    rel_pad = jnp.pad(rel_embeds.astype(_f32), ((0, REL_PAD - N_REL), (0, 0)))
    pre2, deg2 = _edge_kernel(ent_embeds, rel_pad, h, src3, dstc4, typ3,
                              qrl3, qnt3, bnds, zacc, ones128)

    total = _combine_tc(pre2, deg2, h, W_msg, W_self)
    hist_pad = _gather_history(total, bni3)

    history_gh = hist_pad[:BS * HIST].reshape(BS, HIST, D)
    history_pad_mask = (history_times == -1.0)[:, None, :]
    local_type = node_ids.reshape(BS, BS)
    return (qe_pad[:BS], qr_pad[:BS], history_gh, history_pad_mask,
            total, local_type)

# --- scband reference (transcript-rebuilt; emitter-appended) ---
"""Pipeline reference for scband-temporal-transformer-hawkes-graph-model-87299505258639 (READ-ONLY COPY).

The authoritative reference and input builder live on the scoring server;
editing this copy changes nothing except your own understanding.
"""

import jax, jax.numpy as jnp
import numpy as np

N_ENT = 100000
N_REL = 500
D = 128
N_NODES = 10000
N_EDGES = 320000
BS = 100
HIST = 50


def setup_inputs(seed: int = 0) -> dict:
    key = jax.random.key(seed)
    ks = jax.random.split(key, 16)
    inp = {}
    inp["ent_embeds"] = jax.random.normal(ks[10], (N_ENT, D), dtype=jnp.float32) * 0.02
    inp["rel_embeds"] = jax.random.normal(ks[11], (N_REL, D), dtype=jnp.float32) * 0.02
    inp["W_msg"] = jax.random.normal(ks[12], (D, D), dtype=jnp.float32) * (1.0 / np.sqrt(D))
    inp["W_self"] = jax.random.normal(ks[13], (D, D), dtype=jnp.float32) * (1.0 / np.sqrt(D))
    inp["history_times"] = jax.random.uniform(ks[2], (BS, HIST), dtype=jnp.float32)
    inp["query_entities"] = jax.random.randint(ks[0], (BS,), 0, N_ENT)
    inp["query_relations"] = jax.random.randint(ks[1], (BS,), 0, N_REL)
    inp["node_ids"] = jax.random.randint(ks[4], (N_NODES,), 0, N_ENT)
    inp["edge_src"] = jax.random.randint(ks[5], (N_EDGES,), 0, N_NODES)
    inp["edge_dst"] = jax.random.randint(ks[6], (N_EDGES,), 0, N_NODES)
    inp["edge_type"] = jax.random.randint(ks[7], (N_EDGES,), 0, N_REL)
    inp["edge_query_rel"] = jax.random.randint(ks[8], (N_EDGES,), 0, N_REL)
    inp["edge_query_ent"] = jax.random.randint(ks[9], (N_EDGES,), 0, N_ENT)
    inp["batch_node_ids"] = jax.random.randint(ks[3], (BS * HIST,), 0, N_NODES)
    return inp


def reference(ent_embeds, rel_embeds, W_msg, W_self, history_times,
              query_entities, query_relations, node_ids,
              edge_src, edge_dst, edge_type, edge_query_rel, edge_query_ent,
              batch_node_ids):
    # ndata['h'] = ent_embeds(ids); edata gathers
    h = jnp.take(ent_embeds, node_ids, axis=0)
    eh = jnp.take(rel_embeds, edge_type, axis=0)
    qrh = jnp.take(rel_embeds, edge_query_rel, axis=0)
    qeh = jnp.take(ent_embeds, edge_query_ent, axis=0)
    # RGT graph encoder (relational message passing): per-edge message combining
    # src node state, edge relation, query relation and query entity embeddings,
    # mean-aggregated to dst nodes with residual.
    msg = (jnp.take(h, edge_src, axis=0) + eh + qrh + qeh) @ W_msg
    agg = jax.ops.segment_sum(msg, edge_dst, num_segments=N_NODES)
    deg = jax.ops.segment_sum(jnp.ones((N_EDGES,), dtype=h.dtype), edge_dst, num_segments=N_NODES)
    agg = agg / jnp.maximum(deg, 1.0)[:, None]
    total_nodes_h = jax.nn.relu(h @ W_self + agg) + h
    query_rel_embeds = jnp.take(rel_embeds, query_relations, axis=0)
    query_ent_embeds = jnp.take(ent_embeds, query_entities, axis=0)
    bs, hist_len = history_times.shape
    history_gh = jnp.take(total_nodes_h, batch_node_ids, axis=0).reshape(bs, hist_len, -1)
    history_pad_mask = (history_times == -1.0)[:, None, :]
    local_type = node_ids.reshape(bs, -1)
    return (query_ent_embeds, query_rel_embeds, history_gh, history_pad_mask, total_nodes_h, local_type)

if __name__ == "__main__":
    import jax
    _d = setup_inputs()
    print(jax.jit(kernel)(*tuple(_d.values())))

</pallas_src>

<mosaic_0001>
#map = affine_map<(d0, d1) -> (0, 0)>
#map1 = affine_map<(d0, d1) -> (0, 0, 0)>
module attributes {stable_mosaic.version = 14 : i64} {
  func.func @k(%arg0: i32, %arg1: i32, %arg2: memref<100000x128xf32, #tpu.memory_space<hbm>>, %arg3: memref<500x128xf32, #tpu.memory_space<hbm>>, %arg4: memref<32x8x40xi32, #tpu.memory_space<hbm>>, %arg5: memref<16x1x8xi32, #tpu.memory_space<hbm>>, %arg6: memref<16x1x8xi32, #tpu.memory_space<hbm>>, %arg7: memref<10240x128xf32, #tpu.memory_space<hbm>>, %arg8: memref<128x128xf32, #tpu.memory_space<hbm>>, %arg9: memref<128x128xf32, #tpu.memory_space<hbm>>, %arg10: memref<8x40xi32, #tpu.memory_space<vmem>>, %arg11: memref<40x128xf32, #tpu.memory_space<vmem>>, %arg12: memref<1x8xi32, #tpu.memory_space<vmem>>, %arg13: memref<8x128xf32, #tpu.memory_space<vmem>>) attributes {dimension_semantics = [#tpu.dimension_semantics<core_parallel>, #tpu.dimension_semantics<subcore_parallel>], iteration_bounds = array<i64: 2, 16>, scalar_prefetch = 0 : i64, scratch_operands = 4 : i64, tpu.core_type = #tpu.core_type<sc_vector_subcore>, window_params = [{transform_indices = #map}, {transform_indices = #map}, {transform_indices = #map1}, {transform_indices = #map1}, {transform_indices = #map1}, {transform_indices = #map}, {transform_indices = #map}, {transform_indices = #map}]} {
    %mul3A = arith.constant 16 : i32
    %mul3A_0 = arith.muli %arg0, %mul3A : i32
    %add3A = arith.addi %mul3A_0, %arg1 : i32
    "tpu.region"() ({
      %run_scoped3A = tpu.sem_alloc : memref<!tpu.dma_semaphore, #tpu.memory_space<semaphore_mem>>
      %dma_start3A = arith.constant 0 : i32
      %dma_start3A_13 = arith.constant 0 : i32
      %dma_start3A_14 = tpu.memref_slice %arg4[%add3A, %dma_start3A, %dma_start3A_13] : memref<32x8x40xi32, #tpu.memory_space<hbm>> -> memref<1x8x40xi32, #tpu.memory_space<hbm>>
      %dma_start3A_15 = tpu.memref_squeeze %dma_start3A_14 : memref<1x8x40xi32, #tpu.memory_space<hbm>> -> memref<8x40xi32, #tpu.memory_space<hbm>>
      %dma_start3A_16 = arith.constant 0 : i32
      %dma_start3A_17 = arith.constant 0 : i32
      %dma_start3A_18 = tpu.memref_slice %arg4[%add3A, %dma_start3A_16, %dma_start3A_17] : memref<32x8x40xi32, #tpu.memory_space<hbm>> -> memref<1x8x40xi32, #tpu.memory_space<hbm>>
      %dma_start3A_19 = tpu.memref_squeeze %dma_start3A_18 : memref<1x8x40xi32, #tpu.memory_space<hbm>> -> memref<8x40xi32, #tpu.memory_space<hbm>>
      tpu.enqueue_dma source(%dma_start3A_19 : memref<8x40xi32, #tpu.memory_space<hbm>>) target(%arg10 : memref<8x40xi32, #tpu.memory_space<vmem>>) target_semaphore(%run_scoped3A : memref<!tpu.dma_semaphore, #tpu.memory_space<semaphore_mem>>)
      %dma_wait3A = arith.constant 0 : i32
      %dma_wait3A_20 = arith.constant 0 : i32
      %dma_wait3A_21 = tpu.memref_slice %arg4[%add3A, %dma_wait3A, %dma_wait3A_20] : memref<32x8x40xi32, #tpu.memory_space<hbm>> -> memref<1x8x40xi32, #tpu.memory_space<hbm>>
      %dma_wait3A_22 = tpu.memref_squeeze %dma_wait3A_21 : memref<1x8x40xi32, #tpu.memory_space<hbm>> -> memref<8x40xi32, #tpu.memory_space<hbm>>
      %dma_wait3A_23 = arith.constant 0 : i32
      %dma_wait3A_24 = arith.constant 0 : i32
      %dma_wait3A_25 = tpu.memref_slice %arg4[%add3A, %dma_wait3A_23, %dma_wait3A_24] : memref<32x8x40xi32, #tpu.memory_space<hbm>> -> memref<1x8x40xi32, #tpu.memory_space<hbm>>
      %dma_wait3A_26 = tpu.memref_squeeze %dma_wait3A_25 : memref<1x8x40xi32, #tpu.memory_space<hbm>> -> memref<8x40xi32, #tpu.memory_space<hbm>>
      tpu.wait_dma2 semaphore(%run_scoped3A : memref<!tpu.dma_semaphore, #tpu.memory_space<semaphore_mem>>) src(%dma_wait3A_26 : memref<8x40xi32, #tpu.memory_space<hbm>>) dst(%arg10 : memref<8x40xi32, #tpu.memory_space<vmem>>)
      tpu.yield
    }) : () -> ()
    %scan3A = arith.constant 0 : i32
    %scan3A_1 = arith.constant 8 : i32
    %scan3A_2 = arith.addi %scan3A, %scan3A_1 : i32
    %scan3A_3 = arith.constant 1 : i32
    scf.for %scan3A_13 = %scan3A to %scan3A_2 step %scan3A_3  : i32 {
      %mul3A_14 = arith.constant 1 : i32
      %mul3A_15 = arith.muli %scan3A_13, %mul3A_14 : i32
      %add3A_16 = arith.constant 0 : i32
      %add3A_17 = arith.addi %add3A_16, %mul3A_15 : i32
      "tpu.region"() ({
        %run_scoped3A = tpu.sem_alloc : memref<!tpu.dma_semaphore, #tpu.memory_space<semaphore_mem>>
        %dma_start3A = arith.constant 0 : i32
        %dma_start3A_23 = tpu.memref_slice %arg10[%add3A_17, %dma_start3A] : memref<8x40xi32, #tpu.memory_space<vmem>> -> memref<1x40xi32, #tpu.memory_space<vmem>>
        %dma_start3A_24 = tpu.memref_squeeze %dma_start3A_23 : memref<1x40xi32, #tpu.memory_space<vmem>> -> memref<40xi32, #tpu.memory_space<vmem>>
        %dma_start3A_25 = arith.constant 0 : i32
        %dma_start3A_26 = arith.constant 0 : i32
        %dma_start3A_27 = tpu.memref_slice %arg2[%dma_start3A_25, %dma_start3A_26] : memref<100000x128xf32, #tpu.memory_space<hbm>> -> memref<100000x128xf32, #tpu.memory_space<hbm>>
        tpu.enqueue_indirect_dma source(%dma_start3A_27 : memref<100000x128xf32, #tpu.memory_space<hbm>>) target(%arg11 : memref<40x128xf32, #tpu.memory_space<vmem>>) offsets(%dma_start3A_24 : memref<40xi32, #tpu.memory_space<vmem>>) semaphore(%run_scoped3A : memref<!tpu.dma_semaphore, #tpu.memory_space<semaphore_mem>>)
        %dma_wait3A = arith.constant 0 : i32
        %dma_wait3A_28 = tpu.memref_slice %arg10[%add3A_17, %dma_wait3A] : memref<8x40xi32, #tpu.memory_space<vmem>> -> memref<1x40xi32, #tpu.memory_space<vmem>>
        %dma_wait3A_29 = tpu.memref_squeeze %dma_wait3A_28 : memref<1x40xi32, #tpu.memory_space<vmem>> -> memref<40xi32, #tpu.memory_space<vmem>>
        %dma_wait3A_30 = arith.constant 0 : i32
        %dma_wait3A_31 = arith.constant 0 : i32
        %dma_wait3A_32 = tpu.memref_slice %arg2[%dma_wait3A_30, %dma_wait3A_31] : memref<100000x128xf32, #tpu.memory_space<hbm>> -> memref<100000x128xf32, #tpu.memory_space<hbm>>
        tpu.wait_indirect_dma semaphore(%run_scoped3A : memref<!tpu.dma_semaphore, #tpu.memory_space<semaphore_mem>>) src(%dma_wait3A_32 : memref<100000x128xf32, #tpu.memory_space<hbm>>) dst(%arg11 : memref<40x128xf32, #tpu.memory_space<vmem>>)
        tpu.yield
      }) : () -> ()
      %mul3A_18 = arith.constant 320 : i32
      %mul3A_19 = arith.muli %add3A, %mul3A_18 : i32
      %mul3A_20 = arith.constant 40 : i32
      %mul3A_21 = arith.muli %add3A_17, %mul3A_20 : i32
      %add3A_22 = arith.addi %mul3A_19, %mul3A_21 : i32
      "tpu.region"() ({
        %run_scoped3A = tpu.sem_alloc : memref<!tpu.dma_semaphore, #tpu.memory_space<semaphore_mem>>
        %dma_start3A = arith.constant 0 : i32
        %dma_start3A_23 = tpu.memref_slice %arg7[%add3A_22, %dma_start3A] : memref<10240x128xf32, #tpu.memory_space<hbm>> -> memref<40x128xf32, #tpu.memory_space<hbm>>
        %dma_start3A_24 = arith.constant 0 : i32
        %dma_start3A_25 = tpu.memref_slice %arg7[%add3A_22, %dma_start3A_24] : memref<10240x128xf32, #tpu.memory_space<hbm>> -> memref<40x128xf32, #tpu.memory_space<hbm>>
        tpu.enqueue_dma source(%arg11 : memref<40x128xf32, #tpu.memory_space<vmem>>) target(%dma_start3A_25 : memref<40x128xf32, #tpu.memory_space<hbm>>) target_semaphore(%run_scoped3A : memref<!tpu.dma_semaphore, #tpu.memory_space<semaphore_mem>>)
        %dma_wait3A = arith.constant 0 : i32
        %dma_wait3A_26 = tpu.memref_slice %arg7[%add3A_22, %dma_wait3A] : memref<10240x128xf32, #tpu.memory_space<hbm>> -> memref<40x128xf32, #tpu.memory_space<hbm>>
        %dma_wait3A_27 = arith.constant 0 : i32
        %dma_wait3A_28 = tpu.memref_slice %arg7[%add3A_22, %dma_wait3A_27] : memref<10240x128xf32, #tpu.memory_space<hbm>> -> memref<40x128xf32, #tpu.memory_space<hbm>>
        tpu.wait_dma2 semaphore(%run_scoped3A : memref<!tpu.dma_semaphore, #tpu.memory_space<semaphore_mem>>) src(%arg11 : memref<40x128xf32, #tpu.memory_space<vmem>>) dst(%dma_wait3A_28 : memref<40x128xf32, #tpu.memory_space<hbm>>)
        tpu.yield
      }) : () -> ()
    }
    %scan3A_4 = arith.constant 8 : i32
    %lt3A = arith.constant 16 : i32
    %lt3A_5 = arith.cmpi slt, %add3A, %lt3A : i32
    %convert_element_type3A = arith.extui %lt3A_5 : i1 to i32
    %cond3A = arith.constant 0 : i32
    %cond3A_6 = arith.cmpi ne, %convert_element_type3A, %cond3A : i32
    scf.if %cond3A_6 {
      "tpu.region"() ({
        %run_scoped3A_15 = tpu.sem_alloc : memref<!tpu.dma_semaphore, #tpu.memory_space<semaphore_mem>>
        %dma_start3A = arith.constant 0 : i32
        %dma_start3A_16 = arith.constant 0 : i32
        %dma_start3A_17 = tpu.memref_slice %arg5[%add3A, %dma_start3A, %dma_start3A_16] : memref<16x1x8xi32, #tpu.memory_space<hbm>> -> memref<1x1x8xi32, #tpu.memory_space<hbm>>
        %dma_start3A_18 = tpu.memref_squeeze %dma_start3A_17 : memref<1x1x8xi32, #tpu.memory_space<hbm>> -> memref<1x8xi32, #tpu.memory_space<hbm>>
        %dma_start3A_19 = arith.constant 0 : i32
        %dma_start3A_20 = arith.constant 0 : i32
        %dma_start3A_21 = tpu.memref_slice %arg5[%add3A, %dma_start3A_19, %dma_start3A_20] : memref<16x1x8xi32, #tpu.memory_space<hbm>> -> memref<1x1x8xi32, #tpu.memory_space<hbm>>
        %dma_start3A_22 = tpu.memref_squeeze %dma_start3A_21 : memref<1x1x8xi32, #tpu.memory_space<hbm>> -> memref<1x8xi32, #tpu.memory_space<hbm>>
        tpu.enqueue_dma source(%dma_start3A_22 : memref<1x8xi32, #tpu.memory_space<hbm>>) target(%arg12 : memref<1x8xi32, #tpu.memory_space<vmem>>) target_semaphore(%run_scoped3A_15 : memref<!tpu.dma_semaphore, #tpu.memory_space<semaphore_mem>>)
        %dma_wait3A = arith.constant 0 : i32
        %dma_wait3A_23 = arith.constant 0 : i32
        %dma_wait3A_24 = tpu.memref_slice %arg5[%add3A, %dma_wait3A, %dma_wait3A_23] : memref<16x1x8xi32, #tpu.memory_space<hbm>> -> memref<1x1x8xi32, #tpu.memory_space<hbm>>
        %dma_wait3A_25 = tpu.memref_squeeze %dma_wait3A_24 : memref<1x1x8xi32, #tpu.memory_space<hbm>> -> memref<1x8xi32, #tpu.memory_space<hbm>>
        %dma_wait3A_26 = arith.constant 0 : i32
        %dma_wait3A_27 = arith.constant 0 : i32
        %dma_wait3A_28 = tpu.memref_slice %arg5[%add3A, %dma_wait3A_26, %dma_wait3A_27] : memref<16x1x8xi32, #tpu.memory_space<hbm>> -> memref<1x1x8xi32, #tpu.memory_space<hbm>>
        %dma_wait3A_29 = tpu.memref_squeeze %dma_wait3A_28 : memref<1x1x8xi32, #tpu.memory_space<hbm>> -> memref<1x8xi32, #tpu.memory_space<hbm>>
        tpu.wait_dma2 semaphore(%run_scoped3A_15 : memref<!tpu.dma_semaphore, #tpu.memory_space<semaphore_mem>>) src(%dma_wait3A_29 : memref<1x8xi32, #tpu.memory_space<hbm>>) dst(%arg12 : memref<1x8xi32, #tpu.memory_space<vmem>>)
        tpu.yield
      }) : () -> ()
      %run_scoped3A = arith.constant 0 : i32
      "tpu.region"() ({
        %run_scoped3A_15 = tpu.sem_alloc : memref<!tpu.dma_semaphore, #tpu.memory_space<semaphore_mem>>
        %dma_start3A = arith.constant 0 : i32
        %dma_start3A_16 = tpu.memref_slice %arg12[%run_scoped3A, %dma_start3A] : memref<1x8xi32, #tpu.memory_space<vmem>> -> memref<1x8xi32, #tpu.memory_space<vmem>>
        %dma_start3A_17 = tpu.memref_squeeze %dma_start3A_16 : memref<1x8xi32, #tpu.memory_space<vmem>> -> memref<8xi32, #tpu.memory_space<vmem>>
        %dma_start3A_18 = arith.constant 0 : i32
        %dma_start3A_19 = arith.constant 0 : i32
        %dma_start3A_20 = tpu.memref_slice %arg2[%dma_start3A_18, %dma_start3A_19] : memref<100000x128xf32, #tpu.memory_space<hbm>> -> memref<100000x128xf32, #tpu.memory_space<hbm>>
        tpu.enqueue_indirect_dma source(%dma_start3A_20 : memref<100000x128xf32, #tpu.memory_space<hbm>>) target(%arg13 : memref<8x128xf32, #tpu.memory_space<vmem>>) offsets(%dma_start3A_17 : memref<8xi32, #tpu.memory_space<vmem>>) semaphore(%run_scoped3A_15 : memref<!tpu.dma_semaphore, #tpu.memory_space<semaphore_mem>>)
        %dma_wait3A = arith.constant 0 : i32
        %dma_wait3A_21 = tpu.memref_slice %arg12[%run_scoped3A, %dma_wait3A] : memref<1x8xi32, #tpu.memory_space<vmem>> -> memref<1x8xi32, #tpu.memory_space<vmem>>
        %dma_wait3A_22 = tpu.memref_squeeze %dma_wait3A_21 : memref<1x8xi32, #tpu.memory_space<vmem>> -> memref<8xi32, #tpu.memory_space<vmem>>
        %dma_wait3A_23 = arith.constant 0 : i32
        %dma_wait3A_24 = arith.constant 0 : i32
        %dma_wait3A_25 = tpu.memref_slice %arg2[%dma_wait3A_23, %dma_wait3A_24] : memref<100000x128xf32, #tpu.memory_space<hbm>> -> memref<100000x128xf32, #tpu.memory_space<hbm>>
        tpu.wait_indirect_dma semaphore(%run_scoped3A_15 : memref<!tpu.dma_semaphore, #tpu.memory_space<semaphore_mem>>) src(%dma_wait3A_25 : memref<100000x128xf32, #tpu.memory_space<hbm>>) dst(%arg13 : memref<8x128xf32, #tpu.memory_space<vmem>>)
        tpu.yield
      }) : () -> ()
      %mul3A_13 = arith.constant 8 : i32
      %mul3A_14 = arith.muli %add3A, %mul3A_13 : i32
      "tpu.region"() ({
        %run_scoped3A_15 = tpu.sem_alloc : memref<!tpu.dma_semaphore, #tpu.memory_space<semaphore_mem>>
        %dma_start3A = arith.constant 0 : i32
        %dma_start3A_16 = tpu.memref_slice %arg8[%mul3A_14, %dma_start3A] : memref<128x128xf32, #tpu.memory_space<hbm>> -> memref<8x128xf32, #tpu.memory_space<hbm>>
        %dma_start3A_17 = arith.constant 0 : i32
        %dma_start3A_18 = tpu.memref_slice %arg8[%mul3A_14, %dma_start3A_17] : memref<128x128xf32, #tpu.memory_space<hbm>> -> memref<8x128xf32, #tpu.memory_space<hbm>>
        tpu.enqueue_dma source(%arg13 : memref<8x128xf32, #tpu.memory_space<vmem>>) target(%dma_start3A_18 : memref<8x128xf32, #tpu.memory_space<hbm>>) target_semaphore(%run_scoped3A_15 : memref<!tpu.dma_semaphore, #tpu.memory_space<semaphore_mem>>)
        %dma_wait3A = arith.constant 0 : i32
        %dma_wait3A_19 = tpu.memref_slice %arg8[%mul3A_14, %dma_wait3A] : memref<128x128xf32, #tpu.memory_space<hbm>> -> memref<8x128xf32, #tpu.memory_space<hbm>>
        %dma_wait3A_20 = arith.constant 0 : i32
        %dma_wait3A_21 = tpu.memref_slice %arg8[%mul3A_14, %dma_wait3A_20] : memref<128x128xf32, #tpu.memory_space<hbm>> -> memref<8x128xf32, #tpu.memory_space<hbm>>
        tpu.wait_dma2 semaphore(%run_scoped3A_15 : memref<!tpu.dma_semaphore, #tpu.memory_space<semaphore_mem>>) src(%arg13 : memref<8x128xf32, #tpu.memory_space<vmem>>) dst(%dma_wait3A_21 : memref<8x128xf32, #tpu.memory_space<hbm>>)
        tpu.yield
      }) : () -> ()
    } else {
    }
    %ge3A = arith.constant 16 : i32
    %ge3A_7 = arith.cmpi sge, %add3A, %ge3A : i32
    %lt3A_8 = arith.constant 32 : i32
    %lt3A_9 = arith.cmpi slt, %add3A, %lt3A_8 : i32
    %and3A = arith.andi %ge3A_7, %lt3A_9 : i1
    %convert_element_type3A_10 = arith.extui %and3A : i1 to i32
    %cond3A_11 = arith.constant 0 : i32
    %cond3A_12 = arith.cmpi ne, %convert_element_type3A_10, %cond3A_11 : i32
    scf.if %cond3A_12 {
      %sub3A = arith.constant 16 : i32
      %sub3A_13 = arith.subi %add3A, %sub3A : i32
      "tpu.region"() ({
        %run_scoped3A_16 = tpu.sem_alloc : memref<!tpu.dma_semaphore, #tpu.memory_space<semaphore_mem>>
        %dma_start3A = arith.constant 0 : i32
        %dma_start3A_17 = arith.constant 0 : i32
        %dma_start3A_18 = tpu.memref_slice %arg6[%sub3A_13, %dma_start3A, %dma_start3A_17] : memref<16x1x8xi32, #tpu.memory_space<hbm>> -> memref<1x1x8xi32, #tpu.memory_space<hbm>>
        %dma_start3A_19 = tpu.memref_squeeze %dma_start3A_18 : memref<1x1x8xi32, #tpu.memory_space<hbm>> -> memref<1x8xi32, #tpu.memory_space<hbm>>
        %dma_start3A_20 = arith.constant 0 : i32
        %dma_start3A_21 = arith.constant 0 : i32
        %dma_start3A_22 = tpu.memref_slice %arg6[%sub3A_13, %dma_start3A_20, %dma_start3A_21] : memref<16x1x8xi32, #tpu.memory_space<hbm>> -> memref<1x1x8xi32, #tpu.memory_space<hbm>>
        %dma_start3A_23 = tpu.memref_squeeze %dma_start3A_22 : memref<1x1x8xi32, #tpu.memory_space<hbm>> -> memref<1x8xi32, #tpu.memory_space<hbm>>
        tpu.enqueue_dma source(%dma_start3A_23 : memref<1x8xi32, #tpu.memory_space<hbm>>) target(%arg12 : memref<1x8xi32, #tpu.memory_space<vmem>>) target_semaphore(%run_scoped3A_16 : memref<!tpu.dma_semaphore, #tpu.memory_space<semaphore_mem>>)
        %dma_wait3A = arith.constant 0 : i32
        %dma_wait3A_24 = arith.constant 0 : i32
        %dma_wait3A_25 = tpu.memref_slice %arg6[%sub3A_13, %dma_wait3A, %dma_wait3A_24] : memref<16x1x8xi32, #tpu.memory_space<hbm>> -> memref<1x1x8xi32, #tpu.memory_space<hbm>>
        %dma_wait3A_26 = tpu.memref_squeeze %dma_wait3A_25 : memref<1x1x8xi32, #tpu.memory_space<hbm>> -> memref<1x8xi32, #tpu.memory_space<hbm>>
        %dma_wait3A_27 = arith.constant 0 : i32
        %dma_wait3A_28 = arith.constant 0 : i32
        %dma_wait3A_29 = tpu.memref_slice %arg6[%sub3A_13, %dma_wait3A_27, %dma_wait3A_28] : memref<16x1x8xi32, #tpu.memory_space<hbm>> -> memref<1x1x8xi32, #tpu.memory_space<hbm>>
        %dma_wait3A_30 = tpu.memref_squeeze %dma_wait3A_29 : memref<1x1x8xi32, #tpu.memory_space<hbm>> -> memref<1x8xi32, #tpu.memory_space<hbm>>
        tpu.wait_dma2 semaphore(%run_scoped3A_16 : memref<!tpu.dma_semaphore, #tpu.memory_space<semaphore_mem>>) src(%dma_wait3A_30 : memref<1x8xi32, #tpu.memory_space<hbm>>) dst(%arg12 : memref<1x8xi32, #tpu.memory_space<vmem>>)
        tpu.yield
      }) : () -> ()
      %run_scoped3A = arith.constant 0 : i32
      "tpu.region"() ({
        %run_scoped3A_16 = tpu.sem_alloc : memref<!tpu.dma_semaphore, #tpu.memory_space<semaphore_mem>>
        %dma_start3A = arith.constant 0 : i32
        %dma_start3A_17 = tpu.memref_slice %arg12[%run_scoped3A, %dma_start3A] : memref<1x8xi32, #tpu.memory_space<vmem>> -> memref<1x8xi32, #tpu.memory_space<vmem>>
        %dma_start3A_18 = tpu.memref_squeeze %dma_start3A_17 : memref<1x8xi32, #tpu.memory_space<vmem>> -> memref<8xi32, #tpu.memory_space<vmem>>
        %dma_start3A_19 = arith.constant 0 : i32
        %dma_start3A_20 = arith.constant 0 : i32
        %dma_start3A_21 = tpu.memref_slice %arg3[%dma_start3A_19, %dma_start3A_20] : memref<500x128xf32, #tpu.memory_space<hbm>> -> memref<500x128xf32, #tpu.memory_space<hbm>>
        tpu.enqueue_indirect_dma source(%dma_start3A_21 : memref<500x128xf32, #tpu.memory_space<hbm>>) target(%arg13 : memref<8x128xf32, #tpu.memory_space<vmem>>) offsets(%dma_start3A_18 : memref<8xi32, #tpu.memory_space<vmem>>) semaphore(%run_scoped3A_16 : memref<!tpu.dma_semaphore, #tpu.memory_space<semaphore_mem>>)
        %dma_wait3A = arith.constant 0 : i32
        %dma_wait3A_22 = tpu.memref_slice %arg12[%run_scoped3A, %dma_wait3A] : memref<1x8xi32, #tpu.memory_space<vmem>> -> memref<1x8xi32, #tpu.memory_space<vmem>>
        %dma_wait3A_23 = tpu.memref_squeeze %dma_wait3A_22 : memref<1x8xi32, #tpu.memory_space<vmem>> -> memref<8xi32, #tpu.memory_space<vmem>>
        %dma_wait3A_24 = arith.constant 0 : i32
        %dma_wait3A_25 = arith.constant 0 : i32
        %dma_wait3A_26 = tpu.memref_slice %arg3[%dma_wait3A_24, %dma_wait3A_25] : memref<500x128xf32, #tpu.memory_space<hbm>> -> memref<500x128xf32, #tpu.memory_space<hbm>>
        tpu.wait_indirect_dma semaphore(%run_scoped3A_16 : memref<!tpu.dma_semaphore, #tpu.memory_space<semaphore_mem>>) src(%dma_wait3A_26 : memref<500x128xf32, #tpu.memory_space<hbm>>) dst(%arg13 : memref<8x128xf32, #tpu.memory_space<vmem>>)
        tpu.yield
      }) : () -> ()
      %mul3A_14 = arith.constant 8 : i32
      %mul3A_15 = arith.muli %sub3A_13, %mul3A_14 : i32
      "tpu.region"() ({
        %run_scoped3A_16 = tpu.sem_alloc : memref<!tpu.dma_semaphore, #tpu.memory_space<semaphore_mem>>
        %dma_start3A = arith.constant 0 : i32
        %dma_start3A_17 = tpu.memref_slice %arg9[%mul3A_15, %dma_start3A] : memref<128x128xf32, #tpu.memory_space<hbm>> -> memref<8x128xf32, #tpu.memory_space<hbm>>
        %dma_start3A_18 = arith.constant 0 : i32
        %dma_start3A_19 = tpu.memref_slice %arg9[%mul3A_15, %dma_start3A_18] : memref<128x128xf32, #tpu.memory_space<hbm>> -> memref<8x128xf32, #tpu.memory_space<hbm>>
        tpu.enqueue_dma source(%arg13 : memref<8x128xf32, #tpu.memory_space<vmem>>) target(%dma_start3A_19 : memref<8x128xf32, #tpu.memory_space<hbm>>) target_semaphore(%run_scoped3A_16 : memref<!tpu.dma_semaphore, #tpu.memory_space<semaphore_mem>>)
        %dma_wait3A = arith.constant 0 : i32
        %dma_wait3A_20 = tpu.memref_slice %arg9[%mul3A_15, %dma_wait3A] : memref<128x128xf32, #tpu.memory_space<hbm>> -> memref<8x128xf32, #tpu.memory_space<hbm>>
        %dma_wait3A_21 = arith.constant 0 : i32
        %dma_wait3A_22 = tpu.memref_slice %arg9[%mul3A_15, %dma_wait3A_21] : memref<128x128xf32, #tpu.memory_space<hbm>> -> memref<8x128xf32, #tpu.memory_space<hbm>>
        tpu.wait_dma2 semaphore(%run_scoped3A_16 : memref<!tpu.dma_semaphore, #tpu.memory_space<semaphore_mem>>) src(%arg13 : memref<8x128xf32, #tpu.memory_space<vmem>>) dst(%dma_wait3A_22 : memref<8x128xf32, #tpu.memory_space<hbm>>)
        tpu.yield
      }) : () -> ()
    } else {
    }
    return
  }
}

#map = affine_map<(d0, d1) -> (0, 0)>
#map1 = affine_map<(d0, d1) -> (0, 0, 0)>
#map2 = affine_map<(d0, d1) -> (0, 0, 0, 0)>
module attributes {stable_mosaic.version = 14 : i64} {
  func.func @k(%arg0: i32, %arg1: i32, %arg2: memref<100000x128xf32, #tpu.memory_space<hbm>>, %arg3: memref<512x128xf32, #tpu.memory_space<hbm>>, %arg4: memref<10240x128xf32, #tpu.memory_space<hbm>>, %arg5: memref<16x160x128xi32, #tpu.memory_space<hbm>>, %arg6: memref<2x16x160x128xi32, #tpu.memory_space<hbm>>, %arg7: memref<16x160x128xi32, #tpu.memory_space<hbm>>, %arg8: memref<16x160x128xi32, #tpu.memory_space<hbm>>, %arg9: memref<16x160x128xi32, #tpu.memory_space<hbm>>, %arg10: memref<2x1x16xi32, #tpu.memory_space<hbm>>, %arg11: memref<5008x128xf32, #tpu.memory_space<hbm>>, %arg12: memref<128x128xf32, #tpu.memory_space<hbm>>, %arg13: memref<2x5008x128xf32, #tpu.memory_space<hbm>>, %arg14: memref<2x5008x128xf32, #tpu.memory_space<hbm>>, %arg15: memref<8x128xi32, #tpu.memory_space<vmem>>, %arg16: memref<8x128xi32, #tpu.memory_space<vmem>>, %arg17: memref<8x128xi32, #tpu.memory_space<vmem>>, %arg18: memref<8x128xi32, #tpu.memory_space<vmem>>, %arg19: memref<8x128xi32, #tpu.memory_space<vmem>>, %arg20: memref<128x128xf32, #tpu.memory_space<vmem>>, %arg21: memref<128x128xf32, #tpu.memory_space<vmem>>, %arg22: memref<128x128xf32, #tpu.memory_space<vmem>>, %arg23: memref<128x128xf32, #tpu.memory_space<vmem>>, %arg24: memref<5008x128xf32, #tpu.memory_space<vmem_shared>>, %arg25: memref<!tpu.dma_semaphore, #tpu.memory_space<semaphore_mem>>, %arg26: memref<!tpu.dma_semaphore, #tpu.memory_space<semaphore_mem>>) attributes {dimension_semantics = [#tpu.dimension_semantics<core_parallel>, #tpu.dimension_semantics<subcore_parallel>], iteration_bounds = array<i64: 2, 16>, scalar_prefetch = 0 : i64, scratch_operands = 12 : i64, tpu.core_type = #tpu.core_type<sc_vector_subcore>, window_params = [{transform_indices = #map}, {transform_indices = #map}, {transform_indices = #map}, {transform_indices = #map1}, {transform_indices = #map2}, {transform_indices = #map1}, {transform_indices = #map1}, {transform_indices = #map1}, {transform_indices = #map1}, {transform_indices = #map}, {transform_indices = #map}, {transform_indices = #map1}, {transform_indices = #map1}]} {
    %mul3A = arith.constant 312 : i32
    %mul3A_0 = arith.muli %arg1, %mul3A : i32
    %mul3A_1 = arith.constant 312 : i32
    %mul3A_2 = arith.muli %arg1, %mul3A_1 : i32
    "tpu.region"() ({
      %run_scoped3A = tpu.sem_alloc : memref<!tpu.dma_semaphore, #tpu.memory_space<semaphore_mem>>
      %dma_start3A = arith.constant 0 : i32
      %dma_start3A_45 = tpu.memref_slice %arg24[%mul3A_2, %dma_start3A] : memref<5008x128xf32, #tpu.memory_space<vmem_shared>> -> memref<312x128xf32, #tpu.memory_space<vmem_shared>>
      %dma_start3A_46 = arith.constant 0 : i32
      %dma_start3A_47 = tpu.memref_slice %arg11[%mul3A_0, %dma_start3A_46] : memref<5008x128xf32, #tpu.memory_space<hbm>> -> memref<312x128xf32, #tpu.memory_space<hbm>>
      tpu.enqueue_dma source(%dma_start3A_47 : memref<312x128xf32, #tpu.memory_space<hbm>>) target(%dma_start3A_45 : memref<312x128xf32, #tpu.memory_space<vmem_shared>>) target_semaphore(%run_scoped3A : memref<!tpu.dma_semaphore, #tpu.memory_space<semaphore_mem>>)
      %dma_wait3A = arith.constant 0 : i32
      %dma_wait3A_48 = tpu.memref_slice %arg24[%mul3A_2, %dma_wait3A] : memref<5008x128xf32, #tpu.memory_space<vmem_shared>> -> memref<312x128xf32, #tpu.memory_space<vmem_shared>>
      %dma_wait3A_49 = arith.constant 0 : i32
      %dma_wait3A_50 = tpu.memref_slice %arg11[%mul3A_0, %dma_wait3A_49] : memref<5008x128xf32, #tpu.memory_space<hbm>> -> memref<312x128xf32, #tpu.memory_space<hbm>>
      tpu.wait_dma2 semaphore(%run_scoped3A : memref<!tpu.dma_semaphore, #tpu.memory_space<semaphore_mem>>) src(%dma_wait3A_50 : memref<312x128xf32, #tpu.memory_space<hbm>>) dst(%dma_wait3A_48 : memref<312x128xf32, #tpu.memory_space<vmem_shared>>)
      tpu.yield
    }) : () -> ()
    %eq3A = arith.constant 0 : i32
    %eq3A_3 = arith.cmpi eq, %arg1, %eq3A : i32
    %convert_element_type3A = arith.extui %eq3A_3 : i1 to i32
    %cond3A = arith.constant 0 : i32
    %cond3A_4 = arith.cmpi ne, %convert_element_type3A, %cond3A : i32
    scf.if %cond3A_4 {
      "tpu.region"() ({
        %run_scoped3A = tpu.sem_alloc : memref<!tpu.dma_semaphore, #tpu.memory_space<semaphore_mem>>
        %dma_start3A = arith.constant 4992 : i32
        %dma_start3A_45 = arith.constant 0 : i32
        %dma_start3A_46 = tpu.memref_slice %arg24[%dma_start3A, %dma_start3A_45] : memref<5008x128xf32, #tpu.memory_space<vmem_shared>> -> memref<16x128xf32, #tpu.memory_space<vmem_shared>>
        %dma_start3A_47 = arith.constant 4992 : i32
        %dma_start3A_48 = arith.constant 0 : i32
        %dma_start3A_49 = tpu.memref_slice %arg11[%dma_start3A_47, %dma_start3A_48] : memref<5008x128xf32, #tpu.memory_space<hbm>> -> memref<16x128xf32, #tpu.memory_space<hbm>>
        tpu.enqueue_dma source(%dma_start3A_49 : memref<16x128xf32, #tpu.memory_space<hbm>>) target(%dma_start3A_46 : memref<16x128xf32, #tpu.memory_space<vmem_shared>>) target_semaphore(%run_scoped3A : memref<!tpu.dma_semaphore, #tpu.memory_space<semaphore_mem>>)
        %dma_wait3A = arith.constant 4992 : i32
        %dma_wait3A_50 = arith.constant 0 : i32
        %dma_wait3A_51 = tpu.memref_slice %arg24[%dma_wait3A, %dma_wait3A_50] : memref<5008x128xf32, #tpu.memory_space<vmem_shared>> -> memref<16x128xf32, #tpu.memory_space<vmem_shared>>
        %dma_wait3A_52 = arith.constant 4992 : i32
        %dma_wait3A_53 = arith.constant 0 : i32
        %dma_wait3A_54 = tpu.memref_slice %arg11[%dma_wait3A_52, %dma_wait3A_53] : memref<5008x128xf32, #tpu.memory_space<hbm>> -> memref<16x128xf32, #tpu.memory_space<hbm>>
        tpu.wait_dma2 semaphore(%run_scoped3A : memref<!tpu.dma_semaphore, #tpu.memory_space<semaphore_mem>>) src(%dma_wait3A_54 : memref<16x128xf32, #tpu.memory_space<hbm>>) dst(%dma_wait3A_51 : memref<16x128xf32, #tpu.memory_space<vmem_shared>>)
        tpu.yield
      }) : () -> ()
    } else {
    }
    %barrier3A = arith.constant 0 : index
    tpu.barrier barrier_id(%barrier3A)
    %scan3A = arith.constant 0 : i32
    %scan3A_5 = arith.constant 20 : i32
    %scan3A_6 = arith.addi %scan3A, %scan3A_5 : i32
    %scan3A_7 = arith.constant 1 : i32
    scf.for %scan3A_45 = %scan3A to %scan3A_6 step %scan3A_7  : i32 {
      %mul3A_46 = arith.constant 1 : i32
      %mul3A_47 = arith.muli %scan3A_45, %mul3A_46 : i32
      %add3A = arith.constant 0 : i32
      %add3A_48 = arith.addi %add3A, %mul3A_47 : i32
      %mul3A_49 = arith.constant 8 : i32
      %mul3A_50 = arith.muli %add3A_48, %mul3A_49 : i32
      %mul3A_51 = arith.constant 16 : i32
      %mul3A_52 = arith.muli %mul3A_50, %mul3A_51 : i32
      %add3A_53 = arith.addi %mul3A_52, %arg1 : i32
      %mul3A_54 = arith.constant 8 : i32
      %mul3A_55 = arith.muli %add3A_48, %mul3A_54 : i32
      %add3A_56 = arith.constant 8 : i32
      %add3A_57 = arith.addi %mul3A_55, %add3A_56 : i32
      %sub3A = arith.constant 1 : i32
      %sub3A_58 = arith.subi %add3A_57, %sub3A : i32
      %mul3A_59 = arith.constant 16 : i32
      %mul3A_60 = arith.muli %sub3A_58, %mul3A_59 : i32
      %add3A_61 = arith.addi %mul3A_60, %arg1 : i32
      %lt3A = arith.constant 2560 : i32
      %lt3A_62 = arith.cmpi slt, %add3A_53, %lt3A : i32
      %ge3A = arith.constant 0 : i32
      %ge3A_63 = arith.cmpi sge, %add3A_61, %ge3A : i32
      %and3A = arith.andi %lt3A_62, %ge3A_63 : i1
      %convert_element_type3A_64 = arith.extui %and3A : i1 to i32
      %cond3A_65 = arith.constant 0 : i32
      %cond3A_66 = arith.cmpi ne, %convert_element_type3A_64, %cond3A_65 : i32
      scf.if %cond3A_66 {
        %mul3A_67 = arith.constant 8 : i32
        %mul3A_68 = arith.muli %add3A_48, %mul3A_67 : i32
        "tpu.region"() ({
          %run_scoped3A = tpu.sem_alloc : memref<!tpu.dma_semaphore, #tpu.memory_space<semaphore_mem>>
          %dma_start3A = arith.constant 0 : i32
          %dma_start3A_82 = tpu.memref_slice %arg5[%arg1, %mul3A_68, %dma_start3A] : memref<16x160x128xi32, #tpu.memory_space<hbm>> -> memref<1x8x128xi32, #tpu.memory_space<hbm>>
          %dma_start3A_83 = tpu.memref_squeeze %dma_start3A_82 : memref<1x8x128xi32, #tpu.memory_space<hbm>> -> memref<8x128xi32, #tpu.memory_space<hbm>>
          %dma_start3A_84 = arith.constant 0 : i32
          %dma_start3A_85 = tpu.memref_slice %arg5[%arg1, %mul3A_68, %dma_start3A_84] : memref<16x160x128xi32, #tpu.memory_space<hbm>> -> memref<1x8x128xi32, #tpu.memory_space<hbm>>
          %dma_start3A_86 = tpu.memref_squeeze %dma_start3A_85 : memref<1x8x128xi32, #tpu.memory_space<hbm>> -> memref<8x128xi32, #tpu.memory_space<hbm>>
          tpu.enqueue_dma source(%dma_start3A_86 : memref<8x128xi32, #tpu.memory_space<hbm>>) target(%arg15 : memref<8x128xi32, #tpu.memory_space<vmem>>) target_semaphore(%run_scoped3A : memref<!tpu.dma_semaphore, #tpu.memory_space<semaphore_mem>>)
          %dma_wait3A = arith.constant 0 : i32
          %dma_wait3A_87 = tpu.memref_slice %arg5[%arg1, %mul3A_68, %dma_wait3A] : memref<16x160x128xi32, #tpu.memory_space<hbm>> -> memref<1x8x128xi32, #tpu.memory_space<hbm>>
          %dma_wait3A_88 = tpu.memref_squeeze %dma_wait3A_87 : memref<1x8x128xi32, #tpu.memory_space<hbm>> -> memref<8x128xi32, #tpu.memory_space<hbm>>
          %dma_wait3A_89 = arith.constant 0 : i32
          %dma_wait3A_90 = tpu.memref_slice %arg5[%arg1, %mul3A_68, %dma_wait3A_89] : memref<16x160x128xi32, #tpu.memory_space<hbm>> -> memref<1x8x128xi32, #tpu.memory_space<hbm>>
          %dma_wait3A_91 = tpu.memref_squeeze %dma_wait3A_90 : memref<1x8x128xi32, #tpu.memory_space<hbm>> -> memref<8x128xi32, #tpu.memory_space<hbm>>
          tpu.wait_dma2 semaphore(%run_scoped3A : memref<!tpu.dma_semaphore, #tpu.memory_space<semaphore_mem>>) src(%dma_wait3A_91 : memref<8x128xi32, #tpu.memory_space<hbm>>) dst(%arg15 : memref<8x128xi32, #tpu.memory_space<vmem>>)
          tpu.yield
        }) : () -> ()
        %mul3A_69 = arith.constant 8 : i32
        %mul3A_70 = arith.muli %add3A_48, %mul3A_69 : i32
        "tpu.region"() ({
          %run_scoped3A = tpu.sem_alloc : memref<!tpu.dma_semaphore, #tpu.memory_space<semaphore_mem>>
          %dma_start3A = arith.constant 0 : i32
          %dma_start3A_82 = tpu.memref_slice %arg6[%arg0, %arg1, %mul3A_70, %dma_start3A] : memref<2x16x160x128xi32, #tpu.memory_space<hbm>> -> memref<1x1x8x128xi32, #tpu.memory_space<hbm>>
          %dma_start3A_83 = tpu.memref_squeeze %dma_start3A_82 : memref<1x1x8x128xi32, #tpu.memory_space<hbm>> -> memref<8x128xi32, #tpu.memory_space<hbm>>
          %dma_start3A_84 = arith.constant 0 : i32
          %dma_start3A_85 = tpu.memref_slice %arg6[%arg0, %arg1, %mul3A_70, %dma_start3A_84] : memref<2x16x160x128xi32, #tpu.memory_space<hbm>> -> memref<1x1x8x128xi32, #tpu.memory_space<hbm>>
          %dma_start3A_86 = tpu.memref_squeeze %dma_start3A_85 : memref<1x1x8x128xi32, #tpu.memory_space<hbm>> -> memref<8x128xi32, #tpu.memory_space<hbm>>
          tpu.enqueue_dma source(%dma_start3A_86 : memref<8x128xi32, #tpu.memory_space<hbm>>) target(%arg16 : memref<8x128xi32, #tpu.memory_space<vmem>>) target_semaphore(%run_scoped3A : memref<!tpu.dma_semaphore, #tpu.memory_space<semaphore_mem>>)
          %dma_wait3A = arith.constant 0 : i32
          %dma_wait3A_87 = tpu.memref_slice %arg6[%arg0, %arg1, %mul3A_70, %dma_wait3A] : memref<2x16x160x128xi32, #tpu.memory_space<hbm>> -> memref<1x1x8x128xi32, #tpu.memory_space<hbm>>
          %dma_wait3A_88 = tpu.memref_squeeze %dma_wait3A_87 : memref<1x1x8x128xi32, #tpu.memory_space<hbm>> -> memref<8x128xi32, #tpu.memory_space<hbm>>
          %dma_wait3A_89 = arith.constant 0 : i32
          %dma_wait3A_90 = tpu.memref_slice %arg6[%arg0, %arg1, %mul3A_70, %dma_wait3A_89] : memref<2x16x160x128xi32, #tpu.memory_space<hbm>> -> memref<1x1x8x128xi32, #tpu.memory_space<hbm>>
          %dma_wait3A_91 = tpu.memref_squeeze %dma_wait3A_90 : memref<1x1x8x128xi32, #tpu.memory_space<hbm>> -> memref<8x128xi32, #tpu.memory_space<hbm>>
          tpu.wait_dma2 semaphore(%run_scoped3A : memref<!tpu.dma_semaphore, #tpu.memory_space<semaphore_mem>>) src(%dma_wait3A_91 : memref<8x128xi32, #tpu.memory_space<hbm>>) dst(%arg16 : memref<8x128xi32, #tpu.memory_space<vmem>>)
          tpu.yield
        }) : () -> ()
        %mul3A_71 = arith.constant 8 : i32
        %mul3A_72 = arith.muli %add3A_48, %mul3A_71 : i32
        "tpu.region"() ({
          %run_scoped3A = tpu.sem_alloc : memref<!tpu.dma_semaphore, #tpu.memory_space<semaphore_mem>>
          %dma_start3A = arith.constant 0 : i32
          %dma_start3A_82 = tpu.memref_slice %arg7[%arg1, %mul3A_72, %dma_start3A] : memref<16x160x128xi32, #tpu.memory_space<hbm>> -> memref<1x8x128xi32, #tpu.memory_space<hbm>>
          %dma_start3A_83 = tpu.memref_squeeze %dma_start3A_82 : memref<1x8x128xi32, #tpu.memory_space<hbm>> -> memref<8x128xi32, #tpu.memory_space<hbm>>
          %dma_start3A_84 = arith.constant 0 : i32
          %dma_start3A_85 = tpu.memref_slice %arg7[%arg1, %mul3A_72, %dma_start3A_84] : memref<16x160x128xi32, #tpu.memory_space<hbm>> -> memref<1x8x128xi32, #tpu.memory_space<hbm>>
          %dma_start3A_86 = tpu.memref_squeeze %dma_start3A_85 : memref<1x8x128xi32, #tpu.memory_space<hbm>> -> memref<8x128xi32, #tpu.memory_space<hbm>>
          tpu.enqueue_dma source(%dma_start3A_86 : memref<8x128xi32, #tpu.memory_space<hbm>>) target(%arg17 : memref<8x128xi32, #tpu.memory_space<vmem>>) target_semaphore(%run_scoped3A : memref<!tpu.dma_semaphore, #tpu.memory_space<semaphore_mem>>)
          %dma_wait3A = arith.constant 0 : i32
          %dma_wait3A_87 = tpu.memref_slice %arg7[%arg1, %mul3A_72, %dma_wait3A] : memref<16x160x128xi32, #tpu.memory_space<hbm>> -> memref<1x8x128xi32, #tpu.memory_space<hbm>>
          %dma_wait3A_88 = tpu.memref_squeeze %dma_wait3A_87 : memref<1x8x128xi32, #tpu.memory_space<hbm>> -> memref<8x128xi32, #tpu.memory_space<hbm>>
          %dma_wait3A_89 = arith.constant 0 : i32
          %dma_wait3A_90 = tpu.memref_slice %arg7[%arg1, %mul3A_72, %dma_wait3A_89] : memref<16x160x128xi32, #tpu.memory_space<hbm>> -> memref<1x8x128xi32, #tpu.memory_space<hbm>>
          %dma_wait3A_91 = tpu.memref_squeeze %dma_wait3A_90 : memref<1x8x128xi32, #tpu.memory_space<hbm>> -> memref<8x128xi32, #tpu.memory_space<hbm>>
          tpu.wait_dma2 semaphore(%run_scoped3A : memref<!tpu.dma_semaphore, #tpu.memory_space<semaphore_mem>>) src(%dma_wait3A_91 : memref<8x128xi32, #tpu.memory_space<hbm>>) dst(%arg17 : memref<8x128xi32, #tpu.memory_space<vmem>>)
          tpu.yield
        }) : () -> ()
        %mul3A_73 = arith.constant 8 : i32
        %mul3A_74 = arith.muli %add3A_48, %mul3A_73 : i32
        "tpu.region"() ({
          %run_scoped3A = tpu.sem_alloc : memref<!tpu.dma_semaphore, #tpu.memory_space<semaphore_mem>>
          %dma_start3A = arith.constant 0 : i32
          %dma_start3A_82 = tpu.memref_slice %arg8[%arg1, %mul3A_74, %dma_start3A] : memref<16x160x128xi32, #tpu.memory_space<hbm>> -> memref<1x8x128xi32, #tpu.memory_space<hbm>>
          %dma_start3A_83 = tpu.memref_squeeze %dma_start3A_82 : memref<1x8x128xi32, #tpu.memory_space<hbm>> -> memref<8x128xi32, #tpu.memory_space<hbm>>
          %dma_start3A_84 = arith.constant 0 : i32
          %dma_start3A_85 = tpu.memref_slice %arg8[%arg1, %mul3A_74, %dma_start3A_84] : memref<16x160x128xi32, #tpu.memory_space<hbm>> -> memref<1x8x128xi32, #tpu.memory_space<hbm>>
          %dma_start3A_86 = tpu.memref_squeeze %dma_start3A_85 : memref<1x8x128xi32, #tpu.memory_space<hbm>> -> memref<8x128xi32, #tpu.memory_space<hbm>>
          tpu.enqueue_dma source(%dma_start3A_86 : memref<8x128xi32, #tpu.memory_space<hbm>>) target(%arg18 : memref<8x128xi32, #tpu.memory_space<vmem>>) target_semaphore(%run_scoped3A : memref<!tpu.dma_semaphore, #tpu.memory_space<semaphore_mem>>)
          %dma_wait3A = arith.constant 0 : i32
          %dma_wait3A_87 = tpu.memref_slice %arg8[%arg1, %mul3A_74, %dma_wait3A] : memref<16x160x128xi32, #tpu.memory_space<hbm>> -> memref<1x8x128xi32, #tpu.memory_space<hbm>>
          %dma_wait3A_88 = tpu.memref_squeeze %dma_wait3A_87 : memref<1x8x128xi32, #tpu.memory_space<hbm>> -> memref<8x128xi32, #tpu.memory_space<hbm>>
          %dma_wait3A_89 = arith.constant 0 : i32
          %dma_wait3A_90 = tpu.memref_slice %arg8[%arg1, %mul3A_74, %dma_wait3A_89] : memref<16x160x128xi32, #tpu.memory_space<hbm>> -> memref<1x8x128xi32, #tpu.memory_space<hbm>>
          %dma_wait3A_91 = tpu.memref_squeeze %dma_wait3A_90 : memref<1x8x128xi32, #tpu.memory_space<hbm>> -> memref<8x128xi32, #tpu.memory_space<hbm>>
          tpu.wait_dma2 semaphore(%run_scoped3A : memref<!tpu.dma_semaphore, #tpu.memory_space<semaphore_mem>>) src(%dma_wait3A_91 : memref<8x128xi32, #tpu.memory_space<hbm>>) dst(%arg18 : memref<8x128xi32, #tpu.memory_space<vmem>>)
          tpu.yield
        }) : () -> ()
        %mul3A_75 = arith.constant 8 : i32
        %mul3A_76 = arith.muli %add3A_48, %mul3A_75 : i32
        "tpu.region"() ({
          %run_scoped3A = tpu.sem_alloc : memref<!tpu.dma_semaphore, #tpu.memory_space<semaphore_mem>>
          %dma_start3A = arith.constant 0 : i32
          %dma_start3A_82 = tpu.memref_slice %arg9[%arg1, %mul3A_76, %dma_start3A] : memref<16x160x128xi32, #tpu.memory_space<hbm>> -> memref<1x8x128xi32, #tpu.memory_space<hbm>>
          %dma_start3A_83 = tpu.memref_squeeze %dma_start3A_82 : memref<1x8x128xi32, #tpu.memory_space<hbm>> -> memref<8x128xi32, #tpu.memory_space<hbm>>
          %dma_start3A_84 = arith.constant 0 : i32
          %dma_start3A_85 = tpu.memref_slice %arg9[%arg1, %mul3A_76, %dma_start3A_84] : memref<16x160x128xi32, #tpu.memory_space<hbm>> -> memref<1x8x128xi32, #tpu.memory_space<hbm>>
          %dma_start3A_86 = tpu.memref_squeeze %dma_start3A_85 : memref<1x8x128xi32, #tpu.memory_space<hbm>> -> memref<8x128xi32, #tpu.memory_space<hbm>>
          tpu.enqueue_dma source(%dma_start3A_86 : memref<8x128xi32, #tpu.memory_space<hbm>>) target(%arg19 : memref<8x128xi32, #tpu.memory_space<vmem>>) target_semaphore(%run_scoped3A : memref<!tpu.dma_semaphore, #tpu.memory_space<semaphore_mem>>)
          %dma_wait3A = arith.constant 0 : i32
          %dma_wait3A_87 = tpu.memref_slice %arg9[%arg1, %mul3A_76, %dma_wait3A] : memref<16x160x128xi32, #tpu.memory_space<hbm>> -> memref<1x8x128xi32, #tpu.memory_space<hbm>>
          %dma_wait3A_88 = tpu.memref_squeeze %dma_wait3A_87 : memref<1x8x128xi32, #tpu.memory_space<hbm>> -> memref<8x128xi32, #tpu.memory_space<hbm>>
          %dma_wait3A_89 = arith.constant 0 : i32
          %dma_wait3A_90 = tpu.memref_slice %arg9[%arg1, %mul3A_76, %dma_wait3A_89] : memref<16x160x128xi32, #tpu.memory_space<hbm>> -> memref<1x8x128xi32, #tpu.memory_space<hbm>>
          %dma_wait3A_91 = tpu.memref_squeeze %dma_wait3A_90 : memref<1x8x128xi32, #tpu.memory_space<hbm>> -> memref<8x128xi32, #tpu.memory_space<hbm>>
          tpu.wait_dma2 semaphore(%run_scoped3A : memref<!tpu.dma_semaphore, #tpu.memory_space<semaphore_mem>>) src(%dma_wait3A_91 : memref<8x128xi32, #tpu.memory_space<hbm>>) dst(%arg19 : memref<8x128xi32, #tpu.memory_space<vmem>>)
          tpu.yield
        }) : () -> ()
        %scan3A_77 = arith.constant 0 : i32
        %scan3A_78 = arith.constant 8 : i32
        %scan3A_79 = arith.addi %scan3A_77, %scan3A_78 : i32
        %scan3A_80 = arith.constant 1 : i32
        scf.for %scan3A_82 = %scan3A_77 to %scan3A_79 step %scan3A_80  : i32 {
          %mul3A_83 = arith.constant 1 : i32
          %mul3A_84 = arith.muli %scan3A_82, %mul3A_83 : i32
          %add3A_85 = arith.constant 0 : i32
          %add3A_86 = arith.addi %add3A_85, %mul3A_84 : i32
          %mul3A_87 = arith.constant 8 : i32
          %mul3A_88 = arith.muli %add3A_48, %mul3A_87 : i32
          %add3A_89 = arith.addi %mul3A_88, %add3A_86 : i32
          %mul3A_90 = arith.constant 16 : i32
          %mul3A_91 = arith.muli %add3A_89, %mul3A_90 : i32
          %add3A_92 = arith.addi %mul3A_91, %arg1 : i32
          %ge3A_93 = arith.constant 0 : i32
          %ge3A_94 = arith.cmpi sge, %add3A_92, %ge3A_93 : i32
          %lt3A_95 = arith.constant 2560 : i32
          %lt3A_96 = arith.cmpi slt, %add3A_92, %lt3A_95 : i32
          %and3A_97 = arith.andi %ge3A_94, %lt3A_96 : i1
          %convert_element_type3A_98 = arith.extui %and3A_97 : i1 to i32
          %cond3A_99 = arith.constant 0 : i32
          %cond3A_100 = arith.cmpi ne, %convert_element_type3A_98, %cond3A_99 : i32
          scf.if %cond3A_100 {
            %dma_start3A = arith.constant 0 : i32
            %dma_start3A_101 = tpu.memref_slice %arg19[%add3A_86, %dma_start3A] : memref<8x128xi32, #tpu.memory_space<vmem>> -> memref<1x128xi32, #tpu.memory_space<vmem>>
            %dma_start3A_102 = tpu.memref_squeeze %dma_start3A_101 : memref<1x128xi32, #tpu.memory_space<vmem>> -> memref<128xi32, #tpu.memory_space<vmem>>
            %dma_start3A_103 = arith.constant 0 : i32
            %dma_start3A_104 = arith.constant 0 : i32
            %dma_start3A_105 = tpu.memref_slice %arg2[%dma_start3A_103, %dma_start3A_104] : memref<100000x128xf32, #tpu.memory_space<hbm>> -> memref<100000x128xf32, #tpu.memory_space<hbm>>
            tpu.enqueue_indirect_dma source(%dma_start3A_105 : memref<100000x128xf32, #tpu.memory_space<hbm>>) target(%arg20 : memref<128x128xf32, #tpu.memory_space<vmem>>) offsets(%dma_start3A_102 : memref<128xi32, #tpu.memory_space<vmem>>) semaphore(%arg25 : memref<!tpu.dma_semaphore, #tpu.memory_space<semaphore_mem>>)
            %dma_start3A_106 = arith.constant 0 : i32
            %dma_start3A_107 = tpu.memref_slice %arg15[%add3A_86, %dma_start3A_106] : memref<8x128xi32, #tpu.memory_space<vmem>> -> memref<1x128xi32, #tpu.memory_space<vmem>>
            %dma_start3A_108 = tpu.memref_squeeze %dma_start3A_107 : memref<1x128xi32, #tpu.memory_space<vmem>> -> memref<128xi32, #tpu.memory_space<vmem>>
            %dma_start3A_109 = arith.constant 0 : i32
            %dma_start3A_110 = arith.constant 0 : i32
            %dma_start3A_111 = tpu.memref_slice %arg4[%dma_start3A_109, %dma_start3A_110] : memref<10240x128xf32, #tpu.memory_space<hbm>> -> memref<10240x128xf32, #tpu.memory_space<hbm>>
            tpu.enqueue_indirect_dma source(%dma_start3A_111 : memref<10240x128xf32, #tpu.memory_space<hbm>>) target(%arg21 : memref<128x128xf32, #tpu.memory_space<vmem>>) offsets(%dma_start3A_108 : memref<128xi32, #tpu.memory_space<vmem>>) semaphore(%arg25 : memref<!tpu.dma_semaphore, #tpu.memory_space<semaphore_mem>>)
            %dma_start3A_112 = arith.constant 0 : i32
            %dma_start3A_113 = tpu.memref_slice %arg17[%add3A_86, %dma_start3A_112] : memref<8x128xi32, #tpu.memory_space<vmem>> -> memref<1x128xi32, #tpu.memory_space<vmem>>
            %dma_start3A_114 = tpu.memref_squeeze %dma_start3A_113 : memref<1x128xi32, #tpu.memory_space<vmem>> -> memref<128xi32, #tpu.memory_space<vmem>>
            %dma_start3A_115 = arith.constant 0 : i32
            %dma_start3A_116 = arith.constant 0 : i32
            %dma_start3A_117 = tpu.memref_slice %arg3[%dma_start3A_115, %dma_start3A_116] : memref<512x128xf32, #tpu.memory_space<hbm>> -> memref<512x128xf32, #tpu.memory_space<hbm>>
            tpu.enqueue_indirect_dma source(%dma_start3A_117 : memref<512x128xf32, #tpu.memory_space<hbm>>) target(%arg22 : memref<128x128xf32, #tpu.memory_space<vmem>>) offsets(%dma_start3A_114 : memref<128xi32, #tpu.memory_space<vmem>>) semaphore(%arg25 : memref<!tpu.dma_semaphore, #tpu.memory_space<semaphore_mem>>)
            %dma_start3A_118 = arith.constant 0 : i32
            %dma_start3A_119 = tpu.memref_slice %arg18[%add3A_86, %dma_start3A_118] : memref<8x128xi32, #tpu.memory_space<vmem>> -> memref<1x128xi32, #tpu.memory_space<vmem>>
            %dma_start3A_120 = tpu.memref_squeeze %dma_start3A_119 : memref<1x128xi32, #tpu.memory_space<vmem>> -> memref<128xi32, #tpu.memory_space<vmem>>
            %dma_start3A_121 = arith.constant 0 : i32
            %dma_start3A_122 = arith.constant 0 : i32
            %dma_start3A_123 = tpu.memref_slice %arg3[%dma_start3A_121, %dma_start3A_122] : memref<512x128xf32, #tpu.memory_space<hbm>> -> memref<512x128xf32, #tpu.memory_space<hbm>>
            tpu.enqueue_indirect_dma source(%dma_start3A_123 : memref<512x128xf32, #tpu.memory_space<hbm>>) target(%arg23 : memref<128x128xf32, #tpu.memory_space<vmem>>) offsets(%dma_start3A_120 : memref<128xi32, #tpu.memory_space<vmem>>) semaphore(%arg25 : memref<!tpu.dma_semaphore, #tpu.memory_space<semaphore_mem>>)
            %dma_wait3A = arith.constant 0 : i32
            %dma_wait3A_124 = tpu.memref_slice %arg19[%add3A_86, %dma_wait3A] : memref<8x128xi32, #tpu.memory_space<vmem>> -> memref<1x128xi32, #tpu.memory_space<vmem>>
            %dma_wait3A_125 = tpu.memref_squeeze %dma_wait3A_124 : memref<1x128xi32, #tpu.memory_space<vmem>> -> memref<128xi32, #tpu.memory_space<vmem>>
            %dma_wait3A_126 = arith.constant 0 : i32
            %dma_wait3A_127 = arith.constant 0 : i32
            %dma_wait3A_128 = tpu.memref_slice %arg2[%dma_wait3A_126, %dma_wait3A_127] : memref<100000x128xf32, #tpu.memory_space<hbm>> -> memref<100000x128xf32, #tpu.memory_space<hbm>>
            tpu.wait_indirect_dma semaphore(%arg25 : memref<!tpu.dma_semaphore, #tpu.memory_space<semaphore_mem>>) src(%dma_wait3A_128 : memref<100000x128xf32, #tpu.memory_space<hbm>>) dst(%arg20 : memref<128x128xf32, #tpu.memory_space<vmem>>)
            %dma_wait3A_129 = arith.constant 0 : i32
            %dma_wait3A_130 = tpu.memref_slice %arg15[%add3A_86, %dma_wait3A_129] : memref<8x128xi32, #tpu.memory_space<vmem>> -> memref<1x128xi32, #tpu.memory_space<vmem>>
            %dma_wait3A_131 = tpu.memref_squeeze %dma_wait3A_130 : memref<1x128xi32, #tpu.memory_space<vmem>> -> memref<128xi32, #tpu.memory_space<vmem>>
            %dma_wait3A_132 = arith.constant 0 : i32
            %dma_wait3A_133 = arith.constant 0 : i32
            %dma_wait3A_134 = tpu.memref_slice %arg4[%dma_wait3A_132, %dma_wait3A_133] : memref<10240x128xf32, #tpu.memory_space<hbm>> -> memref<10240x128xf32, #tpu.memory_space<hbm>>
            tpu.wait_indirect_dma semaphore(%arg25 : memref<!tpu.dma_semaphore, #tpu.memory_space<semaphore_mem>>) src(%dma_wait3A_134 : memref<10240x128xf32, #tpu.memory_space<hbm>>) dst(%arg21 : memref<128x128xf32, #tpu.memory_space<vmem>>)
            %dma_wait3A_135 = arith.constant 0 : i32
            %dma_wait3A_136 = tpu.memref_slice %arg17[%add3A_86, %dma_wait3A_135] : memref<8x128xi32, #tpu.memory_space<vmem>> -> memref<1x128xi32, #tpu.memory_space<vmem>>
            %dma_wait3A_137 = tpu.memref_squeeze %dma_wait3A_136 : memref<1x128xi32, #tpu.memory_space<vmem>> -> memref<128xi32, #tpu.memory_space<vmem>>
            %dma_wait3A_138 = arith.constant 0 : i32
            %dma_wait3A_139 = arith.constant 0 : i32
            %dma_wait3A_140 = tpu.memref_slice %arg3[%dma_wait3A_138, %dma_wait3A_139] : memref<512x128xf32, #tpu.memory_space<hbm>> -> memref<512x128xf32, #tpu.memory_space<hbm>>
            tpu.wait_indirect_dma semaphore(%arg25 : memref<!tpu.dma_semaphore, #tpu.memory_space<semaphore_mem>>) src(%dma_wait3A_140 : memref<512x128xf32, #tpu.memory_space<hbm>>) dst(%arg22 : memref<128x128xf32, #tpu.memory_space<vmem>>)
            %dma_wait3A_141 = arith.constant 0 : i32
            %dma_wait3A_142 = tpu.memref_slice %arg18[%add3A_86, %dma_wait3A_141] : memref<8x128xi32, #tpu.memory_space<vmem>> -> memref<1x128xi32, #tpu.memory_space<vmem>>
            %dma_wait3A_143 = tpu.memref_squeeze %dma_wait3A_142 : memref<1x128xi32, #tpu.memory_space<vmem>> -> memref<128xi32, #tpu.memory_space<vmem>>
            %dma_wait3A_144 = arith.constant 0 : i32
            %dma_wait3A_145 = arith.constant 0 : i32
            %dma_wait3A_146 = tpu.memref_slice %arg3[%dma_wait3A_144, %dma_wait3A_145] : memref<512x128xf32, #tpu.memory_space<hbm>> -> memref<512x128xf32, #tpu.memory_space<hbm>>
            tpu.wait_indirect_dma semaphore(%arg25 : memref<!tpu.dma_semaphore, #tpu.memory_space<semaphore_mem>>) src(%dma_wait3A_146 : memref<512x128xf32, #tpu.memory_space<hbm>>) dst(%arg23 : memref<128x128xf32, #tpu.memory_space<vmem>>)
            %dma_start3A_147 = arith.constant 0 : i32
            %dma_start3A_148 = tpu.memref_slice %arg16[%add3A_86, %dma_start3A_147] : memref<8x128xi32, #tpu.memory_space<vmem>> -> memref<1x128xi32, #tpu.memory_space<vmem>>
            %dma_start3A_149 = tpu.memref_squeeze %dma_start3A_148 : memref<1x128xi32, #tpu.memory_space<vmem>> -> memref<128xi32, #tpu.memory_space<vmem>>
            %dma_start3A_150 = arith.constant 0 : i32
            %dma_start3A_151 = arith.constant 0 : i32
            %dma_start3A_152 = tpu.memref_slice %arg24[%dma_start3A_150, %dma_start3A_151] : memref<5008x128xf32, #tpu.memory_space<vmem_shared>> -> memref<5008x128xf32, #tpu.memory_space<vmem_shared>>
            tpu.enqueue_indirect_dma source(%arg20 : memref<128x128xf32, #tpu.memory_space<vmem>>) target(%dma_start3A_152 : memref<5008x128xf32, #tpu.memory_space<vmem_shared>>) offsets(%dma_start3A_149 : memref<128xi32, #tpu.memory_space<vmem>>) semaphore(%arg26 : memref<!tpu.dma_semaphore, #tpu.memory_space<semaphore_mem>>) {add = true}
            %dma_start3A_153 = arith.constant 0 : i32
            %dma_start3A_154 = tpu.memref_slice %arg16[%add3A_86, %dma_start3A_153] : memref<8x128xi32, #tpu.memory_space<vmem>> -> memref<1x128xi32, #tpu.memory_space<vmem>>
            %dma_start3A_155 = tpu.memref_squeeze %dma_start3A_154 : memref<1x128xi32, #tpu.memory_space<vmem>> -> memref<128xi32, #tpu.memory_space<vmem>>
            %dma_start3A_156 = arith.constant 0 : i32
            %dma_start3A_157 = arith.constant 0 : i32
            %dma_start3A_158 = tpu.memref_slice %arg24[%dma_start3A_156, %dma_start3A_157] : memref<5008x128xf32, #tpu.memory_space<vmem_shared>> -> memref<5008x128xf32, #tpu.memory_space<vmem_shared>>
            tpu.enqueue_indirect_dma source(%arg21 : memref<128x128xf32, #tpu.memory_space<vmem>>) target(%dma_start3A_158 : memref<5008x128xf32, #tpu.memory_space<vmem_shared>>) offsets(%dma_start3A_155 : memref<128xi32, #tpu.memory_space<vmem>>) semaphore(%arg26 : memref<!tpu.dma_semaphore, #tpu.memory_space<semaphore_mem>>) {add = true}
            %dma_start3A_159 = arith.constant 0 : i32
            %dma_start3A_160 = tpu.memref_slice %arg16[%add3A_86, %dma_start3A_159] : memref<8x128xi32, #tpu.memory_space<vmem>> -> memref<1x128xi32, #tpu.memory_space<vmem>>
            %dma_start3A_161 = tpu.memref_squeeze %dma_start3A_160 : memref<1x128xi32, #tpu.memory_space<vmem>> -> memref<128xi32, #tpu.memory_space<vmem>>
            %dma_start3A_162 = arith.constant 0 : i32
            %dma_start3A_163 = arith.constant 0 : i32
            %dma_start3A_164 = tpu.memref_slice %arg24[%dma_start3A_162, %dma_start3A_163] : memref<5008x128xf32, #tpu.memory_space<vmem_shared>> -> memref<5008x128xf32, #tpu.memory_space<vmem_shared>>
            tpu.enqueue_indirect_dma source(%arg22 : memref<128x128xf32, #tpu.memory_space<vmem>>) target(%dma_start3A_164 : memref<5008x128xf32, #tpu.memory_space<vmem_shared>>) offsets(%dma_start3A_161 : memref<128xi32, #tpu.memory_space<vmem>>) semaphore(%arg26 : memref<!tpu.dma_semaphore, #tpu.memory_space<semaphore_mem>>) {add = true}
            %dma_start3A_165 = arith.constant 0 : i32
            %dma_start3A_166 = tpu.memref_slice %arg16[%add3A_86, %dma_start3A_165] : memref<8x128xi32, #tpu.memory_space<vmem>> -> memref<1x128xi32, #tpu.memory_space<vmem>>
            %dma_start3A_167 = tpu.memref_squeeze %dma_start3A_166 : memref<1x128xi32, #tpu.memory_space<vmem>> -> memref<128xi32, #tpu.memory_space<vmem>>
            %dma_start3A_168 = arith.constant 0 : i32
            %dma_start3A_169 = arith.constant 0 : i32
            %dma_start3A_170 = tpu.memref_slice %arg24[%dma_start3A_168, %dma_start3A_169] : memref<5008x128xf32, #tpu.memory_space<vmem_shared>> -> memref<5008x128xf32, #tpu.memory_space<vmem_shared>>
            tpu.enqueue_indirect_dma source(%arg23 : memref<128x128xf32, #tpu.memory_space<vmem>>) target(%dma_start3A_170 : memref<5008x128xf32, #tpu.memory_space<vmem_shared>>) offsets(%dma_start3A_167 : memref<128xi32, #tpu.memory_space<vmem>>) semaphore(%arg26 : memref<!tpu.dma_semaphore, #tpu.memory_space<semaphore_mem>>) {add = true}
            %dma_wait3A_171 = arith.constant 0 : i32
            %dma_wait3A_172 = tpu.memref_slice %arg16[%add3A_86, %dma_wait3A_171] : memref<8x128xi32, #tpu.memory_space<vmem>> -> memref<1x128xi32, #tpu.memory_space<vmem>>
            %dma_wait3A_173 = tpu.memref_squeeze %dma_wait3A_172 : memref<1x128xi32, #tpu.memory_space<vmem>> -> memref<128xi32, #tpu.memory_space<vmem>>
            %dma_wait3A_174 = arith.constant 0 : i32
            %dma_wait3A_175 = arith.constant 0 : i32
            %dma_wait3A_176 = tpu.memref_slice %arg24[%dma_wait3A_174, %dma_wait3A_175] : memref<5008x128xf32, #tpu.memory_space<vmem_shared>> -> memref<5008x128xf32, #tpu.memory_space<vmem_shared>>
            tpu.wait_indirect_dma semaphore(%arg26 : memref<!tpu.dma_semaphore, #tpu.memory_space<semaphore_mem>>) src(%arg20 : memref<128x128xf32, #tpu.memory_space<vmem>>) dst(%dma_wait3A_176 : memref<5008x128xf32, #tpu.memory_space<vmem_shared>>)
            %dma_wait3A_177 = arith.constant 0 : i32
            %dma_wait3A_178 = tpu.memref_slice %arg16[%add3A_86, %dma_wait3A_177] : memref<8x128xi32, #tpu.memory_space<vmem>> -> memref<1x128xi32, #tpu.memory_space<vmem>>
            %dma_wait3A_179 = tpu.memref_squeeze %dma_wait3A_178 : memref<1x128xi32, #tpu.memory_space<vmem>> -> memref<128xi32, #tpu.memory_space<vmem>>
            %dma_wait3A_180 = arith.constant 0 : i32
            %dma_wait3A_181 = arith.constant 0 : i32
            %dma_wait3A_182 = tpu.memref_slice %arg24[%dma_wait3A_180, %dma_wait3A_181] : memref<5008x128xf32, #tpu.memory_space<vmem_shared>> -> memref<5008x128xf32, #tpu.memory_space<vmem_shared>>
            tpu.wait_indirect_dma semaphore(%arg26 : memref<!tpu.dma_semaphore, #tpu.memory_space<semaphore_mem>>) src(%arg21 : memref<128x128xf32, #tpu.memory_space<vmem>>) dst(%dma_wait3A_182 : memref<5008x128xf32, #tpu.memory_space<vmem_shared>>)
            %dma_wait3A_183 = arith.constant 0 : i32
            %dma_wait3A_184 = tpu.memref_slice %arg16[%add3A_86, %dma_wait3A_183] : memref<8x128xi32, #tpu.memory_space<vmem>> -> memref<1x128xi32, #tpu.memory_space<vmem>>
            %dma_wait3A_185 = tpu.memref_squeeze %dma_wait3A_184 : memref<1x128xi32, #tpu.memory_space<vmem>> -> memref<128xi32, #tpu.memory_space<vmem>>
            %dma_wait3A_186 = arith.constant 0 : i32
            %dma_wait3A_187 = arith.constant 0 : i32
            %dma_wait3A_188 = tpu.memref_slice %arg24[%dma_wait3A_186, %dma_wait3A_187] : memref<5008x128xf32, #tpu.memory_space<vmem_shared>> -> memref<5008x128xf32, #tpu.memory_space<vmem_shared>>
            tpu.wait_indirect_dma semaphore(%arg26 : memref<!tpu.dma_semaphore, #tpu.memory_space<semaphore_mem>>) src(%arg22 : memref<128x128xf32, #tpu.memory_space<vmem>>) dst(%dma_wait3A_188 : memref<5008x128xf32, #tpu.memory_space<vmem_shared>>)
            %dma_wait3A_189 = arith.constant 0 : i32
            %dma_wait3A_190 = tpu.memref_slice %arg16[%add3A_86, %dma_wait3A_189] : memref<8x128xi32, #tpu.memory_space<vmem>> -> memref<1x128xi32, #tpu.memory_space<vmem>>
            %dma_wait3A_191 = tpu.memref_squeeze %dma_wait3A_190 : memref<1x128xi32, #tpu.memory_space<vmem>> -> memref<128xi32, #tpu.memory_space<vmem>>
            %dma_wait3A_192 = arith.constant 0 : i32
            %dma_wait3A_193 = arith.constant 0 : i32
            %dma_wait3A_194 = tpu.memref_slice %arg24[%dma_wait3A_192, %dma_wait3A_193] : memref<5008x128xf32, #tpu.memory_space<vmem_shared>> -> memref<5008x128xf32, #tpu.memory_space<vmem_shared>>
            tpu.wait_indirect_dma semaphore(%arg26 : memref<!tpu.dma_semaphore, #tpu.memory_space<semaphore_mem>>) src(%arg23 : memref<128x128xf32, #tpu.memory_space<vmem>>) dst(%dma_wait3A_194 : memref<5008x128xf32, #tpu.memory_space<vmem_shared>>)
          } else {
          }
        }
        %scan3A_81 = arith.constant 8 : i32
      } else {
      }
    }
    %scan3A_8 = arith.constant 20 : i32
    %barrier3A_9 = arith.constant 0 : index
    tpu.barrier barrier_id(%barrier3A_9)
    %mul3A_10 = arith.constant 312 : i32
    %mul3A_11 = arith.muli %arg1, %mul3A_10 : i32
    %mul3A_12 = arith.constant 312 : i32
    %mul3A_13 = arith.muli %arg1, %mul3A_12 : i32
    "tpu.region"() ({
      %run_scoped3A = tpu.sem_alloc : memref<!tpu.dma_semaphore, #tpu.memory_space<semaphore_mem>>
      %dma_start3A = arith.constant 0 : i32
      %dma_start3A_45 = tpu.memref_slice %arg13[%arg0, %mul3A_13, %dma_start3A] : memref<2x5008x128xf32, #tpu.memory_space<hbm>> -> memref<1x312x128xf32, #tpu.memory_space<hbm>>
      %dma_start3A_46 = tpu.memref_squeeze %dma_start3A_45 : memref<1x312x128xf32, #tpu.memory_space<hbm>> -> memref<312x128xf32, #tpu.memory_space<hbm>>
      %dma_start3A_47 = arith.constant 0 : i32
      %dma_start3A_48 = tpu.memref_slice %arg24[%mul3A_11, %dma_start3A_47] : memref<5008x128xf32, #tpu.memory_space<vmem_shared>> -> memref<312x128xf32, #tpu.memory_space<vmem_shared>>
      tpu.enqueue_dma source(%dma_start3A_48 : memref<312x128xf32, #tpu.memory_space<vmem_shared>>) target(%dma_start3A_46 : memref<312x128xf32, #tpu.memory_space<hbm>>) target_semaphore(%run_scoped3A : memref<!tpu.dma_semaphore, #tpu.memory_space<semaphore_mem>>)
      %dma_wait3A = arith.constant 0 : i32
      %dma_wait3A_49 = tpu.memref_slice %arg13[%arg0, %mul3A_13, %dma_wait3A] : memref<2x5008x128xf32, #tpu.memory_space<hbm>> -> memref<1x312x128xf32, #tpu.memory_space<hbm>>
      %dma_wait3A_50 = tpu.memref_squeeze %dma_wait3A_49 : memref<1x312x128xf32, #tpu.memory_space<hbm>> -> memref<312x128xf32, #tpu.memory_space<hbm>>
      %dma_wait3A_51 = arith.constant 0 : i32
      %dma_wait3A_52 = tpu.memref_slice %arg24[%mul3A_11, %dma_wait3A_51] : memref<5008x128xf32, #tpu.memory_space<vmem_shared>> -> memref<312x128xf32, #tpu.memory_space<vmem_shared>>
      tpu.wait_dma2 semaphore(%run_scoped3A : memref<!tpu.dma_semaphore, #tpu.memory_space<semaphore_mem>>) src(%dma_wait3A_52 : memref<312x128xf32, #tpu.memory_space<vmem_shared>>) dst(%dma_wait3A_50 : memref<312x128xf32, #tpu.memory_space<hbm>>)
      tpu.yield
    }) : () -> ()
    %eq3A_14 = arith.constant 0 : i32
    %eq3A_15 = arith.cmpi eq, %arg1, %eq3A_14 : i32
    %convert_element_type3A_16 = arith.extui %eq3A_15 : i1 to i32
    %cond3A_17 = arith.constant 0 : i32
    %cond3A_18 = arith.cmpi ne, %convert_element_type3A_16, %cond3A_17 : i32
    scf.if %cond3A_18 {
      "tpu.region"() ({
        %run_scoped3A = tpu.sem_alloc : memref<!tpu.dma_semaphore, #tpu.memory_space<semaphore_mem>>
        %dma_start3A = arith.constant 4992 : i32
        %dma_start3A_45 = arith.constant 0 : i32
        %dma_start3A_46 = tpu.memref_slice %arg13[%arg0, %dma_start3A, %dma_start3A_45] : memref<2x5008x128xf32, #tpu.memory_space<hbm>> -> memref<1x16x128xf32, #tpu.memory_space<hbm>>
        %dma_start3A_47 = tpu.memref_squeeze %dma_start3A_46 : memref<1x16x128xf32, #tpu.memory_space<hbm>> -> memref<16x128xf32, #tpu.memory_space<hbm>>
        %dma_start3A_48 = arith.constant 4992 : i32
        %dma_start3A_49 = arith.constant 0 : i32
        %dma_start3A_50 = tpu.memref_slice %arg24[%dma_start3A_48, %dma_start3A_49] : memref<5008x128xf32, #tpu.memory_space<vmem_shared>> -> memref<16x128xf32, #tpu.memory_space<vmem_shared>>
        tpu.enqueue_dma source(%dma_start3A_50 : memref<16x128xf32, #tpu.memory_space<vmem_shared>>) target(%dma_start3A_47 : memref<16x128xf32, #tpu.memory_space<hbm>>) target_semaphore(%run_scoped3A : memref<!tpu.dma_semaphore, #tpu.memory_space<semaphore_mem>>)
        %dma_wait3A = arith.constant 4992 : i32
        %dma_wait3A_51 = arith.constant 0 : i32
        %dma_wait3A_52 = tpu.memref_slice %arg13[%arg0, %dma_wait3A, %dma_wait3A_51] : memref<2x5008x128xf32, #tpu.memory_space<hbm>> -> memref<1x16x128xf32, #tpu.memory_space<hbm>>
        %dma_wait3A_53 = tpu.memref_squeeze %dma_wait3A_52 : memref<1x16x128xf32, #tpu.memory_space<hbm>> -> memref<16x128xf32, #tpu.memory_space<hbm>>
        %dma_wait3A_54 = arith.constant 4992 : i32
        %dma_wait3A_55 = arith.constant 0 : i32
        %dma_wait3A_56 = tpu.memref_slice %arg24[%dma_wait3A_54, %dma_wait3A_55] : memref<5008x128xf32, #tpu.memory_space<vmem_shared>> -> memref<16x128xf32, #tpu.memory_space<vmem_shared>>
        tpu.wait_dma2 semaphore(%run_scoped3A : memref<!tpu.dma_semaphore, #tpu.memory_space<semaphore_mem>>) src(%dma_wait3A_56 : memref<16x128xf32, #tpu.memory_space<vmem_shared>>) dst(%dma_wait3A_53 : memref<16x128xf32, #tpu.memory_space<hbm>>)
        tpu.yield
      }) : () -> ()
    } else {
    }
    %barrier3A_19 = arith.constant 0 : index
    tpu.barrier barrier_id(%barrier3A_19)
    %mul3A_20 = arith.constant 312 : i32
    %mul3A_21 = arith.muli %arg1, %mul3A_20 : i32
    %mul3A_22 = arith.constant 312 : i32
    %mul3A_23 = arith.muli %arg1, %mul3A_22 : i32
    "tpu.region"() ({
      %run_scoped3A = tpu.sem_alloc : memref<!tpu.dma_semaphore, #tpu.memory_space<semaphore_mem>>
      %dma_start3A = arith.constant 0 : i32
      %dma_start3A_45 = tpu.memref_slice %arg24[%mul3A_23, %dma_start3A] : memref<5008x128xf32, #tpu.memory_space<vmem_shared>> -> memref<312x128xf32, #tpu.memory_space<vmem_shared>>
      %dma_start3A_46 = arith.constant 0 : i32
      %dma_start3A_47 = tpu.memref_slice %arg11[%mul3A_21, %dma_start3A_46] : memref<5008x128xf32, #tpu.memory_space<hbm>> -> memref<312x128xf32, #tpu.memory_space<hbm>>
      tpu.enqueue_dma source(%dma_start3A_47 : memref<312x128xf32, #tpu.memory_space<hbm>>) target(%dma_start3A_45 : memref<312x128xf32, #tpu.memory_space<vmem_shared>>) target_semaphore(%run_scoped3A : memref<!tpu.dma_semaphore, #tpu.memory_space<semaphore_mem>>)
      %dma_wait3A = arith.constant 0 : i32
      %dma_wait3A_48 = tpu.memref_slice %arg24[%mul3A_23, %dma_wait3A] : memref<5008x128xf32, #tpu.memory_space<vmem_shared>> -> memref<312x128xf32, #tpu.memory_space<vmem_shared>>
      %dma_wait3A_49 = arith.constant 0 : i32
      %dma_wait3A_50 = tpu.memref_slice %arg11[%mul3A_21, %dma_wait3A_49] : memref<5008x128xf32, #tpu.memory_space<hbm>> -> memref<312x128xf32, #tpu.memory_space<hbm>>
      tpu.wait_dma2 semaphore(%run_scoped3A : memref<!tpu.dma_semaphore, #tpu.memory_space<semaphore_mem>>) src(%dma_wait3A_50 : memref<312x128xf32, #tpu.memory_space<hbm>>) dst(%dma_wait3A_48 : memref<312x128xf32, #tpu.memory_space<vmem_shared>>)
      tpu.yield
    }) : () -> ()
    %eq3A_24 = arith.constant 0 : i32
    %eq3A_25 = arith.cmpi eq, %arg1, %eq3A_24 : i32
    %convert_element_type3A_26 = arith.extui %eq3A_25 : i1 to i32
    %cond3A_27 = arith.constant 0 : i32
    %cond3A_28 = arith.cmpi ne, %convert_element_type3A_26, %cond3A_27 : i32
    scf.if %cond3A_28 {
      "tpu.region"() ({
        %run_scoped3A = tpu.sem_alloc : memref<!tpu.dma_semaphore, #tpu.memory_space<semaphore_mem>>
        %dma_start3A = arith.constant 4992 : i32
        %dma_start3A_45 = arith.constant 0 : i32
        %dma_start3A_46 = tpu.memref_slice %arg24[%dma_start3A, %dma_start3A_45] : memref<5008x128xf32, #tpu.memory_space<vmem_shared>> -> memref<16x128xf32, #tpu.memory_space<vmem_shared>>
        %dma_start3A_47 = arith.constant 4992 : i32
        %dma_start3A_48 = arith.constant 0 : i32
        %dma_start3A_49 = tpu.memref_slice %arg11[%dma_start3A_47, %dma_start3A_48] : memref<5008x128xf32, #tpu.memory_space<hbm>> -> memref<16x128xf32, #tpu.memory_space<hbm>>
        tpu.enqueue_dma source(%dma_start3A_49 : memref<16x128xf32, #tpu.memory_space<hbm>>) target(%dma_start3A_46 : memref<16x128xf32, #tpu.memory_space<vmem_shared>>) target_semaphore(%run_scoped3A : memref<!tpu.dma_semaphore, #tpu.memory_space<semaphore_mem>>)
        %dma_wait3A = arith.constant 4992 : i32
        %dma_wait3A_50 = arith.constant 0 : i32
        %dma_wait3A_51 = tpu.memref_slice %arg24[%dma_wait3A, %dma_wait3A_50] : memref<5008x128xf32, #tpu.memory_space<vmem_shared>> -> memref<16x128xf32, #tpu.memory_space<vmem_shared>>
        %dma_wait3A_52 = arith.constant 4992 : i32
        %dma_wait3A_53 = arith.constant 0 : i32
        %dma_wait3A_54 = tpu.memref_slice %arg11[%dma_wait3A_52, %dma_wait3A_53] : memref<5008x128xf32, #tpu.memory_space<hbm>> -> memref<16x128xf32, #tpu.memory_space<hbm>>
        tpu.wait_dma2 semaphore(%run_scoped3A : memref<!tpu.dma_semaphore, #tpu.memory_space<semaphore_mem>>) src(%dma_wait3A_54 : memref<16x128xf32, #tpu.memory_space<hbm>>) dst(%dma_wait3A_51 : memref<16x128xf32, #tpu.memory_space<vmem_shared>>)
        tpu.yield
      }) : () -> ()
    } else {
    }
    %barrier3A_29 = arith.constant 0 : index
    tpu.barrier barrier_id(%barrier3A_29)
    "tpu.region"() ({
      %run_scoped3A = tpu.sem_alloc : memref<!tpu.dma_semaphore, #tpu.memory_space<semaphore_mem>>
      tpu.enqueue_dma source(%arg12 : memref<128x128xf32, #tpu.memory_space<hbm>>) target(%arg20 : memref<128x128xf32, #tpu.memory_space<vmem>>) target_semaphore(%run_scoped3A : memref<!tpu.dma_semaphore, #tpu.memory_space<semaphore_mem>>)
      tpu.wait_dma2 semaphore(%run_scoped3A : memref<!tpu.dma_semaphore, #tpu.memory_space<semaphore_mem>>) src(%arg12 : memref<128x128xf32, #tpu.memory_space<hbm>>) dst(%arg20 : memref<128x128xf32, #tpu.memory_space<vmem>>)
      tpu.yield
    }) : () -> ()
    %scan3A_30 = arith.constant 0 : i32
    %scan3A_31 = arith.constant 20 : i32
    %scan3A_32 = arith.addi %scan3A_30, %scan3A_31 : i32
    %scan3A_33 = arith.constant 1 : i32
    scf.for %scan3A_45 = %scan3A_30 to %scan3A_32 step %scan3A_33  : i32 {
      %mul3A_46 = arith.constant 1 : i32
      %mul3A_47 = arith.muli %scan3A_45, %mul3A_46 : i32
      %add3A = arith.constant 0 : i32
      %add3A_48 = arith.addi %add3A, %mul3A_47 : i32
      %mul3A_49 = arith.constant 8 : i32
      %mul3A_50 = arith.muli %add3A_48, %mul3A_49 : i32
      %mul3A_51 = arith.constant 16 : i32
      %mul3A_52 = arith.muli %mul3A_50, %mul3A_51 : i32
      %add3A_53 = arith.addi %mul3A_52, %arg1 : i32
      %mul3A_54 = arith.constant 8 : i32
      %mul3A_55 = arith.muli %add3A_48, %mul3A_54 : i32
      %add3A_56 = arith.constant 8 : i32
      %add3A_57 = arith.addi %mul3A_55, %add3A_56 : i32
      %sub3A = arith.constant 1 : i32
      %sub3A_58 = arith.subi %add3A_57, %sub3A : i32
      %mul3A_59 = arith.constant 16 : i32
      %mul3A_60 = arith.muli %sub3A_58, %mul3A_59 : i32
      %add3A_61 = arith.addi %mul3A_60, %arg1 : i32
      %lt3A = arith.constant 2560 : i32
      %lt3A_62 = arith.cmpi slt, %add3A_53, %lt3A : i32
      %ge3A = arith.constant 0 : i32
      %ge3A_63 = arith.cmpi sge, %add3A_61, %ge3A : i32
      %and3A = arith.andi %lt3A_62, %ge3A_63 : i1
      %convert_element_type3A_64 = arith.extui %and3A : i1 to i32
      %cond3A_65 = arith.constant 0 : i32
      %cond3A_66 = arith.cmpi ne, %convert_element_type3A_64, %cond3A_65 : i32
      scf.if %cond3A_66 {
        %mul3A_67 = arith.constant 8 : i32
        %mul3A_68 = arith.muli %add3A_48, %mul3A_67 : i32
        "tpu.region"() ({
          %run_scoped3A = tpu.sem_alloc : memref<!tpu.dma_semaphore, #tpu.memory_space<semaphore_mem>>
          %dma_start3A_179 = arith.constant 0 : i32
          %dma_start3A_180 = tpu.memref_slice %arg6[%arg0, %arg1, %mul3A_68, %dma_start3A_179] : memref<2x16x160x128xi32, #tpu.memory_space<hbm>> -> memref<1x1x8x128xi32, #tpu.memory_space<hbm>>
          %dma_start3A_181 = tpu.memref_squeeze %dma_start3A_180 : memref<1x1x8x128xi32, #tpu.memory_space<hbm>> -> memref<8x128xi32, #tpu.memory_space<hbm>>
          %dma_start3A_182 = arith.constant 0 : i32
          %dma_start3A_183 = tpu.memref_slice %arg6[%arg0, %arg1, %mul3A_68, %dma_start3A_182] : memref<2x16x160x128xi32, #tpu.memory_space<hbm>> -> memref<1x1x8x128xi32, #tpu.memory_space<hbm>>
          %dma_start3A_184 = tpu.memref_squeeze %dma_start3A_183 : memref<1x1x8x128xi32, #tpu.memory_space<hbm>> -> memref<8x128xi32, #tpu.memory_space<hbm>>
          tpu.enqueue_dma source(%dma_start3A_184 : memref<8x128xi32, #tpu.memory_space<hbm>>) target(%arg16 : memref<8x128xi32, #tpu.memory_space<vmem>>) target_semaphore(%run_scoped3A : memref<!tpu.dma_semaphore, #tpu.memory_space<semaphore_mem>>)
          %dma_wait3A_185 = arith.constant 0 : i32
          %dma_wait3A_186 = tpu.memref_slice %arg6[%arg0, %arg1, %mul3A_68, %dma_wait3A_185] : memref<2x16x160x128xi32, #tpu.memory_space<hbm>> -> memref<1x1x8x128xi32, #tpu.memory_space<hbm>>
          %dma_wait3A_187 = tpu.memref_squeeze %dma_wait3A_186 : memref<1x1x8x128xi32, #tpu.memory_space<hbm>> -> memref<8x128xi32, #tpu.memory_space<hbm>>
          %dma_wait3A_188 = arith.constant 0 : i32
          %dma_wait3A_189 = tpu.memref_slice %arg6[%arg0, %arg1, %mul3A_68, %dma_wait3A_188] : memref<2x16x160x128xi32, #tpu.memory_space<hbm>> -> memref<1x1x8x128xi32, #tpu.memory_space<hbm>>
          %dma_wait3A_190 = tpu.memref_squeeze %dma_wait3A_189 : memref<1x1x8x128xi32, #tpu.memory_space<hbm>> -> memref<8x128xi32, #tpu.memory_space<hbm>>
          tpu.wait_dma2 semaphore(%run_scoped3A : memref<!tpu.dma_semaphore, #tpu.memory_space<semaphore_mem>>) src(%dma_wait3A_190 : memref<8x128xi32, #tpu.memory_space<hbm>>) dst(%arg16 : memref<8x128xi32, #tpu.memory_space<vmem>>)
          tpu.yield
        }) : () -> ()
        %dma_start3A = arith.constant 0 : i32
        %dma_start3A_69 = arith.constant 0 : i32
        %dma_start3A_70 = tpu.memref_slice %arg16[%dma_start3A, %dma_start3A_69] : memref<8x128xi32, #tpu.memory_space<vmem>> -> memref<1x128xi32, #tpu.memory_space<vmem>>
        %dma_start3A_71 = tpu.memref_squeeze %dma_start3A_70 : memref<1x128xi32, #tpu.memory_space<vmem>> -> memref<128xi32, #tpu.memory_space<vmem>>
        %dma_start3A_72 = arith.constant 0 : i32
        %dma_start3A_73 = arith.constant 0 : i32
        %dma_start3A_74 = tpu.memref_slice %arg24[%dma_start3A_72, %dma_start3A_73] : memref<5008x128xf32, #tpu.memory_space<vmem_shared>> -> memref<5008x128xf32, #tpu.memory_space<vmem_shared>>
        tpu.enqueue_indirect_dma source(%arg20 : memref<128x128xf32, #tpu.memory_space<vmem>>) target(%dma_start3A_74 : memref<5008x128xf32, #tpu.memory_space<vmem_shared>>) offsets(%dma_start3A_71 : memref<128xi32, #tpu.memory_space<vmem>>) semaphore(%arg26 : memref<!tpu.dma_semaphore, #tpu.memory_space<semaphore_mem>>) {add = true}
        %dma_start3A_75 = arith.constant 1 : i32
        %dma_start3A_76 = arith.constant 0 : i32
        %dma_start3A_77 = tpu.memref_slice %arg16[%dma_start3A_75, %dma_start3A_76] : memref<8x128xi32, #tpu.memory_space<vmem>> -> memref<1x128xi32, #tpu.memory_space<vmem>>
        %dma_start3A_78 = tpu.memref_squeeze %dma_start3A_77 : memref<1x128xi32, #tpu.memory_space<vmem>> -> memref<128xi32, #tpu.memory_space<vmem>>
        %dma_start3A_79 = arith.constant 0 : i32
        %dma_start3A_80 = arith.constant 0 : i32
        %dma_start3A_81 = tpu.memref_slice %arg24[%dma_start3A_79, %dma_start3A_80] : memref<5008x128xf32, #tpu.memory_space<vmem_shared>> -> memref<5008x128xf32, #tpu.memory_space<vmem_shared>>
        tpu.enqueue_indirect_dma source(%arg20 : memref<128x128xf32, #tpu.memory_space<vmem>>) target(%dma_start3A_81 : memref<5008x128xf32, #tpu.memory_space<vmem_shared>>) offsets(%dma_start3A_78 : memref<128xi32, #tpu.memory_space<vmem>>) semaphore(%arg26 : memref<!tpu.dma_semaphore, #tpu.memory_space<semaphore_mem>>) {add = true}
        %dma_start3A_82 = arith.constant 2 : i32
        %dma_start3A_83 = arith.constant 0 : i32
        %dma_start3A_84 = tpu.memref_slice %arg16[%dma_start3A_82, %dma_start3A_83] : memref<8x128xi32, #tpu.memory_space<vmem>> -> memref<1x128xi32, #tpu.memory_space<vmem>>
        %dma_start3A_85 = tpu.memref_squeeze %dma_start3A_84 : memref<1x128xi32, #tpu.memory_space<vmem>> -> memref<128xi32, #tpu.memory_space<vmem>>
        %dma_start3A_86 = arith.constant 0 : i32
        %dma_start3A_87 = arith.constant 0 : i32
        %dma_start3A_88 = tpu.memref_slice %arg24[%dma_start3A_86, %dma_start3A_87] : memref<5008x128xf32, #tpu.memory_space<vmem_shared>> -> memref<5008x128xf32, #tpu.memory_space<vmem_shared>>
        tpu.enqueue_indirect_dma source(%arg20 : memref<128x128xf32, #tpu.memory_space<vmem>>) target(%dma_start3A_88 : memref<5008x128xf32, #tpu.memory_space<vmem_shared>>) offsets(%dma_start3A_85 : memref<128xi32, #tpu.memory_space<vmem>>) semaphore(%arg26 : memref<!tpu.dma_semaphore, #tpu.memory_space<semaphore_mem>>) {add = true}
        %dma_start3A_89 = arith.constant 3 : i32
        %dma_start3A_90 = arith.constant 0 : i32
        %dma_start3A_91 = tpu.memref_slice %arg16[%dma_start3A_89, %dma_start3A_90] : memref<8x128xi32, #tpu.memory_space<vmem>> -> memref<1x128xi32, #tpu.memory_space<vmem>>
        %dma_start3A_92 = tpu.memref_squeeze %dma_start3A_91 : memref<1x128xi32, #tpu.memory_space<vmem>> -> memref<128xi32, #tpu.memory_space<vmem>>
        %dma_start3A_93 = arith.constant 0 : i32
        %dma_start3A_94 = arith.constant 0 : i32
        %dma_start3A_95 = tpu.memref_slice %arg24[%dma_start3A_93, %dma_start3A_94] : memref<5008x128xf32, #tpu.memory_space<vmem_shared>> -> memref<5008x128xf32, #tpu.memory_space<vmem_shared>>
        tpu.enqueue_indirect_dma source(%arg20 : memref<128x128xf32, #tpu.memory_space<vmem>>) target(%dma_start3A_95 : memref<5008x128xf32, #tpu.memory_space<vmem_shared>>) offsets(%dma_start3A_92 : memref<128xi32, #tpu.memory_space<vmem>>) semaphore(%arg26 : memref<!tpu.dma_semaphore, #tpu.memory_space<semaphore_mem>>) {add = true}
        %dma_start3A_96 = arith.constant 4 : i32
        %dma_start3A_97 = arith.constant 0 : i32
        %dma_start3A_98 = tpu.memref_slice %arg16[%dma_start3A_96, %dma_start3A_97] : memref<8x128xi32, #tpu.memory_space<vmem>> -> memref<1x128xi32, #tpu.memory_space<vmem>>
        %dma_start3A_99 = tpu.memref_squeeze %dma_start3A_98 : memref<1x128xi32, #tpu.memory_space<vmem>> -> memref<128xi32, #tpu.memory_space<vmem>>
        %dma_start3A_100 = arith.constant 0 : i32
        %dma_start3A_101 = arith.constant 0 : i32
        %dma_start3A_102 = tpu.memref_slice %arg24[%dma_start3A_100, %dma_start3A_101] : memref<5008x128xf32, #tpu.memory_space<vmem_shared>> -> memref<5008x128xf32, #tpu.memory_space<vmem_shared>>
        tpu.enqueue_indirect_dma source(%arg20 : memref<128x128xf32, #tpu.memory_space<vmem>>) target(%dma_start3A_102 : memref<5008x128xf32, #tpu.memory_space<vmem_shared>>) offsets(%dma_start3A_99 : memref<128xi32, #tpu.memory_space<vmem>>) semaphore(%arg26 : memref<!tpu.dma_semaphore, #tpu.memory_space<semaphore_mem>>) {add = true}
        %dma_start3A_103 = arith.constant 5 : i32
        %dma_start3A_104 = arith.constant 0 : i32
        %dma_start3A_105 = tpu.memref_slice %arg16[%dma_start3A_103, %dma_start3A_104] : memref<8x128xi32, #tpu.memory_space<vmem>> -> memref<1x128xi32, #tpu.memory_space<vmem>>
        %dma_start3A_106 = tpu.memref_squeeze %dma_start3A_105 : memref<1x128xi32, #tpu.memory_space<vmem>> -> memref<128xi32, #tpu.memory_space<vmem>>
        %dma_start3A_107 = arith.constant 0 : i32
        %dma_start3A_108 = arith.constant 0 : i32
        %dma_start3A_109 = tpu.memref_slice %arg24[%dma_start3A_107, %dma_start3A_108] : memref<5008x128xf32, #tpu.memory_space<vmem_shared>> -> memref<5008x128xf32, #tpu.memory_space<vmem_shared>>
        tpu.enqueue_indirect_dma source(%arg20 : memref<128x128xf32, #tpu.memory_space<vmem>>) target(%dma_start3A_109 : memref<5008x128xf32, #tpu.memory_space<vmem_shared>>) offsets(%dma_start3A_106 : memref<128xi32, #tpu.memory_space<vmem>>) semaphore(%arg26 : memref<!tpu.dma_semaphore, #tpu.memory_space<semaphore_mem>>) {add = true}
        %dma_start3A_110 = arith.constant 6 : i32
        %dma_start3A_111 = arith.constant 0 : i32
        %dma_start3A_112 = tpu.memref_slice %arg16[%dma_start3A_110, %dma_start3A_111] : memref<8x128xi32, #tpu.memory_space<vmem>> -> memref<1x128xi32, #tpu.memory_space<vmem>>
        %dma_start3A_113 = tpu.memref_squeeze %dma_start3A_112 : memref<1x128xi32, #tpu.memory_space<vmem>> -> memref<128xi32, #tpu.memory_space<vmem>>
        %dma_start3A_114 = arith.constant 0 : i32
        %dma_start3A_115 = arith.constant 0 : i32
        %dma_start3A_116 = tpu.memref_slice %arg24[%dma_start3A_114, %dma_start3A_115] : memref<5008x128xf32, #tpu.memory_space<vmem_shared>> -> memref<5008x128xf32, #tpu.memory_space<vmem_shared>>
        tpu.enqueue_indirect_dma source(%arg20 : memref<128x128xf32, #tpu.memory_space<vmem>>) target(%dma_start3A_116 : memref<5008x128xf32, #tpu.memory_space<vmem_shared>>) offsets(%dma_start3A_113 : memref<128xi32, #tpu.memory_space<vmem>>) semaphore(%arg26 : memref<!tpu.dma_semaphore, #tpu.memory_space<semaphore_mem>>) {add = true}
        %dma_start3A_117 = arith.constant 7 : i32
        %dma_start3A_118 = arith.constant 0 : i32
        %dma_start3A_119 = tpu.memref_slice %arg16[%dma_start3A_117, %dma_start3A_118] : memref<8x128xi32, #tpu.memory_space<vmem>> -> memref<1x128xi32, #tpu.memory_space<vmem>>
        %dma_start3A_120 = tpu.memref_squeeze %dma_start3A_119 : memref<1x128xi32, #tpu.memory_space<vmem>> -> memref<128xi32, #tpu.memory_space<vmem>>
        %dma_start3A_121 = arith.constant 0 : i32
        %dma_start3A_122 = arith.constant 0 : i32
        %dma_start3A_123 = tpu.memref_slice %arg24[%dma_start3A_121, %dma_start3A_122] : memref<5008x128xf32, #tpu.memory_space<vmem_shared>> -> memref<5008x128xf32, #tpu.memory_space<vmem_shared>>
        tpu.enqueue_indirect_dma source(%arg20 : memref<128x128xf32, #tpu.memory_space<vmem>>) target(%dma_start3A_123 : memref<5008x128xf32, #tpu.memory_space<vmem_shared>>) offsets(%dma_start3A_120 : memref<128xi32, #tpu.memory_space<vmem>>) semaphore(%arg26 : memref<!tpu.dma_semaphore, #tpu.memory_space<semaphore_mem>>) {add = true}
        %dma_wait3A = arith.constant 0 : i32
        %dma_wait3A_124 = arith.constant 0 : i32
        %dma_wait3A_125 = tpu.memref_slice %arg16[%dma_wait3A, %dma_wait3A_124] : memref<8x128xi32, #tpu.memory_space<vmem>> -> memref<1x128xi32, #tpu.memory_space<vmem>>
        %dma_wait3A_126 = tpu.memref_squeeze %dma_wait3A_125 : memref<1x128xi32, #tpu.memory_space<vmem>> -> memref<128xi32, #tpu.memory_space<vmem>>
        %dma_wait3A_127 = arith.constant 0 : i32
        %dma_wait3A_128 = arith.constant 0 : i32
        %dma_wait3A_129 = tpu.memref_slice %arg24[%dma_wait3A_127, %dma_wait3A_128] : memref<5008x128xf32, #tpu.memory_space<vmem_shared>> -> memref<5008x128xf32, #tpu.memory_space<vmem_shared>>
        tpu.wait_indirect_dma semaphore(%arg26 : memref<!tpu.dma_semaphore, #tpu.memory_space<semaphore_mem>>) src(%arg20 : memref<128x128xf32, #tpu.memory_space<vmem>>) dst(%dma_wait3A_129 : memref<5008x128xf32, #tpu.memory_space<vmem_shared>>)
        %dma_wait3A_130 = arith.constant 1 : i32
        %dma_wait3A_131 = arith.constant 0 : i32
        %dma_wait3A_132 = tpu.memref_slice %arg16[%dma_wait3A_130, %dma_wait3A_131] : memref<8x128xi32, #tpu.memory_space<vmem>> -> memref<1x128xi32, #tpu.memory_space<vmem>>
        %dma_wait3A_133 = tpu.memref_squeeze %dma_wait3A_132 : memref<1x128xi32, #tpu.memory_space<vmem>> -> memref<128xi32, #tpu.memory_space<vmem>>
        %dma_wait3A_134 = arith.constant 0 : i32
        %dma_wait3A_135 = arith.constant 0 : i32
        %dma_wait3A_136 = tpu.memref_slice %arg24[%dma_wait3A_134, %dma_wait3A_135] : memref<5008x128xf32, #tpu.memory_space<vmem_shared>> -> memref<5008x128xf32, #tpu.memory_space<vmem_shared>>
        tpu.wait_indirect_dma semaphore(%arg26 : memref<!tpu.dma_semaphore, #tpu.memory_space<semaphore_mem>>) src(%arg20 : memref<128x128xf32, #tpu.memory_space<vmem>>) dst(%dma_wait3A_136 : memref<5008x128xf32, #tpu.memory_space<vmem_shared>>)
        %dma_wait3A_137 = arith.constant 2 : i32
        %dma_wait3A_138 = arith.constant 0 : i32
        %dma_wait3A_139 = tpu.memref_slice %arg16[%dma_wait3A_137, %dma_wait3A_138] : memref<8x128xi32, #tpu.memory_space<vmem>> -> memref<1x128xi32, #tpu.memory_space<vmem>>
        %dma_wait3A_140 = tpu.memref_squeeze %dma_wait3A_139 : memref<1x128xi32, #tpu.memory_space<vmem>> -> memref<128xi32, #tpu.memory_space<vmem>>
        %dma_wait3A_141 = arith.constant 0 : i32
        %dma_wait3A_142 = arith.constant 0 : i32
        %dma_wait3A_143 = tpu.memref_slice %arg24[%dma_wait3A_141, %dma_wait3A_142] : memref<5008x128xf32, #tpu.memory_space<vmem_shared>> -> memref<5008x128xf32, #tpu.memory_space<vmem_shared>>
        tpu.wait_indirect_dma semaphore(%arg26 : memref<!tpu.dma_semaphore, #tpu.memory_space<semaphore_mem>>) src(%arg20 : memref<128x128xf32, #tpu.memory_space<vmem>>) dst(%dma_wait3A_143 : memref<5008x128xf32, #tpu.memory_space<vmem_shared>>)
        %dma_wait3A_144 = arith.constant 3 : i32
        %dma_wait3A_145 = arith.constant 0 : i32
        %dma_wait3A_146 = tpu.memref_slice %arg16[%dma_wait3A_144, %dma_wait3A_145] : memref<8x128xi32, #tpu.memory_space<vmem>> -> memref<1x128xi32, #tpu.memory_space<vmem>>
        %dma_wait3A_147 = tpu.memref_squeeze %dma_wait3A_146 : memref<1x128xi32, #tpu.memory_space<vmem>> -> memref<128xi32, #tpu.memory_space<vmem>>
        %dma_wait3A_148 = arith.constant 0 : i32
        %dma_wait3A_149 = arith.constant 0 : i32
        %dma_wait3A_150 = tpu.memref_slice %arg24[%dma_wait3A_148, %dma_wait3A_149] : memref<5008x128xf32, #tpu.memory_space<vmem_shared>> -> memref<5008x128xf32, #tpu.memory_space<vmem_shared>>
        tpu.wait_indirect_dma semaphore(%arg26 : memref<!tpu.dma_semaphore, #tpu.memory_space<semaphore_mem>>) src(%arg20 : memref<128x128xf32, #tpu.memory_space<vmem>>) dst(%dma_wait3A_150 : memref<5008x128xf32, #tpu.memory_space<vmem_shared>>)
        %dma_wait3A_151 = arith.constant 4 : i32
        %dma_wait3A_152 = arith.constant 0 : i32
        %dma_wait3A_153 = tpu.memref_slice %arg16[%dma_wait3A_151, %dma_wait3A_152] : memref<8x128xi32, #tpu.memory_space<vmem>> -> memref<1x128xi32, #tpu.memory_space<vmem>>
        %dma_wait3A_154 = tpu.memref_squeeze %dma_wait3A_153 : memref<1x128xi32, #tpu.memory_space<vmem>> -> memref<128xi32, #tpu.memory_space<vmem>>
        %dma_wait3A_155 = arith.constant 0 : i32
        %dma_wait3A_156 = arith.constant 0 : i32
        %dma_wait3A_157 = tpu.memref_slice %arg24[%dma_wait3A_155, %dma_wait3A_156] : memref<5008x128xf32, #tpu.memory_space<vmem_shared>> -> memref<5008x128xf32, #tpu.memory_space<vmem_shared>>
        tpu.wait_indirect_dma semaphore(%arg26 : memref<!tpu.dma_semaphore, #tpu.memory_space<semaphore_mem>>) src(%arg20 : memref<128x128xf32, #tpu.memory_space<vmem>>) dst(%dma_wait3A_157 : memref<5008x128xf32, #tpu.memory_space<vmem_shared>>)
        %dma_wait3A_158 = arith.constant 5 : i32
        %dma_wait3A_159 = arith.constant 0 : i32
        %dma_wait3A_160 = tpu.memref_slice %arg16[%dma_wait3A_158, %dma_wait3A_159] : memref<8x128xi32, #tpu.memory_space<vmem>> -> memref<1x128xi32, #tpu.memory_space<vmem>>
        %dma_wait3A_161 = tpu.memref_squeeze %dma_wait3A_160 : memref<1x128xi32, #tpu.memory_space<vmem>> -> memref<128xi32, #tpu.memory_space<vmem>>
        %dma_wait3A_162 = arith.constant 0 : i32
        %dma_wait3A_163 = arith.constant 0 : i32
        %dma_wait3A_164 = tpu.memref_slice %arg24[%dma_wait3A_162, %dma_wait3A_163] : memref<5008x128xf32, #tpu.memory_space<vmem_shared>> -> memref<5008x128xf32, #tpu.memory_space<vmem_shared>>
        tpu.wait_indirect_dma semaphore(%arg26 : memref<!tpu.dma_semaphore, #tpu.memory_space<semaphore_mem>>) src(%arg20 : memref<128x128xf32, #tpu.memory_space<vmem>>) dst(%dma_wait3A_164 : memref<5008x128xf32, #tpu.memory_space<vmem_shared>>)
        %dma_wait3A_165 = arith.constant 6 : i32
        %dma_wait3A_166 = arith.constant 0 : i32
        %dma_wait3A_167 = tpu.memref_slice %arg16[%dma_wait3A_165, %dma_wait3A_166] : memref<8x128xi32, #tpu.memory_space<vmem>> -> memref<1x128xi32, #tpu.memory_space<vmem>>
        %dma_wait3A_168 = tpu.memref_squeeze %dma_wait3A_167 : memref<1x128xi32, #tpu.memory_space<vmem>> -> memref<128xi32, #tpu.memory_space<vmem>>
        %dma_wait3A_169 = arith.constant 0 : i32
        %dma_wait3A_170 = arith.constant 0 : i32
        %dma_wait3A_171 = tpu.memref_slice %arg24[%dma_wait3A_169, %dma_wait3A_170] : memref<5008x128xf32, #tpu.memory_space<vmem_shared>> -> memref<5008x128xf32, #tpu.memory_space<vmem_shared>>
        tpu.wait_indirect_dma semaphore(%arg26 : memref<!tpu.dma_semaphore, #tpu.memory_space<semaphore_mem>>) src(%arg20 : memref<128x128xf32, #tpu.memory_space<vmem>>) dst(%dma_wait3A_171 : memref<5008x128xf32, #tpu.memory_space<vmem_shared>>)
        %dma_wait3A_172 = arith.constant 7 : i32
        %dma_wait3A_173 = arith.constant 0 : i32
        %dma_wait3A_174 = tpu.memref_slice %arg16[%dma_wait3A_172, %dma_wait3A_173] : memref<8x128xi32, #tpu.memory_space<vmem>> -> memref<1x128xi32, #tpu.memory_space<vmem>>
        %dma_wait3A_175 = tpu.memref_squeeze %dma_wait3A_174 : memref<1x128xi32, #tpu.memory_space<vmem>> -> memref<128xi32, #tpu.memory_space<vmem>>
        %dma_wait3A_176 = arith.constant 0 : i32
        %dma_wait3A_177 = arith.constant 0 : i32
        %dma_wait3A_178 = tpu.memref_slice %arg24[%dma_wait3A_176, %dma_wait3A_177] : memref<5008x128xf32, #tpu.memory_space<vmem_shared>> -> memref<5008x128xf32, #tpu.memory_space<vmem_shared>>
        tpu.wait_indirect_dma semaphore(%arg26 : memref<!tpu.dma_semaphore, #tpu.memory_space<semaphore_mem>>) src(%arg20 : memref<128x128xf32, #tpu.memory_space<vmem>>) dst(%dma_wait3A_178 : memref<5008x128xf32, #tpu.memory_space<vmem_shared>>)
      } else {
      }
    }
    %scan3A_34 = arith.constant 20 : i32
    %barrier3A_35 = arith.constant 0 : index
    tpu.barrier barrier_id(%barrier3A_35)
    %mul3A_36 = arith.constant 312 : i32
    %mul3A_37 = arith.muli %arg1, %mul3A_36 : i32
    %mul3A_38 = arith.constant 312 : i32
    %mul3A_39 = arith.muli %arg1, %mul3A_38 : i32
    "tpu.region"() ({
      %run_scoped3A = tpu.sem_alloc : memref<!tpu.dma_semaphore, #tpu.memory_space<semaphore_mem>>
      %dma_start3A = arith.constant 0 : i32
      %dma_start3A_45 = tpu.memref_slice %arg14[%arg0, %mul3A_39, %dma_start3A] : memref<2x5008x128xf32, #tpu.memory_space<hbm>> -> memref<1x312x128xf32, #tpu.memory_space<hbm>>
      %dma_start3A_46 = tpu.memref_squeeze %dma_start3A_45 : memref<1x312x128xf32, #tpu.memory_space<hbm>> -> memref<312x128xf32, #tpu.memory_space<hbm>>
      %dma_start3A_47 = arith.constant 0 : i32
      %dma_start3A_48 = tpu.memref_slice %arg24[%mul3A_37, %dma_start3A_47] : memref<5008x128xf32, #tpu.memory_space<vmem_shared>> -> memref<312x128xf32, #tpu.memory_space<vmem_shared>>
      tpu.enqueue_dma source(%dma_start3A_48 : memref<312x128xf32, #tpu.memory_space<vmem_shared>>) target(%dma_start3A_46 : memref<312x128xf32, #tpu.memory_space<hbm>>) target_semaphore(%run_scoped3A : memref<!tpu.dma_semaphore, #tpu.memory_space<semaphore_mem>>)
      %dma_wait3A = arith.constant 0 : i32
      %dma_wait3A_49 = tpu.memref_slice %arg14[%arg0, %mul3A_39, %dma_wait3A] : memref<2x5008x128xf32, #tpu.memory_space<hbm>> -> memref<1x312x128xf32, #tpu.memory_space<hbm>>
      %dma_wait3A_50 = tpu.memref_squeeze %dma_wait3A_49 : memref<1x312x128xf32, #tpu.memory_space<hbm>> -> memref<312x128xf32, #tpu.memory_space<hbm>>
      %dma_wait3A_51 = arith.constant 0 : i32
      %dma_wait3A_52 = tpu.memref_slice %arg24[%mul3A_37, %dma_wait3A_51] : memref<5008x128xf32, #tpu.memory_space<vmem_shared>> -> memref<312x128xf32, #tpu.memory_space<vmem_shared>>
      tpu.wait_dma2 semaphore(%run_scoped3A : memref<!tpu.dma_semaphore, #tpu.memory_space<semaphore_mem>>) src(%dma_wait3A_52 : memref<312x128xf32, #tpu.memory_space<vmem_shared>>) dst(%dma_wait3A_50 : memref<312x128xf32, #tpu.memory_space<hbm>>)
      tpu.yield
    }) : () -> ()
    %eq3A_40 = arith.constant 0 : i32
    %eq3A_41 = arith.cmpi eq, %arg1, %eq3A_40 : i32
    %convert_element_type3A_42 = arith.extui %eq3A_41 : i1 to i32
    %cond3A_43 = arith.constant 0 : i32
    %cond3A_44 = arith.cmpi ne, %convert_element_type3A_42, %cond3A_43 : i32
    scf.if %cond3A_44 {
      "tpu.region"() ({
        %run_scoped3A = tpu.sem_alloc : memref<!tpu.dma_semaphore, #tpu.memory_space<semaphore_mem>>
        %dma_start3A = arith.constant 4992 : i32
        %dma_start3A_45 = arith.constant 0 : i32
        %dma_start3A_46 = tpu.memref_slice %arg14[%arg0, %dma_start3A, %dma_start3A_45] : memref<2x5008x128xf32, #tpu.memory_space<hbm>> -> memref<1x16x128xf32, #tpu.memory_space<hbm>>
        %dma_start3A_47 = tpu.memref_squeeze %dma_start3A_46 : memref<1x16x128xf32, #tpu.memory_space<hbm>> -> memref<16x128xf32, #tpu.memory_space<hbm>>
        %dma_start3A_48 = arith.constant 4992 : i32
        %dma_start3A_49 = arith.constant 0 : i32
        %dma_start3A_50 = tpu.memref_slice %arg24[%dma_start3A_48, %dma_start3A_49] : memref<5008x128xf32, #tpu.memory_space<vmem_shared>> -> memref<16x128xf32, #tpu.memory_space<vmem_shared>>
        tpu.enqueue_dma source(%dma_start3A_50 : memref<16x128xf32, #tpu.memory_space<vmem_shared>>) target(%dma_start3A_47 : memref<16x128xf32, #tpu.memory_space<hbm>>) target_semaphore(%run_scoped3A : memref<!tpu.dma_semaphore, #tpu.memory_space<semaphore_mem>>)
        %dma_wait3A = arith.constant 4992 : i32
        %dma_wait3A_51 = arith.constant 0 : i32
        %dma_wait3A_52 = tpu.memref_slice %arg14[%arg0, %dma_wait3A, %dma_wait3A_51] : memref<2x5008x128xf32, #tpu.memory_space<hbm>> -> memref<1x16x128xf32, #tpu.memory_space<hbm>>
        %dma_wait3A_53 = tpu.memref_squeeze %dma_wait3A_52 : memref<1x16x128xf32, #tpu.memory_space<hbm>> -> memref<16x128xf32, #tpu.memory_space<hbm>>
        %dma_wait3A_54 = arith.constant 4992 : i32
        %dma_wait3A_55 = arith.constant 0 : i32
        %dma_wait3A_56 = tpu.memref_slice %arg24[%dma_wait3A_54, %dma_wait3A_55] : memref<5008x128xf32, #tpu.memory_space<vmem_shared>> -> memref<16x128xf32, #tpu.memory_space<vmem_shared>>
        tpu.wait_dma2 semaphore(%run_scoped3A : memref<!tpu.dma_semaphore, #tpu.memory_space<semaphore_mem>>) src(%dma_wait3A_56 : memref<16x128xf32, #tpu.memory_space<vmem_shared>>) dst(%dma_wait3A_53 : memref<16x128xf32, #tpu.memory_space<hbm>>)
        tpu.yield
      }) : () -> ()
    } else {
    }
    return
  }
}

#map = affine_map<(d0, d1) -> (0, 0)>
#map1 = affine_map<(d0, d1) -> (0, 0, 0)>
module attributes {stable_mosaic.version = 14 : i64} {
  func.func @k(%arg0: i32, %arg1: i32, %arg2: memref<10000x128xf32, #tpu.memory_space<hbm>>, %arg3: memref<32x4x40xi32, #tpu.memory_space<hbm>>, %arg4: memref<5120x128xf32, #tpu.memory_space<hbm>>, %arg5: memref<4x40xi32, #tpu.memory_space<vmem>>, %arg6: memref<40x128xf32, #tpu.memory_space<vmem>>) attributes {dimension_semantics = [#tpu.dimension_semantics<core_parallel>, #tpu.dimension_semantics<subcore_parallel>], iteration_bounds = array<i64: 2, 16>, scalar_prefetch = 0 : i64, scratch_operands = 2 : i64, tpu.core_type = #tpu.core_type<sc_vector_subcore>, window_params = [{transform_indices = #map}, {transform_indices = #map1}, {transform_indices = #map}]} {
    %mul3A = arith.constant 16 : i32
    %mul3A_0 = arith.muli %arg0, %mul3A : i32
    %add3A = arith.addi %mul3A_0, %arg1 : i32
    "tpu.region"() ({
      %run_scoped3A = tpu.sem_alloc : memref<!tpu.dma_semaphore, #tpu.memory_space<semaphore_mem>>
      %dma_start3A = arith.constant 0 : i32
      %dma_start3A_5 = arith.constant 0 : i32
      %dma_start3A_6 = tpu.memref_slice %arg3[%add3A, %dma_start3A, %dma_start3A_5] : memref<32x4x40xi32, #tpu.memory_space<hbm>> -> memref<1x4x40xi32, #tpu.memory_space<hbm>>
      %dma_start3A_7 = tpu.memref_squeeze %dma_start3A_6 : memref<1x4x40xi32, #tpu.memory_space<hbm>> -> memref<4x40xi32, #tpu.memory_space<hbm>>
      %dma_start3A_8 = arith.constant 0 : i32
      %dma_start3A_9 = arith.constant 0 : i32
      %dma_start3A_10 = tpu.memref_slice %arg3[%add3A, %dma_start3A_8, %dma_start3A_9] : memref<32x4x40xi32, #tpu.memory_space<hbm>> -> memref<1x4x40xi32, #tpu.memory_space<hbm>>
      %dma_start3A_11 = tpu.memref_squeeze %dma_start3A_10 : memref<1x4x40xi32, #tpu.memory_space<hbm>> -> memref<4x40xi32, #tpu.memory_space<hbm>>
      tpu.enqueue_dma source(%dma_start3A_11 : memref<4x40xi32, #tpu.memory_space<hbm>>) target(%arg5 : memref<4x40xi32, #tpu.memory_space<vmem>>) target_semaphore(%run_scoped3A : memref<!tpu.dma_semaphore, #tpu.memory_space<semaphore_mem>>)
      %dma_wait3A = arith.constant 0 : i32
      %dma_wait3A_12 = arith.constant 0 : i32
      %dma_wait3A_13 = tpu.memref_slice %arg3[%add3A, %dma_wait3A, %dma_wait3A_12] : memref<32x4x40xi32, #tpu.memory_space<hbm>> -> memref<1x4x40xi32, #tpu.memory_space<hbm>>
      %dma_wait3A_14 = tpu.memref_squeeze %dma_wait3A_13 : memref<1x4x40xi32, #tpu.memory_space<hbm>> -> memref<4x40xi32, #tpu.memory_space<hbm>>
      %dma_wait3A_15 = arith.constant 0 : i32
      %dma_wait3A_16 = arith.constant 0 : i32
      %dma_wait3A_17 = tpu.memref_slice %arg3[%add3A, %dma_wait3A_15, %dma_wait3A_16] : memref<32x4x40xi32, #tpu.memory_space<hbm>> -> memref<1x4x40xi32, #tpu.memory_space<hbm>>
      %dma_wait3A_18 = tpu.memref_squeeze %dma_wait3A_17 : memref<1x4x40xi32, #tpu.memory_space<hbm>> -> memref<4x40xi32, #tpu.memory_space<hbm>>
      tpu.wait_dma2 semaphore(%run_scoped3A : memref<!tpu.dma_semaphore, #tpu.memory_space<semaphore_mem>>) src(%dma_wait3A_18 : memref<4x40xi32, #tpu.memory_space<hbm>>) dst(%arg5 : memref<4x40xi32, #tpu.memory_space<vmem>>)
      tpu.yield
    }) : () -> ()
    %scan3A = arith.constant 0 : i32
    %scan3A_1 = arith.constant 4 : i32
    %scan3A_2 = arith.addi %scan3A, %scan3A_1 : i32
    %scan3A_3 = arith.constant 1 : i32
    scf.for %scan3A_5 = %scan3A to %scan3A_2 step %scan3A_3  : i32 {
      %mul3A_6 = arith.constant 1 : i32
      %mul3A_7 = arith.muli %scan3A_5, %mul3A_6 : i32
      %add3A_8 = arith.constant 0 : i32
      %add3A_9 = arith.addi %add3A_8, %mul3A_7 : i32
      "tpu.region"() ({
        %run_scoped3A = tpu.sem_alloc : memref<!tpu.dma_semaphore, #tpu.memory_space<semaphore_mem>>
        %dma_start3A = arith.constant 0 : i32
        %dma_start3A_15 = tpu.memref_slice %arg5[%add3A_9, %dma_start3A] : memref<4x40xi32, #tpu.memory_space<vmem>> -> memref<1x40xi32, #tpu.memory_space<vmem>>
        %dma_start3A_16 = tpu.memref_squeeze %dma_start3A_15 : memref<1x40xi32, #tpu.memory_space<vmem>> -> memref<40xi32, #tpu.memory_space<vmem>>
        %dma_start3A_17 = arith.constant 0 : i32
        %dma_start3A_18 = arith.constant 0 : i32
        %dma_start3A_19 = tpu.memref_slice %arg2[%dma_start3A_17, %dma_start3A_18] : memref<10000x128xf32, #tpu.memory_space<hbm>> -> memref<10000x128xf32, #tpu.memory_space<hbm>>
        tpu.enqueue_indirect_dma source(%dma_start3A_19 : memref<10000x128xf32, #tpu.memory_space<hbm>>) target(%arg6 : memref<40x128xf32, #tpu.memory_space<vmem>>) offsets(%dma_start3A_16 : memref<40xi32, #tpu.memory_space<vmem>>) semaphore(%run_scoped3A : memref<!tpu.dma_semaphore, #tpu.memory_space<semaphore_mem>>)
        %dma_wait3A = arith.constant 0 : i32
        %dma_wait3A_20 = tpu.memref_slice %arg5[%add3A_9, %dma_wait3A] : memref<4x40xi32, #tpu.memory_space<vmem>> -> memref<1x40xi32, #tpu.memory_space<vmem>>
        %dma_wait3A_21 = tpu.memref_squeeze %dma_wait3A_20 : memref<1x40xi32, #tpu.memory_space<vmem>> -> memref<40xi32, #tpu.memory_space<vmem>>
        %dma_wait3A_22 = arith.constant 0 : i32
        %dma_wait3A_23 = arith.constant 0 : i32
        %dma_wait3A_24 = tpu.memref_slice %arg2[%dma_wait3A_22, %dma_wait3A_23] : memref<10000x128xf32, #tpu.memory_space<hbm>> -> memref<10000x128xf32, #tpu.memory_space<hbm>>
        tpu.wait_indirect_dma semaphore(%run_scoped3A : memref<!tpu.dma_semaphore, #tpu.memory_space<semaphore_mem>>) src(%dma_wait3A_24 : memref<10000x128xf32, #tpu.memory_space<hbm>>) dst(%arg6 : memref<40x128xf32, #tpu.memory_space<vmem>>)
        tpu.yield
      }) : () -> ()
      %mul3A_10 = arith.constant 160 : i32
      %mul3A_11 = arith.muli %add3A, %mul3A_10 : i32
      %mul3A_12 = arith.constant 40 : i32
      %mul3A_13 = arith.muli %add3A_9, %mul3A_12 : i32
      %add3A_14 = arith.addi %mul3A_11, %mul3A_13 : i32
      "tpu.region"() ({
        %run_scoped3A = tpu.sem_alloc : memref<!tpu.dma_semaphore, #tpu.memory_space<semaphore_mem>>
        %dma_start3A = arith.constant 0 : i32
        %dma_start3A_15 = tpu.memref_slice %arg4[%add3A_14, %dma_start3A] : memref<5120x128xf32, #tpu.memory_space<hbm>> -> memref<40x128xf32, #tpu.memory_space<hbm>>
        %dma_start3A_16 = arith.constant 0 : i32
        %dma_start3A_17 = tpu.memref_slice %arg4[%add3A_14, %dma_start3A_16] : memref<5120x128xf32, #tpu.memory_space<hbm>> -> memref<40x128xf32, #tpu.memory_space<hbm>>
        tpu.enqueue_dma source(%arg6 : memref<40x128xf32, #tpu.memory_space<vmem>>) target(%dma_start3A_17 : memref<40x128xf32, #tpu.memory_space<hbm>>) target_semaphore(%run_scoped3A : memref<!tpu.dma_semaphore, #tpu.memory_space<semaphore_mem>>)
        %dma_wait3A = arith.constant 0 : i32
        %dma_wait3A_18 = tpu.memref_slice %arg4[%add3A_14, %dma_wait3A] : memref<5120x128xf32, #tpu.memory_space<hbm>> -> memref<40x128xf32, #tpu.memory_space<hbm>>
        %dma_wait3A_19 = arith.constant 0 : i32
        %dma_wait3A_20 = tpu.memref_slice %arg4[%add3A_14, %dma_wait3A_19] : memref<5120x128xf32, #tpu.memory_space<hbm>> -> memref<40x128xf32, #tpu.memory_space<hbm>>
        tpu.wait_dma2 semaphore(%run_scoped3A : memref<!tpu.dma_semaphore, #tpu.memory_space<semaphore_mem>>) src(%arg6 : memref<40x128xf32, #tpu.memory_space<vmem>>) dst(%dma_wait3A_20 : memref<40x128xf32, #tpu.memory_space<hbm>>)
        tpu.yield
      }) : () -> ()
    }
    %scan3A_4 = arith.constant 4 : i32
    return
  }
}

module attributes {stable_mosaic.version = 14 : i64} {
  func.func @body(%arg0: i32, %arg1: memref<1x5000x128xf32, #tpu.memory_space<vmem>>, %arg2: memref<1x5000x128xf32, #tpu.memory_space<vmem>>, %arg3: memref<5000x128xf32, #tpu.memory_space<vmem>>, %arg4: memref<128x128xf32, #tpu.memory_space<vmem>>, %arg5: memref<128x128xf32, #tpu.memory_space<vmem>>, %arg6: memref<5000x128xf32, #tpu.memory_space<vmem>>) attributes {dimension_semantics = [#tpu.dimension_semantics<arbitrary>], iteration_bounds = array<i64: 2>, scalar_prefetch = 0 : i64, scratch_operands = 0 : i64, tpu.core_type = #tpu.core_type<tc>, window_params = [{transform_indices = @transform_0, window_bounds = array<i64: 1, 5000, 128>}, {transform_indices = @transform_1, window_bounds = array<i64: 1, 5000, 128>}, {transform_indices = @transform_2, window_bounds = array<i64: 5000, 128>}, {pipeline_mode = #tpu.pipeline_mode<synchronous>, transform_indices = @transform_3, window_bounds = array<i64: 128, 128>}, {pipeline_mode = #tpu.pipeline_mode<synchronous>, transform_indices = @transform_4, window_bounds = array<i64: 128, 128>}, {transform_indices = @transform_5, window_bounds = array<i64: 5000, 128>}]} {
    %get3A = arith.constant 0 : index
    %get3A_0 = arith.constant 0 : index
    %get3A_1 = arith.constant 0 : index
    %get3A_2 = vector.load %arg2[%get3A, %get3A_0, %get3A_1] : memref<1x5000x128xf32, #tpu.memory_space<vmem>>, vector<1x5000x1xf32>
    %get3A_3 = vector.shape_cast %get3A_2 : vector<1x5000x1xf32> to vector<5000x1xf32>
    %get3A_4 = arith.constant 0 : index
    %get3A_5 = arith.constant 0 : index
    %get3A_6 = arith.constant 0 : index
    %get3A_7 = vector.load %arg1[%get3A_4, %get3A_5, %get3A_6] : memref<1x5000x128xf32, #tpu.memory_space<vmem>>, vector<1x5000x128xf32>
    %get3A_8 = vector.shape_cast %get3A_7 : vector<1x5000x128xf32> to vector<5000x128xf32>
    %get3A_9 = arith.constant 0 : index
    %get3A_10 = arith.constant 0 : index
    %get3A_11 = vector.load %arg4[%get3A_9, %get3A_10] : memref<128x128xf32, #tpu.memory_space<vmem>>, vector<128x128xf32>
    %dot_general3A = arith.constant dense<0.000000e+00> : vector<5000x128xf32>
    %dot_general3A_12 = tpu.matmul %get3A_8, %get3A_11, %dot_general3A {dimension_numbers = #tpu.dot_dimension_numbers<[1], [0], [0], [1], [0, 0, 1, 1], [], []>, transpose_lhs_hint = false} : vector<5000x128xf32>, vector<128x128xf32>, vector<5000x128xf32> -> vector<5000x128xf32>
    %max3A = arith.constant 1.000000e+00 : f32
    %max3A_13 = vector.broadcast %max3A : f32 to vector<5000x1xf32>
    %max3A_14 = arith.maximumf %get3A_3, %max3A_13 : vector<5000x1xf32>
    %div3A = vector.broadcast %max3A_14 : vector<5000x1xf32> to vector<5000x128xf32>
    %div3A_15 = arith.divf %dot_general3A_12, %div3A : vector<5000x128xf32>
    %get3A_16 = arith.constant 0 : index
    %get3A_17 = arith.constant 0 : index
    %get3A_18 = vector.load %arg3[%get3A_16, %get3A_17] : memref<5000x128xf32, #tpu.memory_space<vmem>>, vector<5000x128xf32>
    %get3A_19 = arith.constant 0 : index
    %get3A_20 = arith.constant 0 : index
    %get3A_21 = vector.load %arg5[%get3A_19, %get3A_20] : memref<128x128xf32, #tpu.memory_space<vmem>>, vector<128x128xf32>
    %dot_general3A_22 = arith.constant dense<0.000000e+00> : vector<5000x128xf32>
    %dot_general3A_23 = tpu.matmul %get3A_18, %get3A_21, %dot_general3A_22 {dimension_numbers = #tpu.dot_dimension_numbers<[1], [0], [0], [1], [0, 0, 1, 1], [], []>, transpose_lhs_hint = false} : vector<5000x128xf32>, vector<128x128xf32>, vector<5000x128xf32> -> vector<5000x128xf32>
    %add3A = arith.addf %dot_general3A_23, %div3A_15 : vector<5000x128xf32>
    %max3A_24 = arith.constant 0.000000e+00 : f32
    %max3A_25 = vector.broadcast %max3A_24 : f32 to vector<5000x128xf32>
    %max3A_26 = arith.maximumf %add3A, %max3A_25 : vector<5000x128xf32>
    %add3A_27 = arith.addf %max3A_26, %get3A_18 : vector<5000x128xf32>
    %swap3A = arith.constant 0 : index
    %swap3A_28 = arith.constant 0 : index
    %swap3A_29 = vector.load %arg6[%swap3A, %swap3A_28] : memref<5000x128xf32, #tpu.memory_space<vmem>>, vector<5000x128xf32>
    tpu.vector_store %arg6[%swap3A, %swap3A_28], %add3A_27 {strides = array<i32>} : memref<5000x128xf32, #tpu.memory_space<vmem>>, vector<5000x128xf32>,
    return
  }
  func.func @transform_0(%arg0: i32) -> (i32, i32, i32) {
    %c0_i32 = arith.constant 0 : i32
    %c0_i32_0 = arith.constant 0 : i32
    %c0_i32_1 = arith.constant 0 : i32
    return %arg0, %c0_i32, %c0_i32_0 : i32, i32, i32
  }
  func.func @transform_1(%arg0: i32) -> (i32, i32, i32) {
    %c0_i32 = arith.constant 0 : i32
    %c0_i32_0 = arith.constant 0 : i32
    %c0_i32_1 = arith.constant 0 : i32
    return %arg0, %c0_i32, %c0_i32_0 : i32, i32, i32
  }
  func.func @transform_2(%arg0: i32) -> (i32, i32) {
    %c0_i32 = arith.constant 0 : i32
    %c0_i32_0 = arith.constant 0 : i32
    return %arg0, %c0_i32 : i32, i32
  }
  func.func @transform_3(%arg0: i32) -> (i32, i32) {
    %c0_i32 = arith.constant 0 : i32
    %c0_i32_0 = arith.constant 0 : i32
    %c0_i32_1 = arith.constant 0 : i32
    return %c0_i32, %c0_i32_0 : i32, i32
  }
  func.func @transform_4(%arg0: i32) -> (i32, i32) {
    %c0_i32 = arith.constant 0 : i32
    %c0_i32_0 = arith.constant 0 : i32
    %c0_i32_1 = arith.constant 0 : i32
    return %c0_i32, %c0_i32_0 : i32, i32
  }
  func.func @transform_5(%arg0: i32) -> (i32, i32) {
    %c0_i32 = arith.constant 0 : i32
    %c0_i32_0 = arith.constant 0 : i32
    return %arg0, %c0_i32 : i32, i32
  }
}

</mosaic_0001>

<sc_bundles>
// kernel: gather_offload_async_start.1
scs
__scs_entry_jumppad:
0x0: {  	(pc) =	sbr.rel $0x88, $3  }
0x1: {  	(tag) =	ssettag $0x0;
	lr =	simm.s32 $0x1  }
0x2: {  	[smem:$0x3F93] =	sst lr;
	_ =	strace $0xD0000000  }
0x3: {  	_ = 	snop  }
0x4: {  	_ = 	snop  }
0x5: {  	_ = 	snop  }
0x6: {  	_ = 	snop  }
0x7: {  	_ = 	snop  }
__scs_overlays_trampoline_lowered:
0x8: {  	[smem:$0x3FA2] =	sst s0  }
0x9: {  	[smem:$0x3FA3] =	sst s1  }
0xa: {  	[smem:$0x3FA4] =	sst s2  }
0xb: {  	[smem:$0x3FA5] =	sst s3  }
0xc: {  	[smem:$0x3FA6] =	sst s4  }
0xd: {  	[smem:$0x3FA7] =	sst s5  }
0xe: {  	[smem:$0x3FA8] =	sst s6  }
0xf: {  	[smem:$0x3FA9] =	sst s7  }
0x10: {  	[smem:$0x3FAA] =	sst s8  }
0x11: {  	[smem:$0x3FAB] =	sst s9;
	s0 =	simm.s32 @!p0 $0x0  }
0x12: {  	s1 =	sld [smem:$0x3F91];
	s0 =	simm.s32 @p0 $0x1  }
0x13: {  	[smem:$0x3FAC] =	sst s0;
	s0 =	simm.s32 @!p1 $0x0  }
0x14: {  	s2 =	sld [smem:$0x3F90];
	s0 =	simm.s32 @p1 $0x1  }
0x15: {  	[smem:$0x3FAD] =	sst s0;
	s0 =	simm.s32 @!p2 $0x0  }
0x16: {  	s3 =	sld [smem:$0x3FDB];
	s0 =	simm.s32 @p2 $0x1  }
0x17: {  	s4 =	simm.s32 $0x1BF5;
	[smem:$0x3FAF] =	sst s0  }
0x18: {  	s0 =	sld [smem:$0x3F92];
	_ =	swait.ge [sflag:s4], $0x0  }
0x19: {  	s7 =	sld [smem:$0x3F93]  }
0x1a: {  	s8 =	sadd.s32 $0xFFFFE003, lr  }
0x1b: {  	s9 =	sadd.s32 $0xFFFFFEF7, lr;
	s5 =	simm.s32 $0xFFFFFFFF;
	p2 =	slt.u32 s8, $0xFFFFF086  }
0x1c: {  	p1 =	slt.u32 s9, $0xF7A;
	s5 =	simm.s32 @!p2 $0x0  }
0x1d: {  	s5 =	simm.s32 @p1 $0x1;
	p0 =	seq.s32 s7, s2  }
0x1e: {  	s7 =	smul.u32 @!p0 $0xF7A, s2;
	p2 =	seq.s32 @!p0 s5, $0x0  }
0x1f: {  	s9 =	smul.u32 $0xF7A, s1;
	s8 =	simm.s32 @!p0 $0x1BF5;
	p2 =	por !p2, p0  }
0x20: {  	[sflag:s8] =	ssyncset.s32 @!p0 $0xFFFFF086;
	s6 =	sadd.s32 @!p0 s3, s7;
	s7 =	simm.s32 @!p0 $0x108  }
0x21: {  	s3 =	sadd.s32 s3, s9;
	s6 =	sadd.s32 @!p0 $0x88, s6;
	s7 =	simm.s32 @p2 $0x1082  }
0x22: {  	[simem:s7], [sflag:s8] =	dma.local @!p0 [hbm:s6], $0xF7A  }
0x23: {  	s9 =	sor.u32 $0xD0000000, s2;
	s6 =	simm.s32 $0x108;
	_ =	swait.ge @!p0 [sflag:s8], $0x0  }
0x24: {  	s3 =	sadd.s32 $0x88, s3;
	s6 =	simm.s32 @!p1 $0x1082;
	[sflag:s4] =	ssyncset.s32 $0xFFFFF086  }
0x25: {  	[simem:s6], [sflag:s4] =	dma.local [hbm:s3], $0xF7A  }
0x26: {  	[smem:$0x3F93] =	sst s1;
	(tag) =	ssettag s2;
	_ =	strace s9  }
0x27: {  	s1 =	sld [smem:$0x3FA3]  }
0x28: {  	s2 =	sld [smem:$0x3FA4]  }
0x29: {  	s4 =	sld [smem:$0x3FA6]  }
0x2a: {  	p0 =	seq.s32 s5, $0x0;
	s5 =	sld [smem:$0x3FA7]  }
0x2b: {  	s6 =	sld [smem:$0x3FA8]  }
0x2c: {  	s7 =	sld [smem:$0x3FA9]  }
0x2d: {  	s3 =	simm.s32 $0x108;
	s8 =	sld [smem:$0x3FAA]  }
0x2e: {  	s3 =	simm.s32 @!p0 $0x1082;
	s9 =	sld [smem:$0x3FAB]  }
0x2f: {  	lr =	sadd.s32 s0, s3;
	s0 =	sld [smem:$0x3FA2]  }
0x30: {  	s3 =	sld [smem:$0x3FA5]  }
0x31: {  	[smem:$0x3FAE] =	sst s10  }
0x32: {  	s10 =	sld [smem:$0x3FAC];
	_ =	sdelay $0x3  }
0x33: {  	p0 =	seq.s32 s10, $0x1;
	s10 =	sld [smem:$0x3FAE];
	_ =	sdelay $0x3  }
0x34: {  	[smem:$0x3FAE] =	sst s10  }
0x35: {  	s10 =	sld [smem:$0x3FAD];
	_ =	sdelay $0x3  }
0x36: {  	p1 =	seq.s32 s10, $0x1;
	s10 =	sld [smem:$0x3FAE];
	_ =	sdelay $0x3  }
0x37: {  	[smem:$0x3FAE] =	sst s10  }
0x38: {  	s10 =	sld [smem:$0x3FAF]  }
0x39: {  	_ = 	snop;
	(pc) =	sbr.ind lr, $3  }
0x3a: {  	_ = 	snop  }
0x3b: {  	_ = 	snop  }
0x3c: {  	p2 =	seq.s32 s10, $0x1;
	s10 =	sld [smem:$0x3FAE]  }
0x3d: {  	_ =	shalt  }
0x3e: {  	_ =	shalt  }
0x3f: {  	_ =	shalt  }
0x40: {  	_ =	shalt  }
0x41: {  	_ =	shalt  }
0x42: {  	_ =	shalt  }
0x43: {  	_ =	shalt  }
0x44: {  	_ =	shalt  }
0x45: {  	_ =	shalt  }
0x46: {  	_ =	shalt  }
0x47: {  	_ =	shalt  }
0x48: {  	_ =	shalt  }
0x49: {  	_ =	shalt  }
0x4a: {  	_ =	shalt  }
0x4b: {  	_ =	shalt  }
0x4c: {  	_ =	shalt  }
0x4d: {  	_ =	shalt  }
0x4e: {  	_ =	shalt  }
0x4f: {  	_ =	shalt  }
0x50: {  	_ =	shalt  }
0x51: {  	_ =	shalt  }
0x52: {  	_ =	shalt  }
0x53: {  	_ =	shalt  }
0x54: {  	_ =	shalt  }
0x55: {  	_ =	shalt  }
0x56: {  	_ =	shalt  }
0x57: {  	_ =	shalt  }
0x58: {  	_ =	shalt  }
0x59: {  	_ =	shalt  }
0x5a: {  	_ =	shalt  }
0x5b: {  	_ =	shalt  }
0x5c: {  	_ =	shalt  }
0x5d: {  	_ =	shalt  }
0x5e: {  	_ =	shalt  }
0x5f: {  	_ =	shalt  }
0x60: {  	_ =	shalt  }
0x61: {  	_ =	shalt  }
0x62: {  	_ =	shalt  }
0x63: {  	_ =	shalt  }
0x64: {  	_ =	shalt  }
0x65: {  	_ =	shalt  }
0x66: {  	_ =	shalt  }
0x67: {  	_ =	shalt  }
0x68: {  	_ =	shalt  }
0x69: {  	_ =	shalt  }
0x6a: {  	_ =	shalt  }
0x6b: {  	_ =	shalt  }
0x6c: {  	_ =	shalt  }
0x6d: {  	_ =	shalt  }
0x6e: {  	_ =	shalt  }
0x6f: {  	_ =	shalt  }
0x70: {  	_ =	shalt  }
0x71: {  	_ =	shalt  }
0x72: {  	_ =	shalt  }
0x73: {  	_ =	shalt  }
0x74: {  	_ =	shalt  }
0x75: {  	_ =	shalt  }
0x76: {  	_ =	shalt  }
0x77: {  	_ =	shalt  }
0x78: {  	_ =	shalt  }
0x79: {  	_ =	shalt  }
0x7a: {  	_ =	shalt  }
0x7b: {  	_ =	shalt  }
0x7c: {  	_ =	shalt  }
0x7d: {  	_ =	shalt  }
0x7e: {  	_ =	shalt  }
0x7f: {  	_ =	shalt  }
0x80: {  	_ =	shalt  }
0x81: {  	_ =	shalt  }
0x82: {  	_ =	shalt  }
0x83: {  	_ =	shalt  }
0x84: {  	_ =	shalt  }
0x85: {  	_ =	shalt  }
0x86: {  	_ =	shalt  }
0x87: {  	_ =	shalt  }
.Lfunc_end0:
.L_simem_size_0:
called_computation.1_lowered:
.L_overlay_start_0:
0x88: {  	s2 =	sld [smem:$0x3FD9]  }
0x89: {  	s3 =	sld [smem:$0x3FFE];
	_ =	sdelay $0x1  }
0x8a: {  	s1 =	srdreg.scid  }
0x8b: {  	s0 =	sand.u32 $0x1, s1  }
0x8c: {  	s17 =	sshll.u32 s0, $0xA;
	s2 =	sadd.s32 s3, s2  }
0x8d: {  	s2 =	sadd.s32 s2, s17  }
0x8e: {  	[smem:$0x3FBA] =	sst s2  }
0x8f: {  	_ = 	snop  }
0x90: {  	s2 =	sld [smem:$0x3FD0];
	_ =	sdelay $0x2  }
0x91: {  	s18 =	simm.s32 $0x10  }
0x92: {  	[smem:s18], [sflag:s18] =	dma.local [hbm:s2], $0x1  }
0x93: {  	_ =	swait.eq [sflag:s18], $0x1  }
0x94: {  	[sflag:s18] =	ssyncset.done $0x0  }
0x95: {  	[sflag:s18] =	ssyncadd.s32 $0xFFFFFFFF  }
0x96: {  	s3 =	sld [smem:$0x14];
	(tm) =	ssettm $0x1  }
0x97: {  	s19 =	sld [smem:$0x3FFB];
	_ =	sdelay $0x3  }
0x98: {  	_ =	strace s19  }
0x99: {  	s2 =	sld [smem:$0x3FFC];
	_ =	sdelay $0x3  }
0x9a: {  	_ =	strace s2  }
0x9b: {  	s2 =	sld [smem:$0x3FFD];
	_ =	sdelay $0x3  }
0x9c: {  	_ =	strace s2  }
0x9d: {  	_ =	strace $0x8FFFFFFF  }
0x9e: {  	s20 =	sld [smem:$0x3FDB];
	_ =	sdelay $0x1  }
0x9f: {  	s4 =	simm.s32 $_scs_section_size  }
0xa0: {  	s5 =	simm.s32 $_size__tile_overlayer_lowered;
	s6 =	simm.s32 $_tile_overlayer_lowered  }
0xa1: {  	s7 =	simm.s32 $0x1BFF;
	s21 =	sshll.u32 s6, $0x1;
	s4 =	sadd.s32 s4, s20  }
0xa2: {  	s22 =	simm.s32 $0x0;
	s5 =	sshll.u32 s5, $0x1;
	s6 =	sadd.s32 s21, s4  }
0xa3: {  	[timem:s22], [sflag:s7] =	dma.local [hbm:s6], s5  }
0xa4: {  	_ =	swait.ge [sflag:s7], s5  }
0xa5: {  	s5 =	ssub.s32 $0x0, s5;
	[sflag:s7] =	ssyncset.done $0x0  }
0xa6: {  	[sflag:s7] =	ssyncadd.s32 s5;
	_ =	sdelay $0x1  }
0xa7: {  	s23 =	simm.s32 $0x1B8B  }
0xa8: {  	_ =	swait.ge [sflag:s23], $0x1  }
0xa9: {  	[sflag:s23] =	ssyncset.done $0x0  }
0xaa: {  	[sflag:s23] =	ssyncadd.s32 $0xFFFFFFFF  }
0xab: {  	s5 =	sld [smem:$0x0]  }
0xac: {  	s6 =	sand.u32 $0xFFFFFFFE, s1  }
0xad: {  	p0 =	sne.s32 s1, s6  }
0xae: {  	s6 =	sshll.u32 @p0 s6, $0xE  }
0xaf: {  	s6 =	sadd.s32 @p0 $0x11B8D, s6;
	s7 =	sshll.u32 @p0 s5, $0x11  }
0xb0: {  	s6 =	sor.u32 @p0 s7, s6  }
0xb1: {  	[sflag:s6] =	ssyncadd.remote.s32 @p0 $0x1;
	_ =	sdelay $0x1  }
0xb2: {  	s6 =	simm.s32 @p0 $0x1B8D  }
0xb3: {  	_ =	swait.eq @p0 [sflag:s6], $0x1  }
0xb4: {  	[sflag:s6] =	ssyncadd.s32 @p0 $0xFFFFFFFF  }
0xb5: {  	s7 =	sshll.u32 @!p0 s1, $0xE  }
0xb6: {  	s7 =	sor.u32 @!p0 $0x4000, s7;
	s6 =	simm.s32 @!p0 $0x1B8D  }
0xb7: {  	s5 =	sshll.u32 @!p0 s5, $0x11;
	s7 =	sadd.s32 @!p0 $0x11B8D, s7;
	_ =	swait.eq @!p0 [sflag:s6], $0x1  }
0xb8: {  	s5 =	sor.u32 @!p0 s5, s7;
	[sflag:s6] =	ssyncadd.s32 @!p0 $0xFFFFFFFF  }
0xb9: {  	s25 =	simm.s32 $0x1B8E;
	s24 =	sld [smem:$0x3FFE];
	[sflag:s5] =	ssyncadd.remote.s32 @!p0 $0x1  }
0xba: {  	s26 =	simm.s32 $execute0_lowered;
	[smem:$0x3FD2] =	sst s25  }
0xbb: {  	s6 =	sshll.u32 s26, $0x1;
	_ =	strace $0x8000004C;
	[dreg:$0x1] =	wrdreg $0xFFFFFFFF  }
0xbc: {  	s28 =	simm.s32 $_size_execute0_lowered;
	s4 =	sadd.s32 s4, s6;
	[dreg:$0x0] =	wrdreg $0x0  }
0xbd: {  	s6 =	sshll.u32 s28, $0x1;
	[dreg:$0x2] =	wrdreg s4  }
0xbe: {  	[dreg:$0x3] =	wrdreg s6  }
0xbf: {  	[dreg:$0x4] =	wrdreg $0xC0  }
0xc0: {  	_ =	task [dreg:s22], $0x5FFFF  }
0xc1: {  	[dreg:$0x1] =	wrdreg $0xFFFFFFFF  }
0xc2: {  	[dreg:$0x0] =	wrdreg $0x60  }
0xc3: {  	[dreg:$0x2] =	wrdreg s3  }
0xc4: {  	[dreg:$0x3] =	wrdreg s24  }
0xc5: {  	[dreg:$0x4] =	wrdreg $0xA  }
0xc6: {  	_ =	task.clear_ibuf [dreg:s22], $0x5FFFF;
	_ =	strace $0x9000004C  }
0xc7: {  	s29 =	simm.s32 $0xA;
	_ =	strace $0x8000004E  }
0xc8: {  	_ =	swait.ge [sflag:s29], $0x1  }
0xc9: {  	[sflag:s29] =	ssyncadd.s32 $0xFFFFFFFF  }
0xca: {  	_ =	strace $0x9000004E  }
0xcb: {  	_ =	sfence  }
0xcc: {  	s30 =	sld [smem:$0x0];
	_ =	sdelay $0x2  }
0xcd: {  	s31 =	sshll.u32 s1, $0xD;
	s1 =	sshrl.u32 s1, $0x2  }
0xce: {  	s4 =	sand.u32 $0x4000, s31;
	s1 =	sadd.s32 s1, s30  }
0xcf: {  	s0 =	sor.u32 s4, s0;
	s1 =	sshll.u32 s1, $0x11  }
0xd0: {  	s0 =	sor.u32 s1, s0  }
0xd1: {  	s0 =	sadd.s32 $0x8F2B, s0  }
0xd2: {  	[sflag:s0] =	ssyncadd.remote.s32 $0x1  }
0xd3: {  	_ =	sfence.sel $0xFFFF  }
0xd4: {  	[dreg:$0x0] =	wrdreg $0xFFFFFFFF;
	(pc) =	sbr.abs _section_cstart, $3  }
0xd5: {  	[dreg:$0x1] =	wrdreg $0xFFFFFFFF  }
0xd6: {  	_ =	task.clear_ibuf [dreg:s22], $0x2FFFF;
	_ =	strace $0x9FFFFFFF  }
0xd7: {  	(tm) =	ssettm $0x7FFFFFFF  }
tec
execute0_lowered:
.L_overlay_start_1:
0x0: {  	(tag) =	ssettag $0x1  }
0x1: {  	s1 =	srdreg.scid;
	s2 =	rddreg [dreg:$0x0]  }
0x2: {  	s0 =	stileid.u32;
	s5 =	rddreg [dreg:$0x1];
	s6 =	simm.s32 $0x1  }
0x3: {  	s9 =	simm.s32 $0x1;
	s10 =	simm.s32 $0x3;
	s1 =	sshll.u32 s1, $0xD  }
0x4: {  	s13 =	simm.s32 $0x0;
	s3 =	sshll.u32 s0, $0xE;
	s4 =	sand.u32 $0x2000, s1  }
0x5: {  	s12 =	simm.s32 $0x0;
	s1 =	rddreg [dreg:$0x2];
	s3 =	sor.u32 s3, s4  }
0x6: {  	_ =	strace $0x8000004D;
	s4 =	sadd.s32 $0xF400, s5;
	s8 =	ssub.s32 $0x50000, s3  }
.Ltmp0:
0x7: {  	s5 =	sadd.s32 $0x2D400, s5;
	s7 =	sand.u32 $0x3E000, s8;
	(pc) =	sbr.rel .LBB2_1-.Ltmp0, $4  }
0x8: {  	[sflag:s6] =	ssyncpa.u1 $0x0;
	s11 =	smov.u32 s3;
	p0 =	sne.s32 s7, $0x0  }
0x9: {  	s8 =	sshrl.u32 s8, $0x12;
	s7 =	simm.s32 $0x2;
	s9 =	simm.s32 @!p0 $0x0  }
0xa: {  	[sflag:s7] =	ssyncpa.u1 $0x0;
	p0 =	por $0x0, $0x0;
	s8 =	sadd.s32 s9, s8  }
0xb: {  	vm0 =	vmmov $0xffff;
	[sflag:s10] =	ssyncpa.u1 $0x0;
	s10 =	simm.s32 $0x0;
	s9 =	sadd.s32 $0x1, s8  }
.LBB2_4:
0xc: {  	v2 =	vnsel vm1, $0x0, v2  }
0xd: {  	vm1 =	vgt.s32 v0, $0x0;
	v2 =	vmin.u32 v2, $0x4FFFF  }
0xe: {  	v0 =	vnsel vm1, $0x0, v0  }
0xf: {  	v0 =	vmin.u32 v0, $0x4FFFF  }
0x10: {  	[tilespmem:s15], [sflag:$0x1] =	stream.indirect_vreg.gather [hbm4b:s2+s10], $0x1, v1, vm0, $0x4038;
	[tilespmem:$0x8000] =	vst v63  }
0x11: {  	(ifvalue) =	ssetifvalue $0x7FFFFFFF  }
0x12: {  	[tilespmem:s16], [sflag:$0x1] =	stream.indirect_vreg.gather [hbm4b:s2+s10], $0x1, v2, vm0, $0x4038;
	[tilespmem:$0x8000] =	vst v63  }
0x13: {  	s29 =	sadd.s32 $0x10, s16;
	(ifvalue) =	ssetifvalue $0x7FFFFFFF  }
0x14: {  	[tilespmem:s29], [sflag:$0x1] =	stream.indirect_vreg.gather [hbm4b:s2+s10], $0x1, v0, vm0, $0x4038;
	[tilespmem:$0x8000] =	vst v63  }
0x15: {  	_ =	swait.ge [sflag:s6], $0x2000  }
0x16: {  	s30 =	sshrl.u32 s13, $0x3;
	[sflag:s6] =	ssyncset.done $0x0  }
0x17: {  	s31 =	sand.u32 $0x7, s13;
	s15 =	sadd.s32 s5, s30;
	[sflag:s6] =	ssyncadd.s32 $0xFFFFE000  }
0x18: {  	[hbm4b:s15+s31] =	stream.linear.scatter [tilespmem:s14], [sflag:$0x3], $0x2000, $0x38;
	[tilespmem:$0x8000] =	vst v63  }
.LBB2_5:
0x19: {  	s15 =	sadd.s32 $0x40000, s11  }
0x1a: {  	p2 =	sgt.s32 s15, $0x4FFFF  }
0x1b: {  	s15 =	smov.u32 @p2 s3;
	p2 =	sne.s32 s12, s9  }
.Ltmp1:
0x1c: {  	p1 =	slt.u32 s12, $0x2;
	(pc) =	sbr.rel @!p2 .LBB2_6-.Ltmp1, $4  }
0x1d: {  	s14 =	simm.s32 @!p1 $0x3  }
0x1e: {  	s16 =	sadd.s32 $0x1, s12;
	_ =	swait.ge @!p1 [sflag:s14], $0x2000  }
0x1f: {  	s13 =	smov.u32 s11;
	p0 =	por !p0, !p0;
	[sflag:s14] =	ssyncset.done @!p1 $0x0  }
0x20: {  	s12 =	smov.u32 s16;
	s11 =	smov.u32 s15;
	[sflag:s14] =	ssyncadd.s32 @!p1 $0xFFFFE000  }
.LBB2_1:
0x21: {  	p1 =	sge.u32 s12, s8  }
0x22: {  	s14 =	sxor.u32 @!p1 $0xFFFFFFFF, s12  }
0x23: {  	s31 =	sadd.s32 $0xFFFFFFFF, s12;
	s15 =	sshrl.u32 @!p1 s11, $0x3;
	s14 =	sshll.u32 @!p1 s14, $0xD  }
0x24: {  	s16 =	sand.u32 @!p1 $0x7, s11;
	s15 =	sadd.s32 @!p1 s4, s15;
	s14 =	sand.u32 @!p1 $0x2000, s14  }
0x25: {  	[tilespmem:s14], [sflag:$0x2] =	stream.linear.gather @!p1 [hbm4b:s15+s16], $0x2000, $0x38;
	[tilespmem:$0x8000] =	vst v63  }
0x26: {  	p1 =	sge.u32 s31, s8  }
.Ltmp2:
0x27: {  	_ = 	snop;
	(pc) =	sbr.rel @p1 .LBB2_5-.Ltmp2, $1  }
0x28: {  	_ =	sdelay $0x3  }
0x29: {  	s14 =	simm.s32 $0x1  }
0x2a: {  	_ =	swait.ge [sflag:s7], $0x2000;
	s14 =	simm.s32 @!p0 $0x0  }
0x2b: {  	[sflag:s7] =	ssyncset.done $0x0;
	s14 =	sshll.u32 s14, $0xD  }
0x2c: {  	[sflag:s7] =	ssyncadd.s32 $0xFFFFE000;
	(ifvalue) =	ssetifvalue $0x7FFFFFFF;
	v0 =	vld.msk [tilespmem:s14+$0x0 ss:$0x1], $0xffff;
	_ =	sdelay $0x4  }
0x2d: {  	s15 =	sadd.s32 $0x10, s14;
	vm1 =	vgt.s32 v0, $0x0  }
0x2e: {  	v2 =	vld.msk [tilespmem:s15+$0x0 ss:$0x1], $0xffff;
	v1 =	vnsel vm1, $0x0, v0  }
0x2f: {  	v1 =	vmin.u32 v1, $0x4FFFF;
	_ =	sdelay $0x1  }
0x30: {  	s16 =	sshll.u32 s12, $0xD;
	s18 =	simm.s32 $0x20  }
0x31: {  	s16 =	sand.u32 $0x2000, s16;
	s17 =	sadd.s32 $0x10, s15;
	s15 =	sor.u32 $0x4000, s14  }
0x32: {  	s14 =	sor.u32 $0x4000, s16;
	s16 =	sadd.s32 $0x10, s15;
	v0 =	vld.msk [tilespmem:s17+$0x0 ss:$0x1], $0xffff;
	vm1 =	vgt.s32 v2, $0x0;
	(ifvalue) =	ssetifvalue $0x7FFFFFFF  }
.LBB2_3:
0x33: {  	[tilespmem:s15], [sflag:$0x1] =	stream.indirect_vreg.gather [hbm4b:s2+s10], $0x1, v1, vm0, $0x4038;
	[tilespmem:$0x8000] =	vst v63  }
0x34: {  	s18 =	sadd.s32 $0x10, s18  }
0x35: {  	v2 =	vnsel vm1, $0x0, v2;
	p1 =	slt.u32 s18, $0x1FF0  }
.Ltmp3:
0x36: {  	s15 =	smov.u32 s16;
	v1 =	vmin.u32 v2, $0x4FFFF;
	(pc) =	sbr.rel @p1 .LBB2_3-.Ltmp3, $3  }
0x37: {  	_ =	sdelay $0x1  }
0x38: {  	s17 =	sadd.s32 $0x10, s17  }
0x39: {  	vm1 =	vgt.s32 v0, $0x0;
	s16 =	sadd.s32 $0x10, s16;
	v2 =	vmov v0;
	(ifvalue) =	ssetifvalue $0x7FFFFFFF;
	v0 =	vld.msk [tilespmem:s17+$0x0 ss:$0x1], $0xffff  }
.Ltmp4:
0x3a: {  	_ = 	snop;
	(pc) =	sbr.rel .LBB2_4-.Ltmp4, $1  }
0x3b: {  	_ =	sdelay $0x3  }
.LBB2_6:
0x3c: {  	_ =	sfence.sel $0x180000  }
0x3d: {  	s2 =	simm.s32 $0x2;
	[bflag:$0x0] =	sbarrier.arrive $0xFFFF  }
0x3e: {  	s30 =	simm.s32 $0x3;
	[sflag:s2] =	ssyncpa.u1 $0x1  }
0x3f: {  	s31 =	simm.s32 $0x1;
	[sflag:s30] =	ssyncpa.u1 $0x1  }
0x40: {  	[sflag:s31] =	ssyncpa.u1 $0x1  }
0x41: {  	p0 =	sne.s32 s0, $0x0;
	_ =	strace $0x9000004D  }
0x42: {  	s0 =	sadd.s32 @!p0 $0x100000, s1;
	[bflag:$0x2] =	sbarrier.arrive $0xFFFF  }
0x43: {  	[sflag:s0] =	ssyncadd.tile.s32 @!p0 $0x1;
	_ =	shalt  }
.Lfunc_end2:
_tile_overlayer_lowered:
.L_overlay_start_2:
0x44: {  	(tag) =	ssettag $0x2  }
0x45: {  	s0 =	rddreg [dreg:$0x0];
	s2 =	stileid.u32  }
0x46: {  	s1 =	rddreg [dreg:$0x1];
	p0 =	sne.s32 s2, $0x0  }
0x47: {  	s3 =	rddreg [dreg:$0x2];
	[bflag:$0x3] =	sbarrier.arrive $0xFFFF;
	s2 =	simm.s32 @!p0 $0x1C01  }
0x48: {  	[timem:s3], [sflag:s2] =	dma.local @!p0 [hbm:s0], s1  }
0x49: {  	s0 =	simm.s32 @!p0 $0x1  }
0x4a: {  	_ =	swait.ge @!p0 [sflag:s0], s1  }
0x4b: {  	s1 =	ssub.s32 @!p0 $0x0, s1;
	[sflag:s0] =	ssyncset.done @!p0 $0x0  }
0x4c: {  	[sflag:s0] =	ssyncadd.s32 @!p0 s1  }
0x4d: {  	[bflag:$0x3] =	sbarrier.arrive $0xFFFF  }
0x4e: {  	_ =	shalt  }

// kernel: gather_offload_async_start.2
scs
__scs_entry_jumppad:
0x0: {  	(pc) =	sbr.rel $0x88, $3  }
0x1: {  	(tag) =	ssettag $0x0;
	lr =	simm.s32 $0x1  }
0x2: {  	[smem:$0x3F93] =	sst lr;
	_ =	strace $0xD0000000  }
0x3: {  	_ = 	snop  }
0x4: {  	_ = 	snop  }
0x5: {  	_ = 	snop  }
0x6: {  	_ = 	snop  }
0x7: {  	_ = 	snop  }
__scs_overlays_trampoline_lowered:
0x8: {  	[smem:$0x3FA2] =	sst s0  }
0x9: {  	[smem:$0x3FA3] =	sst s1  }
0xa: {  	[smem:$0x3FA4] =	sst s2  }
0xb: {  	[smem:$0x3FA5] =	sst s3  }
0xc: {  	[smem:$0x3FA6] =	sst s4  }
0xd: {  	[smem:$0x3FA7] =	sst s5  }
0xe: {  	[smem:$0x3FA8] =	sst s6  }
0xf: {  	[smem:$0x3FA9] =	sst s7  }
0x10: {  	[smem:$0x3FAA] =	sst s8  }
0x11: {  	[smem:$0x3FAB] =	sst s9;
	s0 =	simm.s32 @!p0 $0x0  }
0x12: {  	s1 =	sld [smem:$0x3F91];
	s0 =	simm.s32 @p0 $0x1  }
0x13: {  	[smem:$0x3FAC] =	sst s0;
	s0 =	simm.s32 @!p1 $0x0  }
0x14: {  	s2 =	sld [smem:$0x3F90];
	s0 =	simm.s32 @p1 $0x1  }
0x15: {  	[smem:$0x3FAD] =	sst s0;
	s0 =	simm.s32 @!p2 $0x0  }
0x16: {  	s3 =	sld [smem:$0x3FDB];
	s0 =	simm.s32 @p2 $0x1  }
0x17: {  	s4 =	simm.s32 $0x1BF5;
	[smem:$0x3FAF] =	sst s0  }
0x18: {  	s0 =	sld [smem:$0x3F92];
	_ =	swait.ge [sflag:s4], $0x0  }
0x19: {  	s7 =	sld [smem:$0x3F93]  }
0x1a: {  	s8 =	sadd.s32 $0xFFFFE003, lr  }
0x1b: {  	s9 =	sadd.s32 $0xFFFFFEF7, lr;
	s5 =	simm.s32 $0xFFFFFFFF;
	p2 =	slt.u32 s8, $0xFFFFF086  }
0x1c: {  	p1 =	slt.u32 s9, $0xF7A;
	s5 =	simm.s32 @!p2 $0x0  }
0x1d: {  	s5 =	simm.s32 @p1 $0x1;
	p0 =	seq.s32 s7, s2  }
0x1e: {  	s7 =	smul.u32 @!p0 $0xF7A, s2;
	p2 =	seq.s32 @!p0 s5, $0x0  }
0x1f: {  	s9 =	smul.u32 $0xF7A, s1;
	s8 =	simm.s32 @!p0 $0x1BF5;
	p2 =	por !p2, p0  }
0x20: {  	[sflag:s8] =	ssyncset.s32 @!p0 $0xFFFFF086;
	s6 =	sadd.s32 @!p0 s3, s7;
	s7 =	simm.s32 @!p0 $0x108  }
0x21: {  	s3 =	sadd.s32 s3, s9;
	s6 =	sadd.s32 @!p0 $0x88, s6;
	s7 =	simm.s32 @p2 $0x1082  }
0x22: {  	[simem:s7], [sflag:s8] =	dma.local @!p0 [hbm:s6], $0xF7A  }
0x23: {  	s9 =	sor.u32 $0xD0000000, s2;
	s6 =	simm.s32 $0x108;
	_ =	swait.ge @!p0 [sflag:s8], $0x0  }
0x24: {  	s3 =	sadd.s32 $0x88, s3;
	s6 =	simm.s32 @!p1 $0x1082;
	[sflag:s4] =	ssyncset.s32 $0xFFFFF086  }
0x25: {  	[simem:s6], [sflag:s4] =	dma.local [hbm:s3], $0xF7A  }
0x26: {  	[smem:$0x3F93] =	sst s1;
	(tag) =	ssettag s2;
	_ =	strace s9  }
0x27: {  	s1 =	sld [smem:$0x3FA3]  }
0x28: {  	s2 =	sld [smem:$0x3FA4]  }
0x29: {  	s4 =	sld [smem:$0x3FA6]  }
0x2a: {  	p0 =	seq.s32 s5, $0x0;
	s5 =	sld [smem:$0x3FA7]  }
0x2b: {  	s6 =	sld [smem:$0x3FA8]  }
0x2c: {  	s7 =	sld [smem:$0x3FA9]  }
0x2d: {  	s3 =	simm.s32 $0x108;
	s8 =	sld [smem:$0x3FAA]  }
0x2e: {  	s3 =	simm.s32 @!p0 $0x1082;
	s9 =	sld [smem:$0x3FAB]  }
0x2f: {  	lr =	sadd.s32 s0, s3;
	s0 =	sld [smem:$0x3FA2]  }
0x30: {  	s3 =	sld [smem:$0x3FA5]  }
0x31: {  	[smem:$0x3FAE] =	sst s10  }
0x32: {  	s10 =	sld [smem:$0x3FAC];
	_ =	sdelay $0x3  }
0x33: {  	p0 =	seq.s32 s10, $0x1;
	s10 =	sld [smem:$0x3FAE];
	_ =	sdelay $0x3  }
0x34: {  	[smem:$0x3FAE] =	sst s10  }
0x35: {  	s10 =	sld [smem:$0x3FAD];
	_ =	sdelay $0x3  }
0x36: {  	p1 =	seq.s32 s10, $0x1;
	s10 =	sld [smem:$0x3FAE];
	_ =	sdelay $0x3  }
0x37: {  	[smem:$0x3FAE] =	sst s10  }
0x38: {  	s10 =	sld [smem:$0x3FAF]  }
0x39: {  	_ = 	snop;
	(pc) =	sbr.ind lr, $3  }
0x3a: {  	_ = 	snop  }
0x3b: {  	_ = 	snop  }
0x3c: {  	p2 =	seq.s32 s10, $0x1;
	s10 =	sld [smem:$0x3FAE]  }
0x3d: {  	_ =	shalt  }
0x3e: {  	_ =	shalt  }
0x3f: {  	_ =	shalt  }
0x40: {  	_ =	shalt  }
0x41: {  	_ =	shalt  }
0x42: {  	_ =	shalt  }
0x43: {  	_ =	shalt  }
0x44: {  	_ =	shalt  }
0x45: {  	_ =	shalt  }
0x46: {  	_ =	shalt  }
0x47: {  	_ =	shalt  }
0x48: {  	_ =	shalt  }
0x49: {  	_ =	shalt  }
0x4a: {  	_ =	shalt  }
0x4b: {  	_ =	shalt  }
0x4c: {  	_ =	shalt  }
0x4d: {  	_ =	shalt  }
0x4e: {  	_ =	shalt  }
0x4f: {  	_ =	shalt  }
0x50: {  	_ =	shalt  }
0x51: {  	_ =	shalt  }
0x52: {  	_ =	shalt  }
0x53: {  	_ =	shalt  }
0x54: {  	_ =	shalt  }
0x55: {  	_ =	shalt  }
0x56: {  	_ =	shalt  }
0x57: {  	_ =	shalt  }
0x58: {  	_ =	shalt  }
0x59: {  	_ =	shalt  }
0x5a: {  	_ =	shalt  }
0x5b: {  	_ =	shalt  }
0x5c: {  	_ =	shalt  }
0x5d: {  	_ =	shalt  }
0x5e: {  	_ =	shalt  }
0x5f: {  	_ =	shalt  }
0x60: {  	_ =	shalt  }
0x61: {  	_ =	shalt  }
0x62: {  	_ =	shalt  }
0x63: {  	_ =	shalt  }
0x64: {  	_ =	shalt  }
0x65: {  	_ =	shalt  }
0x66: {  	_ =	shalt  }
0x67: {  	_ =	shalt  }
0x68: {  	_ =	shalt  }
0x69: {  	_ =	shalt  }
0x6a: {  	_ =	shalt  }
0x6b: {  	_ =	shalt  }
0x6c: {  	_ =	shalt  }
0x6d: {  	_ =	shalt  }
0x6e: {  	_ =	shalt  }
0x6f: {  	_ =	shalt  }
0x70: {  	_ =	shalt  }
0x71: {  	_ =	shalt  }
0x72: {  	_ =	shalt  }
0x73: {  	_ =	shalt  }
0x74: {  	_ =	shalt  }
0x75: {  	_ =	shalt  }
0x76: {  	_ =	shalt  }
0x77: {  	_ =	shalt  }
0x78: {  	_ =	shalt  }
0x79: {  	_ =	shalt  }
0x7a: {  	_ =	shalt  }
0x7b: {  	_ =	shalt  }
0x7c: {  	_ =	shalt  }
0x7d: {  	_ =	shalt  }
0x7e: {  	_ =	shalt  }
0x7f: {  	_ =	shalt  }
0x80: {  	_ =	shalt  }
0x81: {  	_ =	shalt  }
0x82: {  	_ =	shalt  }
0x83: {  	_ =	shalt  }
0x84: {  	_ =	shalt  }
0x85: {  	_ =	shalt  }
0x86: {  	_ =	shalt  }
0x87: {  	_ =	shalt  }
.Lfunc_end0:
.L_simem_size_0:
called_computation.2_lowered:
.L_overlay_start_0:
0x88: {  	s2 =	sld [smem:$0x3FD9]  }
0x89: {  	s3 =	sld [smem:$0x3FFE];
	_ =	sdelay $0x1  }
0x8a: {  	s1 =	srdreg.scid  }
0x8b: {  	s0 =	sand.u32 $0x1, s1  }
0x8c: {  	s17 =	sshll.u32 s0, $0xA;
	s2 =	sadd.s32 s3, s2  }
0x8d: {  	s2 =	sadd.s32 s2, s17  }
0x8e: {  	[smem:$0x3FBA] =	sst s2  }
0x8f: {  	_ = 	snop  }
0x90: {  	(tm) =	ssettm $0x1  }
0x91: {  	s18 =	sld [smem:$0x3FFB];
	_ =	sdelay $0x3  }
0x92: {  	_ =	strace s18  }
0x93: {  	s2 =	sld [smem:$0x3FFC];
	_ =	sdelay $0x3  }
0x94: {  	_ =	strace s2  }
0x95: {  	s2 =	sld [smem:$0x3FFD];
	_ =	sdelay $0x3  }
0x96: {  	_ =	strace s2  }
0x97: {  	_ =	strace $0x8FFFFFFF  }
0x98: {  	s19 =	sld [smem:$0x3FDB];
	_ =	sdelay $0x1  }
0x99: {  	s20 =	simm.s32 $_scs_section_size  }
0x9a: {  	s4 =	simm.s32 $_size__tile_overlayer_lowered;
	s5 =	simm.s32 $_tile_overlayer_lowered  }
0x9b: {  	s6 =	simm.s32 $0x1BFF;
	s21 =	sshll.u32 s5, $0x1;
	s3 =	sadd.s32 s20, s19  }
0x9c: {  	s22 =	simm.s32 $0x0;
	s4 =	sshll.u32 s4, $0x1;
	s5 =	sadd.s32 s21, s3  }
0x9d: {  	[timem:s22], [sflag:s6] =	dma.local [hbm:s5], s4  }
0x9e: {  	_ =	swait.ge [sflag:s6], s4  }
0x9f: {  	s4 =	ssub.s32 $0x0, s4;
	[sflag:s6] =	ssyncset.done $0x0  }
0xa0: {  	[sflag:s6] =	ssyncadd.s32 s4;
	_ =	sdelay $0x1  }
0xa1: {  	s23 =	simm.s32 $0x1B8B  }
0xa2: {  	_ =	swait.ge [sflag:s23], $0x1  }
0xa3: {  	[sflag:s23] =	ssyncset.done $0x0  }
0xa4: {  	[sflag:s23] =	ssyncadd.s32 $0xFFFFFFFF  }
0xa5: {  	s4 =	sld [smem:$0x0]  }
0xa6: {  	s5 =	sand.u32 $0xFFFFFFFE, s1  }
0xa7: {  	p0 =	sne.s32 s1, s5  }
0xa8: {  	s5 =	sshll.u32 @p0 s5, $0xE  }
0xa9: {  	s5 =	sadd.s32 @p0 $0x11B8D, s5;
	s6 =	sshll.u32 @p0 s4, $0x11  }
0xaa: {  	s5 =	sor.u32 @p0 s6, s5  }
0xab: {  	[sflag:s5] =	ssyncadd.remote.s32 @p0 $0x1;
	_ =	sdelay $0x1  }
0xac: {  	s5 =	simm.s32 @p0 $0x1B8D  }
0xad: {  	_ =	swait.eq @p0 [sflag:s5], $0x1  }
0xae: {  	[sflag:s5] =	ssyncadd.s32 @p0 $0xFFFFFFFF  }
0xaf: {  	s6 =	sshll.u32 @!p0 s1, $0xE  }
0xb0: {  	s6 =	sor.u32 @!p0 $0x4000, s6;
	s5 =	simm.s32 @!p0 $0x1B8D  }
0xb1: {  	s4 =	sshll.u32 @!p0 s4, $0x11;
	s6 =	sadd.s32 @!p0 $0x11B8D, s6;
	_ =	swait.eq @!p0 [sflag:s5], $0x1  }
0xb2: {  	s4 =	sor.u32 @!p0 s4, s6;
	[sflag:s5] =	ssyncadd.s32 @!p0 $0xFFFFFFFF  }
0xb3: {  	s25 =	simm.s32 $0x1B8E;
	s24 =	sld [smem:$0x3FFE];
	[sflag:s4] =	ssyncadd.remote.s32 @!p0 $0x1  }
0xb4: {  	s26 =	simm.s32 $execute0_lowered;
	[smem:$0x3FD2] =	sst s25  }
0xb5: {  	s5 =	sshll.u32 s26, $0x1;
	_ =	strace $0x80000055;
	[dreg:$0x1] =	wrdreg $0xFFFFFFFF  }
0xb6: {  	s28 =	simm.s32 $_size_execute0_lowered;
	s3 =	sadd.s32 s3, s5;
	[dreg:$0x0] =	wrdreg $0x0  }
0xb7: {  	s5 =	sshll.u32 s28, $0x1;
	[dreg:$0x2] =	wrdreg s3  }
0xb8: {  	[dreg:$0x3] =	wrdreg s5  }
0xb9: {  	[dreg:$0x4] =	wrdreg $0xC0  }
0xba: {  	_ =	task [dreg:s22], $0x5FFFF  }
0xbb: {  	[dreg:$0x1] =	wrdreg $0xFFFFFFFF  }
0xbc: {  	[dreg:$0x0] =	wrdreg $0x60  }
0xbd: {  	[dreg:$0x2] =	wrdreg s24  }
0xbe: {  	[dreg:$0x3] =	wrdreg $0xB  }
0xbf: {  	_ =	task.clear_ibuf [dreg:s22], $0x4FFFF;
	_ =	strace $0x90000055  }
0xc0: {  	s29 =	simm.s32 $0xB;
	_ =	strace $0x80000057  }
0xc1: {  	_ =	swait.ge [sflag:s29], $0x1  }
0xc2: {  	[sflag:s29] =	ssyncadd.s32 $0xFFFFFFFF  }
0xc3: {  	_ =	strace $0x90000057  }
0xc4: {  	_ =	sfence  }
0xc5: {  	s30 =	sld [smem:$0x0];
	_ =	sdelay $0x2  }
0xc6: {  	s31 =	sshll.u32 s1, $0xD;
	s1 =	sshrl.u32 s1, $0x2  }
0xc7: {  	s4 =	sand.u32 $0x4000, s31;
	s1 =	sadd.s32 s1, s30  }
0xc8: {  	s0 =	sor.u32 s4, s0;
	s1 =	sshll.u32 s1, $0x11  }
0xc9: {  	s0 =	sor.u32 s1, s0  }
0xca: {  	s0 =	sadd.s32 $0x8F2B, s0  }
0xcb: {  	[sflag:s0] =	ssyncadd.remote.s32 $0x1  }
0xcc: {  	_ =	sfence.sel $0xFFFF  }
0xcd: {  	[dreg:$0x0] =	wrdreg $0xFFFFFFFF;
	(pc) =	sbr.abs _section_cstart, $3  }
0xce: {  	[dreg:$0x1] =	wrdreg $0xFFFFFFFF  }
0xcf: {  	_ =	task.clear_ibuf [dreg:s22], $0x2FFFF;
	_ =	strace $0x9FFFFFFF  }
0xd0: {  	(tm) =	ssettm $0x7FFFFFFF  }
0xd1: {  	_ =	shalt  }
tec
execute0_lowered:
.L_overlay_start_1:
0x0: {  	(tag) =	ssettag $0x1  }
0x1: {  	s0 =	srdreg.scid;
	s5 =	rddreg [dreg:$0x0]  }
0x2: {  	s1 =	stileid.u32;
	s6 =	simm.s32 $0x1;
	s9 =	simm.s32 $0x1  }
0x3: {  	s10 =	simm.s32 $0x3;
	s13 =	simm.s32 $0x0;
	s2 =	sshll.u32 s0, $0xD  }
0x4: {  	s12 =	simm.s32 $0x0;
	s3 =	sshll.u32 s1, $0xE;
	s2 =	sand.u32 $0x2000, s2  }
0x5: {  	s0 =	rddreg [dreg:$0x1];
	_ =	strace $0x80000056;
	s2 =	sor.u32 s3, s2  }
0x6: {  	s4 =	sadd.s32 $0xF400, s5;
	[sflag:s6] =	ssyncpa.u1 $0x0;
	s8 =	ssub.s32 $0x50000, s2  }
.Ltmp0:
0x7: {  	s3 =	sadd.s32 $0x5F400, s5;
	s7 =	sand.u32 $0x3E000, s8;
	(pc) =	sbr.rel .LBB2_1-.Ltmp0, $4  }
0x8: {  	s5 =	sadd.s32 $0x69400, s5;
	s11 =	smov.u32 s2;
	p0 =	sne.s32 s7, $0x0  }
0x9: {  	s8 =	sshrl.u32 s8, $0x12;
	s7 =	simm.s32 $0x2;
	s9 =	simm.s32 @!p0 $0x0  }
0xa: {  	[sflag:s7] =	ssyncpa.u1 $0x0;
	p0 =	por $0x0, $0x0;
	s8 =	sadd.s32 s9, s8  }
0xb: {  	vm0 =	vmmov $0xffff;
	[sflag:s10] =	ssyncpa.u1 $0x0;
	s10 =	simm.s32 $0x0;
	s9 =	sadd.s32 $0x1, s8  }
.LBB2_4:
0xc: {  	v2 =	vnsel vm1, $0x0, v2  }
0xd: {  	vm1 =	vgt.s32 v0, $0x0;
	v2 =	vmin.u32 v2, $0x4FFFF  }
0xe: {  	v0 =	vnsel vm1, $0x0, v0  }
0xf: {  	v0 =	vmin.u32 v0, $0x4FFFF  }
0x10: {  	[tilespmem:s15], [sflag:$0x1] =	stream.indirect_vreg.gather [hbm4b:s3+s10], $0x1, v1, vm0, $0x4038;
	[tilespmem:$0x8000] =	vst v63  }
0x11: {  	(ifvalue) =	ssetifvalue $0x7FFFFFFF  }
0x12: {  	[tilespmem:s16], [sflag:$0x1] =	stream.indirect_vreg.gather [hbm4b:s3+s10], $0x1, v2, vm0, $0x4038;
	[tilespmem:$0x8000] =	vst v63  }
0x13: {  	s29 =	sadd.s32 $0x10, s16;
	(ifvalue) =	ssetifvalue $0x7FFFFFFF  }
0x14: {  	[tilespmem:s29], [sflag:$0x1] =	stream.indirect_vreg.gather [hbm4b:s3+s10], $0x1, v0, vm0, $0x4038;
	[tilespmem:$0x8000] =	vst v63  }
0x15: {  	_ =	swait.ge [sflag:s6], $0x2000  }
0x16: {  	s30 =	sshrl.u32 s13, $0x3;
	[sflag:s6] =	ssyncset.done $0x0  }
0x17: {  	s31 =	sand.u32 $0x7, s13;
	s15 =	sadd.s32 s5, s30;
	[sflag:s6] =	ssyncadd.s32 $0xFFFFE000  }
0x18: {  	[hbm4b:s15+s31] =	stream.linear.scatter [tilespmem:s14], [sflag:$0x3], $0x2000, $0x38;
	[tilespmem:$0x8000] =	vst v63  }
.LBB2_5:
0x19: {  	s15 =	sadd.s32 $0x40000, s11  }
0x1a: {  	p2 =	sgt.s32 s15, $0x4FFFF  }
0x1b: {  	s15 =	smov.u32 @p2 s2;
	p2 =	sne.s32 s12, s9  }
.Ltmp1:
0x1c: {  	p1 =	slt.u32 s12, $0x2;
	(pc) =	sbr.rel @!p2 .LBB2_6-.Ltmp1, $4  }
0x1d: {  	s14 =	simm.s32 @!p1 $0x3  }
0x1e: {  	s16 =	sadd.s32 $0x1, s12;
	_ =	swait.ge @!p1 [sflag:s14], $0x2000  }
0x1f: {  	s13 =	smov.u32 s11;
	p0 =	por !p0, !p0;
	[sflag:s14] =	ssyncset.done @!p1 $0x0  }
0x20: {  	s12 =	smov.u32 s16;
	s11 =	smov.u32 s15;
	[sflag:s14] =	ssyncadd.s32 @!p1 $0xFFFFE000  }
.LBB2_1:
0x21: {  	p1 =	sge.u32 s12, s8  }
0x22: {  	s14 =	sxor.u32 @!p1 $0xFFFFFFFF, s12  }
0x23: {  	s31 =	sadd.s32 $0xFFFFFFFF, s12;
	s15 =	sshrl.u32 @!p1 s11, $0x3;
	s14 =	sshll.u32 @!p1 s14, $0xD  }
0x24: {  	s16 =	sand.u32 @!p1 $0x7, s11;
	s15 =	sadd.s32 @!p1 s4, s15;
	s14 =	sand.u32 @!p1 $0x2000, s14  }
0x25: {  	[tilespmem:s14], [sflag:$0x2] =	stream.linear.gather @!p1 [hbm4b:s15+s16], $0x2000, $0x38;
	[tilespmem:$0x8000] =	vst v63  }
0x26: {  	p1 =	sge.u32 s31, s8  }
.Ltmp2:
0x27: {  	_ = 	snop;
	(pc) =	sbr.rel @p1 .LBB2_5-.Ltmp2, $1  }
0x28: {  	_ =	sdelay $0x3  }
0x29: {  	s14 =	simm.s32 $0x1  }
0x2a: {  	_ =	swait.ge [sflag:s7], $0x2000;
	s14 =	simm.s32 @!p0 $0x0  }
0x2b: {  	[sflag:s7] =	ssyncset.done $0x0;
	s14 =	sshll.u32 s14, $0xD  }
0x2c: {  	[sflag:s7] =	ssyncadd.s32 $0xFFFFE000;
	(ifvalue) =	ssetifvalue $0x7FFFFFFF;
	v0 =	vld.msk [tilespmem:s14+$0x0 ss:$0x1], $0xffff;
	_ =	sdelay $0x4  }
0x2d: {  	s15 =	sadd.s32 $0x10, s14;
	vm1 =	vgt.s32 v0, $0x0  }
0x2e: {  	v2 =	vld.msk [tilespmem:s15+$0x0 ss:$0x1], $0xffff;
	v1 =	vnsel vm1, $0x0, v0  }
0x2f: {  	v1 =	vmin.u32 v1, $0x4FFFF;
	_ =	sdelay $0x1  }
0x30: {  	s16 =	sshll.u32 s12, $0xD;
	s18 =	simm.s32 $0x20  }
0x31: {  	s16 =	sand.u32 $0x2000, s16;
	s17 =	sadd.s32 $0x10, s15;
	s15 =	sor.u32 $0x4000, s14  }
0x32: {  	s14 =	sor.u32 $0x4000, s16;
	s16 =	sadd.s32 $0x10, s15;
	v0 =	vld.msk [tilespmem:s17+$0x0 ss:$0x1], $0xffff;
	vm1 =	vgt.s32 v2, $0x0;
	(ifvalue) =	ssetifvalue $0x7FFFFFFF  }
.LBB2_3:
0x33: {  	[tilespmem:s15], [sflag:$0x1] =	stream.indirect_vreg.gather [hbm4b:s3+s10], $0x1, v1, vm0, $0x4038;
	[tilespmem:$0x8000] =	vst v63  }
0x34: {  	s18 =	sadd.s32 $0x10, s18  }
0x35: {  	v2 =	vnsel vm1, $0x0, v2;
	p1 =	slt.u32 s18, $0x1FF0  }
.Ltmp3:
0x36: {  	s15 =	smov.u32 s16;
	v1 =	vmin.u32 v2, $0x4FFFF;
	(pc) =	sbr.rel @p1 .LBB2_3-.Ltmp3, $3  }
0x37: {  	_ =	sdelay $0x1  }
0x38: {  	s17 =	sadd.s32 $0x10, s17  }
0x39: {  	vm1 =	vgt.s32 v0, $0x0;
	s16 =	sadd.s32 $0x10, s16;
	v2 =	vmov v0;
	(ifvalue) =	ssetifvalue $0x7FFFFFFF;
	v0 =	vld.msk [tilespmem:s17+$0x0 ss:$0x1], $0xffff  }
.Ltmp4:
0x3a: {  	_ = 	snop;
	(pc) =	sbr.rel .LBB2_4-.Ltmp4, $1  }
0x3b: {  	_ =	sdelay $0x3  }
.LBB2_6:
0x3c: {  	_ =	sfence.sel $0x180000  }
0x3d: {  	s2 =	simm.s32 $0x2;
	[bflag:$0x0] =	sbarrier.arrive $0xFFFF  }
0x3e: {  	s30 =	simm.s32 $0x3;
	[sflag:s2] =	ssyncpa.u1 $0x1  }
0x3f: {  	s31 =	simm.s32 $0x1;
	[sflag:s30] =	ssyncpa.u1 $0x1  }
0x40: {  	[sflag:s31] =	ssyncpa.u1 $0x1  }
0x41: {  	p0 =	sne.s32 s1, $0x0;
	_ =	strace $0x90000056  }
0x42: {  	s0 =	sadd.s32 @!p0 $0x100000, s0;
	[bflag:$0x2] =	sbarrier.arrive $0xFFFF  }
0x43: {  	[sflag:s0] =	ssyncadd.tile.s32 @!p0 $0x1;
	_ =	shalt  }
.Lfunc_end2:
_tile_overlayer_lowered:
.L_overlay_start_2:
0x44: {  	(tag) =	ssettag $0x2  }
0x45: {  	s0 =	rddreg [dreg:$0x0];
	s2 =	stileid.u32  }
0x46: {  	s1 =	rddreg [dreg:$0x1];
	p0 =	sne.s32 s2, $0x0  }
0x47: {  	s3 =	rddreg [dreg:$0x2];
	[bflag:$0x3] =	sbarrier.arrive $0xFFFF;
	s2 =	simm.s32 @!p0 $0x1C01  }
0x48: {  	[timem:s3], [sflag:s2] =	dma.local @!p0 [hbm:s0], s1  }
0x49: {  	s0 =	simm.s32 @!p0 $0x1  }
0x4a: {  	_ =	swait.ge @!p0 [sflag:s0], s1  }
0x4b: {  	s1 =	ssub.s32 @!p0 $0x0, s1;
	[sflag:s0] =	ssyncset.done @!p0 $0x0  }
0x4c: {  	[sflag:s0] =	ssyncadd.s32 @!p0 s1  }
0x4d: {  	[bflag:$0x3] =	sbarrier.arrive $0xFFFF  }
0x4e: {  	_ =	shalt  }

// kernel: gather_offload_async_start.3
scs
__scs_entry_jumppad:
0x0: {  	(pc) =	sbr.rel $0x88, $3  }
0x1: {  	(tag) =	ssettag $0x0;
	lr =	simm.s32 $0x1  }
0x2: {  	[smem:$0x3F93] =	sst lr;
	_ =	strace $0xD0000000  }
0x3: {  	_ = 	snop  }
0x4: {  	_ = 	snop  }
0x5: {  	_ = 	snop  }
0x6: {  	_ = 	snop  }
0x7: {  	_ = 	snop  }
__scs_overlays_trampoline_lowered:
0x8: {  	[smem:$0x3FA2] =	sst s0  }
0x9: {  	[smem:$0x3FA3] =	sst s1  }
0xa: {  	[smem:$0x3FA4] =	sst s2  }
0xb: {  	[smem:$0x3FA5] =	sst s3  }
0xc: {  	[smem:$0x3FA6] =	sst s4  }
0xd: {  	[smem:$0x3FA7] =	sst s5  }
0xe: {  	[smem:$0x3FA8] =	sst s6  }
0xf: {  	[smem:$0x3FA9] =	sst s7  }
0x10: {  	[smem:$0x3FAA] =	sst s8  }
0x11: {  	[smem:$0x3FAB] =	sst s9;
	s0 =	simm.s32 @!p0 $0x0  }
0x12: {  	s1 =	sld [smem:$0x3F91];
	s0 =	simm.s32 @p0 $0x1  }
0x13: {  	[smem:$0x3FAC] =	sst s0;
	s0 =	simm.s32 @!p1 $0x0  }
0x14: {  	s2 =	sld [smem:$0x3F90];
	s0 =	simm.s32 @p1 $0x1  }
0x15: {  	[smem:$0x3FAD] =	sst s0;
	s0 =	simm.s32 @!p2 $0x0  }
0x16: {  	s3 =	sld [smem:$0x3FDB];
	s0 =	simm.s32 @p2 $0x1  }
0x17: {  	s4 =	simm.s32 $0x1BF5;
	[smem:$0x3FAF] =	sst s0  }
0x18: {  	s0 =	sld [smem:$0x3F92];
	_ =	swait.ge [sflag:s4], $0x0  }
0x19: {  	s7 =	sld [smem:$0x3F93]  }
0x1a: {  	s8 =	sadd.s32 $0xFFFFE003, lr  }
0x1b: {  	s9 =	sadd.s32 $0xFFFFFEF7, lr;
	s5 =	simm.s32 $0xFFFFFFFF;
	p2 =	slt.u32 s8, $0xFFFFF086  }
0x1c: {  	p1 =	slt.u32 s9, $0xF7A;
	s5 =	simm.s32 @!p2 $0x0  }
0x1d: {  	s5 =	simm.s32 @p1 $0x1;
	p0 =	seq.s32 s7, s2  }
0x1e: {  	s7 =	smul.u32 @!p0 $0xF7A, s2;
	p2 =	seq.s32 @!p0 s5, $0x0  }
0x1f: {  	s9 =	smul.u32 $0xF7A, s1;
	s8 =	simm.s32 @!p0 $0x1BF5;
	p2 =	por !p2, p0  }
0x20: {  	[sflag:s8] =	ssyncset.s32 @!p0 $0xFFFFF086;
	s6 =	sadd.s32 @!p0 s3, s7;
	s7 =	simm.s32 @!p0 $0x108  }
0x21: {  	s3 =	sadd.s32 s3, s9;
	s6 =	sadd.s32 @!p0 $0x88, s6;
	s7 =	simm.s32 @p2 $0x1082  }
0x22: {  	[simem:s7], [sflag:s8] =	dma.local @!p0 [hbm:s6], $0xF7A  }
0x23: {  	s9 =	sor.u32 $0xD0000000, s2;
	s6 =	simm.s32 $0x108;
	_ =	swait.ge @!p0 [sflag:s8], $0x0  }
0x24: {  	s3 =	sadd.s32 $0x88, s3;
	s6 =	simm.s32 @!p1 $0x1082;
	[sflag:s4] =	ssyncset.s32 $0xFFFFF086  }
0x25: {  	[simem:s6], [sflag:s4] =	dma.local [hbm:s3], $0xF7A  }
0x26: {  	[smem:$0x3F93] =	sst s1;
	(tag) =	ssettag s2;
	_ =	strace s9  }
0x27: {  	s1 =	sld [smem:$0x3FA3]  }
0x28: {  	s2 =	sld [smem:$0x3FA4]  }
0x29: {  	s4 =	sld [smem:$0x3FA6]  }
0x2a: {  	p0 =	seq.s32 s5, $0x0;
	s5 =	sld [smem:$0x3FA7]  }
0x2b: {  	s6 =	sld [smem:$0x3FA8]  }
0x2c: {  	s7 =	sld [smem:$0x3FA9]  }
0x2d: {  	s3 =	simm.s32 $0x108;
	s8 =	sld [smem:$0x3FAA]  }
0x2e: {  	s3 =	simm.s32 @!p0 $0x1082;
	s9 =	sld [smem:$0x3FAB]  }
0x2f: {  	lr =	sadd.s32 s0, s3;
	s0 =	sld [smem:$0x3FA2]  }
0x30: {  	s3 =	sld [smem:$0x3FA5]  }
0x31: {  	[smem:$0x3FAE] =	sst s10  }
0x32: {  	s10 =	sld [smem:$0x3FAC];
	_ =	sdelay $0x3  }
0x33: {  	p0 =	seq.s32 s10, $0x1;
	s10 =	sld [smem:$0x3FAE];
	_ =	sdelay $0x3  }
0x34: {  	[smem:$0x3FAE] =	sst s10  }
0x35: {  	s10 =	sld [smem:$0x3FAD];
	_ =	sdelay $0x3  }
0x36: {  	p1 =	seq.s32 s10, $0x1;
	s10 =	sld [smem:$0x3FAE];
	_ =	sdelay $0x3  }
0x37: {  	[smem:$0x3FAE] =	sst s10  }
0x38: {  	s10 =	sld [smem:$0x3FAF]  }
0x39: {  	_ = 	snop;
	(pc) =	sbr.ind lr, $3  }
0x3a: {  	_ = 	snop  }
0x3b: {  	_ = 	snop  }
0x3c: {  	p2 =	seq.s32 s10, $0x1;
	s10 =	sld [smem:$0x3FAE]  }
0x3d: {  	_ =	shalt  }
0x3e: {  	_ =	shalt  }
0x3f: {  	_ =	shalt  }
0x40: {  	_ =	shalt  }
0x41: {  	_ =	shalt  }
0x42: {  	_ =	shalt  }
0x43: {  	_ =	shalt  }
0x44: {  	_ =	shalt  }
0x45: {  	_ =	shalt  }
0x46: {  	_ =	shalt  }
0x47: {  	_ =	shalt  }
0x48: {  	_ =	shalt  }
0x49: {  	_ =	shalt  }
0x4a: {  	_ =	shalt  }
0x4b: {  	_ =	shalt  }
0x4c: {  	_ =	shalt  }
0x4d: {  	_ =	shalt  }
0x4e: {  	_ =	shalt  }
0x4f: {  	_ =	shalt  }
0x50: {  	_ =	shalt  }
0x51: {  	_ =	shalt  }
0x52: {  	_ =	shalt  }
0x53: {  	_ =	shalt  }
0x54: {  	_ =	shalt  }
0x55: {  	_ =	shalt  }
0x56: {  	_ =	shalt  }
0x57: {  	_ =	shalt  }
0x58: {  	_ =	shalt  }
0x59: {  	_ =	shalt  }
0x5a: {  	_ =	shalt  }
0x5b: {  	_ =	shalt  }
0x5c: {  	_ =	shalt  }
0x5d: {  	_ =	shalt  }
0x5e: {  	_ =	shalt  }
0x5f: {  	_ =	shalt  }
0x60: {  	_ =	shalt  }
0x61: {  	_ =	shalt  }
0x62: {  	_ =	shalt  }
0x63: {  	_ =	shalt  }
0x64: {  	_ =	shalt  }
0x65: {  	_ =	shalt  }
0x66: {  	_ =	shalt  }
0x67: {  	_ =	shalt  }
0x68: {  	_ =	shalt  }
0x69: {  	_ =	shalt  }
0x6a: {  	_ =	shalt  }
0x6b: {  	_ =	shalt  }
0x6c: {  	_ =	shalt  }
0x6d: {  	_ =	shalt  }
0x6e: {  	_ =	shalt  }
0x6f: {  	_ =	shalt  }
0x70: {  	_ =	shalt  }
0x71: {  	_ =	shalt  }
0x72: {  	_ =	shalt  }
0x73: {  	_ =	shalt  }
0x74: {  	_ =	shalt  }
0x75: {  	_ =	shalt  }
0x76: {  	_ =	shalt  }
0x77: {  	_ =	shalt  }
0x78: {  	_ =	shalt  }
0x79: {  	_ =	shalt  }
0x7a: {  	_ =	shalt  }
0x7b: {  	_ =	shalt  }
0x7c: {  	_ =	shalt  }
0x7d: {  	_ =	shalt  }
0x7e: {  	_ =	shalt  }
0x7f: {  	_ =	shalt  }
0x80: {  	_ =	shalt  }
0x81: {  	_ =	shalt  }
0x82: {  	_ =	shalt  }
0x83: {  	_ =	shalt  }
0x84: {  	_ =	shalt  }
0x85: {  	_ =	shalt  }
0x86: {  	_ =	shalt  }
0x87: {  	_ =	shalt  }
.Lfunc_end0:
.L_simem_size_0:
called_computation.3_lowered:
.L_overlay_start_0:
0x88: {  	s2 =	sld [smem:$0x3FD9]  }
0x89: {  	s3 =	sld [smem:$0x3FFE];
	_ =	sdelay $0x1  }
0x8a: {  	s1 =	srdreg.scid  }
0x8b: {  	s0 =	sand.u32 $0x1, s1  }
0x8c: {  	s17 =	sshll.u32 s0, $0xA;
	s2 =	sadd.s32 s3, s2  }
0x8d: {  	s2 =	sadd.s32 s2, s17  }
0x8e: {  	[smem:$0x3FBA] =	sst s2  }
0x8f: {  	_ = 	snop  }
0x90: {  	(tm) =	ssettm $0x1  }
0x91: {  	s18 =	sld [smem:$0x3FFB];
	_ =	sdelay $0x3  }
0x92: {  	_ =	strace s18  }
0x93: {  	s2 =	sld [smem:$0x3FFC];
	_ =	sdelay $0x3  }
0x94: {  	_ =	strace s2  }
0x95: {  	s2 =	sld [smem:$0x3FFD];
	_ =	sdelay $0x3  }
0x96: {  	_ =	strace s2  }
0x97: {  	_ =	strace $0x8FFFFFFF  }
0x98: {  	s19 =	sld [smem:$0x3FDB];
	_ =	sdelay $0x1  }
0x99: {  	s20 =	simm.s32 $_scs_section_size  }
0x9a: {  	s4 =	simm.s32 $_size__tile_overlayer_lowered;
	s5 =	simm.s32 $_tile_overlayer_lowered  }
0x9b: {  	s6 =	simm.s32 $0x1BFF;
	s21 =	sshll.u32 s5, $0x1;
	s3 =	sadd.s32 s20, s19  }
0x9c: {  	s22 =	simm.s32 $0x0;
	s4 =	sshll.u32 s4, $0x1;
	s5 =	sadd.s32 s21, s3  }
0x9d: {  	[timem:s22], [sflag:s6] =	dma.local [hbm:s5], s4  }
0x9e: {  	_ =	swait.ge [sflag:s6], s4  }
0x9f: {  	s4 =	ssub.s32 $0x0, s4;
	[sflag:s6] =	ssyncset.done $0x0  }
0xa0: {  	[sflag:s6] =	ssyncadd.s32 s4;
	_ =	sdelay $0x1  }
0xa1: {  	s23 =	simm.s32 $0x1B8B  }
0xa2: {  	_ =	swait.ge [sflag:s23], $0x1  }
0xa3: {  	[sflag:s23] =	ssyncset.done $0x0  }
0xa4: {  	[sflag:s23] =	ssyncadd.s32 $0xFFFFFFFF  }
0xa5: {  	s4 =	sld [smem:$0x0]  }
0xa6: {  	s5 =	sand.u32 $0xFFFFFFFE, s1  }
0xa7: {  	p0 =	sne.s32 s1, s5  }
0xa8: {  	s5 =	sshll.u32 @p0 s5, $0xE  }
0xa9: {  	s5 =	sadd.s32 @p0 $0x11B8D, s5;
	s6 =	sshll.u32 @p0 s4, $0x11  }
0xaa: {  	s5 =	sor.u32 @p0 s6, s5  }
0xab: {  	[sflag:s5] =	ssyncadd.remote.s32 @p0 $0x1;
	_ =	sdelay $0x1  }
0xac: {  	s5 =	simm.s32 @p0 $0x1B8D  }
0xad: {  	_ =	swait.eq @p0 [sflag:s5], $0x1  }
0xae: {  	[sflag:s5] =	ssyncadd.s32 @p0 $0xFFFFFFFF  }
0xaf: {  	s6 =	sshll.u32 @!p0 s1, $0xE  }
0xb0: {  	s6 =	sor.u32 @!p0 $0x4000, s6;
	s5 =	simm.s32 @!p0 $0x1B8D  }
0xb1: {  	s4 =	sshll.u32 @!p0 s4, $0x11;
	s6 =	sadd.s32 @!p0 $0x11B8D, s6;
	_ =	swait.eq @!p0 [sflag:s5], $0x1  }
0xb2: {  	s4 =	sor.u32 @!p0 s4, s6;
	[sflag:s5] =	ssyncadd.s32 @!p0 $0xFFFFFFFF  }
0xb3: {  	s25 =	simm.s32 $0x1B8E;
	s24 =	sld [smem:$0x3FFE];
	[sflag:s4] =	ssyncadd.remote.s32 @!p0 $0x1  }
0xb4: {  	s26 =	simm.s32 $execute0_lowered;
	[smem:$0x3FD2] =	sst s25  }
0xb5: {  	s5 =	sshll.u32 s26, $0x1;
	_ =	strace $0x80000052;
	[dreg:$0x1] =	wrdreg $0xFFFFFFFF  }
0xb6: {  	s28 =	simm.s32 $_size_execute0_lowered;
	s3 =	sadd.s32 s3, s5;
	[dreg:$0x0] =	wrdreg $0x0  }
0xb7: {  	s5 =	sshll.u32 s28, $0x1;
	[dreg:$0x2] =	wrdreg s3  }
0xb8: {  	[dreg:$0x3] =	wrdreg s5  }
0xb9: {  	[dreg:$0x4] =	wrdreg $0xC0  }
0xba: {  	_ =	task [dreg:s22], $0x5FFFF  }
0xbb: {  	[dreg:$0x1] =	wrdreg $0xFFFFFFFF  }
0xbc: {  	[dreg:$0x0] =	wrdreg $0x60  }
0xbd: {  	[dreg:$0x2] =	wrdreg s24  }
0xbe: {  	[dreg:$0x3] =	wrdreg $0xC  }
0xbf: {  	_ =	task.clear_ibuf [dreg:s22], $0x4FFFF;
	_ =	strace $0x90000052  }
0xc0: {  	s29 =	simm.s32 $0xC;
	_ =	strace $0x80000054  }
0xc1: {  	_ =	swait.ge [sflag:s29], $0x1  }
0xc2: {  	[sflag:s29] =	ssyncadd.s32 $0xFFFFFFFF  }
0xc3: {  	_ =	strace $0x90000054  }
0xc4: {  	_ =	sfence  }
0xc5: {  	s30 =	sld [smem:$0x0];
	_ =	sdelay $0x2  }
0xc6: {  	s31 =	sshll.u32 s1, $0xD;
	s1 =	sshrl.u32 s1, $0x2  }
0xc7: {  	s4 =	sand.u32 $0x4000, s31;
	s1 =	sadd.s32 s1, s30  }
0xc8: {  	s0 =	sor.u32 s4, s0;
	s1 =	sshll.u32 s1, $0x11  }
0xc9: {  	s0 =	sor.u32 s1, s0  }
0xca: {  	s0 =	sadd.s32 $0x8F2B, s0  }
0xcb: {  	[sflag:s0] =	ssyncadd.remote.s32 $0x1  }
0xcc: {  	_ =	sfence.sel $0xFFFF  }
0xcd: {  	[dreg:$0x0] =	wrdreg $0xFFFFFFFF;
	(pc) =	sbr.abs _section_cstart, $3  }
0xce: {  	[dreg:$0x1] =	wrdreg $0xFFFFFFFF  }
0xcf: {  	_ =	task.clear_ibuf [dreg:s22], $0x2FFFF;
	_ =	strace $0x9FFFFFFF  }
0xd0: {  	(tm) =	ssettm $0x7FFFFFFF  }
0xd1: {  	_ =	shalt  }
tec
execute0_lowered:
.L_overlay_start_1:
0x0: {  	(tag) =	ssettag $0x1  }
0x1: {  	s0 =	srdreg.scid;
	s5 =	rddreg [dreg:$0x0]  }
0x2: {  	s1 =	stileid.u32;
	s6 =	simm.s32 $0x1;
	s9 =	simm.s32 $0x1  }
0x3: {  	s10 =	simm.s32 $0x3;
	s13 =	simm.s32 $0x0;
	s2 =	sshll.u32 s0, $0xD  }
0x4: {  	s12 =	simm.s32 $0x0;
	s3 =	sshll.u32 s1, $0xE;
	s2 =	sand.u32 $0x2000, s2  }
0x5: {  	s0 =	rddreg [dreg:$0x1];
	_ =	strace $0x80000053;
	s2 =	sor.u32 s3, s2  }
0x6: {  	s4 =	sadd.s32 $0xF400, s5;
	[sflag:s6] =	ssyncpa.u1 $0x0;
	s8 =	ssub.s32 $0x50000, s2  }
.Ltmp0:
0x7: {  	s3 =	sadd.s32 $0x4B400, s5;
	s7 =	sand.u32 $0x3E000, s8;
	(pc) =	sbr.rel .LBB2_1-.Ltmp0, $4  }
0x8: {  	s5 =	sadd.s32 $0x55400, s5;
	s11 =	smov.u32 s2;
	p0 =	sne.s32 s7, $0x0  }
0x9: {  	s8 =	sshrl.u32 s8, $0x12;
	s7 =	simm.s32 $0x2;
	s9 =	simm.s32 @!p0 $0x0  }
0xa: {  	[sflag:s7] =	ssyncpa.u1 $0x0;
	p0 =	por $0x0, $0x0;
	s8 =	sadd.s32 s9, s8  }
0xb: {  	vm0 =	vmmov $0xffff;
	[sflag:s10] =	ssyncpa.u1 $0x0;
	s10 =	simm.s32 $0x0;
	s9 =	sadd.s32 $0x1, s8  }
.LBB2_4:
0xc: {  	v2 =	vnsel vm1, $0x0, v2  }
0xd: {  	vm1 =	vgt.s32 v0, $0x0;
	v2 =	vmin.u32 v2, $0x4FFFF  }
0xe: {  	v0 =	vnsel vm1, $0x0, v0  }
0xf: {  	v0 =	vmin.u32 v0, $0x4FFFF  }
0x10: {  	[tilespmem:s15], [sflag:$0x1] =	stream.indirect_vreg.gather [hbm4b:s3+s10], $0x1, v1, vm0, $0x4038;
	[tilespmem:$0x8000] =	vst v63  }
0x11: {  	(ifvalue) =	ssetifvalue $0x7FFFFFFF  }
0x12: {  	[tilespmem:s16], [sflag:$0x1] =	stream.indirect_vreg.gather [hbm4b:s3+s10], $0x1, v2, vm0, $0x4038;
	[tilespmem:$0x8000] =	vst v63  }
0x13: {  	s29 =	sadd.s32 $0x10, s16;
	(ifvalue) =	ssetifvalue $0x7FFFFFFF  }
0x14: {  	[tilespmem:s29], [sflag:$0x1] =	stream.indirect_vreg.gather [hbm4b:s3+s10], $0x1, v0, vm0, $0x4038;
	[tilespmem:$0x8000] =	vst v63  }
0x15: {  	_ =	swait.ge [sflag:s6], $0x2000  }
0x16: {  	s30 =	sshrl.u32 s13, $0x3;
	[sflag:s6] =	ssyncset.done $0x0  }
0x17: {  	s31 =	sand.u32 $0x7, s13;
	s15 =	sadd.s32 s5, s30;
	[sflag:s6] =	ssyncadd.s32 $0xFFFFE000  }
0x18: {  	[hbm4b:s15+s31] =	stream.linear.scatter [tilespmem:s14], [sflag:$0x3], $0x2000, $0x38;
	[tilespmem:$0x8000] =	vst v63  }
.LBB2_5:
0x19: {  	s15 =	sadd.s32 $0x40000, s11  }
0x1a: {  	p2 =	sgt.s32 s15, $0x4FFFF  }
0x1b: {  	s15 =	smov.u32 @p2 s2;
	p2 =	sne.s32 s12, s9  }
.Ltmp1:
0x1c: {  	p1 =	slt.u32 s12, $0x2;
	(pc) =	sbr.rel @!p2 .LBB2_6-.Ltmp1, $4  }
0x1d: {  	s14 =	simm.s32 @!p1 $0x3  }
0x1e: {  	s16 =	sadd.s32 $0x1, s12;
	_ =	swait.ge @!p1 [sflag:s14], $0x2000  }
0x1f: {  	s13 =	smov.u32 s11;
	p0 =	por !p0, !p0;
	[sflag:s14] =	ssyncset.done @!p1 $0x0  }
0x20: {  	s12 =	smov.u32 s16;
	s11 =	smov.u32 s15;
	[sflag:s14] =	ssyncadd.s32 @!p1 $0xFFFFE000  }
.LBB2_1:
0x21: {  	p1 =	sge.u32 s12, s8  }
0x22: {  	s14 =	sxor.u32 @!p1 $0xFFFFFFFF, s12  }
0x23: {  	s31 =	sadd.s32 $0xFFFFFFFF, s12;
	s15 =	sshrl.u32 @!p1 s11, $0x3;
	s14 =	sshll.u32 @!p1 s14, $0xD  }
0x24: {  	s16 =	sand.u32 @!p1 $0x7, s11;
	s15 =	sadd.s32 @!p1 s4, s15;
	s14 =	sand.u32 @!p1 $0x2000, s14  }
0x25: {  	[tilespmem:s14], [sflag:$0x2] =	stream.linear.gather @!p1 [hbm4b:s15+s16], $0x2000, $0x38;
	[tilespmem:$0x8000] =	vst v63  }
0x26: {  	p1 =	sge.u32 s31, s8  }
.Ltmp2:
0x27: {  	_ = 	snop;
	(pc) =	sbr.rel @p1 .LBB2_5-.Ltmp2, $1  }
0x28: {  	_ =	sdelay $0x3  }
0x29: {  	s14 =	simm.s32 $0x1  }
0x2a: {  	_ =	swait.ge [sflag:s7], $0x2000;
	s14 =	simm.s32 @!p0 $0x0  }
0x2b: {  	[sflag:s7] =	ssyncset.done $0x0;
	s14 =	sshll.u32 s14, $0xD  }
0x2c: {  	[sflag:s7] =	ssyncadd.s32 $0xFFFFE000;
	(ifvalue) =	ssetifvalue $0x7FFFFFFF;
	v0 =	vld.msk [tilespmem:s14+$0x0 ss:$0x1], $0xffff;
	_ =	sdelay $0x4  }
0x2d: {  	s15 =	sadd.s32 $0x10, s14;
	vm1 =	vgt.s32 v0, $0x0  }
0x2e: {  	v2 =	vld.msk [tilespmem:s15+$0x0 ss:$0x1], $0xffff;
	v1 =	vnsel vm1, $0x0, v0  }
0x2f: {  	v1 =	vmin.u32 v1, $0x4FFFF;
	_ =	sdelay $0x1  }
0x30: {  	s16 =	sshll.u32 s12, $0xD;
	s18 =	simm.s32 $0x20  }
0x31: {  	s16 =	sand.u32 $0x2000, s16;
	s17 =	sadd.s32 $0x10, s15;
	s15 =	sor.u32 $0x4000, s14  }
0x32: {  	s14 =	sor.u32 $0x4000, s16;
	s16 =	sadd.s32 $0x10, s15;
	v0 =	vld.msk [tilespmem:s17+$0x0 ss:$0x1], $0xffff;
	vm1 =	vgt.s32 v2, $0x0;
	(ifvalue) =	ssetifvalue $0x7FFFFFFF  }
.LBB2_3:
0x33: {  	[tilespmem:s15], [sflag:$0x1] =	stream.indirect_vreg.gather [hbm4b:s3+s10], $0x1, v1, vm0, $0x4038;
	[tilespmem:$0x8000] =	vst v63  }
0x34: {  	s18 =	sadd.s32 $0x10, s18  }
0x35: {  	v2 =	vnsel vm1, $0x0, v2;
	p1 =	slt.u32 s18, $0x1FF0  }
.Ltmp3:
0x36: {  	s15 =	smov.u32 s16;
	v1 =	vmin.u32 v2, $0x4FFFF;
	(pc) =	sbr.rel @p1 .LBB2_3-.Ltmp3, $3  }
0x37: {  	_ =	sdelay $0x1  }
0x38: {  	s17 =	sadd.s32 $0x10, s17  }
0x39: {  	vm1 =	vgt.s32 v0, $0x0;
	s16 =	sadd.s32 $0x10, s16;
	v2 =	vmov v0;
	(ifvalue) =	ssetifvalue $0x7FFFFFFF;
	v0 =	vld.msk [tilespmem:s17+$0x0 ss:$0x1], $0xffff  }
.Ltmp4:
0x3a: {  	_ = 	snop;
	(pc) =	sbr.rel .LBB2_4-.Ltmp4, $1  }
0x3b: {  	_ =	sdelay $0x3  }
.LBB2_6:
0x3c: {  	_ =	sfence.sel $0x180000  }
0x3d: {  	s2 =	simm.s32 $0x2;
	[bflag:$0x0] =	sbarrier.arrive $0xFFFF  }
0x3e: {  	s30 =	simm.s32 $0x3;
	[sflag:s2] =	ssyncpa.u1 $0x1  }
0x3f: {  	s31 =	simm.s32 $0x1;
	[sflag:s30] =	ssyncpa.u1 $0x1  }
0x40: {  	[sflag:s31] =	ssyncpa.u1 $0x1  }
0x41: {  	p0 =	sne.s32 s1, $0x0;
	_ =	strace $0x90000053  }
0x42: {  	s0 =	sadd.s32 @!p0 $0x100000, s0;
	[bflag:$0x2] =	sbarrier.arrive $0xFFFF  }
0x43: {  	[sflag:s0] =	ssyncadd.tile.s32 @!p0 $0x1;
	_ =	shalt  }
.Lfunc_end2:
_tile_overlayer_lowered:
.L_overlay_start_2:
0x44: {  	(tag) =	ssettag $0x2  }
0x45: {  	s0 =	rddreg [dreg:$0x0];
	s2 =	stileid.u32  }
0x46: {  	s1 =	rddreg [dreg:$0x1];
	p0 =	sne.s32 s2, $0x0  }
0x47: {  	s3 =	rddreg [dreg:$0x2];
	[bflag:$0x3] =	sbarrier.arrive $0xFFFF;
	s2 =	simm.s32 @!p0 $0x1C01  }
0x48: {  	[timem:s3], [sflag:s2] =	dma.local @!p0 [hbm:s0], s1  }
0x49: {  	s0 =	simm.s32 @!p0 $0x1  }
0x4a: {  	_ =	swait.ge @!p0 [sflag:s0], s1  }
0x4b: {  	s1 =	ssub.s32 @!p0 $0x0, s1;
	[sflag:s0] =	ssyncset.done @!p0 $0x0  }
0x4c: {  	[sflag:s0] =	ssyncadd.s32 @!p0 s1  }
0x4d: {  	[bflag:$0x3] =	sbarrier.arrive $0xFFFF  }
0x4e: {  	_ =	shalt  }

// kernel: gather_offload_async_start.4
scs
__scs_entry_jumppad:
0x0: {  	(pc) =	sbr.rel $0x88, $3  }
0x1: {  	(tag) =	ssettag $0x0;
	lr =	simm.s32 $0x1  }
0x2: {  	[smem:$0x3F93] =	sst lr;
	_ =	strace $0xD0000000  }
0x3: {  	_ = 	snop  }
0x4: {  	_ = 	snop  }
0x5: {  	_ = 	snop  }
0x6: {  	_ = 	snop  }
0x7: {  	_ = 	snop  }
__scs_overlays_trampoline_lowered:
0x8: {  	[smem:$0x3FA2] =	sst s0  }
0x9: {  	[smem:$0x3FA3] =	sst s1  }
0xa: {  	[smem:$0x3FA4] =	sst s2  }
0xb: {  	[smem:$0x3FA5] =	sst s3  }
0xc: {  	[smem:$0x3FA6] =	sst s4  }
0xd: {  	[smem:$0x3FA7] =	sst s5  }
0xe: {  	[smem:$0x3FA8] =	sst s6  }
0xf: {  	[smem:$0x3FA9] =	sst s7  }
0x10: {  	[smem:$0x3FAA] =	sst s8  }
0x11: {  	[smem:$0x3FAB] =	sst s9;
	s0 =	simm.s32 @!p0 $0x0  }
0x12: {  	s1 =	sld [smem:$0x3F91];
	s0 =	simm.s32 @p0 $0x1  }
0x13: {  	[smem:$0x3FAC] =	sst s0;
	s0 =	simm.s32 @!p1 $0x0  }
0x14: {  	s2 =	sld [smem:$0x3F90];
	s0 =	simm.s32 @p1 $0x1  }
0x15: {  	[smem:$0x3FAD] =	sst s0;
	s0 =	simm.s32 @!p2 $0x0  }
0x16: {  	s3 =	sld [smem:$0x3FDB];
	s0 =	simm.s32 @p2 $0x1  }
0x17: {  	s4 =	simm.s32 $0x1BF5;
	[smem:$0x3FAF] =	sst s0  }
0x18: {  	s0 =	sld [smem:$0x3F92];
	_ =	swait.ge [sflag:s4], $0x0  }
0x19: {  	s7 =	sld [smem:$0x3F93]  }
0x1a: {  	s8 =	sadd.s32 $0xFFFFE003, lr  }
0x1b: {  	s9 =	sadd.s32 $0xFFFFFEF7, lr;
	s5 =	simm.s32 $0xFFFFFFFF;
	p2 =	slt.u32 s8, $0xFFFFF086  }
0x1c: {  	p1 =	slt.u32 s9, $0xF7A;
	s5 =	simm.s32 @!p2 $0x0  }
0x1d: {  	s5 =	simm.s32 @p1 $0x1;
	p0 =	seq.s32 s7, s2  }
0x1e: {  	s7 =	smul.u32 @!p0 $0xF7A, s2;
	p2 =	seq.s32 @!p0 s5, $0x0  }
0x1f: {  	s9 =	smul.u32 $0xF7A, s1;
	s8 =	simm.s32 @!p0 $0x1BF5;
	p2 =	por !p2, p0  }
0x20: {  	[sflag:s8] =	ssyncset.s32 @!p0 $0xFFFFF086;
	s6 =	sadd.s32 @!p0 s3, s7;
	s7 =	simm.s32 @!p0 $0x108  }
0x21: {  	s3 =	sadd.s32 s3, s9;
	s6 =	sadd.s32 @!p0 $0x88, s6;
	s7 =	simm.s32 @p2 $0x1082  }
0x22: {  	[simem:s7], [sflag:s8] =	dma.local @!p0 [hbm:s6], $0xF7A  }
0x23: {  	s9 =	sor.u32 $0xD0000000, s2;
	s6 =	simm.s32 $0x108;
	_ =	swait.ge @!p0 [sflag:s8], $0x0  }
0x24: {  	s3 =	sadd.s32 $0x88, s3;
	s6 =	simm.s32 @!p1 $0x1082;
	[sflag:s4] =	ssyncset.s32 $0xFFFFF086  }
0x25: {  	[simem:s6], [sflag:s4] =	dma.local [hbm:s3], $0xF7A  }
0x26: {  	[smem:$0x3F93] =	sst s1;
	(tag) =	ssettag s2;
	_ =	strace s9  }
0x27: {  	s1 =	sld [smem:$0x3FA3]  }
0x28: {  	s2 =	sld [smem:$0x3FA4]  }
0x29: {  	s4 =	sld [smem:$0x3FA6]  }
0x2a: {  	p0 =	seq.s32 s5, $0x0;
	s5 =	sld [smem:$0x3FA7]  }
0x2b: {  	s6 =	sld [smem:$0x3FA8]  }
0x2c: {  	s7 =	sld [smem:$0x3FA9]  }
0x2d: {  	s3 =	simm.s32 $0x108;
	s8 =	sld [smem:$0x3FAA]  }
0x2e: {  	s3 =	simm.s32 @!p0 $0x1082;
	s9 =	sld [smem:$0x3FAB]  }
0x2f: {  	lr =	sadd.s32 s0, s3;
	s0 =	sld [smem:$0x3FA2]  }
0x30: {  	s3 =	sld [smem:$0x3FA5]  }
0x31: {  	[smem:$0x3FAE] =	sst s10  }
0x32: {  	s10 =	sld [smem:$0x3FAC];
	_ =	sdelay $0x3  }
0x33: {  	p0 =	seq.s32 s10, $0x1;
	s10 =	sld [smem:$0x3FAE];
	_ =	sdelay $0x3  }
0x34: {  	[smem:$0x3FAE] =	sst s10  }
0x35: {  	s10 =	sld [smem:$0x3FAD];
	_ =	sdelay $0x3  }
0x36: {  	p1 =	seq.s32 s10, $0x1;
	s10 =	sld [smem:$0x3FAE];
	_ =	sdelay $0x3  }
0x37: {  	[smem:$0x3FAE] =	sst s10  }
0x38: {  	s10 =	sld [smem:$0x3FAF]  }
0x39: {  	_ = 	snop;
	(pc) =	sbr.ind lr, $3  }
0x3a: {  	_ = 	snop  }
0x3b: {  	_ = 	snop  }
0x3c: {  	p2 =	seq.s32 s10, $0x1;
	s10 =	sld [smem:$0x3FAE]  }
0x3d: {  	_ =	shalt  }
0x3e: {  	_ =	shalt  }
0x3f: {  	_ =	shalt  }
0x40: {  	_ =	shalt  }
0x41: {  	_ =	shalt  }
0x42: {  	_ =	shalt  }
0x43: {  	_ =	shalt  }
0x44: {  	_ =	shalt  }
0x45: {  	_ =	shalt  }
0x46: {  	_ =	shalt  }
0x47: {  	_ =	shalt  }
0x48: {  	_ =	shalt  }
0x49: {  	_ =	shalt  }
0x4a: {  	_ =	shalt  }
0x4b: {  	_ =	shalt  }
0x4c: {  	_ =	shalt  }
0x4d: {  	_ =	shalt  }
0x4e: {  	_ =	shalt  }
0x4f: {  	_ =	shalt  }
0x50: {  	_ =	shalt  }
0x51: {  	_ =	shalt  }
0x52: {  	_ =	shalt  }
0x53: {  	_ =	shalt  }
0x54: {  	_ =	shalt  }
0x55: {  	_ =	shalt  }
0x56: {  	_ =	shalt  }
0x57: {  	_ =	shalt  }
0x58: {  	_ =	shalt  }
0x59: {  	_ =	shalt  }
0x5a: {  	_ =	shalt  }
0x5b: {  	_ =	shalt  }
0x5c: {  	_ =	shalt  }
0x5d: {  	_ =	shalt  }
0x5e: {  	_ =	shalt  }
0x5f: {  	_ =	shalt  }
0x60: {  	_ =	shalt  }
0x61: {  	_ =	shalt  }
0x62: {  	_ =	shalt  }
0x63: {  	_ =	shalt  }
0x64: {  	_ =	shalt  }
0x65: {  	_ =	shalt  }
0x66: {  	_ =	shalt  }
0x67: {  	_ =	shalt  }
0x68: {  	_ =	shalt  }
0x69: {  	_ =	shalt  }
0x6a: {  	_ =	shalt  }
0x6b: {  	_ =	shalt  }
0x6c: {  	_ =	shalt  }
0x6d: {  	_ =	shalt  }
0x6e: {  	_ =	shalt  }
0x6f: {  	_ =	shalt  }
0x70: {  	_ =	shalt  }
0x71: {  	_ =	shalt  }
0x72: {  	_ =	shalt  }
0x73: {  	_ =	shalt  }
0x74: {  	_ =	shalt  }
0x75: {  	_ =	shalt  }
0x76: {  	_ =	shalt  }
0x77: {  	_ =	shalt  }
0x78: {  	_ =	shalt  }
0x79: {  	_ =	shalt  }
0x7a: {  	_ =	shalt  }
0x7b: {  	_ =	shalt  }
0x7c: {  	_ =	shalt  }
0x7d: {  	_ =	shalt  }
0x7e: {  	_ =	shalt  }
0x7f: {  	_ =	shalt  }
0x80: {  	_ =	shalt  }
0x81: {  	_ =	shalt  }
0x82: {  	_ =	shalt  }
0x83: {  	_ =	shalt  }
0x84: {  	_ =	shalt  }
0x85: {  	_ =	shalt  }
0x86: {  	_ =	shalt  }
0x87: {  	_ =	shalt  }
.Lfunc_end0:
.L_simem_size_0:
called_computation.4_lowered:
.L_overlay_start_0:
0x88: {  	s2 =	sld [smem:$0x3FD9]  }
0x89: {  	s3 =	sld [smem:$0x3FFE];
	_ =	sdelay $0x1  }
0x8a: {  	s1 =	srdreg.scid  }
0x8b: {  	s0 =	sand.u32 $0x1, s1  }
0x8c: {  	s17 =	sshll.u32 s0, $0xA;
	s2 =	sadd.s32 s3, s2  }
0x8d: {  	s2 =	sadd.s32 s2, s17  }
0x8e: {  	[smem:$0x3FBA] =	sst s2  }
0x8f: {  	_ = 	snop  }
0x90: {  	s2 =	sld [smem:$0x3FD0];
	_ =	sdelay $0x2  }
0x91: {  	s18 =	simm.s32 $0x10  }
0x92: {  	[smem:s18], [sflag:s18] =	dma.local [hbm:s2], $0x1  }
0x93: {  	_ =	swait.eq [sflag:s18], $0x1  }
0x94: {  	[sflag:s18] =	ssyncset.done $0x0  }
0x95: {  	[sflag:s18] =	ssyncadd.s32 $0xFFFFFFFF  }
0x96: {  	s3 =	sld [smem:$0x12];
	(tm) =	ssettm $0x1  }
0x97: {  	s19 =	sld [smem:$0x3FFB];
	_ =	sdelay $0x3  }
0x98: {  	_ =	strace s19  }
0x99: {  	s2 =	sld [smem:$0x3FFC];
	_ =	sdelay $0x3  }
0x9a: {  	_ =	strace s2  }
0x9b: {  	s2 =	sld [smem:$0x3FFD];
	_ =	sdelay $0x3  }
0x9c: {  	_ =	strace s2  }
0x9d: {  	_ =	strace $0x8FFFFFFF  }
0x9e: {  	s20 =	sld [smem:$0x3FDB];
	_ =	sdelay $0x1  }
0x9f: {  	s4 =	simm.s32 $_scs_section_size  }
0xa0: {  	s5 =	simm.s32 $_size__tile_overlayer_lowered;
	s6 =	simm.s32 $_tile_overlayer_lowered  }
0xa1: {  	s7 =	simm.s32 $0x1BFF;
	s21 =	sshll.u32 s6, $0x1;
	s4 =	sadd.s32 s4, s20  }
0xa2: {  	s22 =	simm.s32 $0x0;
	s5 =	sshll.u32 s5, $0x1;
	s6 =	sadd.s32 s21, s4  }
0xa3: {  	[timem:s22], [sflag:s7] =	dma.local [hbm:s6], s5  }
0xa4: {  	_ =	swait.ge [sflag:s7], s5  }
0xa5: {  	s5 =	ssub.s32 $0x0, s5;
	[sflag:s7] =	ssyncset.done $0x0  }
0xa6: {  	[sflag:s7] =	ssyncadd.s32 s5;
	_ =	sdelay $0x1  }
0xa7: {  	s23 =	simm.s32 $0x1B8B  }
0xa8: {  	_ =	swait.ge [sflag:s23], $0x1  }
0xa9: {  	[sflag:s23] =	ssyncset.done $0x0  }
0xaa: {  	[sflag:s23] =	ssyncadd.s32 $0xFFFFFFFF  }
0xab: {  	s5 =	sld [smem:$0x0]  }
0xac: {  	s6 =	sand.u32 $0xFFFFFFFE, s1  }
0xad: {  	p0 =	sne.s32 s1, s6  }
0xae: {  	s6 =	sshll.u32 @p0 s6, $0xE  }
0xaf: {  	s6 =	sadd.s32 @p0 $0x11B8D, s6;
	s7 =	sshll.u32 @p0 s5, $0x11  }
0xb0: {  	s6 =	sor.u32 @p0 s7, s6  }
0xb1: {  	[sflag:s6] =	ssyncadd.remote.s32 @p0 $0x1;
	_ =	sdelay $0x1  }
0xb2: {  	s6 =	simm.s32 @p0 $0x1B8D  }
0xb3: {  	_ =	swait.eq @p0 [sflag:s6], $0x1  }
0xb4: {  	[sflag:s6] =	ssyncadd.s32 @p0 $0xFFFFFFFF  }
0xb5: {  	s7 =	sshll.u32 @!p0 s1, $0xE  }
0xb6: {  	s7 =	sor.u32 @!p0 $0x4000, s7;
	s6 =	simm.s32 @!p0 $0x1B8D  }
0xb7: {  	s5 =	sshll.u32 @!p0 s5, $0x11;
	s7 =	sadd.s32 @!p0 $0x11B8D, s7;
	_ =	swait.eq @!p0 [sflag:s6], $0x1  }
0xb8: {  	s5 =	sor.u32 @!p0 s5, s7;
	[sflag:s6] =	ssyncadd.s32 @!p0 $0xFFFFFFFF  }
0xb9: {  	s25 =	simm.s32 $0x1B8E;
	s24 =	sld [smem:$0x3FFE];
	[sflag:s5] =	ssyncadd.remote.s32 @!p0 $0x1  }
0xba: {  	s26 =	simm.s32 $execute0_lowered;
	[smem:$0x3FD2] =	sst s25  }
0xbb: {  	s6 =	sshll.u32 s26, $0x1;
	_ =	strace $0x80000049;
	[dreg:$0x1] =	wrdreg $0xFFFFFFFF  }
0xbc: {  	s28 =	simm.s32 $_size_execute0_lowered;
	s4 =	sadd.s32 s4, s6;
	[dreg:$0x0] =	wrdreg $0x0  }
0xbd: {  	s6 =	sshll.u32 s28, $0x1;
	[dreg:$0x2] =	wrdreg s4  }
0xbe: {  	[dreg:$0x3] =	wrdreg s6  }
0xbf: {  	[dreg:$0x4] =	wrdreg $0xC0  }
0xc0: {  	_ =	task [dreg:s22], $0x5FFFF  }
0xc1: {  	[dreg:$0x1] =	wrdreg $0xFFFFFFFF  }
0xc2: {  	[dreg:$0x0] =	wrdreg $0x60  }
0xc3: {  	[dreg:$0x2] =	wrdreg s3  }
0xc4: {  	[dreg:$0x3] =	wrdreg s24  }
0xc5: {  	[dreg:$0x4] =	wrdreg $0xD  }
0xc6: {  	_ =	task.clear_ibuf [dreg:s22], $0x5FFFF;
	_ =	strace $0x90000049  }
0xc7: {  	s29 =	simm.s32 $0xD;
	_ =	strace $0x8000004B  }
0xc8: {  	_ =	swait.ge [sflag:s29], $0x1  }
0xc9: {  	[sflag:s29] =	ssyncadd.s32 $0xFFFFFFFF  }
0xca: {  	_ =	strace $0x9000004B  }
0xcb: {  	_ =	sfence  }
0xcc: {  	s30 =	sld [smem:$0x0];
	_ =	sdelay $0x2  }
0xcd: {  	s31 =	sshll.u32 s1, $0xD;
	s1 =	sshrl.u32 s1, $0x2  }
0xce: {  	s4 =	sand.u32 $0x4000, s31;
	s1 =	sadd.s32 s1, s30  }
0xcf: {  	s0 =	sor.u32 s4, s0;
	s1 =	sshll.u32 s1, $0x11  }
0xd0: {  	s0 =	sor.u32 s1, s0  }
0xd1: {  	s0 =	sadd.s32 $0x8F2B, s0  }
0xd2: {  	[sflag:s0] =	ssyncadd.remote.s32 $0x1  }
0xd3: {  	_ =	sfence.sel $0xFFFF  }
0xd4: {  	[dreg:$0x0] =	wrdreg $0xFFFFFFFF;
	(pc) =	sbr.abs _section_cstart, $3  }
0xd5: {  	[dreg:$0x1] =	wrdreg $0xFFFFFFFF  }
0xd6: {  	_ =	task.clear_ibuf [dreg:s22], $0x2FFFF;
	_ =	strace $0x9FFFFFFF  }
0xd7: {  	(tm) =	ssettm $0x7FFFFFFF  }
tec
execute0_lowered:
.L_overlay_start_1:
0x0: {  	(tag) =	ssettag $0x1  }
0x1: {  	s1 =	srdreg.scid;
	s2 =	rddreg [dreg:$0x0]  }
0x2: {  	s0 =	stileid.u32;
	s5 =	rddreg [dreg:$0x1];
	s6 =	simm.s32 $0x1  }
0x3: {  	s9 =	simm.s32 $0x1;
	s10 =	simm.s32 $0x3;
	s1 =	sshll.u32 s1, $0xD  }
0x4: {  	s13 =	simm.s32 $0x0;
	s3 =	sshll.u32 s0, $0xE;
	s4 =	sand.u32 $0x2000, s1  }
0x5: {  	s12 =	simm.s32 $0x0;
	s1 =	rddreg [dreg:$0x2];
	s3 =	sor.u32 s3, s4  }
0x6: {  	_ =	strace $0x8000004A;
	s4 =	sadd.s32 $0xF400, s5;
	s8 =	ssub.s32 $0x50000, s3  }
.Ltmp0:
0x7: {  	s5 =	sadd.s32 $0x23400, s5;
	s7 =	sand.u32 $0x3E000, s8;
	(pc) =	sbr.rel .LBB2_1-.Ltmp0, $4  }
0x8: {  	[sflag:s6] =	ssyncpa.u1 $0x0;
	s11 =	smov.u32 s3;
	p0 =	sne.s32 s7, $0x0  }
0x9: {  	s8 =	sshrl.u32 s8, $0x12;
	s7 =	simm.s32 $0x2;
	s9 =	simm.s32 @!p0 $0x0  }
0xa: {  	[sflag:s7] =	ssyncpa.u1 $0x0;
	p0 =	por $0x0, $0x0;
	s8 =	sadd.s32 s9, s8  }
0xb: {  	vm0 =	vmmov $0xffff;
	[sflag:s10] =	ssyncpa.u1 $0x0;
	s10 =	simm.s32 $0x0;
	s9 =	sadd.s32 $0x1, s8  }
.LBB2_4:
0xc: {  	v2 =	vnsel vm1, $0x0, v2  }
0xd: {  	vm1 =	vgt.s32 v0, $0x0;
	v2 =	vmin.u32 v2, $0x4FFFF  }
0xe: {  	v0 =	vnsel vm1, $0x0, v0  }
0xf: {  	v0 =	vmin.u32 v0, $0x4FFFF  }
0x10: {  	[tilespmem:s15], [sflag:$0x1] =	stream.indirect_vreg.gather [hbm4b:s2+s10], $0x1, v1, vm0, $0x4038;
	[tilespmem:$0x8000] =	vst v63  }
0x11: {  	(ifvalue) =	ssetifvalue $0x7FFFFFFF  }
0x12: {  	[tilespmem:s16], [sflag:$0x1] =	stream.indirect_vreg.gather [hbm4b:s2+s10], $0x1, v2, vm0, $0x4038;
	[tilespmem:$0x8000] =	vst v63  }
0x13: {  	s29 =	sadd.s32 $0x10, s16;
	(ifvalue) =	ssetifvalue $0x7FFFFFFF  }
0x14: {  	[tilespmem:s29], [sflag:$0x1] =	stream.indirect_vreg.gather [hbm4b:s2+s10], $0x1, v0, vm0, $0x4038;
	[tilespmem:$0x8000] =	vst v63  }
0x15: {  	_ =	swait.ge [sflag:s6], $0x2000  }
0x16: {  	s30 =	sshrl.u32 s13, $0x3;
	[sflag:s6] =	ssyncset.done $0x0  }
0x17: {  	s31 =	sand.u32 $0x7, s13;
	s15 =	sadd.s32 s5, s30;
	[sflag:s6] =	ssyncadd.s32 $0xFFFFE000  }
0x18: {  	[hbm4b:s15+s31] =	stream.linear.scatter [tilespmem:s14], [sflag:$0x3], $0x2000, $0x38;
	[tilespmem:$0x8000] =	vst v63  }
.LBB2_5:
0x19: {  	s15 =	sadd.s32 $0x40000, s11  }
0x1a: {  	p2 =	sgt.s32 s15, $0x4FFFF  }
0x1b: {  	s15 =	smov.u32 @p2 s3;
	p2 =	sne.s32 s12, s9  }
.Ltmp1:
0x1c: {  	p1 =	slt.u32 s12, $0x2;
	(pc) =	sbr.rel @!p2 .LBB2_6-.Ltmp1, $4  }
0x1d: {  	s14 =	simm.s32 @!p1 $0x3  }
0x1e: {  	s16 =	sadd.s32 $0x1, s12;
	_ =	swait.ge @!p1 [sflag:s14], $0x2000  }
0x1f: {  	s13 =	smov.u32 s11;
	p0 =	por !p0, !p0;
	[sflag:s14] =	ssyncset.done @!p1 $0x0  }
0x20: {  	s12 =	smov.u32 s16;
	s11 =	smov.u32 s15;
	[sflag:s14] =	ssyncadd.s32 @!p1 $0xFFFFE000  }
.LBB2_1:
0x21: {  	p1 =	sge.u32 s12, s8  }
0x22: {  	s14 =	sxor.u32 @!p1 $0xFFFFFFFF, s12  }
0x23: {  	s31 =	sadd.s32 $0xFFFFFFFF, s12;
	s15 =	sshrl.u32 @!p1 s11, $0x3;
	s14 =	sshll.u32 @!p1 s14, $0xD  }
0x24: {  	s16 =	sand.u32 @!p1 $0x7, s11;
	s15 =	sadd.s32 @!p1 s4, s15;
	s14 =	sand.u32 @!p1 $0x2000, s14  }
0x25: {  	[tilespmem:s14], [sflag:$0x2] =	stream.linear.gather @!p1 [hbm4b:s15+s16], $0x2000, $0x38;
	[tilespmem:$0x8000] =	vst v63  }
0x26: {  	p1 =	sge.u32 s31, s8  }
.Ltmp2:
0x27: {  	_ = 	snop;
	(pc) =	sbr.rel @p1 .LBB2_5-.Ltmp2, $1  }
0x28: {  	_ =	sdelay $0x3  }
0x29: {  	s14 =	simm.s32 $0x1  }
0x2a: {  	_ =	swait.ge [sflag:s7], $0x2000;
	s14 =	simm.s32 @!p0 $0x0  }
0x2b: {  	[sflag:s7] =	ssyncset.done $0x0;
	s14 =	sshll.u32 s14, $0xD  }
0x2c: {  	[sflag:s7] =	ssyncadd.s32 $0xFFFFE000;
	(ifvalue) =	ssetifvalue $0x7FFFFFFF;
	v0 =	vld.msk [tilespmem:s14+$0x0 ss:$0x1], $0xffff;
	_ =	sdelay $0x4  }
0x2d: {  	s15 =	sadd.s32 $0x10, s14;
	vm1 =	vgt.s32 v0, $0x0  }
0x2e: {  	v2 =	vld.msk [tilespmem:s15+$0x0 ss:$0x1], $0xffff;
	v1 =	vnsel vm1, $0x0, v0  }
0x2f: {  	v1 =	vmin.u32 v1, $0x4FFFF;
	_ =	sdelay $0x1  }
0x30: {  	s16 =	sshll.u32 s12, $0xD;
	s18 =	simm.s32 $0x20  }
0x31: {  	s16 =	sand.u32 $0x2000, s16;
	s17 =	sadd.s32 $0x10, s15;
	s15 =	sor.u32 $0x4000, s14  }
0x32: {  	s14 =	sor.u32 $0x4000, s16;
	s16 =	sadd.s32 $0x10, s15;
	v0 =	vld.msk [tilespmem:s17+$0x0 ss:$0x1], $0xffff;
	vm1 =	vgt.s32 v2, $0x0;
	(ifvalue) =	ssetifvalue $0x7FFFFFFF  }
.LBB2_3:
0x33: {  	[tilespmem:s15], [sflag:$0x1] =	stream.indirect_vreg.gather [hbm4b:s2+s10], $0x1, v1, vm0, $0x4038;
	[tilespmem:$0x8000] =	vst v63  }
0x34: {  	s18 =	sadd.s32 $0x10, s18  }
0x35: {  	v2 =	vnsel vm1, $0x0, v2;
	p1 =	slt.u32 s18, $0x1FF0  }
.Ltmp3:
0x36: {  	s15 =	smov.u32 s16;
	v1 =	vmin.u32 v2, $0x4FFFF;
	(pc) =	sbr.rel @p1 .LBB2_3-.Ltmp3, $3  }
0x37: {  	_ =	sdelay $0x1  }
0x38: {  	s17 =	sadd.s32 $0x10, s17  }
0x39: {  	vm1 =	vgt.s32 v0, $0x0;
	s16 =	sadd.s32 $0x10, s16;
	v2 =	vmov v0;
	(ifvalue) =	ssetifvalue $0x7FFFFFFF;
	v0 =	vld.msk [tilespmem:s17+$0x0 ss:$0x1], $0xffff  }
.Ltmp4:
0x3a: {  	_ = 	snop;
	(pc) =	sbr.rel .LBB2_4-.Ltmp4, $1  }
0x3b: {  	_ =	sdelay $0x3  }
.LBB2_6:
0x3c: {  	_ =	sfence.sel $0x180000  }
0x3d: {  	s2 =	simm.s32 $0x2;
	[bflag:$0x0] =	sbarrier.arrive $0xFFFF  }
0x3e: {  	s30 =	simm.s32 $0x3;
	[sflag:s2] =	ssyncpa.u1 $0x1  }
0x3f: {  	s31 =	simm.s32 $0x1;
	[sflag:s30] =	ssyncpa.u1 $0x1  }
0x40: {  	[sflag:s31] =	ssyncpa.u1 $0x1  }
0x41: {  	p0 =	sne.s32 s0, $0x0;
	_ =	strace $0x9000004A  }
0x42: {  	s0 =	sadd.s32 @!p0 $0x100000, s1;
	[bflag:$0x2] =	sbarrier.arrive $0xFFFF  }
0x43: {  	[sflag:s0] =	ssyncadd.tile.s32 @!p0 $0x1;
	_ =	shalt  }
.Lfunc_end2:
_tile_overlayer_lowered:
.L_overlay_start_2:
0x44: {  	(tag) =	ssettag $0x2  }
0x45: {  	s0 =	rddreg [dreg:$0x0];
	s2 =	stileid.u32  }
0x46: {  	s1 =	rddreg [dreg:$0x1];
	p0 =	sne.s32 s2, $0x0  }
0x47: {  	s3 =	rddreg [dreg:$0x2];
	[bflag:$0x3] =	sbarrier.arrive $0xFFFF;
	s2 =	simm.s32 @!p0 $0x1C01  }
0x48: {  	[timem:s3], [sflag:s2] =	dma.local @!p0 [hbm:s0], s1  }
0x49: {  	s0 =	simm.s32 @!p0 $0x1  }
0x4a: {  	_ =	swait.ge @!p0 [sflag:s0], s1  }
0x4b: {  	s1 =	ssub.s32 @!p0 $0x0, s1;
	[sflag:s0] =	ssyncset.done @!p0 $0x0  }
0x4c: {  	[sflag:s0] =	ssyncadd.s32 @!p0 s1  }
0x4d: {  	[bflag:$0x3] =	sbarrier.arrive $0xFFFF  }
0x4e: {  	_ =	shalt  }

// kernel: gather_offload_async_start.5
scs
__scs_entry_jumppad:
0x0: {  	(pc) =	sbr.rel $0x88, $3  }
0x1: {  	(tag) =	ssettag $0x0;
	lr =	simm.s32 $0x1  }
0x2: {  	[smem:$0x3F93] =	sst lr;
	_ =	strace $0xD0000000  }
0x3: {  	_ = 	snop  }
0x4: {  	_ = 	snop  }
0x5: {  	_ = 	snop  }
0x6: {  	_ = 	snop  }
0x7: {  	_ = 	snop  }
__scs_overlays_trampoline_lowered:
0x8: {  	[smem:$0x3FA2] =	sst s0  }
0x9: {  	[smem:$0x3FA3] =	sst s1  }
0xa: {  	[smem:$0x3FA4] =	sst s2  }
0xb: {  	[smem:$0x3FA5] =	sst s3  }
0xc: {  	[smem:$0x3FA6] =	sst s4  }
0xd: {  	[smem:$0x3FA7] =	sst s5  }
0xe: {  	[smem:$0x3FA8] =	sst s6  }
0xf: {  	[smem:$0x3FA9] =	sst s7  }
0x10: {  	[smem:$0x3FAA] =	sst s8  }
0x11: {  	[smem:$0x3FAB] =	sst s9;
	s0 =	simm.s32 @!p0 $0x0  }
0x12: {  	s1 =	sld [smem:$0x3F91];
	s0 =	simm.s32 @p0 $0x1  }
0x13: {  	[smem:$0x3FAC] =	sst s0;
	s0 =	simm.s32 @!p1 $0x0  }
0x14: {  	s2 =	sld [smem:$0x3F90];
	s0 =	simm.s32 @p1 $0x1  }
0x15: {  	[smem:$0x3FAD] =	sst s0;
	s0 =	simm.s32 @!p2 $0x0  }
0x16: {  	s3 =	sld [smem:$0x3FDB];
	s0 =	simm.s32 @p2 $0x1  }
0x17: {  	s4 =	simm.s32 $0x1BF5;
	[smem:$0x3FAF] =	sst s0  }
0x18: {  	s0 =	sld [smem:$0x3F92];
	_ =	swait.ge [sflag:s4], $0x0  }
0x19: {  	s7 =	sld [smem:$0x3F93]  }
0x1a: {  	s8 =	sadd.s32 $0xFFFFE003, lr  }
0x1b: {  	s9 =	sadd.s32 $0xFFFFFEF7, lr;
	s5 =	simm.s32 $0xFFFFFFFF;
	p2 =	slt.u32 s8, $0xFFFFF086  }
0x1c: {  	p1 =	slt.u32 s9, $0xF7A;
	s5 =	simm.s32 @!p2 $0x0  }
0x1d: {  	s5 =	simm.s32 @p1 $0x1;
	p0 =	seq.s32 s7, s2  }
0x1e: {  	s7 =	smul.u32 @!p0 $0xF7A, s2;
	p2 =	seq.s32 @!p0 s5, $0x0  }
0x1f: {  	s9 =	smul.u32 $0xF7A, s1;
	s8 =	simm.s32 @!p0 $0x1BF5;
	p2 =	por !p2, p0  }
0x20: {  	[sflag:s8] =	ssyncset.s32 @!p0 $0xFFFFF086;
	s6 =	sadd.s32 @!p0 s3, s7;
	s7 =	simm.s32 @!p0 $0x108  }
0x21: {  	s3 =	sadd.s32 s3, s9;
	s6 =	sadd.s32 @!p0 $0x88, s6;
	s7 =	simm.s32 @p2 $0x1082  }
0x22: {  	[simem:s7], [sflag:s8] =	dma.local @!p0 [hbm:s6], $0xF7A  }
0x23: {  	s9 =	sor.u32 $0xD0000000, s2;
	s6 =	simm.s32 $0x108;
	_ =	swait.ge @!p0 [sflag:s8], $0x0  }
0x24: {  	s3 =	sadd.s32 $0x88, s3;
	s6 =	simm.s32 @!p1 $0x1082;
	[sflag:s4] =	ssyncset.s32 $0xFFFFF086  }
0x25: {  	[simem:s6], [sflag:s4] =	dma.local [hbm:s3], $0xF7A  }
0x26: {  	[smem:$0x3F93] =	sst s1;
	(tag) =	ssettag s2;
	_ =	strace s9  }
0x27: {  	s1 =	sld [smem:$0x3FA3]  }
0x28: {  	s2 =	sld [smem:$0x3FA4]  }
0x29: {  	s4 =	sld [smem:$0x3FA6]  }
0x2a: {  	p0 =	seq.s32 s5, $0x0;
	s5 =	sld [smem:$0x3FA7]  }
0x2b: {  	s6 =	sld [smem:$0x3FA8]  }
0x2c: {  	s7 =	sld [smem:$0x3FA9]  }
0x2d: {  	s3 =	simm.s32 $0x108;
	s8 =	sld [smem:$0x3FAA]  }
0x2e: {  	s3 =	simm.s32 @!p0 $0x1082;
	s9 =	sld [smem:$0x3FAB]  }
0x2f: {  	lr =	sadd.s32 s0, s3;
	s0 =	sld [smem:$0x3FA2]  }
0x30: {  	s3 =	sld [smem:$0x3FA5]  }
0x31: {  	[smem:$0x3FAE] =	sst s10  }
0x32: {  	s10 =	sld [smem:$0x3FAC];
	_ =	sdelay $0x3  }
0x33: {  	p0 =	seq.s32 s10, $0x1;
	s10 =	sld [smem:$0x3FAE];
	_ =	sdelay $0x3  }
0x34: {  	[smem:$0x3FAE] =	sst s10  }
0x35: {  	s10 =	sld [smem:$0x3FAD];
	_ =	sdelay $0x3  }
0x36: {  	p1 =	seq.s32 s10, $0x1;
	s10 =	sld [smem:$0x3FAE];
	_ =	sdelay $0x3  }
0x37: {  	[smem:$0x3FAE] =	sst s10  }
0x38: {  	s10 =	sld [smem:$0x3FAF]  }
0x39: {  	_ = 	snop;
	(pc) =	sbr.ind lr, $3  }
0x3a: {  	_ = 	snop  }
0x3b: {  	_ = 	snop  }
0x3c: {  	p2 =	seq.s32 s10, $0x1;
	s10 =	sld [smem:$0x3FAE]  }
0x3d: {  	_ =	shalt  }
0x3e: {  	_ =	shalt  }
0x3f: {  	_ =	shalt  }
0x40: {  	_ =	shalt  }
0x41: {  	_ =	shalt  }
0x42: {  	_ =	shalt  }
0x43: {  	_ =	shalt  }
0x44: {  	_ =	shalt  }
0x45: {  	_ =	shalt  }
0x46: {  	_ =	shalt  }
0x47: {  	_ =	shalt  }
0x48: {  	_ =	shalt  }
0x49: {  	_ =	shalt  }
0x4a: {  	_ =	shalt  }
0x4b: {  	_ =	shalt  }
0x4c: {  	_ =	shalt  }
0x4d: {  	_ =	shalt  }
0x4e: {  	_ =	shalt  }
0x4f: {  	_ =	shalt  }
0x50: {  	_ =	shalt  }
0x51: {  	_ =	shalt  }
0x52: {  	_ =	shalt  }
0x53: {  	_ =	shalt  }
0x54: {  	_ =	shalt  }
0x55: {  	_ =	shalt  }
0x56: {  	_ =	shalt  }
0x57: {  	_ =	shalt  }
0x58: {  	_ =	shalt  }
0x59: {  	_ =	shalt  }
0x5a: {  	_ =	shalt  }
0x5b: {  	_ =	shalt  }
0x5c: {  	_ =	shalt  }
0x5d: {  	_ =	shalt  }
0x5e: {  	_ =	shalt  }
0x5f: {  	_ =	shalt  }
0x60: {  	_ =	shalt  }
0x61: {  	_ =	shalt  }
0x62: {  	_ =	shalt  }
0x63: {  	_ =	shalt  }
0x64: {  	_ =	shalt  }
0x65: {  	_ =	shalt  }
0x66: {  	_ =	shalt  }
0x67: {  	_ =	shalt  }
0x68: {  	_ =	shalt  }
0x69: {  	_ =	shalt  }
0x6a: {  	_ =	shalt  }
0x6b: {  	_ =	shalt  }
0x6c: {  	_ =	shalt  }
0x6d: {  	_ =	shalt  }
0x6e: {  	_ =	shalt  }
0x6f: {  	_ =	shalt  }
0x70: {  	_ =	shalt  }
0x71: {  	_ =	shalt  }
0x72: {  	_ =	shalt  }
0x73: {  	_ =	shalt  }
0x74: {  	_ =	shalt  }
0x75: {  	_ =	shalt  }
0x76: {  	_ =	shalt  }
0x77: {  	_ =	shalt  }
0x78: {  	_ =	shalt  }
0x79: {  	_ =	shalt  }
0x7a: {  	_ =	shalt  }
0x7b: {  	_ =	shalt  }
0x7c: {  	_ =	shalt  }
0x7d: {  	_ =	shalt  }
0x7e: {  	_ =	shalt  }
0x7f: {  	_ =	shalt  }
0x80: {  	_ =	shalt  }
0x81: {  	_ =	shalt  }
0x82: {  	_ =	shalt  }
0x83: {  	_ =	shalt  }
0x84: {  	_ =	shalt  }
0x85: {  	_ =	shalt  }
0x86: {  	_ =	shalt  }
0x87: {  	_ =	shalt  }
.Lfunc_end0:
.L_simem_size_0:
called_computation.5_lowered:
.L_overlay_start_0:
0x88: {  	s2 =	sld [smem:$0x3FD9]  }
0x89: {  	s3 =	sld [smem:$0x3FFE];
	_ =	sdelay $0x1  }
0x8a: {  	s1 =	srdreg.scid  }
0x8b: {  	s0 =	sand.u32 $0x1, s1  }
0x8c: {  	s16 =	sshll.u32 s0, $0xA;
	s2 =	sadd.s32 s3, s2  }
0x8d: {  	s2 =	sadd.s32 s2, s16  }
0x8e: {  	[smem:$0x3FBA] =	sst s2  }
0x8f: {  	_ = 	snop  }
0x90: {  	(tm) =	ssettm $0x1  }
0x91: {  	s17 =	sld [smem:$0x3FFB];
	_ =	sdelay $0x3  }
0x92: {  	_ =	strace s17  }
0x93: {  	s2 =	sld [smem:$0x3FFC];
	_ =	sdelay $0x3  }
0x94: {  	_ =	strace s2  }
0x95: {  	s2 =	sld [smem:$0x3FFD];
	_ =	sdelay $0x3  }
0x96: {  	_ =	strace s2  }
0x97: {  	_ =	strace $0x8FFFFFFF  }
0x98: {  	s18 =	sld [smem:$0x3FDB];
	_ =	sdelay $0x1  }
0x99: {  	s19 =	simm.s32 $_scs_section_size  }
0x9a: {  	s4 =	simm.s32 $_size__tile_overlayer_lowered;
	s5 =	simm.s32 $_tile_overlayer_lowered  }
0x9b: {  	s22 =	simm.s32 $0x1BFF;
	s21 =	sshll.u32 s5, $0x1;
	s2 =	sadd.s32 s19, s18  }
0x9c: {  	s6 =	simm.s32 $0x0;
	s20 =	sshll.u32 s4, $0x1;
	s4 =	sadd.s32 s21, s2  }
0x9d: {  	[timem:s6], [sflag:s22] =	dma.local [hbm:s4], s20  }
0x9e: {  	_ =	swait.ge [sflag:s22], s20  }
0x9f: {  	s3 =	ssub.s32 $0x0, s20;
	[sflag:s22] =	ssyncset.done $0x0  }
0xa0: {  	[sflag:s22] =	ssyncadd.s32 s3;
	_ =	sdelay $0x1  }
0xa1: {  	s23 =	simm.s32 $0x1B8B  }
0xa2: {  	_ =	swait.ge [sflag:s23], $0x1  }
0xa3: {  	[sflag:s23] =	ssyncset.done $0x0  }
0xa4: {  	s25 =	simm.s32 $0x1B8E;
	s24 =	sld [smem:$0x3FFE];
	[sflag:s23] =	ssyncadd.s32 $0xFFFFFFFF  }
0xa5: {  	s26 =	simm.s32 $execute0_lowered;
	[smem:$0x3FD2] =	sst s25  }
0xa6: {  	s4 =	sshll.u32 s26, $0x1;
	_ =	strace $0x80000046;
	[dreg:$0x1] =	wrdreg $0xFFFFFFFF  }
0xa7: {  	s28 =	simm.s32 $_size_execute0_lowered;
	s2 =	sadd.s32 s2, s4;
	[dreg:$0x0] =	wrdreg $0x0  }
0xa8: {  	s4 =	sshll.u32 s28, $0x1;
	[dreg:$0x2] =	wrdreg s2  }
0xa9: {  	[dreg:$0x3] =	wrdreg s4  }
0xaa: {  	[dreg:$0x4] =	wrdreg $0xC0  }
0xab: {  	_ =	task [dreg:s6], $0x5FFFF  }
0xac: {  	[dreg:$0x1] =	wrdreg $0xFFFFFFFF  }
0xad: {  	[dreg:$0x0] =	wrdreg $0x60  }
0xae: {  	[dreg:$0x2] =	wrdreg s24  }
0xaf: {  	[dreg:$0x3] =	wrdreg $0xE  }
0xb0: {  	_ =	task.clear_ibuf [dreg:s6], $0x4FFFF;
	_ =	strace $0x90000046  }
0xb1: {  	s29 =	simm.s32 $0xE;
	_ =	strace $0x80000048  }
0xb2: {  	_ =	swait.ge [sflag:s29], $0x1  }
0xb3: {  	[sflag:s29] =	ssyncadd.s32 $0xFFFFFFFF  }
0xb4: {  	_ =	strace $0x90000048  }
0xb5: {  	_ =	sfence  }
0xb6: {  	s30 =	sld [smem:$0x0];
	_ =	sdelay $0x2  }
0xb7: {  	s31 =	sshll.u32 s1, $0xD;
	s1 =	sshrl.u32 s1, $0x2  }
0xb8: {  	s3 =	sand.u32 $0x4000, s31;
	s1 =	sadd.s32 s1, s30  }
0xb9: {  	s0 =	sor.u32 s3, s0;
	s1 =	sshll.u32 s1, $0x11  }
0xba: {  	s0 =	sor.u32 s1, s0  }
0xbb: {  	s0 =	sadd.s32 $0x8F2B, s0  }
0xbc: {  	[sflag:s0] =	ssyncadd.remote.s32 $0x1  }
0xbd: {  	_ =	sfence.sel $0xFFFF  }
0xbe: {  	[dreg:$0x0] =	wrdreg $0xFFFFFFFF;
	(pc) =	sbr.abs _section_cstart, $3  }
0xbf: {  	[dreg:$0x1] =	wrdreg $0xFFFFFFFF  }
0xc0: {  	_ =	task.clear_ibuf [dreg:s6], $0x2FFFF;
	_ =	strace $0x9FFFFFFF  }
0xc1: {  	(tm) =	ssettm $0x7FFFFFFF  }
tec
execute0_lowered:
.L_overlay_start_1:
0x0: {  	(tag) =	ssettag $0x1  }
0x1: {  	s0 =	srdreg.scid;
	s5 =	rddreg [dreg:$0x0]  }
0x2: {  	s1 =	stileid.u32;
	s6 =	simm.s32 $0x1;
	s9 =	simm.s32 $0x1  }
0x3: {  	s10 =	simm.s32 $0x3;
	s13 =	simm.s32 $0x0;
	s2 =	sshll.u32 s0, $0xD  }
0x4: {  	s12 =	simm.s32 $0x0;
	s3 =	sshll.u32 s1, $0xE;
	s2 =	sand.u32 $0x2000, s2  }
0x5: {  	s0 =	rddreg [dreg:$0x1];
	_ =	strace $0x80000047;
	s2 =	sor.u32 s3, s2  }
0x6: {  	s4 =	sadd.s32 $0xF400, s5;
	[sflag:s6] =	ssyncpa.u1 $0x0;
	s8 =	ssub.s32 $0x50000, s2  }
.Ltmp0:
0x7: {  	s3 =	sadd.s32 $0x5400, s5;
	s7 =	sand.u32 $0x3E000, s8;
	(pc) =	sbr.rel .LBB2_1-.Ltmp0, $4  }
0x8: {  	s5 =	sadd.s32 $0x19400, s5;
	s11 =	smov.u32 s2;
	p0 =	sne.s32 s7, $0x0  }
0x9: {  	s8 =	sshrl.u32 s8, $0x12;
	s7 =	simm.s32 $0x2;
	s9 =	simm.s32 @!p0 $0x0  }
0xa: {  	[sflag:s7] =	ssyncpa.u1 $0x0;
	p0 =	por $0x0, $0x0;
	s8 =	sadd.s32 s9, s8  }
0xb: {  	vm0 =	vmmov $0xffff;
	[sflag:s10] =	ssyncpa.u1 $0x0;
	s10 =	simm.s32 $0x0;
	s9 =	sadd.s32 $0x1, s8  }
.LBB2_4:
0xc: {  	v2 =	vnsel vm1, $0x0, v2  }
0xd: {  	vm1 =	vgt.s32 v0, $0x0;
	v2 =	vmin.u32 v2, $0x4FFFF  }
0xe: {  	v0 =	vnsel vm1, $0x0, v0  }
0xf: {  	v0 =	vmin.u32 v0, $0x4FFFF  }
0x10: {  	[tilespmem:s15], [sflag:$0x1] =	stream.indirect_vreg.gather [hbm4b:s3+s10], $0x1, v1, vm0, $0x4038;
	[tilespmem:$0x8000] =	vst v63  }
0x11: {  	(ifvalue) =	ssetifvalue $0x7FFFFFFF  }
0x12: {  	[tilespmem:s16], [sflag:$0x1] =	stream.indirect_vreg.gather [hbm4b:s3+s10], $0x1, v2, vm0, $0x4038;
	[tilespmem:$0x8000] =	vst v63  }
0x13: {  	s29 =	sadd.s32 $0x10, s16;
	(ifvalue) =	ssetifvalue $0x7FFFFFFF  }
0x14: {  	[tilespmem:s29], [sflag:$0x1] =	stream.indirect_vreg.gather [hbm4b:s3+s10], $0x1, v0, vm0, $0x4038;
	[tilespmem:$0x8000] =	vst v63  }
0x15: {  	_ =	swait.ge [sflag:s6], $0x2000  }
0x16: {  	s30 =	sshrl.u32 s13, $0x3;
	[sflag:s6] =	ssyncset.done $0x0  }
0x17: {  	s31 =	sand.u32 $0x7, s13;
	s15 =	sadd.s32 s5, s30;
	[sflag:s6] =	ssyncadd.s32 $0xFFFFE000  }
0x18: {  	[hbm4b:s15+s31] =	stream.linear.scatter [tilespmem:s14], [sflag:$0x3], $0x2000, $0x38;
	[tilespmem:$0x8000] =	vst v63  }
.LBB2_5:
0x19: {  	s15 =	sadd.s32 $0x40000, s11  }
0x1a: {  	p2 =	sgt.s32 s15, $0x4FFFF  }
0x1b: {  	s15 =	smov.u32 @p2 s2;
	p2 =	sne.s32 s12, s9  }
.Ltmp1:
0x1c: {  	p1 =	slt.u32 s12, $0x2;
	(pc) =	sbr.rel @!p2 .LBB2_6-.Ltmp1, $4  }
0x1d: {  	s14 =	simm.s32 @!p1 $0x3  }
0x1e: {  	s16 =	sadd.s32 $0x1, s12;
	_ =	swait.ge @!p1 [sflag:s14], $0x2000  }
0x1f: {  	s13 =	smov.u32 s11;
	p0 =	por !p0, !p0;
	[sflag:s14] =	ssyncset.done @!p1 $0x0  }
0x20: {  	s12 =	smov.u32 s16;
	s11 =	smov.u32 s15;
	[sflag:s14] =	ssyncadd.s32 @!p1 $0xFFFFE000  }
.LBB2_1:
0x21: {  	p1 =	sge.u32 s12, s8  }
0x22: {  	s14 =	sxor.u32 @!p1 $0xFFFFFFFF, s12  }
0x23: {  	s31 =	sadd.s32 $0xFFFFFFFF, s12;
	s15 =	sshrl.u32 @!p1 s11, $0x3;
	s14 =	sshll.u32 @!p1 s14, $0xD  }
0x24: {  	s16 =	sand.u32 @!p1 $0x7, s11;
	s15 =	sadd.s32 @!p1 s4, s15;
	s14 =	sand.u32 @!p1 $0x2000, s14  }
0x25: {  	[tilespmem:s14], [sflag:$0x2] =	stream.linear.gather @!p1 [hbm4b:s15+s16], $0x2000, $0x38;
	[tilespmem:$0x8000] =	vst v63  }
0x26: {  	p1 =	sge.u32 s31, s8  }
.Ltmp2:
0x27: {  	_ = 	snop;
	(pc) =	sbr.rel @p1 .LBB2_5-.Ltmp2, $1  }
0x28: {  	_ =	sdelay $0x3  }
0x29: {  	s14 =	simm.s32 $0x1  }
0x2a: {  	_ =	swait.ge [sflag:s7], $0x2000;
	s14 =	simm.s32 @!p0 $0x0  }
0x2b: {  	[sflag:s7] =	ssyncset.done $0x0;
	s14 =	sshll.u32 s14, $0xD  }
0x2c: {  	[sflag:s7] =	ssyncadd.s32 $0xFFFFE000;
	(ifvalue) =	ssetifvalue $0x7FFFFFFF;
	v0 =	vld.msk [tilespmem:s14+$0x0 ss:$0x1], $0xffff;
	_ =	sdelay $0x4  }
0x2d: {  	s15 =	sadd.s32 $0x10, s14;
	vm1 =	vgt.s32 v0, $0x0  }
0x2e: {  	v2 =	vld.msk [tilespmem:s15+$0x0 ss:$0x1], $0xffff;
	v1 =	vnsel vm1, $0x0, v0  }
0x2f: {  	v1 =	vmin.u32 v1, $0x4FFFF;
	_ =	sdelay $0x1  }
0x30: {  	s16 =	sshll.u32 s12, $0xD;
	s18 =	simm.s32 $0x20  }
0x31: {  	s16 =	sand.u32 $0x2000, s16;
	s17 =	sadd.s32 $0x10, s15;
	s15 =	sor.u32 $0x4000, s14  }
0x32: {  	s14 =	sor.u32 $0x4000, s16;
	s16 =	sadd.s32 $0x10, s15;
	v0 =	vld.msk [tilespmem:s17+$0x0 ss:$0x1], $0xffff;
	vm1 =	vgt.s32 v2, $0x0;
	(ifvalue) =	ssetifvalue $0x7FFFFFFF  }
.LBB2_3:
0x33: {  	[tilespmem:s15], [sflag:$0x1] =	stream.indirect_vreg.gather [hbm4b:s3+s10], $0x1, v1, vm0, $0x4038;
	[tilespmem:$0x8000] =	vst v63  }
0x34: {  	s18 =	sadd.s32 $0x10, s18  }
0x35: {  	v2 =	vnsel vm1, $0x0, v2;
	p1 =	slt.u32 s18, $0x1FF0  }
.Ltmp3:
0x36: {  	s15 =	smov.u32 s16;
	v1 =	vmin.u32 v2, $0x4FFFF;
	(pc) =	sbr.rel @p1 .LBB2_3-.Ltmp3, $3  }
0x37: {  	_ =	sdelay $0x1  }
0x38: {  	s17 =	sadd.s32 $0x10, s17  }
0x39: {  	vm1 =	vgt.s32 v0, $0x0;
	s16 =	sadd.s32 $0x10, s16;
	v2 =	vmov v0;
	(ifvalue) =	ssetifvalue $0x7FFFFFFF;
	v0 =	vld.msk [tilespmem:s17+$0x0 ss:$0x1], $0xffff  }
.Ltmp4:
0x3a: {  	_ = 	snop;
	(pc) =	sbr.rel .LBB2_4-.Ltmp4, $1  }
0x3b: {  	_ =	sdelay $0x3  }
.LBB2_6:
0x3c: {  	_ =	sfence.sel $0x180000  }
0x3d: {  	s2 =	simm.s32 $0x2;
	[bflag:$0x0] =	sbarrier.arrive $0xFFFF  }
0x3e: {  	s30 =	simm.s32 $0x3;
	[sflag:s2] =	ssyncpa.u1 $0x1  }
0x3f: {  	s31 =	simm.s32 $0x1;
	[sflag:s30] =	ssyncpa.u1 $0x1  }
0x40: {  	[sflag:s31] =	ssyncpa.u1 $0x1  }
0x41: {  	p0 =	sne.s32 s1, $0x0;
	_ =	strace $0x90000047  }
0x42: {  	s0 =	sadd.s32 @!p0 $0x100000, s0;
	[bflag:$0x2] =	sbarrier.arrive $0xFFFF  }
0x43: {  	[sflag:s0] =	ssyncadd.tile.s32 @!p0 $0x1;
	_ =	shalt  }
.Lfunc_end2:
_tile_overlayer_lowered:
.L_overlay_start_2:
0x44: {  	(tag) =	ssettag $0x2  }
0x45: {  	s0 =	rddreg [dreg:$0x0];
	s2 =	stileid.u32  }
0x46: {  	s1 =	rddreg [dreg:$0x1];
	p0 =	sne.s32 s2, $0x0  }
0x47: {  	s3 =	rddreg [dreg:$0x2];
	[bflag:$0x3] =	sbarrier.arrive $0xFFFF;
	s2 =	simm.s32 @!p0 $0x1C01  }
0x48: {  	[timem:s3], [sflag:s2] =	dma.local @!p0 [hbm:s0], s1  }
0x49: {  	s0 =	simm.s32 @!p0 $0x1  }
0x4a: {  	_ =	swait.ge @!p0 [sflag:s0], s1  }
0x4b: {  	s1 =	ssub.s32 @!p0 $0x0, s1;
	[sflag:s0] =	ssyncset.done @!p0 $0x0  }
0x4c: {  	[sflag:s0] =	ssyncadd.s32 @!p0 s1  }
0x4d: {  	[bflag:$0x3] =	sbarrier.arrive $0xFFFF  }
0x4e: {  	_ =	shalt  }

// kernel: gather_offload_async_start
scs
__scs_entry_jumppad:
0x0: {  	(pc) =	sbr.rel $0x88, $3  }
0x1: {  	(tag) =	ssettag $0x0;
	lr =	simm.s32 $0x1  }
0x2: {  	[smem:$0x3F93] =	sst lr;
	_ =	strace $0xD0000000  }
0x3: {  	_ = 	snop  }
0x4: {  	_ = 	snop  }
0x5: {  	_ = 	snop  }
0x6: {  	_ = 	snop  }
0x7: {  	_ = 	snop  }
__scs_overlays_trampoline_lowered:
0x8: {  	[smem:$0x3FA2] =	sst s0  }
0x9: {  	[smem:$0x3FA3] =	sst s1  }
0xa: {  	[smem:$0x3FA4] =	sst s2  }
0xb: {  	[smem:$0x3FA5] =	sst s3  }
0xc: {  	[smem:$0x3FA6] =	sst s4  }
0xd: {  	[smem:$0x3FA7] =	sst s5  }
0xe: {  	[smem:$0x3FA8] =	sst s6  }
0xf: {  	[smem:$0x3FA9] =	sst s7  }
0x10: {  	[smem:$0x3FAA] =	sst s8  }
0x11: {  	[smem:$0x3FAB] =	sst s9;
	s0 =	simm.s32 @!p0 $0x0  }
0x12: {  	s1 =	sld [smem:$0x3F91];
	s0 =	simm.s32 @p0 $0x1  }
0x13: {  	[smem:$0x3FAC] =	sst s0;
	s0 =	simm.s32 @!p1 $0x0  }
0x14: {  	s2 =	sld [smem:$0x3F90];
	s0 =	simm.s32 @p1 $0x1  }
0x15: {  	[smem:$0x3FAD] =	sst s0;
	s0 =	simm.s32 @!p2 $0x0  }
0x16: {  	s3 =	sld [smem:$0x3FDB];
	s0 =	simm.s32 @p2 $0x1  }
0x17: {  	s4 =	simm.s32 $0x1BF5;
	[smem:$0x3FAF] =	sst s0  }
0x18: {  	s0 =	sld [smem:$0x3F92];
	_ =	swait.ge [sflag:s4], $0x0  }
0x19: {  	s7 =	sld [smem:$0x3F93]  }
0x1a: {  	s8 =	sadd.s32 $0xFFFFE003, lr  }
0x1b: {  	s9 =	sadd.s32 $0xFFFFFEF7, lr;
	s5 =	simm.s32 $0xFFFFFFFF;
	p2 =	slt.u32 s8, $0xFFFFF086  }
0x1c: {  	p1 =	slt.u32 s9, $0xF7A;
	s5 =	simm.s32 @!p2 $0x0  }
0x1d: {  	s5 =	simm.s32 @p1 $0x1;
	p0 =	seq.s32 s7, s2  }
0x1e: {  	s7 =	smul.u32 @!p0 $0xF7A, s2;
	p2 =	seq.s32 @!p0 s5, $0x0  }
0x1f: {  	s9 =	smul.u32 $0xF7A, s1;
	s8 =	simm.s32 @!p0 $0x1BF5;
	p2 =	por !p2, p0  }
0x20: {  	[sflag:s8] =	ssyncset.s32 @!p0 $0xFFFFF086;
	s6 =	sadd.s32 @!p0 s3, s7;
	s7 =	simm.s32 @!p0 $0x108  }
0x21: {  	s3 =	sadd.s32 s3, s9;
	s6 =	sadd.s32 @!p0 $0x88, s6;
	s7 =	simm.s32 @p2 $0x1082  }
0x22: {  	[simem:s7], [sflag:s8] =	dma.local @!p0 [hbm:s6], $0xF7A  }
0x23: {  	s9 =	sor.u32 $0xD0000000, s2;
	s6 =	simm.s32 $0x108;
	_ =	swait.ge @!p0 [sflag:s8], $0x0  }
0x24: {  	s3 =	sadd.s32 $0x88, s3;
	s6 =	simm.s32 @!p1 $0x1082;
	[sflag:s4] =	ssyncset.s32 $0xFFFFF086  }
0x25: {  	[simem:s6], [sflag:s4] =	dma.local [hbm:s3], $0xF7A  }
0x26: {  	[smem:$0x3F93] =	sst s1;
	(tag) =	ssettag s2;
	_ =	strace s9  }
0x27: {  	s1 =	sld [smem:$0x3FA3]  }
0x28: {  	s2 =	sld [smem:$0x3FA4]  }
0x29: {  	s4 =	sld [smem:$0x3FA6]  }
0x2a: {  	p0 =	seq.s32 s5, $0x0;
	s5 =	sld [smem:$0x3FA7]  }
0x2b: {  	s6 =	sld [smem:$0x3FA8]  }
0x2c: {  	s7 =	sld [smem:$0x3FA9]  }
0x2d: {  	s3 =	simm.s32 $0x108;
	s8 =	sld [smem:$0x3FAA]  }
0x2e: {  	s3 =	simm.s32 @!p0 $0x1082;
	s9 =	sld [smem:$0x3FAB]  }
0x2f: {  	lr =	sadd.s32 s0, s3;
	s0 =	sld [smem:$0x3FA2]  }
0x30: {  	s3 =	sld [smem:$0x3FA5]  }
0x31: {  	[smem:$0x3FAE] =	sst s10  }
0x32: {  	s10 =	sld [smem:$0x3FAC];
	_ =	sdelay $0x3  }
0x33: {  	p0 =	seq.s32 s10, $0x1;
	s10 =	sld [smem:$0x3FAE];
	_ =	sdelay $0x3  }
0x34: {  	[smem:$0x3FAE] =	sst s10  }
0x35: {  	s10 =	sld [smem:$0x3FAD];
	_ =	sdelay $0x3  }
0x36: {  	p1 =	seq.s32 s10, $0x1;
	s10 =	sld [smem:$0x3FAE];
	_ =	sdelay $0x3  }
0x37: {  	[smem:$0x3FAE] =	sst s10  }
0x38: {  	s10 =	sld [smem:$0x3FAF]  }
0x39: {  	_ = 	snop;
	(pc) =	sbr.ind lr, $3  }
0x3a: {  	_ = 	snop  }
0x3b: {  	_ = 	snop  }
0x3c: {  	p2 =	seq.s32 s10, $0x1;
	s10 =	sld [smem:$0x3FAE]  }
0x3d: {  	_ =	shalt  }
0x3e: {  	_ =	shalt  }
0x3f: {  	_ =	shalt  }
0x40: {  	_ =	shalt  }
0x41: {  	_ =	shalt  }
0x42: {  	_ =	shalt  }
0x43: {  	_ =	shalt  }
0x44: {  	_ =	shalt  }
0x45: {  	_ =	shalt  }
0x46: {  	_ =	shalt  }
0x47: {  	_ =	shalt  }
0x48: {  	_ =	shalt  }
0x49: {  	_ =	shalt  }
0x4a: {  	_ =	shalt  }
0x4b: {  	_ =	shalt  }
0x4c: {  	_ =	shalt  }
0x4d: {  	_ =	shalt  }
0x4e: {  	_ =	shalt  }
0x4f: {  	_ =	shalt  }
0x50: {  	_ =	shalt  }
0x51: {  	_ =	shalt  }
0x52: {  	_ =	shalt  }
0x53: {  	_ =	shalt  }
0x54: {  	_ =	shalt  }
0x55: {  	_ =	shalt  }
0x56: {  	_ =	shalt  }
0x57: {  	_ =	shalt  }
0x58: {  	_ =	shalt  }
0x59: {  	_ =	shalt  }
0x5a: {  	_ =	shalt  }
0x5b: {  	_ =	shalt  }
0x5c: {  	_ =	shalt  }
0x5d: {  	_ =	shalt  }
0x5e: {  	_ =	shalt  }
0x5f: {  	_ =	shalt  }
0x60: {  	_ =	shalt  }
0x61: {  	_ =	shalt  }
0x62: {  	_ =	shalt  }
0x63: {  	_ =	shalt  }
0x64: {  	_ =	shalt  }
0x65: {  	_ =	shalt  }
0x66: {  	_ =	shalt  }
0x67: {  	_ =	shalt  }
0x68: {  	_ =	shalt  }
0x69: {  	_ =	shalt  }
0x6a: {  	_ =	shalt  }
0x6b: {  	_ =	shalt  }
0x6c: {  	_ =	shalt  }
0x6d: {  	_ =	shalt  }
0x6e: {  	_ =	shalt  }
0x6f: {  	_ =	shalt  }
0x70: {  	_ =	shalt  }
0x71: {  	_ =	shalt  }
0x72: {  	_ =	shalt  }
0x73: {  	_ =	shalt  }
0x74: {  	_ =	shalt  }
0x75: {  	_ =	shalt  }
0x76: {  	_ =	shalt  }
0x77: {  	_ =	shalt  }
0x78: {  	_ =	shalt  }
0x79: {  	_ =	shalt  }
0x7a: {  	_ =	shalt  }
0x7b: {  	_ =	shalt  }
0x7c: {  	_ =	shalt  }
0x7d: {  	_ =	shalt  }
0x7e: {  	_ =	shalt  }
0x7f: {  	_ =	shalt  }
0x80: {  	_ =	shalt  }
0x81: {  	_ =	shalt  }
0x82: {  	_ =	shalt  }
0x83: {  	_ =	shalt  }
0x84: {  	_ =	shalt  }
0x85: {  	_ =	shalt  }
0x86: {  	_ =	shalt  }
0x87: {  	_ =	shalt  }
.Lfunc_end0:
.L_simem_size_0:
called_computation_lowered:
.L_overlay_start_0:
0x88: {  	s2 =	sld [smem:$0x3FD9]  }
0x89: {  	s3 =	sld [smem:$0x3FFE];
	_ =	sdelay $0x1  }
0x8a: {  	s1 =	srdreg.scid  }
0x8b: {  	s0 =	sand.u32 $0x1, s1  }
0x8c: {  	s17 =	sshll.u32 s0, $0xA;
	s2 =	sadd.s32 s3, s2  }
0x8d: {  	s2 =	sadd.s32 s2, s17  }
0x8e: {  	[smem:$0x3FBA] =	sst s2  }
0x8f: {  	_ = 	snop  }
0x90: {  	(tm) =	ssettm $0x1  }
0x91: {  	s18 =	sld [smem:$0x3FFB];
	_ =	sdelay $0x3  }
0x92: {  	_ =	strace s18  }
0x93: {  	s2 =	sld [smem:$0x3FFC];
	_ =	sdelay $0x3  }
0x94: {  	_ =	strace s2  }
0x95: {  	s2 =	sld [smem:$0x3FFD];
	_ =	sdelay $0x3  }
0x96: {  	_ =	strace s2  }
0x97: {  	_ =	strace $0x8FFFFFFF  }
0x98: {  	s19 =	sld [smem:$0x3FDB];
	_ =	sdelay $0x1  }
0x99: {  	s20 =	simm.s32 $_scs_section_size  }
0x9a: {  	s4 =	simm.s32 $_size__tile_overlayer_lowered;
	s5 =	simm.s32 $_tile_overlayer_lowered  }
0x9b: {  	s6 =	simm.s32 $0x1BFF;
	s21 =	sshll.u32 s5, $0x1;
	s3 =	sadd.s32 s20, s19  }
0x9c: {  	s22 =	simm.s32 $0x0;
	s4 =	sshll.u32 s4, $0x1;
	s5 =	sadd.s32 s21, s3  }
0x9d: {  	[timem:s22], [sflag:s6] =	dma.local [hbm:s5], s4  }
0x9e: {  	_ =	swait.ge [sflag:s6], s4  }
0x9f: {  	s4 =	ssub.s32 $0x0, s4;
	[sflag:s6] =	ssyncset.done $0x0  }
0xa0: {  	[sflag:s6] =	ssyncadd.s32 s4;
	_ =	sdelay $0x1  }
0xa1: {  	s23 =	simm.s32 $0x1B8B  }
0xa2: {  	_ =	swait.ge [sflag:s23], $0x1  }
0xa3: {  	[sflag:s23] =	ssyncset.done $0x0  }
0xa4: {  	[sflag:s23] =	ssyncadd.s32 $0xFFFFFFFF  }
0xa5: {  	s4 =	sld [smem:$0x0]  }
0xa6: {  	s5 =	sand.u32 $0xFFFFFFFE, s1  }
0xa7: {  	p0 =	sne.s32 s1, s5  }
0xa8: {  	s5 =	sshll.u32 @p0 s5, $0xE  }
0xa9: {  	s5 =	sadd.s32 @p0 $0x11B8D, s5;
	s6 =	sshll.u32 @p0 s4, $0x11  }
0xaa: {  	s5 =	sor.u32 @p0 s6, s5  }
0xab: {  	[sflag:s5] =	ssyncadd.remote.s32 @p0 $0x1;
	_ =	sdelay $0x1  }
0xac: {  	s5 =	simm.s32 @p0 $0x1B8D  }
0xad: {  	_ =	swait.eq @p0 [sflag:s5], $0x1  }
0xae: {  	[sflag:s5] =	ssyncadd.s32 @p0 $0xFFFFFFFF  }
0xaf: {  	s6 =	sshll.u32 @!p0 s1, $0xE  }
0xb0: {  	s6 =	sor.u32 @!p0 $0x4000, s6;
	s5 =	simm.s32 @!p0 $0x1B8D  }
0xb1: {  	s4 =	sshll.u32 @!p0 s4, $0x11;
	s6 =	sadd.s32 @!p0 $0x11B8D, s6;
	_ =	swait.eq @!p0 [sflag:s5], $0x1  }
0xb2: {  	s4 =	sor.u32 @!p0 s4, s6;
	[sflag:s5] =	ssyncadd.s32 @!p0 $0xFFFFFFFF  }
0xb3: {  	s25 =	simm.s32 $0x1B8E;
	s24 =	sld [smem:$0x3FFE];
	[sflag:s4] =	ssyncadd.remote.s32 @!p0 $0x1  }
0xb4: {  	s26 =	simm.s32 $execute0_lowered;
	[smem:$0x3FD2] =	sst s25  }
0xb5: {  	s5 =	sshll.u32 s26, $0x1;
	_ =	strace $0x8000004F;
	[dreg:$0x1] =	wrdreg $0xFFFFFFFF  }
0xb6: {  	s28 =	simm.s32 $_size_execute0_lowered;
	s3 =	sadd.s32 s3, s5;
	[dreg:$0x0] =	wrdreg $0x0  }
0xb7: {  	s5 =	sshll.u32 s28, $0x1;
	[dreg:$0x2] =	wrdreg s3  }
0xb8: {  	[dreg:$0x3] =	wrdreg s5  }
0xb9: {  	[dreg:$0x4] =	wrdreg $0xC0  }
0xba: {  	_ =	task [dreg:s22], $0x5FFFF  }
0xbb: {  	[dreg:$0x1] =	wrdreg $0xFFFFFFFF  }
0xbc: {  	[dreg:$0x0] =	wrdreg $0x60  }
0xbd: {  	[dreg:$0x2] =	wrdreg s24  }
0xbe: {  	[dreg:$0x3] =	wrdreg $0x9  }
0xbf: {  	_ =	task.clear_ibuf [dreg:s22], $0x4FFFF;
	_ =	strace $0x9000004F  }
0xc0: {  	s29 =	simm.s32 $0x9;
	_ =	strace $0x80000051  }
0xc1: {  	_ =	swait.ge [sflag:s29], $0x1  }
0xc2: {  	[sflag:s29] =	ssyncadd.s32 $0xFFFFFFFF  }
0xc3: {  	_ =	strace $0x90000051  }
0xc4: {  	_ =	sfence  }
0xc5: {  	s30 =	sld [smem:$0x0];
	_ =	sdelay $0x2  }
0xc6: {  	s31 =	sshll.u32 s1, $0xD;
	s1 =	sshrl.u32 s1, $0x2  }
0xc7: {  	s4 =	sand.u32 $0x4000, s31;
	s1 =	sadd.s32 s1, s30  }
0xc8: {  	s0 =	sor.u32 s4, s0;
	s1 =	sshll.u32 s1, $0x11  }
0xc9: {  	s0 =	sor.u32 s1, s0  }
0xca: {  	s0 =	sadd.s32 $0x8F2B, s0  }
0xcb: {  	[sflag:s0] =	ssyncadd.remote.s32 $0x1  }
0xcc: {  	_ =	sfence.sel $0xFFFF  }
0xcd: {  	[dreg:$0x0] =	wrdreg $0xFFFFFFFF;
	(pc) =	sbr.abs _section_cstart, $3  }
0xce: {  	[dreg:$0x1] =	wrdreg $0xFFFFFFFF  }
0xcf: {  	_ =	task.clear_ibuf [dreg:s22], $0x2FFFF;
	_ =	strace $0x9FFFFFFF  }
0xd0: {  	(tm) =	ssettm $0x7FFFFFFF  }
0xd1: {  	_ =	shalt  }
tec
execute0_lowered:
.L_overlay_start_1:
0x0: {  	(tag) =	ssettag $0x1  }
0x1: {  	s0 =	srdreg.scid;
	s5 =	rddreg [dreg:$0x0]  }
0x2: {  	s1 =	stileid.u32;
	s6 =	simm.s32 $0x1;
	s9 =	simm.s32 $0x1  }
0x3: {  	s10 =	simm.s32 $0x3;
	s13 =	simm.s32 $0x0;
	s2 =	sshll.u32 s0, $0xD  }
0x4: {  	s12 =	simm.s32 $0x0;
	s3 =	sshll.u32 s1, $0xE;
	s2 =	sand.u32 $0x2000, s2  }
0x5: {  	s0 =	rddreg [dreg:$0x1];
	_ =	strace $0x80000050;
	s2 =	sor.u32 s3, s2  }
0x6: {  	s4 =	sadd.s32 $0xF400, s5;
	[sflag:s6] =	ssyncpa.u1 $0x0;
	s8 =	ssub.s32 $0x50000, s2  }
.Ltmp0:
0x7: {  	s3 =	sadd.s32 $0x37400, s5;
	s7 =	sand.u32 $0x3E000, s8;
	(pc) =	sbr.rel .LBB2_1-.Ltmp0, $4  }
0x8: {  	s5 =	sadd.s32 $0x41400, s5;
	s11 =	smov.u32 s2;
	p0 =	sne.s32 s7, $0x0  }
0x9: {  	s8 =	sshrl.u32 s8, $0x12;
	s7 =	simm.s32 $0x2;
	s9 =	simm.s32 @!p0 $0x0  }
0xa: {  	[sflag:s7] =	ssyncpa.u1 $0x0;
	p0 =	por $0x0, $0x0;
	s8 =	sadd.s32 s9, s8  }
0xb: {  	vm0 =	vmmov $0xffff;
	[sflag:s10] =	ssyncpa.u1 $0x0;
	s10 =	simm.s32 $0x0;
	s9 =	sadd.s32 $0x1, s8  }
.LBB2_4:
0xc: {  	v2 =	vnsel vm1, $0x0, v2  }
0xd: {  	vm1 =	vgt.s32 v0, $0x0;
	v2 =	vmin.u32 v2, $0x4FFFF  }
0xe: {  	v0 =	vnsel vm1, $0x0, v0  }
0xf: {  	v0 =	vmin.u32 v0, $0x4FFFF  }
0x10: {  	[tilespmem:s15], [sflag:$0x1] =	stream.indirect_vreg.gather [hbm4b:s3+s10], $0x1, v1, vm0, $0x4038;
	[tilespmem:$0x8000] =	vst v63  }
0x11: {  	(ifvalue) =	ssetifvalue $0x7FFFFFFF  }
0x12: {  	[tilespmem:s16], [sflag:$0x1] =	stream.indirect_vreg.gather [hbm4b:s3+s10], $0x1, v2, vm0, $0x4038;
	[tilespmem:$0x8000] =	vst v63  }
0x13: {  	s29 =	sadd.s32 $0x10, s16;
	(ifvalue) =	ssetifvalue $0x7FFFFFFF  }
0x14: {  	[tilespmem:s29], [sflag:$0x1] =	stream.indirect_vreg.gather [hbm4b:s3+s10], $0x1, v0, vm0, $0x4038;
	[tilespmem:$0x8000] =	vst v63  }
0x15: {  	_ =	swait.ge [sflag:s6], $0x2000  }
0x16: {  	s30 =	sshrl.u32 s13, $0x3;
	[sflag:s6] =	ssyncset.done $0x0  }
0x17: {  	s31 =	sand.u32 $0x7, s13;
	s15 =	sadd.s32 s5, s30;
	[sflag:s6] =	ssyncadd.s32 $0xFFFFE000  }
0x18: {  	[hbm4b:s15+s31] =	stream.linear.scatter [tilespmem:s14], [sflag:$0x3], $0x2000, $0x38;
	[tilespmem:$0x8000] =	vst v63  }
.LBB2_5:
0x19: {  	s15 =	sadd.s32 $0x40000, s11  }
0x1a: {  	p2 =	sgt.s32 s15, $0x4FFFF  }
0x1b: {  	s15 =	smov.u32 @p2 s2;
	p2 =	sne.s32 s12, s9  }
.Ltmp1:
0x1c: {  	p1 =	slt.u32 s12, $0x2;
	(pc) =	sbr.rel @!p2 .LBB2_6-.Ltmp1, $4  }
0x1d: {  	s14 =	simm.s32 @!p1 $0x3  }
0x1e: {  	s16 =	sadd.s32 $0x1, s12;
	_ =	swait.ge @!p1 [sflag:s14], $0x2000  }
0x1f: {  	s13 =	smov.u32 s11;
	p0 =	por !p0, !p0;
	[sflag:s14] =	ssyncset.done @!p1 $0x0  }
0x20: {  	s12 =	smov.u32 s16;
	s11 =	smov.u32 s15;
	[sflag:s14] =	ssyncadd.s32 @!p1 $0xFFFFE000  }
.LBB2_1:
0x21: {  	p1 =	sge.u32 s12, s8  }
0x22: {  	s14 =	sxor.u32 @!p1 $0xFFFFFFFF, s12  }
0x23: {  	s31 =	sadd.s32 $0xFFFFFFFF, s12;
	s15 =	sshrl.u32 @!p1 s11, $0x3;
	s14 =	sshll.u32 @!p1 s14, $0xD  }
0x24: {  	s16 =	sand.u32 @!p1 $0x7, s11;
	s15 =	sadd.s32 @!p1 s4, s15;
	s14 =	sand.u32 @!p1 $0x2000, s14  }
0x25: {  	[tilespmem:s14], [sflag:$0x2] =	stream.linear.gather @!p1 [hbm4b:s15+s16], $0x2000, $0x38;
	[tilespmem:$0x8000] =	vst v63  }
0x26: {  	p1 =	sge.u32 s31, s8  }
.Ltmp2:
0x27: {  	_ = 	snop;
	(pc) =	sbr.rel @p1 .LBB2_5-.Ltmp2, $1  }
0x28: {  	_ =	sdelay $0x3  }
0x29: {  	s14 =	simm.s32 $0x1  }
0x2a: {  	_ =	swait.ge [sflag:s7], $0x2000;
	s14 =	simm.s32 @!p0 $0x0  }
0x2b: {  	[sflag:s7] =	ssyncset.done $0x0;
	s14 =	sshll.u32 s14, $0xD  }
0x2c: {  	[sflag:s7] =	ssyncadd.s32 $0xFFFFE000;
	(ifvalue) =	ssetifvalue $0x7FFFFFFF;
	v0 =	vld.msk [tilespmem:s14+$0x0 ss:$0x1], $0xffff;
	_ =	sdelay $0x4  }
0x2d: {  	s15 =	sadd.s32 $0x10, s14;
	vm1 =	vgt.s32 v0, $0x0  }
0x2e: {  	v2 =	vld.msk [tilespmem:s15+$0x0 ss:$0x1], $0xffff;
	v1 =	vnsel vm1, $0x0, v0  }
0x2f: {  	v1 =	vmin.u32 v1, $0x4FFFF;
	_ =	sdelay $0x1  }
0x30: {  	s16 =	sshll.u32 s12, $0xD;
	s18 =	simm.s32 $0x20  }
0x31: {  	s16 =	sand.u32 $0x2000, s16;
	s17 =	sadd.s32 $0x10, s15;
	s15 =	sor.u32 $0x4000, s14  }
0x32: {  	s14 =	sor.u32 $0x4000, s16;
	s16 =	sadd.s32 $0x10, s15;
	v0 =	vld.msk [tilespmem:s17+$0x0 ss:$0x1], $0xffff;
	vm1 =	vgt.s32 v2, $0x0;
	(ifvalue) =	ssetifvalue $0x7FFFFFFF  }
.LBB2_3:
0x33: {  	[tilespmem:s15], [sflag:$0x1] =	stream.indirect_vreg.gather [hbm4b:s3+s10], $0x1, v1, vm0, $0x4038;
	[tilespmem:$0x8000] =	vst v63  }
0x34: {  	s18 =	sadd.s32 $0x10, s18  }
0x35: {  	v2 =	vnsel vm1, $0x0, v2;
	p1 =	slt.u32 s18, $0x1FF0  }
.Ltmp3:
0x36: {  	s15 =	smov.u32 s16;
	v1 =	vmin.u32 v2, $0x4FFFF;
	(pc) =	sbr.rel @p1 .LBB2_3-.Ltmp3, $3  }
0x37: {  	_ =	sdelay $0x1  }
0x38: {  	s17 =	sadd.s32 $0x10, s17  }
0x39: {  	vm1 =	vgt.s32 v0, $0x0;
	s16 =	sadd.s32 $0x10, s16;
	v2 =	vmov v0;
	(ifvalue) =	ssetifvalue $0x7FFFFFFF;
	v0 =	vld.msk [tilespmem:s17+$0x0 ss:$0x1], $0xffff  }
.Ltmp4:
0x3a: {  	_ = 	snop;
	(pc) =	sbr.rel .LBB2_4-.Ltmp4, $1  }
0x3b: {  	_ =	sdelay $0x3  }
.LBB2_6:
0x3c: {  	_ =	sfence.sel $0x180000  }
0x3d: {  	s2 =	simm.s32 $0x2;
	[bflag:$0x0] =	sbarrier.arrive $0xFFFF  }
0x3e: {  	s30 =	simm.s32 $0x3;
	[sflag:s2] =	ssyncpa.u1 $0x1  }
0x3f: {  	s31 =	simm.s32 $0x1;
	[sflag:s30] =	ssyncpa.u1 $0x1  }
0x40: {  	[sflag:s31] =	ssyncpa.u1 $0x1  }
0x41: {  	p0 =	sne.s32 s1, $0x0;
	_ =	strace $0x90000050  }
0x42: {  	s0 =	sadd.s32 @!p0 $0x100000, s0;
	[bflag:$0x2] =	sbarrier.arrive $0xFFFF  }
0x43: {  	[sflag:s0] =	ssyncadd.tile.s32 @!p0 $0x1;
	_ =	shalt  }
.Lfunc_end2:
_tile_overlayer_lowered:
.L_overlay_start_2:
0x44: {  	(tag) =	ssettag $0x2  }
0x45: {  	s0 =	rddreg [dreg:$0x0];
	s2 =	stileid.u32  }
0x46: {  	s1 =	rddreg [dreg:$0x1];
	p0 =	sne.s32 s2, $0x0  }
0x47: {  	s3 =	rddreg [dreg:$0x2];
	[bflag:$0x3] =	sbarrier.arrive $0xFFFF;
	s2 =	simm.s32 @!p0 $0x1C01  }
0x48: {  	[timem:s3], [sflag:s2] =	dma.local @!p0 [hbm:s0], s1  }
0x49: {  	s0 =	simm.s32 @!p0 $0x1  }
0x4a: {  	_ =	swait.ge @!p0 [sflag:s0], s1  }
0x4b: {  	s1 =	ssub.s32 @!p0 $0x0, s1;
	[sflag:s0] =	ssyncset.done @!p0 $0x0  }
0x4c: {  	[sflag:s0] =	ssyncadd.s32 @!p0 s1  }
0x4d: {  	[bflag:$0x3] =	sbarrier.arrive $0xFFFF  }
0x4e: {  	_ =	shalt  }

// kernel: kernel.12.cloned.1.call-start
scs
__scs_entry_jumppad:
0x0: {  	(pc) =	sbr.rel $0x88, $3  }
0x1: {  	(tag) =	ssettag $0x0;
	lr =	simm.s32 $0x1  }
0x2: {  	[smem:$0x3F93] =	sst lr;
	_ =	strace $0xD0000000  }
0x3: {  	_ = 	snop  }
0x4: {  	_ = 	snop  }
0x5: {  	_ = 	snop  }
0x6: {  	_ = 	snop  }
0x7: {  	_ = 	snop  }
__scs_overlays_trampoline_lowered:
0x8: {  	[smem:$0x3FA2] =	sst s0  }
0x9: {  	[smem:$0x3FA3] =	sst s1  }
0xa: {  	[smem:$0x3FA4] =	sst s2  }
0xb: {  	[smem:$0x3FA5] =	sst s3  }
0xc: {  	[smem:$0x3FA6] =	sst s4  }
0xd: {  	[smem:$0x3FA7] =	sst s5  }
0xe: {  	[smem:$0x3FA8] =	sst s6  }
0xf: {  	[smem:$0x3FA9] =	sst s7  }
0x10: {  	[smem:$0x3FAA] =	sst s8  }
0x11: {  	[smem:$0x3FAB] =	sst s9;
	s0 =	simm.s32 @!p0 $0x0  }
0x12: {  	s1 =	sld [smem:$0x3F91];
	s0 =	simm.s32 @p0 $0x1  }
0x13: {  	[smem:$0x3FAC] =	sst s0;
	s0 =	simm.s32 @!p1 $0x0  }
0x14: {  	s2 =	sld [smem:$0x3F90];
	s0 =	simm.s32 @p1 $0x1  }
0x15: {  	[smem:$0x3FAD] =	sst s0;
	s0 =	simm.s32 @!p2 $0x0  }
0x16: {  	s3 =	sld [smem:$0x3FDB];
	s0 =	simm.s32 @p2 $0x1  }
0x17: {  	s4 =	simm.s32 $0x1BF5;
	[smem:$0x3FAF] =	sst s0  }
0x18: {  	s0 =	sld [smem:$0x3F92];
	_ =	swait.ge [sflag:s4], $0x0  }
0x19: {  	s7 =	sld [smem:$0x3F93]  }
0x1a: {  	s8 =	sadd.s32 $0xFFFFE003, lr  }
0x1b: {  	s9 =	sadd.s32 $0xFFFFFEF7, lr;
	s5 =	simm.s32 $0xFFFFFFFF;
	p2 =	slt.u32 s8, $0xFFFFF086  }
0x1c: {  	p1 =	slt.u32 s9, $0xF7A;
	s5 =	simm.s32 @!p2 $0x0  }
0x1d: {  	s5 =	simm.s32 @p1 $0x1;
	p0 =	seq.s32 s7, s2  }
0x1e: {  	s7 =	smul.u32 @!p0 $0xF7A, s2;
	p2 =	seq.s32 @!p0 s5, $0x0  }
0x1f: {  	s9 =	smul.u32 $0xF7A, s1;
	s8 =	simm.s32 @!p0 $0x1BF5;
	p2 =	por !p2, p0  }
0x20: {  	[sflag:s8] =	ssyncset.s32 @!p0 $0xFFFFF086;
	s6 =	sadd.s32 @!p0 s3, s7;
	s7 =	simm.s32 @!p0 $0x108  }
0x21: {  	s3 =	sadd.s32 s3, s9;
	s6 =	sadd.s32 @!p0 $0x88, s6;
	s7 =	simm.s32 @p2 $0x1082  }
0x22: {  	[simem:s7], [sflag:s8] =	dma.local @!p0 [hbm:s6], $0xF7A  }
0x23: {  	s9 =	sor.u32 $0xD0000000, s2;
	s6 =	simm.s32 $0x108;
	_ =	swait.ge @!p0 [sflag:s8], $0x0  }
0x24: {  	s3 =	sadd.s32 $0x88, s3;
	s6 =	simm.s32 @!p1 $0x1082;
	[sflag:s4] =	ssyncset.s32 $0xFFFFF086  }
0x25: {  	[simem:s6], [sflag:s4] =	dma.local [hbm:s3], $0xF7A  }
0x26: {  	[smem:$0x3F93] =	sst s1;
	(tag) =	ssettag s2;
	_ =	strace s9  }
0x27: {  	s1 =	sld [smem:$0x3FA3]  }
0x28: {  	s2 =	sld [smem:$0x3FA4]  }
0x29: {  	s4 =	sld [smem:$0x3FA6]  }
0x2a: {  	p0 =	seq.s32 s5, $0x0;
	s5 =	sld [smem:$0x3FA7]  }
0x2b: {  	s6 =	sld [smem:$0x3FA8]  }
0x2c: {  	s7 =	sld [smem:$0x3FA9]  }
0x2d: {  	s3 =	simm.s32 $0x108;
	s8 =	sld [smem:$0x3FAA]  }
0x2e: {  	s3 =	simm.s32 @!p0 $0x1082;
	s9 =	sld [smem:$0x3FAB]  }
0x2f: {  	lr =	sadd.s32 s0, s3;
	s0 =	sld [smem:$0x3FA2]  }
0x30: {  	s3 =	sld [smem:$0x3FA5]  }
0x31: {  	[smem:$0x3FAE] =	sst s10  }
0x32: {  	s10 =	sld [smem:$0x3FAC];
	_ =	sdelay $0x3  }
0x33: {  	p0 =	seq.s32 s10, $0x1;
	s10 =	sld [smem:$0x3FAE];
	_ =	sdelay $0x3  }
0x34: {  	[smem:$0x3FAE] =	sst s10  }
0x35: {  	s10 =	sld [smem:$0x3FAD];
	_ =	sdelay $0x3  }
0x36: {  	p1 =	seq.s32 s10, $0x1;
	s10 =	sld [smem:$0x3FAE];
	_ =	sdelay $0x3  }
0x37: {  	[smem:$0x3FAE] =	sst s10  }
0x38: {  	s10 =	sld [smem:$0x3FAF]  }
0x39: {  	_ = 	snop;
	(pc) =	sbr.ind lr, $3  }
0x3a: {  	_ = 	snop  }
0x3b: {  	_ = 	snop  }
0x3c: {  	p2 =	seq.s32 s10, $0x1;
	s10 =	sld [smem:$0x3FAE]  }
0x3d: {  	_ =	shalt  }
0x3e: {  	_ =	shalt  }
0x3f: {  	_ =	shalt  }
0x40: {  	_ =	shalt  }
0x41: {  	_ =	shalt  }
0x42: {  	_ =	shalt  }
0x43: {  	_ =	shalt  }
0x44: {  	_ =	shalt  }
0x45: {  	_ =	shalt  }
0x46: {  	_ =	shalt  }
0x47: {  	_ =	shalt  }
0x48: {  	_ =	shalt  }
0x49: {  	_ =	shalt  }
0x4a: {  	_ =	shalt  }
0x4b: {  	_ =	shalt  }
0x4c: {  	_ =	shalt  }
0x4d: {  	_ =	shalt  }
0x4e: {  	_ =	shalt  }
0x4f: {  	_ =	shalt  }
0x50: {  	_ =	shalt  }
0x51: {  	_ =	shalt  }
0x52: {  	_ =	shalt  }
0x53: {  	_ =	shalt  }
0x54: {  	_ =	shalt  }
0x55: {  	_ =	shalt  }
0x56: {  	_ =	shalt  }
0x57: {  	_ =	shalt  }
0x58: {  	_ =	shalt  }
0x59: {  	_ =	shalt  }
0x5a: {  	_ =	shalt  }
0x5b: {  	_ =	shalt  }
0x5c: {  	_ =	shalt  }
0x5d: {  	_ =	shalt  }
0x5e: {  	_ =	shalt  }
0x5f: {  	_ =	shalt  }
0x60: {  	_ =	shalt  }
0x61: {  	_ =	shalt  }
0x62: {  	_ =	shalt  }
0x63: {  	_ =	shalt  }
0x64: {  	_ =	shalt  }
0x65: {  	_ =	shalt  }
0x66: {  	_ =	shalt  }
0x67: {  	_ =	shalt  }
0x68: {  	_ =	shalt  }
0x69: {  	_ =	shalt  }
0x6a: {  	_ =	shalt  }
0x6b: {  	_ =	shalt  }
0x6c: {  	_ =	shalt  }
0x6d: {  	_ =	shalt  }
0x6e: {  	_ =	shalt  }
0x6f: {  	_ =	shalt  }
0x70: {  	_ =	shalt  }
0x71: {  	_ =	shalt  }
0x72: {  	_ =	shalt  }
0x73: {  	_ =	shalt  }
0x74: {  	_ =	shalt  }
0x75: {  	_ =	shalt  }
0x76: {  	_ =	shalt  }
0x77: {  	_ =	shalt  }
0x78: {  	_ =	shalt  }
0x79: {  	_ =	shalt  }
0x7a: {  	_ =	shalt  }
0x7b: {  	_ =	shalt  }
0x7c: {  	_ =	shalt  }
0x7d: {  	_ =	shalt  }
0x7e: {  	_ =	shalt  }
0x7f: {  	_ =	shalt  }
0x80: {  	_ =	shalt  }
0x81: {  	_ =	shalt  }
0x82: {  	_ =	shalt  }
0x83: {  	_ =	shalt  }
0x84: {  	_ =	shalt  }
0x85: {  	_ =	shalt  }
0x86: {  	_ =	shalt  }
0x87: {  	_ =	shalt  }
.Lfunc_end0:
.L_simem_size_0:
called_computation.8_lowered:
.L_overlay_start_0:
0x88: {  	s2 =	sld [smem:$0x3FD9]  }
0x89: {  	s3 =	sld [smem:$0x3FFE];
	_ =	sdelay $0x1  }
0x8a: {  	s1 =	srdreg.scid  }
0x8b: {  	s0 =	sand.u32 $0x1, s1  }
0x8c: {  	s16 =	sshll.u32 s0, $0xA;
	s2 =	sadd.s32 s3, s2  }
0x8d: {  	s2 =	sadd.s32 s2, s16  }
0x8e: {  	[smem:$0x3FBA] =	sst s2  }
0x8f: {  	_ = 	snop  }
0x90: {  	s2 =	sld [smem:$0x3FD0];
	_ =	sdelay $0x2  }
0x91: {  	s17 =	simm.s32 $0x10  }
0x92: {  	[smem:s17], [sflag:s17] =	dma.local [hbm:s2], $0x1  }
0x93: {  	_ =	swait.eq [sflag:s17], $0x1  }
0x94: {  	[sflag:s17] =	ssyncset.done $0x0  }
0x95: {  	[sflag:s17] =	ssyncadd.s32 $0xFFFFFFFF  }
0x96: {  	s18 =	sld [smem:$0x12]  }
0x97: {  	s3 =	sld [smem:$0x14];
	(tm) =	ssettm $0x1  }
0x98: {  	s4 =	sld [smem:$0x3FFB];
	_ =	sdelay $0x3  }
0x99: {  	_ =	strace s4  }
0x9a: {  	s4 =	sld [smem:$0x3FFC];
	_ =	sdelay $0x3  }
0x9b: {  	_ =	strace s4  }
0x9c: {  	s4 =	sld [smem:$0x3FFD];
	_ =	sdelay $0x3  }
0x9d: {  	_ =	strace s4  }
0x9e: {  	_ =	strace $0x8FFFFFFF  }
0x9f: {  	s19 =	sld [smem:$0x3FDB];
	_ =	sdelay $0x1  }
0xa0: {  	s5 =	simm.s32 $_scs_section_size  }
0xa1: {  	s6 =	simm.s32 $_size__tile_overlayer_lowered;
	s7 =	simm.s32 $_tile_overlayer_lowered  }
0xa2: {  	s22 =	simm.s32 $0x1BFF;
	s21 =	sshll.u32 s7, $0x1;
	s4 =	sadd.s32 s5, s19  }
0xa3: {  	s8 =	simm.s32 $0x0;
	s20 =	sshll.u32 s6, $0x1;
	s6 =	sadd.s32 s21, s4  }
0xa4: {  	[timem:s8], [sflag:s22] =	dma.local [hbm:s6], s20  }
0xa5: {  	_ =	swait.ge [sflag:s22], s20  }
0xa6: {  	s5 =	ssub.s32 $0x0, s20;
	[sflag:s22] =	ssyncset.done $0x0  }
0xa7: {  	[sflag:s22] =	ssyncadd.s32 s5;
	_ =	sdelay $0x1  }
0xa8: {  	s23 =	simm.s32 $0x1B8B  }
0xa9: {  	_ =	swait.ge [sflag:s23], $0x1  }
0xaa: {  	[sflag:s23] =	ssyncset.done $0x0  }
0xab: {  	s25 =	simm.s32 $0x1B8E;
	s24 =	sld [smem:$0x3FFE];
	[sflag:s23] =	ssyncadd.s32 $0xFFFFFFFF  }
0xac: {  	s26 =	simm.s32 $execute0_lowered;
	[smem:$0x3FD2] =	sst s25  }
0xad: {  	s6 =	sshll.u32 s26, $0x1;
	_ =	strace $0x8000005E;
	[dreg:$0x1] =	wrdreg $0xFFFFFFFF  }
0xae: {  	s28 =	simm.s32 $_size_execute0_lowered;
	s4 =	sadd.s32 s4, s6;
	[dreg:$0x0] =	wrdreg $0x0  }
0xaf: {  	s6 =	sshll.u32 s28, $0x1;
	[dreg:$0x2] =	wrdreg s4  }
0xb0: {  	[dreg:$0x3] =	wrdreg s6  }
0xb1: {  	[dreg:$0x4] =	wrdreg $0xC0  }
0xb2: {  	_ =	task [dreg:s8], $0x5FFFF  }
0xb3: {  	[dreg:$0x1] =	wrdreg $0xFFFFFFFF  }
0xb4: {  	[dreg:$0x0] =	wrdreg $0x60  }
0xb5: {  	[dreg:$0x2] =	wrdreg s3  }
0xb6: {  	[dreg:$0x3] =	wrdreg s24  }
0xb7: {  	[dreg:$0x4] =	wrdreg s18  }
0xb8: {  	[dreg:$0x5] =	wrdreg $0x9  }
0xb9: {  	_ =	task.clear_ibuf [dreg:s8], $0x6FFFF;
	_ =	strace $0x9000005E  }
0xba: {  	s29 =	simm.s32 $0x9;
	_ =	strace $0x80000060  }
0xbb: {  	_ =	swait.ge [sflag:s29], $0x1  }
0xbc: {  	[sflag:s29] =	ssyncadd.s32 $0xFFFFFFFF  }
0xbd: {  	_ =	strace $0x90000060  }
0xbe: {  	_ =	sfence  }
0xbf: {  	s30 =	sld [smem:$0x0];
	_ =	sdelay $0x2  }
0xc0: {  	s31 =	sshll.u32 s1, $0xD;
	s1 =	sshrl.u32 s1, $0x2  }
0xc1: {  	s3 =	sand.u32 $0x4000, s31;
	s1 =	sadd.s32 s1, s30  }
0xc2: {  	s0 =	sor.u32 s3, s0;
	s1 =	sshll.u32 s1, $0x11  }
0xc3: {  	s0 =	sor.u32 s1, s0  }
0xc4: {  	s0 =	sadd.s32 $0x8F2B, s0  }
0xc5: {  	[sflag:s0] =	ssyncadd.remote.s32 $0x1  }
0xc6: {  	_ =	sfence.sel $0xFFFF  }
0xc7: {  	[dreg:$0x0] =	wrdreg $0xFFFFFFFF;
	(pc) =	sbr.abs _section_cstart, $3  }
0xc8: {  	[dreg:$0x1] =	wrdreg $0xFFFFFFFF  }
0xc9: {  	_ =	task.clear_ibuf [dreg:s8], $0x2FFFF;
	_ =	strace $0x9FFFFFFF  }
0xca: {  	(tm) =	ssettm $0x7FFFFFFF  }
0xcb: {  	_ =	shalt  }
tec
execute0_lowered:
.L_overlay_start_1:
0x0: {  	(tag) =	ssettag $0x1  }
0x1: {  	s0 =	srdreg.scid  }
0x2: {  	s2 =	rddreg [dreg:$0x0];
	s13 =	sand.u32 $0x1, s0  }
0x3: {  	s4 =	rddreg [dreg:$0x1];
	s0 =	stileid.u32;
	s1 =	sshll.u32 s13, $0x4  }
0x4: {  	s8 =	rddreg [dreg:$0x2];
	s3 =	simm.s32 $0x0;
	s9 =	sor.u32 s0, s1  }
0x5: {  	[smem:$0x7FF] =	sst s3;
	s5 =	sshll.u32 s9, $0x6  }
0x6: {  	s1 =	rddreg [dreg:$0x3];
	s4 =	sadd.s32 s5, s4  }
0x7: {  	_ =	strace $0x8000005F;
	s5 =	sadd.s32 $0x4C00, s4;
	s4 =	simm.s32 $0x1  }
0x8: {  	[tilespmem:s3], [sflag:$0x1] =	stream.linear.gather [hbm4b:s5+s3], $0x200, $0x38;
	[tilespmem:$0x1600] =	vst v63  }
0x9: {  	_ =	swait.ge [sflag:s4], $0x200  }
0xa: {  	[sflag:s4] =	ssyncset.done $0x0  }
0xb: {  	s6 =	simm.s32 $0x28;
	s7 =	simm.s32 $0x200;
	[sflag:s4] =	ssyncadd.s32 $0xFFFFFE00  }
0xc: {  	[tilespmem:s7], [sflag:$0x1] =	stream.indirect.gather [hbm4b:s2+s6], $0x80, s3, s6, $0xb8;
	[tilespmem:$0x1600] =	vst v63  }
0xd: {  	s9 =	smul.u32 $0xA00, s9;
	_ =	swait.ge [sflag:s4], $0x1400  }
0xe: {  	[sflag:s4] =	ssyncset.done $0x0  }
0xf: {  	s8 =	sadd.s32 s8, s9;
	[sflag:s4] =	ssyncadd.s32 $0xFFFFEC00  }
0x10: {  	[hbm4b:s8+s3] =	stream.linear.scatter [tilespmem:s7], [sflag:$0x1], $0x1400, $0x38;
	[tilespmem:$0x1600] =	vst v63  }
0x11: {  	_ =	swait.ge [sflag:s4], $0x1400  }
0x12: {  	[sflag:s4] =	ssyncset.done $0x0  }
0x13: {  	s9 =	simm.s32 $0x80;
	[sflag:s4] =	ssyncadd.s32 $0xFFFFEC00  }
0x14: {  	[tilespmem:s7], [sflag:$0x1] =	stream.indirect.gather [hbm4b:s2+s6], $0x80, s9, s6, $0xb8;
	[tilespmem:$0x1600] =	vst v63  }
0x15: {  	_ =	swait.ge [sflag:s4], $0x1400  }
0x16: {  	[sflag:s4] =	ssyncset.done $0x0  }
0x17: {  	s10 =	sadd.s32 $0x280, s8;
	[sflag:s4] =	ssyncadd.s32 $0xFFFFEC00  }
0x18: {  	[hbm4b:s10+s3] =	stream.linear.scatter [tilespmem:s7], [sflag:$0x1], $0x1400, $0x38;
	[tilespmem:$0x1600] =	vst v63  }
0x19: {  	_ =	swait.ge [sflag:s4], $0x1400  }
0x1a: {  	[sflag:s4] =	ssyncset.done $0x0  }
0x1b: {  	s11 =	simm.s32 $0x100;
	[sflag:s4] =	ssyncadd.s32 $0xFFFFEC00  }
0x1c: {  	[tilespmem:s7], [sflag:$0x1] =	stream.indirect.gather [hbm4b:s2+s6], $0x80, s11, s6, $0xb8;
	[tilespmem:$0x1600] =	vst v63  }
0x1d: {  	_ =	swait.ge [sflag:s4], $0x1400  }
0x1e: {  	[sflag:s4] =	ssyncset.done $0x0  }
0x1f: {  	s14 =	ssub.s32 $0x2, s13;
	s12 =	sadd.s32 $0x500, s8;
	[sflag:s4] =	ssyncadd.s32 $0xFFFFEC00  }
0x20: {  	[hbm4b:s12+s3] =	stream.linear.scatter [tilespmem:s7], [sflag:$0x1], $0x1400, $0x38;
	[tilespmem:$0x1600] =	vst v63  }
0x21: {  	s15 =	sshrl.u32 s14, $0x1;
	_ =	swait.ge [sflag:s4], $0x1400  }
0x22: {  	s14 =	ssub.s32 s14, s15;
	[sflag:s4] =	ssyncset.done $0x0  }
0x23: {  	s13 =	simm.s32 $0x180;
	s15 =	smax.u32 s14, $0x1;
	[sflag:s4] =	ssyncadd.s32 $0xFFFFEC00  }
0x24: {  	[tilespmem:s7], [sflag:$0x1] =	stream.indirect.gather [hbm4b:s2+s6], $0x80, s13, s6, $0xb8;
	[tilespmem:$0x1600] =	vst v63  }
0x25: {  	p0 =	sne.s32 s15, $0x1;
	_ =	swait.ge [sflag:s4], $0x1400  }
.Ltmp0:
0x26: {  	[sflag:s4] =	ssyncset.done $0x0;
	(pc) =	sbr.rel @!p0 .LBB2_2-.Ltmp0, $4  }
0x27: {  	s14 =	sadd.s32 $0x780, s8;
	[sflag:s4] =	ssyncadd.s32 $0xFFFFEC00  }
0x28: {  	[hbm4b:s14+s3] =	stream.linear.scatter [tilespmem:s7], [sflag:$0x1], $0x1400, $0x38;
	[tilespmem:$0x1600] =	vst v63  }
0x29: {  	_ =	swait.ge [sflag:s4], $0x1400  }
0x2a: {  	s15 =	sadd.s32 $0xFFFFFFFF, s15;
	[sflag:s4] =	ssyncset.done $0x0  }
.LBB2_1:
0x2b: {  	p0 =	sne.s32 s15, $0x1;
	s15 =	sadd.s32 $0xFFFFFFFF, s15;
	[sflag:s4] =	ssyncadd.s32 $0xFFFFEC00  }
0x2c: {  	[tilespmem:s3], [sflag:$0x1] =	stream.linear.gather [hbm4b:s5+s3], $0x200, $0x38;
	[tilespmem:$0x1600] =	vst v63  }
0x2d: {  	_ =	swait.ge [sflag:s4], $0x200  }
0x2e: {  	[sflag:s4] =	ssyncset.done $0x0  }
0x2f: {  	[sflag:s4] =	ssyncadd.s32 $0xFFFFFE00  }
0x30: {  	[tilespmem:s7], [sflag:$0x1] =	stream.indirect.gather [hbm4b:s2+s6], $0x80, s3, s6, $0xb8;
	[tilespmem:$0x1600] =	vst v63  }
0x31: {  	_ =	swait.ge [sflag:s4], $0x1400  }
0x32: {  	[sflag:s4] =	ssyncset.done $0x0  }
0x33: {  	[sflag:s4] =	ssyncadd.s32 $0xFFFFEC00  }
0x34: {  	[hbm4b:s8+s3] =	stream.linear.scatter [tilespmem:s7], [sflag:$0x1], $0x1400, $0x38;
	[tilespmem:$0x1600] =	vst v63  }
0x35: {  	_ =	swait.ge [sflag:s4], $0x1400  }
0x36: {  	[sflag:s4] =	ssyncset.done $0x0  }
0x37: {  	[sflag:s4] =	ssyncadd.s32 $0xFFFFEC00  }
0x38: {  	[tilespmem:s7], [sflag:$0x1] =	stream.indirect.gather [hbm4b:s2+s6], $0x80, s9, s6, $0xb8;
	[tilespmem:$0x1600] =	vst v63  }
0x39: {  	_ =	swait.ge [sflag:s4], $0x1400  }
0x3a: {  	[sflag:s4] =	ssyncset.done $0x0  }
0x3b: {  	[sflag:s4] =	ssyncadd.s32 $0xFFFFEC00  }
0x3c: {  	[hbm4b:s10+s3] =	stream.linear.scatter [tilespmem:s7], [sflag:$0x1], $0x1400, $0x38;
	[tilespmem:$0x1600] =	vst v63  }
0x3d: {  	_ =	swait.ge [sflag:s4], $0x1400  }
0x3e: {  	[sflag:s4] =	ssyncset.done $0x0  }
0x3f: {  	[sflag:s4] =	ssyncadd.s32 $0xFFFFEC00  }
0x40: {  	[tilespmem:s7], [sflag:$0x1] =	stream.indirect.gather [hbm4b:s2+s6], $0x80, s11, s6, $0xb8;
	[tilespmem:$0x1600] =	vst v63  }
0x41: {  	_ =	swait.ge [sflag:s4], $0x1400  }
0x42: {  	[sflag:s4] =	ssyncset.done $0x0  }
0x43: {  	[sflag:s4] =	ssyncadd.s32 $0xFFFFEC00  }
0x44: {  	[hbm4b:s12+s3] =	stream.linear.scatter [tilespmem:s7], [sflag:$0x1], $0x1400, $0x38;
	[tilespmem:$0x1600] =	vst v63  }
0x45: {  	_ =	swait.ge [sflag:s4], $0x1400  }
0x46: {  	[sflag:s4] =	ssyncset.done $0x0  }
0x47: {  	[sflag:s4] =	ssyncadd.s32 $0xFFFFEC00  }
0x48: {  	[tilespmem:s7], [sflag:$0x1] =	stream.indirect.gather [hbm4b:s2+s6], $0x80, s13, s6, $0xb8;
	[tilespmem:$0x1600] =	vst v63  }
0x49: {  	_ =	swait.ge [sflag:s4], $0x1400  }
.Ltmp1:
0x4a: {  	[sflag:s4] =	ssyncset.done $0x0;
	(pc) =	sbr.rel @p0 .LBB2_1-.Ltmp1, $4  }
0x4b: {  	[sflag:s4] =	ssyncadd.s32 $0xFFFFEC00  }
0x4c: {  	[hbm4b:s14+s3] =	stream.linear.scatter [tilespmem:s7], [sflag:$0x1], $0x1400, $0x38;
	[tilespmem:$0x1600] =	vst v63  }
0x4d: {  	_ =	swait.ge [sflag:s4], $0x1400  }
0x4e: {  	[sflag:s4] =	ssyncset.done $0x0  }
.LBB2_2:
0x4f: {  	[sflag:s4] =	ssyncadd.s32 $0xFFFFEC00  }
0x50: {  	_ =	sfence.sel $0x180000  }
0x51: {  	[bflag:$0x0] =	sbarrier.arrive $0xFFFF  }
0x52: {  	p0 =	sne.s32 s0, $0x0;
	_ =	strace $0x9000005F  }
0x53: {  	s0 =	sadd.s32 @!p0 $0x100000, s1;
	[bflag:$0x2] =	sbarrier.arrive $0xFFFF  }
0x54: {  	[sflag:s0] =	ssyncadd.tile.s32 @!p0 $0x1;
	_ =	shalt  }
.Lfunc_end2:
_tile_overlayer_lowered:
.L_overlay_start_2:
0x55: {  	(tag) =	ssettag $0x2  }
0x56: {  	s0 =	rddreg [dreg:$0x0];
	s2 =	stileid.u32  }
0x57: {  	s1 =	rddreg [dreg:$0x1];
	p0 =	sne.s32 s2, $0x0  }
0x58: {  	s3 =	rddreg [dreg:$0x2];
	[bflag:$0x3] =	sbarrier.arrive $0xFFFF;
	s2 =	simm.s32 @!p0 $0x1C01  }
0x59: {  	[timem:s3], [sflag:s2] =	dma.local @!p0 [hbm:s0], s1  }
0x5a: {  	s0 =	simm.s32 @!p0 $0x1  }
0x5b: {  	_ =	swait.ge @!p0 [sflag:s0], s1  }
0x5c: {  	s1 =	ssub.s32 @!p0 $0x0, s1;
	[sflag:s0] =	ssyncset.done @!p0 $0x0  }
0x5d: {  	[sflag:s0] =	ssyncadd.s32 @!p0 s1  }
0x5e: {  	[bflag:$0x3] =	sbarrier.arrive $0xFFFF  }
0x5f: {  	_ =	shalt  }

// kernel: kernel.6.cloned.1.call-start
scs
__scs_entry_jumppad:
0x0: {  	(pc) =	sbr.rel $0x88, $3  }
0x1: {  	(tag) =	ssettag $0x0;
	lr =	simm.s32 $0x1  }
0x2: {  	[smem:$0x3F93] =	sst lr;
	_ =	strace $0xD0000000  }
0x3: {  	_ = 	snop  }
0x4: {  	_ = 	snop  }
0x5: {  	_ = 	snop  }
0x6: {  	_ = 	snop  }
0x7: {  	_ = 	snop  }
__scs_overlays_trampoline_lowered:
0x8: {  	[smem:$0x3FA2] =	sst s0  }
0x9: {  	[smem:$0x3FA3] =	sst s1  }
0xa: {  	[smem:$0x3FA4] =	sst s2  }
0xb: {  	[smem:$0x3FA5] =	sst s3  }
0xc: {  	[smem:$0x3FA6] =	sst s4  }
0xd: {  	[smem:$0x3FA7] =	sst s5  }
0xe: {  	[smem:$0x3FA8] =	sst s6  }
0xf: {  	[smem:$0x3FA9] =	sst s7  }
0x10: {  	[smem:$0x3FAA] =	sst s8  }
0x11: {  	[smem:$0x3FAB] =	sst s9;
	s0 =	simm.s32 @!p0 $0x0  }
0x12: {  	s1 =	sld [smem:$0x3F91];
	s0 =	simm.s32 @p0 $0x1  }
0x13: {  	[smem:$0x3FAC] =	sst s0;
	s0 =	simm.s32 @!p1 $0x0  }
0x14: {  	s2 =	sld [smem:$0x3F90];
	s0 =	simm.s32 @p1 $0x1  }
0x15: {  	[smem:$0x3FAD] =	sst s0;
	s0 =	simm.s32 @!p2 $0x0  }
0x16: {  	s3 =	sld [smem:$0x3FDB];
	s0 =	simm.s32 @p2 $0x1  }
0x17: {  	s4 =	simm.s32 $0x1BF5;
	[smem:$0x3FAF] =	sst s0  }
0x18: {  	s0 =	sld [smem:$0x3F92];
	_ =	swait.ge [sflag:s4], $0x0  }
0x19: {  	s7 =	sld [smem:$0x3F93]  }
0x1a: {  	s8 =	sadd.s32 $0xFFFFE003, lr  }
0x1b: {  	s9 =	sadd.s32 $0xFFFFFEF7, lr;
	s5 =	simm.s32 $0xFFFFFFFF;
	p2 =	slt.u32 s8, $0xFFFFF086  }
0x1c: {  	p1 =	slt.u32 s9, $0xF7A;
	s5 =	simm.s32 @!p2 $0x0  }
0x1d: {  	s5 =	simm.s32 @p1 $0x1;
	p0 =	seq.s32 s7, s2  }
0x1e: {  	s7 =	smul.u32 @!p0 $0xF7A, s2;
	p2 =	seq.s32 @!p0 s5, $0x0  }
0x1f: {  	s9 =	smul.u32 $0xF7A, s1;
	s8 =	simm.s32 @!p0 $0x1BF5;
	p2 =	por !p2, p0  }
0x20: {  	[sflag:s8] =	ssyncset.s32 @!p0 $0xFFFFF086;
	s6 =	sadd.s32 @!p0 s3, s7;
	s7 =	simm.s32 @!p0 $0x108  }
0x21: {  	s3 =	sadd.s32 s3, s9;
	s6 =	sadd.s32 @!p0 $0x88, s6;
	s7 =	simm.s32 @p2 $0x1082  }
0x22: {  	[simem:s7], [sflag:s8] =	dma.local @!p0 [hbm:s6], $0xF7A  }
0x23: {  	s9 =	sor.u32 $0xD0000000, s2;
	s6 =	simm.s32 $0x108;
	_ =	swait.ge @!p0 [sflag:s8], $0x0  }
0x24: {  	s3 =	sadd.s32 $0x88, s3;
	s6 =	simm.s32 @!p1 $0x1082;
	[sflag:s4] =	ssyncset.s32 $0xFFFFF086  }
0x25: {  	[simem:s6], [sflag:s4] =	dma.local [hbm:s3], $0xF7A  }
0x26: {  	[smem:$0x3F93] =	sst s1;
	(tag) =	ssettag s2;
	_ =	strace s9  }
0x27: {  	s1 =	sld [smem:$0x3FA3]  }
0x28: {  	s2 =	sld [smem:$0x3FA4]  }
0x29: {  	s4 =	sld [smem:$0x3FA6]  }
0x2a: {  	p0 =	seq.s32 s5, $0x0;
	s5 =	sld [smem:$0x3FA7]  }
0x2b: {  	s6 =	sld [smem:$0x3FA8]  }
0x2c: {  	s7 =	sld [smem:$0x3FA9]  }
0x2d: {  	s3 =	simm.s32 $0x108;
	s8 =	sld [smem:$0x3FAA]  }
0x2e: {  	s3 =	simm.s32 @!p0 $0x1082;
	s9 =	sld [smem:$0x3FAB]  }
0x2f: {  	lr =	sadd.s32 s0, s3;
	s0 =	sld [smem:$0x3FA2]  }
0x30: {  	s3 =	sld [smem:$0x3FA5]  }
0x31: {  	[smem:$0x3FAE] =	sst s10  }
0x32: {  	s10 =	sld [smem:$0x3FAC];
	_ =	sdelay $0x3  }
0x33: {  	p0 =	seq.s32 s10, $0x1;
	s10 =	sld [smem:$0x3FAE];
	_ =	sdelay $0x3  }
0x34: {  	[smem:$0x3FAE] =	sst s10  }
0x35: {  	s10 =	sld [smem:$0x3FAD];
	_ =	sdelay $0x3  }
0x36: {  	p1 =	seq.s32 s10, $0x1;
	s10 =	sld [smem:$0x3FAE];
	_ =	sdelay $0x3  }
0x37: {  	[smem:$0x3FAE] =	sst s10  }
0x38: {  	s10 =	sld [smem:$0x3FAF]  }
0x39: {  	_ = 	snop;
	(pc) =	sbr.ind lr, $3  }
0x3a: {  	_ = 	snop  }
0x3b: {  	_ = 	snop  }
0x3c: {  	p2 =	seq.s32 s10, $0x1;
	s10 =	sld [smem:$0x3FAE]  }
0x3d: {  	_ =	shalt  }
0x3e: {  	_ =	shalt  }
0x3f: {  	_ =	shalt  }
0x40: {  	_ =	shalt  }
0x41: {  	_ =	shalt  }
0x42: {  	_ =	shalt  }
0x43: {  	_ =	shalt  }
0x44: {  	_ =	shalt  }
0x45: {  	_ =	shalt  }
0x46: {  	_ =	shalt  }
0x47: {  	_ =	shalt  }
0x48: {  	_ =	shalt  }
0x49: {  	_ =	shalt  }
0x4a: {  	_ =	shalt  }
0x4b: {  	_ =	shalt  }
0x4c: {  	_ =	shalt  }
0x4d: {  	_ =	shalt  }
0x4e: {  	_ =	shalt  }
0x4f: {  	_ =	shalt  }
0x50: {  	_ =	shalt  }
0x51: {  	_ =	shalt  }
0x52: {  	_ =	shalt  }
0x53: {  	_ =	shalt  }
0x54: {  	_ =	shalt  }
0x55: {  	_ =	shalt  }
0x56: {  	_ =	shalt  }
0x57: {  	_ =	shalt  }
0x58: {  	_ =	shalt  }
0x59: {  	_ =	shalt  }
0x5a: {  	_ =	shalt  }
0x5b: {  	_ =	shalt  }
0x5c: {  	_ =	shalt  }
0x5d: {  	_ =	shalt  }
0x5e: {  	_ =	shalt  }
0x5f: {  	_ =	shalt  }
0x60: {  	_ =	shalt  }
0x61: {  	_ =	shalt  }
0x62: {  	_ =	shalt  }
0x63: {  	_ =	shalt  }
0x64: {  	_ =	shalt  }
0x65: {  	_ =	shalt  }
0x66: {  	_ =	shalt  }
0x67: {  	_ =	shalt  }
0x68: {  	_ =	shalt  }
0x69: {  	_ =	shalt  }
0x6a: {  	_ =	shalt  }
0x6b: {  	_ =	shalt  }
0x6c: {  	_ =	shalt  }
0x6d: {  	_ =	shalt  }
0x6e: {  	_ =	shalt  }
0x6f: {  	_ =	shalt  }
0x70: {  	_ =	shalt  }
0x71: {  	_ =	shalt  }
0x72: {  	_ =	shalt  }
0x73: {  	_ =	shalt  }
0x74: {  	_ =	shalt  }
0x75: {  	_ =	shalt  }
0x76: {  	_ =	shalt  }
0x77: {  	_ =	shalt  }
0x78: {  	_ =	shalt  }
0x79: {  	_ =	shalt  }
0x7a: {  	_ =	shalt  }
0x7b: {  	_ =	shalt  }
0x7c: {  	_ =	shalt  }
0x7d: {  	_ =	shalt  }
0x7e: {  	_ =	shalt  }
0x7f: {  	_ =	shalt  }
0x80: {  	_ =	shalt  }
0x81: {  	_ =	shalt  }
0x82: {  	_ =	shalt  }
0x83: {  	_ =	shalt  }
0x84: {  	_ =	shalt  }
0x85: {  	_ =	shalt  }
0x86: {  	_ =	shalt  }
0x87: {  	_ =	shalt  }
.Lfunc_end0:
.L_simem_size_0:
called_computation.6_lowered:
.L_overlay_start_0:
0x88: {  	s2 =	sld [smem:$0x3FD9]  }
0x89: {  	s3 =	sld [smem:$0x3FFE];
	_ =	sdelay $0x1  }
0x8a: {  	s1 =	srdreg.scid  }
0x8b: {  	s0 =	sand.u32 $0x1, s1  }
0x8c: {  	s17 =	sshll.u32 s0, $0xA;
	s2 =	sadd.s32 s3, s2  }
0x8d: {  	s2 =	sadd.s32 s2, s17  }
0x8e: {  	[smem:$0x3FBA] =	sst s2  }
0x8f: {  	_ = 	snop  }
0x90: {  	s2 =	sld [smem:$0x3FD0];
	_ =	sdelay $0x1  }
0x91: {  	s18 =	sld [smem:$0x3FC9]  }
0x92: {  	s5 =	simm.s32 $0x10;
	s4 =	sld [smem:$0x3FC8]  }
0x93: {  	[smem:s5], [sflag:s5] =	dma.local [hbm:s2], $0x1  }
0x94: {  	_ =	swait.eq [sflag:s5], $0x1  }
0x95: {  	[sflag:s5] =	ssyncset.done $0x0  }
0x96: {  	[sflag:s5] =	ssyncadd.s32 $0xFFFFFFFF  }
0x97: {  	s5 =	sld [smem:$0x11]  }
0x98: {  	s6 =	sld [smem:$0x15];
	(tm) =	ssettm $0x1  }
0x99: {  	s19 =	sld [smem:$0x3FFB];
	_ =	sdelay $0x3  }
0x9a: {  	_ =	strace s19  }
0x9b: {  	s2 =	sld [smem:$0x3FFC];
	_ =	sdelay $0x3  }
0x9c: {  	_ =	strace s2  }
0x9d: {  	s2 =	sld [smem:$0x3FFD];
	_ =	sdelay $0x3  }
0x9e: {  	_ =	strace s2  }
0x9f: {  	_ =	strace $0x8FFFFFFF  }
0xa0: {  	s20 =	sld [smem:$0x3FDB];
	_ =	sdelay $0x1  }
0xa1: {  	s7 =	simm.s32 $_scs_section_size  }
0xa2: {  	s8 =	simm.s32 $_size__tile_overlayer_lowered;
	s9 =	simm.s32 $_tile_overlayer_lowered  }
0xa3: {  	s10 =	simm.s32 $0x1BFF;
	s21 =	sshll.u32 s9, $0x1;
	s7 =	sadd.s32 s7, s20  }
0xa4: {  	s22 =	simm.s32 $0x0;
	s8 =	sshll.u32 s8, $0x1;
	s9 =	sadd.s32 s21, s7  }
0xa5: {  	[timem:s22], [sflag:s10] =	dma.local [hbm:s9], s8  }
0xa6: {  	_ =	swait.ge [sflag:s10], s8  }
0xa7: {  	s8 =	ssub.s32 $0x0, s8;
	[sflag:s10] =	ssyncset.done $0x0  }
0xa8: {  	[sflag:s10] =	ssyncadd.s32 s8;
	_ =	sdelay $0x1  }
0xa9: {  	s23 =	simm.s32 $0x1B8B  }
0xaa: {  	_ =	swait.ge [sflag:s23], $0x1  }
0xab: {  	[sflag:s23] =	ssyncset.done $0x0  }
0xac: {  	[sflag:s23] =	ssyncadd.s32 $0xFFFFFFFF  }
0xad: {  	s8 =	sld [smem:$0x0]  }
0xae: {  	s9 =	sand.u32 $0xFFFFFFFE, s1  }
0xaf: {  	p0 =	sne.s32 s1, s9  }
0xb0: {  	s9 =	sshll.u32 @p0 s9, $0xE  }
0xb1: {  	s9 =	sadd.s32 @p0 $0x11B8D, s9;
	s10 =	sshll.u32 @p0 s8, $0x11  }
0xb2: {  	s9 =	sor.u32 @p0 s10, s9  }
0xb3: {  	[sflag:s9] =	ssyncadd.remote.s32 @p0 $0x1;
	_ =	sdelay $0x1  }
0xb4: {  	s9 =	simm.s32 @p0 $0x1B8D  }
0xb5: {  	_ =	swait.eq @p0 [sflag:s9], $0x1  }
0xb6: {  	[sflag:s9] =	ssyncadd.s32 @p0 $0xFFFFFFFF  }
0xb7: {  	s10 =	sshll.u32 @!p0 s1, $0xE  }
0xb8: {  	s10 =	sor.u32 @!p0 $0x4000, s10;
	s9 =	simm.s32 @!p0 $0x1B8D  }
0xb9: {  	s8 =	sshll.u32 @!p0 s8, $0x11;
	s10 =	sadd.s32 @!p0 $0x11B8D, s10;
	_ =	swait.eq @!p0 [sflag:s9], $0x1  }
0xba: {  	s8 =	sor.u32 @!p0 s8, s10;
	[sflag:s9] =	ssyncadd.s32 @!p0 $0xFFFFFFFF  }
0xbb: {  	s25 =	simm.s32 $0x1B8E;
	s24 =	sld [smem:$0x3FFE];
	[sflag:s8] =	ssyncadd.remote.s32 @!p0 $0x1  }
0xbc: {  	s26 =	simm.s32 $execute0_lowered;
	[smem:$0x3FD2] =	sst s25  }
0xbd: {  	s9 =	sshll.u32 s26, $0x1;
	_ =	strace $0x80000058;
	[dreg:$0x1] =	wrdreg $0xFFFFFFFF  }
0xbe: {  	s28 =	simm.s32 $_size_execute0_lowered;
	s7 =	sadd.s32 s7, s9;
	[dreg:$0x0] =	wrdreg $0x0  }
0xbf: {  	s9 =	sshll.u32 s28, $0x1;
	[dreg:$0x2] =	wrdreg s7  }
0xc0: {  	[dreg:$0x3] =	wrdreg s9  }
0xc1: {  	[dreg:$0x4] =	wrdreg $0xC0  }
0xc2: {  	_ =	task [dreg:s22], $0x5FFFF  }
0xc3: {  	[dreg:$0x1] =	wrdreg $0xFFFFFFFF  }
0xc4: {  	[dreg:$0x0] =	wrdreg $0x60  }
0xc5: {  	[dreg:$0x2] =	wrdreg s18  }
0xc6: {  	[dreg:$0x3] =	wrdreg s4  }
0xc7: {  	[dreg:$0x4] =	wrdreg s24  }
0xc8: {  	[dreg:$0x5] =	wrdreg s6  }
0xc9: {  	[dreg:$0x6] =	wrdreg s5  }
0xca: {  	[dreg:$0x7] =	wrdreg $0xF  }
0xcb: {  	_ =	task.clear_ibuf [dreg:s22], $0x8FFFF;
	_ =	strace $0x90000058  }
0xcc: {  	s29 =	simm.s32 $0xF;
	_ =	strace $0x8000005A  }
0xcd: {  	_ =	swait.ge [sflag:s29], $0x1  }
0xce: {  	[sflag:s29] =	ssyncadd.s32 $0xFFFFFFFF  }
0xcf: {  	_ =	strace $0x9000005A  }
0xd0: {  	_ =	sfence  }
0xd1: {  	s30 =	sld [smem:$0x0];
	_ =	sdelay $0x2  }
0xd2: {  	s31 =	sshll.u32 s1, $0xD;
	s1 =	sshrl.u32 s1, $0x2  }
0xd3: {  	s4 =	sand.u32 $0x4000, s31;
	s1 =	sadd.s32 s1, s30  }
0xd4: {  	s0 =	sor.u32 s4, s0;
	s1 =	sshll.u32 s1, $0x11  }
0xd5: {  	s0 =	sor.u32 s1, s0  }
0xd6: {  	s0 =	sadd.s32 $0x8F2B, s0  }
0xd7: {  	[sflag:s0] =	ssyncadd.remote.s32 $0x1  }
0xd8: {  	_ =	sfence.sel $0xFFFF  }
0xd9: {  	[dreg:$0x0] =	wrdreg $0xFFFFFFFF;
	(pc) =	sbr.abs _section_cstart, $3  }
0xda: {  	[dreg:$0x1] =	wrdreg $0xFFFFFFFF  }
0xdb: {  	_ =	task.clear_ibuf [dreg:s22], $0x2FFFF;
	_ =	strace $0x9FFFFFFF  }
0xdc: {  	(tm) =	ssettm $0x7FFFFFFF  }
0xdd: {  	_ =	shalt  }
tec
execute0_lowered:
.L_overlay_start_1:
0x0: {  	(tag) =	ssettag $0x1  }
0x1: {  	s0 =	rddreg [dreg:$0x0];
	s1 =	srdreg.scid  }
0x2: {  	s2 =	rddreg [dreg:$0x1];
	s26 =	sand.u32 $0x1, s1  }
0x3: {  	s29 =	rddreg [dreg:$0x2];
	s1 =	stileid.u32;
	s3 =	sshll.u32 s26, $0x4  }
0x4: {  	s25 =	rddreg [dreg:$0x3];
	s23 =	sor.u32 s1, s3  }
0x5: {  	s24 =	rddreg [dreg:$0x4];
	s4 =	simm.s32 $0x0;
	s5 =	sshll.u32 s23, $0x7  }
0x6: {  	[smem:$0x7FF] =	sst s4;
	s30 =	sadd.s32 s5, s29  }
0x7: {  	_ =	strace $0x80000059;
	s5 =	simm.s32 $0x1;
	s6 =	sadd.s32 $0x4400, s30  }
0x8: {  	[tilespmem:s4], [sflag:$0x1] =	stream.linear.gather [hbm4b:s6+s4], $0x400, $0x38;
	[tilespmem:$0x1C80] =	vst v63  }
0x9: {  	_ =	swait.ge [sflag:s5], $0x400  }
0xa: {  	s7 =	simm.s32 $0x28;
	[sflag:s5] =	ssyncset.done $0x0  }
0xb: {  	s8 =	simm.s32 $0x400;
	s9 =	smul.u32 $0x1400, s23;
	[sflag:s5] =	ssyncadd.s32 $0xFFFFFC00  }
0xc: {  	[tilespmem:s8], [sflag:$0x1] =	stream.indirect.gather [hbm4b:s0+s7], $0x80, s4, s7, $0xb8;
	[tilespmem:$0x1C80] =	vst v63  }
0xd: {  	_ =	swait.ge [sflag:s5], $0x1400  }
0xe: {  	s28 =	sadd.s32 s9, s29;
	[sflag:s5] =	ssyncset.done $0x0  }
0xf: {  	s9 =	sadd.s32 $0x73400, s28;
	[sflag:s5] =	ssyncadd.s32 $0xFFFFEC00  }
0x10: {  	[hbm4b:s9+s4] =	stream.linear.scatter [tilespmem:s8], [sflag:$0x1], $0x1400, $0x38;
	[tilespmem:$0x1C80] =	vst v63  }
0x11: {  	_ =	swait.ge [sflag:s5], $0x1400  }
0x12: {  	[sflag:s5] =	ssyncset.done $0x0  }
0x13: {  	s10 =	simm.s32 $0x80;
	[sflag:s5] =	ssyncadd.s32 $0xFFFFEC00  }
0x14: {  	[tilespmem:s8], [sflag:$0x1] =	stream.indirect.gather [hbm4b:s0+s7], $0x80, s10, s7, $0xb8;
	[tilespmem:$0x1C80] =	vst v63  }
0x15: {  	_ =	swait.ge [sflag:s5], $0x1400  }
0x16: {  	[sflag:s5] =	ssyncset.done $0x0  }
0x17: {  	s11 =	sadd.s32 $0x73680, s28;
	[sflag:s5] =	ssyncadd.s32 $0xFFFFEC00  }
0x18: {  	[hbm4b:s11+s4] =	stream.linear.scatter [tilespmem:s8], [sflag:$0x1], $0x1400, $0x38;
	[tilespmem:$0x1C80] =	vst v63  }
0x19: {  	_ =	swait.ge [sflag:s5], $0x1400  }
0x1a: {  	[sflag:s5] =	ssyncset.done $0x0  }
0x1b: {  	s12 =	simm.s32 $0x100;
	[sflag:s5] =	ssyncadd.s32 $0xFFFFEC00  }
0x1c: {  	[tilespmem:s8], [sflag:$0x1] =	stream.indirect.gather [hbm4b:s0+s7], $0x80, s12, s7, $0xb8;
	[tilespmem:$0x1C80] =	vst v63  }
0x1d: {  	_ =	swait.ge [sflag:s5], $0x1400  }
0x1e: {  	[sflag:s5] =	ssyncset.done $0x0  }
0x1f: {  	s13 =	sadd.s32 $0x73900, s28;
	[sflag:s5] =	ssyncadd.s32 $0xFFFFEC00  }
0x20: {  	[hbm4b:s13+s4] =	stream.linear.scatter [tilespmem:s8], [sflag:$0x1], $0x1400, $0x38;
	[tilespmem:$0x1C80] =	vst v63  }
0x21: {  	_ =	swait.ge [sflag:s5], $0x1400  }
0x22: {  	[sflag:s5] =	ssyncset.done $0x0  }
0x23: {  	s14 =	simm.s32 $0x180;
	[sflag:s5] =	ssyncadd.s32 $0xFFFFEC00  }
0x24: {  	[tilespmem:s8], [sflag:$0x1] =	stream.indirect.gather [hbm4b:s0+s7], $0x80, s14, s7, $0xb8;
	[tilespmem:$0x1C80] =	vst v63  }
0x25: {  	_ =	swait.ge [sflag:s5], $0x1400  }
0x26: {  	[sflag:s5] =	ssyncset.done $0x0  }
0x27: {  	s15 =	sadd.s32 $0x73B80, s28;
	[sflag:s5] =	ssyncadd.s32 $0xFFFFEC00  }
0x28: {  	[hbm4b:s15+s4] =	stream.linear.scatter [tilespmem:s8], [sflag:$0x1], $0x1400, $0x38;
	[tilespmem:$0x1C80] =	vst v63  }
0x29: {  	_ =	swait.ge [sflag:s5], $0x1400  }
0x2a: {  	[sflag:s5] =	ssyncset.done $0x0  }
0x2b: {  	s16 =	simm.s32 $0x200;
	[sflag:s5] =	ssyncadd.s32 $0xFFFFEC00  }
0x2c: {  	[tilespmem:s8], [sflag:$0x1] =	stream.indirect.gather [hbm4b:s0+s7], $0x80, s16, s7, $0xb8;
	[tilespmem:$0x1C80] =	vst v63  }
0x2d: {  	_ =	swait.ge [sflag:s5], $0x1400  }
0x2e: {  	[sflag:s5] =	ssyncset.done $0x0  }
0x2f: {  	s17 =	sadd.s32 $0x73E00, s28;
	[sflag:s5] =	ssyncadd.s32 $0xFFFFEC00  }
0x30: {  	[hbm4b:s17+s4] =	stream.linear.scatter [tilespmem:s8], [sflag:$0x1], $0x1400, $0x38;
	[tilespmem:$0x1C80] =	vst v63  }
0x31: {  	_ =	swait.ge [sflag:s5], $0x1400  }
0x32: {  	[sflag:s5] =	ssyncset.done $0x0  }
0x33: {  	s18 =	simm.s32 $0x280;
	[sflag:s5] =	ssyncadd.s32 $0xFFFFEC00  }
0x34: {  	[tilespmem:s8], [sflag:$0x1] =	stream.indirect.gather [hbm4b:s0+s7], $0x80, s18, s7, $0xb8;
	[tilespmem:$0x1C80] =	vst v63  }
0x35: {  	_ =	swait.ge [sflag:s5], $0x1400  }
0x36: {  	[sflag:s5] =	ssyncset.done $0x0  }
0x37: {  	s19 =	sadd.s32 $0x74080, s28;
	[sflag:s5] =	ssyncadd.s32 $0xFFFFEC00  }
0x38: {  	[hbm4b:s19+s4] =	stream.linear.scatter [tilespmem:s8], [sflag:$0x1], $0x1400, $0x38;
	[tilespmem:$0x1C80] =	vst v63  }
0x39: {  	_ =	swait.ge [sflag:s5], $0x1400  }
0x3a: {  	[sflag:s5] =	ssyncset.done $0x0  }
0x3b: {  	s20 =	simm.s32 $0x300;
	[sflag:s5] =	ssyncadd.s32 $0xFFFFEC00  }
0x3c: {  	[tilespmem:s8], [sflag:$0x1] =	stream.indirect.gather [hbm4b:s0+s7], $0x80, s20, s7, $0xb8;
	[tilespmem:$0x1C80] =	vst v63  }
0x3d: {  	_ =	swait.ge [sflag:s5], $0x1400  }
0x3e: {  	[sflag:s5] =	ssyncset.done $0x0  }
0x3f: {  	s21 =	sadd.s32 $0x74300, s28;
	[sflag:s5] =	ssyncadd.s32 $0xFFFFEC00  }
0x40: {  	[hbm4b:s21+s4] =	stream.linear.scatter [tilespmem:s8], [sflag:$0x1], $0x1400, $0x38;
	[tilespmem:$0x1C80] =	vst v63  }
0x41: {  	_ =	swait.ge [sflag:s5], $0x1400  }
0x42: {  	s22 =	simm.s32 $0x380;
	[sflag:s5] =	ssyncset.done $0x0  }
0x43: {  	p0 =	seq.s32 s26, $0x0;
	s3 =	ssub.s32 $0x2, s26;
	[sflag:s5] =	ssyncadd.s32 $0xFFFFEC00  }
0x44: {  	[tilespmem:s8], [sflag:$0x1] =	stream.indirect.gather [hbm4b:s0+s7], $0x80, s22, s7, $0xb8;
	[tilespmem:$0x1C80] =	vst v63  }
0x45: {  	s2 =	smov.u32 @p0 s0;
	s26 =	simm.s32 $0x8;
	_ =	swait.ge [sflag:s5], $0x1400  }
0x46: {  	s31 =	sadd.s32 $0xFFFFFFF0, s23;
	s23 =	sadd.s32 $0x74580, s28;
	[sflag:s5] =	ssyncset.done $0x0  }
0x47: {  	s28 =	sshll.u32 s31, $0x4;
	s31 =	sshll.u32 s31, $0x7;
	[sflag:s5] =	ssyncadd.s32 $0xFFFFEC00  }
0x48: {  	[hbm4b:s23+s4] =	stream.linear.scatter [tilespmem:s8], [sflag:$0x1], $0x1400, $0x38;
	[tilespmem:$0x1C80] =	vst v63  }
0x49: {  	s24 =	sadd.s32 s24, s28;
	s28 =	sshll.u32 s1, $0x4;
	_ =	swait.ge [sflag:s5], $0x1400  }
0x4a: {  	s1 =	sshrl.u32 s3, $0x1;
	s25 =	sadd.s32 s25, s28;
	[sflag:s5] =	ssyncset.done $0x0  }
0x4b: {  	s24 =	smov.u32 @p0 s25;
	s25 =	simm.s32 $0x1800;
	[sflag:s5] =	ssyncadd.s32 $0xFFFFEC00  }
0x4c: {  	[tilespmem:s25], [sflag:$0x1] =	stream.linear.gather [hbm4b:s24+s4], $0x80, $0x38;
	[tilespmem:$0x1C80] =	vst v63  }
0x4d: {  	s29 =	sadd.s32 s31, s29;
	s28 =	simm.s32 $0x1880;
	_ =	swait.ge [sflag:s5], $0x80  }
0x4e: {  	s1 =	ssub.s32 s3, s1;
	s29 =	sadd.s32 $0x9BC00, s29;
	[sflag:s5] =	ssyncset.done $0x0  }
0x4f: {  	s3 =	sadd.s32 $0x9B400, s30;
	s1 =	smax.u32 s1, $0x1;
	[sflag:s5] =	ssyncadd.s32 $0xFFFFFF80  }
0x50: {  	[tilespmem:s28], [sflag:$0x1] =	stream.indirect.gather [hbm4b:s2+s26], $0x80, s25, s26, $0xb8;
	[tilespmem:$0x1C80] =	vst v63  }
0x51: {  	s29 =	smov.u32 @p0 s3;
	p0 =	sne.s32 s1, $0x1;
	_ =	swait.ge [sflag:s5], $0x400  }
.Ltmp0:
0x52: {  	[sflag:s5] =	ssyncset.done $0x0;
	(pc) =	sbr.rel @!p0 .LBB2_2-.Ltmp0, $4  }
0x53: {  	[sflag:s5] =	ssyncadd.s32 $0xFFFFFC00  }
0x54: {  	[hbm4b:s29+s4] =	stream.linear.scatter [tilespmem:s28], [sflag:$0x1], $0x400, $0x38;
	[tilespmem:$0x1C80] =	vst v63  }
0x55: {  	_ =	swait.ge [sflag:s5], $0x400  }
0x56: {  	s30 =	sadd.s32 $0xFFFFFFFF, s1;
	[sflag:s5] =	ssyncset.done $0x0  }
.LBB2_1:
0x57: {  	p0 =	sne.s32 s30, $0x1;
	s30 =	sadd.s32 $0xFFFFFFFF, s30;
	[sflag:s5] =	ssyncadd.s32 $0xFFFFFC00  }
0x58: {  	[tilespmem:s4], [sflag:$0x1] =	stream.linear.gather [hbm4b:s6+s4], $0x400, $0x38;
	[tilespmem:$0x1C80] =	vst v63  }
0x59: {  	_ =	swait.ge [sflag:s5], $0x400  }
0x5a: {  	[sflag:s5] =	ssyncset.done $0x0  }
0x5b: {  	[sflag:s5] =	ssyncadd.s32 $0xFFFFFC00  }
0x5c: {  	[tilespmem:s8], [sflag:$0x1] =	stream.indirect.gather [hbm4b:s0+s7], $0x80, s4, s7, $0xb8;
	[tilespmem:$0x1C80] =	vst v63  }
0x5d: {  	_ =	swait.ge [sflag:s5], $0x1400  }
0x5e: {  	[sflag:s5] =	ssyncset.done $0x0  }
0x5f: {  	[sflag:s5] =	ssyncadd.s32 $0xFFFFEC00  }
0x60: {  	[hbm4b:s9+s4] =	stream.linear.scatter [tilespmem:s8], [sflag:$0x1], $0x1400, $0x38;
	[tilespmem:$0x1C80] =	vst v63  }
0x61: {  	_ =	swait.ge [sflag:s5], $0x1400  }
0x62: {  	[sflag:s5] =	ssyncset.done $0x0  }
0x63: {  	[sflag:s5] =	ssyncadd.s32 $0xFFFFEC00  }
0x64: {  	[tilespmem:s8], [sflag:$0x1] =	stream.indirect.gather [hbm4b:s0+s7], $0x80, s10, s7, $0xb8;
	[tilespmem:$0x1C80] =	vst v63  }
0x65: {  	_ =	swait.ge [sflag:s5], $0x1400  }
0x66: {  	[sflag:s5] =	ssyncset.done $0x0  }
0x67: {  	[sflag:s5] =	ssyncadd.s32 $0xFFFFEC00  }
0x68: {  	[hbm4b:s11+s4] =	stream.linear.scatter [tilespmem:s8], [sflag:$0x1], $0x1400, $0x38;
	[tilespmem:$0x1C80] =	vst v63  }
0x69: {  	_ =	swait.ge [sflag:s5], $0x1400  }
0x6a: {  	[sflag:s5] =	ssyncset.done $0x0  }
0x6b: {  	[sflag:s5] =	ssyncadd.s32 $0xFFFFEC00  }
0x6c: {  	[tilespmem:s8], [sflag:$0x1] =	stream.indirect.gather [hbm4b:s0+s7], $0x80, s12, s7, $0xb8;
	[tilespmem:$0x1C80] =	vst v63  }
0x6d: {  	_ =	swait.ge [sflag:s5], $0x1400  }
0x6e: {  	[sflag:s5] =	ssyncset.done $0x0  }
0x6f: {  	[sflag:s5] =	ssyncadd.s32 $0xFFFFEC00  }
0x70: {  	[hbm4b:s13+s4] =	stream.linear.scatter [tilespmem:s8], [sflag:$0x1], $0x1400, $0x38;
	[tilespmem:$0x1C80] =	vst v63  }
0x71: {  	_ =	swait.ge [sflag:s5], $0x1400  }
0x72: {  	[sflag:s5] =	ssyncset.done $0x0  }
0x73: {  	[sflag:s5] =	ssyncadd.s32 $0xFFFFEC00  }
0x74: {  	[tilespmem:s8], [sflag:$0x1] =	stream.indirect.gather [hbm4b:s0+s7], $0x80, s14, s7, $0xb8;
	[tilespmem:$0x1C80] =	vst v63  }
0x75: {  	_ =	swait.ge [sflag:s5], $0x1400  }
0x76: {  	[sflag:s5] =	ssyncset.done $0x0  }
0x77: {  	[sflag:s5] =	ssyncadd.s32 $0xFFFFEC00  }
0x78: {  	[hbm4b:s15+s4] =	stream.linear.scatter [tilespmem:s8], [sflag:$0x1], $0x1400, $0x38;
	[tilespmem:$0x1C80] =	vst v63  }
0x79: {  	_ =	swait.ge [sflag:s5], $0x1400  }
0x7a: {  	[sflag:s5] =	ssyncset.done $0x0  }
0x7b: {  	[sflag:s5] =	ssyncadd.s32 $0xFFFFEC00  }
0x7c: {  	[tilespmem:s8], [sflag:$0x1] =	stream.indirect.gather [hbm4b:s0+s7], $0x80, s16, s7, $0xb8;
	[tilespmem:$0x1C80] =	vst v63  }
0x7d: {  	_ =	swait.ge [sflag:s5], $0x1400  }
0x7e: {  	[sflag:s5] =	ssyncset.done $0x0  }
0x7f: {  	[sflag:s5] =	ssyncadd.s32 $0xFFFFEC00  }
0x80: {  	[hbm4b:s17+s4] =	stream.linear.scatter [tilespmem:s8], [sflag:$0x1], $0x1400, $0x38;
	[tilespmem:$0x1C80] =	vst v63  }
0x81: {  	_ =	swait.ge [sflag:s5], $0x1400  }
0x82: {  	[sflag:s5] =	ssyncset.done $0x0  }
0x83: {  	[sflag:s5] =	ssyncadd.s32 $0xFFFFEC00  }
0x84: {  	[tilespmem:s8], [sflag:$0x1] =	stream.indirect.gather [hbm4b:s0+s7], $0x80, s18, s7, $0xb8;
	[tilespmem:$0x1C80] =	vst v63  }
0x85: {  	_ =	swait.ge [sflag:s5], $0x1400  }
0x86: {  	[sflag:s5] =	ssyncset.done $0x0  }
0x87: {  	[sflag:s5] =	ssyncadd.s32 $0xFFFFEC00  }
0x88: {  	[hbm4b:s19+s4] =	stream.linear.scatter [tilespmem:s8], [sflag:$0x1], $0x1400, $0x38;
	[tilespmem:$0x1C80] =	vst v63  }
0x89: {  	_ =	swait.ge [sflag:s5], $0x1400  }
0x8a: {  	[sflag:s5] =	ssyncset.done $0x0  }
0x8b: {  	[sflag:s5] =	ssyncadd.s32 $0xFFFFEC00  }
0x8c: {  	[tilespmem:s8], [sflag:$0x1] =	stream.indirect.gather [hbm4b:s0+s7], $0x80, s20, s7, $0xb8;
	[tilespmem:$0x1C80] =	vst v63  }
0x8d: {  	_ =	swait.ge [sflag:s5], $0x1400  }
0x8e: {  	[sflag:s5] =	ssyncset.done $0x0  }
0x8f: {  	[sflag:s5] =	ssyncadd.s32 $0xFFFFEC00  }
0x90: {  	[hbm4b:s21+s4] =	stream.linear.scatter [tilespmem:s8], [sflag:$0x1], $0x1400, $0x38;
	[tilespmem:$0x1C80] =	vst v63  }
0x91: {  	_ =	swait.ge [sflag:s5], $0x1400  }
0x92: {  	[sflag:s5] =	ssyncset.done $0x0  }
0x93: {  	[sflag:s5] =	ssyncadd.s32 $0xFFFFEC00  }
0x94: {  	[tilespmem:s8], [sflag:$0x1] =	stream.indirect.gather [hbm4b:s0+s7], $0x80, s22, s7, $0xb8;
	[tilespmem:$0x1C80] =	vst v63  }
0x95: {  	_ =	swait.ge [sflag:s5], $0x1400  }
0x96: {  	[sflag:s5] =	ssyncset.done $0x0  }
0x97: {  	[sflag:s5] =	ssyncadd.s32 $0xFFFFEC00  }
0x98: {  	[hbm4b:s23+s4] =	stream.linear.scatter [tilespmem:s8], [sflag:$0x1], $0x1400, $0x38;
	[tilespmem:$0x1C80] =	vst v63  }
0x99: {  	_ =	swait.ge [sflag:s5], $0x1400  }
0x9a: {  	[sflag:s5] =	ssyncset.done $0x0  }
0x9b: {  	[sflag:s5] =	ssyncadd.s32 $0xFFFFEC00  }
0x9c: {  	[tilespmem:s25], [sflag:$0x1] =	stream.linear.gather [hbm4b:s24+s4], $0x80, $0x38;
	[tilespmem:$0x1C80] =	vst v63  }
0x9d: {  	_ =	swait.ge [sflag:s5], $0x80  }
0x9e: {  	[sflag:s5] =	ssyncset.done $0x0  }
0x9f: {  	[sflag:s5] =	ssyncadd.s32 $0xFFFFFF80  }
0xa0: {  	[tilespmem:s28], [sflag:$0x1] =	stream.indirect.gather [hbm4b:s2+s26], $0x80, s25, s26, $0xb8;
	[tilespmem:$0x1C80] =	vst v63  }
0xa1: {  	_ =	swait.ge [sflag:s5], $0x400  }
.Ltmp1:
0xa2: {  	[sflag:s5] =	ssyncset.done $0x0;
	(pc) =	sbr.rel @p0 .LBB2_1-.Ltmp1, $4  }
0xa3: {  	[sflag:s5] =	ssyncadd.s32 $0xFFFFFC00  }
0xa4: {  	[hbm4b:s29+s4] =	stream.linear.scatter [tilespmem:s28], [sflag:$0x1], $0x400, $0x38;
	[tilespmem:$0x1C80] =	vst v63  }
0xa5: {  	_ =	swait.ge [sflag:s5], $0x400  }
0xa6: {  	[sflag:s5] =	ssyncset.done $0x0  }
.LBB2_2:
0xa7: {  	[sflag:s5] =	ssyncadd.s32 $0xFFFFFC00  }
0xa8: {  	_ =	sfence.sel $0x180000  }
0xa9: {  	[bflag:$0x0] =	sbarrier.arrive $0xFFFF  }
0xaa: {  	_ =	strace $0x90000059  }
0xab: {  	s0 =	stileid.u32;
	[bflag:$0x2] =	sbarrier.arrive $0xFFFF  }
0xac: {  	p0 =	sne.s32 s0, $0x0;
	s0 =	rddreg [dreg:$0x5]  }
0xad: {  	s0 =	sadd.s32 @!p0 $0x100000, s0  }
0xae: {  	[sflag:s0] =	ssyncadd.tile.s32 @!p0 $0x1;
	_ =	shalt  }
.Lfunc_end2:
_tile_overlayer_lowered:
.L_overlay_start_2:
0xaf: {  	(tag) =	ssettag $0x2  }
0xb0: {  	s0 =	rddreg [dreg:$0x0];
	s2 =	stileid.u32  }
0xb1: {  	s1 =	rddreg [dreg:$0x1];
	p0 =	sne.s32 s2, $0x0  }
0xb2: {  	s3 =	rddreg [dreg:$0x2];
	[bflag:$0x3] =	sbarrier.arrive $0xFFFF;
	s2 =	simm.s32 @!p0 $0x1C01  }
0xb3: {  	[timem:s3], [sflag:s2] =	dma.local @!p0 [hbm:s0], s1  }
0xb4: {  	s0 =	simm.s32 @!p0 $0x1  }
0xb5: {  	_ =	swait.ge @!p0 [sflag:s0], s1  }
0xb6: {  	s1 =	ssub.s32 @!p0 $0x0, s1;
	[sflag:s0] =	ssyncset.done @!p0 $0x0  }
0xb7: {  	[sflag:s0] =	ssyncadd.s32 @!p0 s1  }
0xb8: {  	[bflag:$0x3] =	sbarrier.arrive $0xFFFF  }
0xb9: {  	_ =	shalt  }

// kernel: kernel.9.cloned.1.call-start
scs
__scs_entry_jumppad:
0x0: {  	(pc) =	sbr.rel $0x88, $3  }
0x1: {  	(tag) =	ssettag $0x0;
	lr =	simm.s32 $0x1  }
0x2: {  	[smem:$0x3F93] =	sst lr;
	_ =	strace $0xD0000000  }
0x3: {  	_ = 	snop  }
0x4: {  	_ = 	snop  }
0x5: {  	_ = 	snop  }
0x6: {  	_ = 	snop  }
0x7: {  	_ = 	snop  }
__scs_overlays_trampoline_lowered:
0x8: {  	[smem:$0x3FA2] =	sst s0  }
0x9: {  	[smem:$0x3FA3] =	sst s1  }
0xa: {  	[smem:$0x3FA4] =	sst s2  }
0xb: {  	[smem:$0x3FA5] =	sst s3  }
0xc: {  	[smem:$0x3FA6] =	sst s4  }
0xd: {  	[smem:$0x3FA7] =	sst s5  }
0xe: {  	[smem:$0x3FA8] =	sst s6  }
0xf: {  	[smem:$0x3FA9] =	sst s7  }
0x10: {  	[smem:$0x3FAA] =	sst s8  }
0x11: {  	[smem:$0x3FAB] =	sst s9;
	s0 =	simm.s32 @!p0 $0x0  }
0x12: {  	s1 =	sld [smem:$0x3F91];
	s0 =	simm.s32 @p0 $0x1  }
0x13: {  	[smem:$0x3FAC] =	sst s0;
	s0 =	simm.s32 @!p1 $0x0  }
0x14: {  	s2 =	sld [smem:$0x3F90];
	s0 =	simm.s32 @p1 $0x1  }
0x15: {  	[smem:$0x3FAD] =	sst s0;
	s0 =	simm.s32 @!p2 $0x0  }
0x16: {  	s3 =	sld [smem:$0x3FDB];
	s0 =	simm.s32 @p2 $0x1  }
0x17: {  	s4 =	simm.s32 $0x1BF5;
	[smem:$0x3FAF] =	sst s0  }
0x18: {  	s0 =	sld [smem:$0x3F92];
	_ =	swait.ge [sflag:s4], $0x0  }
0x19: {  	s7 =	sld [smem:$0x3F93]  }
0x1a: {  	s8 =	sadd.s32 $0xFFFFE003, lr  }
0x1b: {  	s9 =	sadd.s32 $0xFFFFFEF7, lr;
	s5 =	simm.s32 $0xFFFFFFFF;
	p2 =	slt.u32 s8, $0xFFFFF086  }
0x1c: {  	p1 =	slt.u32 s9, $0xF7A;
	s5 =	simm.s32 @!p2 $0x0  }
0x1d: {  	s5 =	simm.s32 @p1 $0x1;
	p0 =	seq.s32 s7, s2  }
0x1e: {  	s7 =	smul.u32 @!p0 $0xF7A, s2;
	p2 =	seq.s32 @!p0 s5, $0x0  }
0x1f: {  	s9 =	smul.u32 $0xF7A, s1;
	s8 =	simm.s32 @!p0 $0x1BF5;
	p2 =	por !p2, p0  }
0x20: {  	[sflag:s8] =	ssyncset.s32 @!p0 $0xFFFFF086;
	s6 =	sadd.s32 @!p0 s3, s7;
	s7 =	simm.s32 @!p0 $0x108  }
0x21: {  	s3 =	sadd.s32 s3, s9;
	s6 =	sadd.s32 @!p0 $0x88, s6;
	s7 =	simm.s32 @p2 $0x1082  }
0x22: {  	[simem:s7], [sflag:s8] =	dma.local @!p0 [hbm:s6], $0xF7A  }
0x23: {  	s9 =	sor.u32 $0xD0000000, s2;
	s6 =	simm.s32 $0x108;
	_ =	swait.ge @!p0 [sflag:s8], $0x0  }
0x24: {  	s3 =	sadd.s32 $0x88, s3;
	s6 =	simm.s32 @!p1 $0x1082;
	[sflag:s4] =	ssyncset.s32 $0xFFFFF086  }
0x25: {  	[simem:s6], [sflag:s4] =	dma.local [hbm:s3], $0xF7A  }
0x26: {  	[smem:$0x3F93] =	sst s1;
	(tag) =	ssettag s2;
	_ =	strace s9  }
0x27: {  	s1 =	sld [smem:$0x3FA3]  }
0x28: {  	s2 =	sld [smem:$0x3FA4]  }
0x29: {  	s4 =	sld [smem:$0x3FA6]  }
0x2a: {  	p0 =	seq.s32 s5, $0x0;
	s5 =	sld [smem:$0x3FA7]  }
0x2b: {  	s6 =	sld [smem:$0x3FA8]  }
0x2c: {  	s7 =	sld [smem:$0x3FA9]  }
0x2d: {  	s3 =	simm.s32 $0x108;
	s8 =	sld [smem:$0x3FAA]  }
0x2e: {  	s3 =	simm.s32 @!p0 $0x1082;
	s9 =	sld [smem:$0x3FAB]  }
0x2f: {  	lr =	sadd.s32 s0, s3;
	s0 =	sld [smem:$0x3FA2]  }
0x30: {  	s3 =	sld [smem:$0x3FA5]  }
0x31: {  	[smem:$0x3FAE] =	sst s10  }
0x32: {  	s10 =	sld [smem:$0x3FAC];
	_ =	sdelay $0x3  }
0x33: {  	p0 =	seq.s32 s10, $0x1;
	s10 =	sld [smem:$0x3FAE];
	_ =	sdelay $0x3  }
0x34: {  	[smem:$0x3FAE] =	sst s10  }
0x35: {  	s10 =	sld [smem:$0x3FAD];
	_ =	sdelay $0x3  }
0x36: {  	p1 =	seq.s32 s10, $0x1;
	s10 =	sld [smem:$0x3FAE];
	_ =	sdelay $0x3  }
0x37: {  	[smem:$0x3FAE] =	sst s10  }
0x38: {  	s10 =	sld [smem:$0x3FAF]  }
0x39: {  	_ = 	snop;
	(pc) =	sbr.ind lr, $3  }
0x3a: {  	_ = 	snop  }
0x3b: {  	_ = 	snop  }
0x3c: {  	p2 =	seq.s32 s10, $0x1;
	s10 =	sld [smem:$0x3FAE]  }
0x3d: {  	_ =	shalt  }
0x3e: {  	_ =	shalt  }
0x3f: {  	_ =	shalt  }
0x40: {  	_ =	shalt  }
0x41: {  	_ =	shalt  }
0x42: {  	_ =	shalt  }
0x43: {  	_ =	shalt  }
0x44: {  	_ =	shalt  }
0x45: {  	_ =	shalt  }
0x46: {  	_ =	shalt  }
0x47: {  	_ =	shalt  }
0x48: {  	_ =	shalt  }
0x49: {  	_ =	shalt  }
0x4a: {  	_ =	shalt  }
0x4b: {  	_ =	shalt  }
0x4c: {  	_ =	shalt  }
0x4d: {  	_ =	shalt  }
0x4e: {  	_ =	shalt  }
0x4f: {  	_ =	shalt  }
0x50: {  	_ =	shalt  }
0x51: {  	_ =	shalt  }
0x52: {  	_ =	shalt  }
0x53: {  	_ =	shalt  }
0x54: {  	_ =	shalt  }
0x55: {  	_ =	shalt  }
0x56: {  	_ =	shalt  }
0x57: {  	_ =	shalt  }
0x58: {  	_ =	shalt  }
0x59: {  	_ =	shalt  }
0x5a: {  	_ =	shalt  }
0x5b: {  	_ =	shalt  }
0x5c: {  	_ =	shalt  }
0x5d: {  	_ =	shalt  }
0x5e: {  	_ =	shalt  }
0x5f: {  	_ =	shalt  }
0x60: {  	_ =	shalt  }
0x61: {  	_ =	shalt  }
0x62: {  	_ =	shalt  }
0x63: {  	_ =	shalt  }
0x64: {  	_ =	shalt  }
0x65: {  	_ =	shalt  }
0x66: {  	_ =	shalt  }
0x67: {  	_ =	shalt  }
0x68: {  	_ =	shalt  }
0x69: {  	_ =	shalt  }
0x6a: {  	_ =	shalt  }
0x6b: {  	_ =	shalt  }
0x6c: {  	_ =	shalt  }
0x6d: {  	_ =	shalt  }
0x6e: {  	_ =	shalt  }
0x6f: {  	_ =	shalt  }
0x70: {  	_ =	shalt  }
0x71: {  	_ =	shalt  }
0x72: {  	_ =	shalt  }
0x73: {  	_ =	shalt  }
0x74: {  	_ =	shalt  }
0x75: {  	_ =	shalt  }
0x76: {  	_ =	shalt  }
0x77: {  	_ =	shalt  }
0x78: {  	_ =	shalt  }
0x79: {  	_ =	shalt  }
0x7a: {  	_ =	shalt  }
0x7b: {  	_ =	shalt  }
0x7c: {  	_ =	shalt  }
0x7d: {  	_ =	shalt  }
0x7e: {  	_ =	shalt  }
0x7f: {  	_ =	shalt  }
0x80: {  	_ =	shalt  }
0x81: {  	_ =	shalt  }
0x82: {  	_ =	shalt  }
0x83: {  	_ =	shalt  }
0x84: {  	_ =	shalt  }
0x85: {  	_ =	shalt  }
0x86: {  	_ =	shalt  }
0x87: {  	_ =	shalt  }
.Lfunc_end0:
.L_simem_size_0:
called_computation.7_lowered:
.L_overlay_start_0:
0x88: {  	s2 =	sld [smem:$0x3FD9]  }
0x89: {  	s3 =	sld [smem:$0x3FFE];
	_ =	sdelay $0x1  }
0x8a: {  	s1 =	srdreg.scid  }
0x8b: {  	s0 =	sand.u32 $0x1, s1  }
0x8c: {  	s16 =	sshll.u32 s0, $0xA;
	s2 =	sadd.s32 s3, s2  }
0x8d: {  	s2 =	sadd.s32 s2, s16  }
0x8e: {  	[smem:$0x3FBA] =	sst s2  }
0x8f: {  	_ = 	snop  }
0x90: {  	s2 =	sld [smem:$0x3FD0];
	_ =	sdelay $0x2  }
0x91: {  	s4 =	simm.s32 $0x10;
	s17 =	sld [smem:$0x3FC9]  }
0x92: {  	[smem:s4], [sflag:s4] =	dma.local [hbm:s2], $0x1  }
0x93: {  	_ =	swait.eq [sflag:s4], $0x1  }
0x94: {  	[sflag:s4] =	ssyncset.done $0x0  }
0x95: {  	[sflag:s4] =	ssyncadd.s32 $0xFFFFFFFF  }
0x96: {  	s18 =	sld [smem:$0x12]  }
0x97: {  	s4 =	sld [smem:$0x14];
	(tm) =	ssettm $0x1  }
0x98: {  	s5 =	sld [smem:$0x3FFB];
	_ =	sdelay $0x3  }
0x99: {  	_ =	strace s5  }
0x9a: {  	s5 =	sld [smem:$0x3FFC];
	_ =	sdelay $0x3  }
0x9b: {  	_ =	strace s5  }
0x9c: {  	s5 =	sld [smem:$0x3FFD];
	_ =	sdelay $0x3  }
0x9d: {  	_ =	strace s5  }
0x9e: {  	_ =	strace $0x8FFFFFFF  }
0x9f: {  	s19 =	sld [smem:$0x3FDB];
	_ =	sdelay $0x1  }
0xa0: {  	s6 =	simm.s32 $_scs_section_size  }
0xa1: {  	s7 =	simm.s32 $_size__tile_overlayer_lowered;
	s8 =	simm.s32 $_tile_overlayer_lowered  }
0xa2: {  	s22 =	simm.s32 $0x1BFF;
	s21 =	sshll.u32 s8, $0x1;
	s5 =	sadd.s32 s6, s19  }
0xa3: {  	s9 =	simm.s32 $0x0;
	s20 =	sshll.u32 s7, $0x1;
	s7 =	sadd.s32 s21, s5  }
0xa4: {  	[timem:s9], [sflag:s22] =	dma.local [hbm:s7], s20  }
0xa5: {  	_ =	swait.ge [sflag:s22], s20  }
0xa6: {  	s6 =	ssub.s32 $0x0, s20;
	[sflag:s22] =	ssyncset.done $0x0  }
0xa7: {  	[sflag:s22] =	ssyncadd.s32 s6;
	_ =	sdelay $0x1  }
0xa8: {  	s23 =	simm.s32 $0x1B8B  }
0xa9: {  	_ =	swait.ge [sflag:s23], $0x1  }
0xaa: {  	[sflag:s23] =	ssyncset.done $0x0  }
0xab: {  	s25 =	simm.s32 $0x1B8E;
	s24 =	sld [smem:$0x3FFE];
	[sflag:s23] =	ssyncadd.s32 $0xFFFFFFFF  }
0xac: {  	s26 =	simm.s32 $execute0_lowered;
	[smem:$0x3FD2] =	sst s25  }
0xad: {  	s7 =	sshll.u32 s26, $0x1;
	_ =	strace $0x8000005B;
	[dreg:$0x1] =	wrdreg $0xFFFFFFFF  }
0xae: {  	s28 =	simm.s32 $_size_execute0_lowered;
	s5 =	sadd.s32 s5, s7;
	[dreg:$0x0] =	wrdreg $0x0  }
0xaf: {  	s7 =	sshll.u32 s28, $0x1;
	[dreg:$0x2] =	wrdreg s5  }
0xb0: {  	[dreg:$0x3] =	wrdreg s7  }
0xb1: {  	[dreg:$0x4] =	wrdreg $0xC0  }
0xb2: {  	_ =	task [dreg:s9], $0x5FFFF  }
0xb3: {  	[dreg:$0x1] =	wrdreg $0xFFFFFFFF  }
0xb4: {  	[dreg:$0x0] =	wrdreg $0x60  }
0xb5: {  	[dreg:$0x2] =	wrdreg s17  }
0xb6: {  	[dreg:$0x3] =	wrdreg s24  }
0xb7: {  	[dreg:$0x4] =	wrdreg s18  }
0xb8: {  	[dreg:$0x5] =	wrdreg s4  }
0xb9: {  	[dreg:$0x6] =	wrdreg $0x114000  }
0xba: {  	[dreg:$0x7] =	wrdreg $0x9  }
0xbb: {  	_ =	task.clear_ibuf [dreg:s9], $0x8FFFF;
	_ =	strace $0x9000005B  }
0xbc: {  	s29 =	simm.s32 $0x9;
	_ =	strace $0x8000005D  }
0xbd: {  	_ =	swait.ge [sflag:s29], $0x1  }
0xbe: {  	[sflag:s29] =	ssyncadd.s32 $0xFFFFFFFF  }
0xbf: {  	_ =	strace $0x9000005D  }
0xc0: {  	_ =	sfence  }
0xc1: {  	s30 =	sld [smem:$0x0];
	_ =	sdelay $0x2  }
0xc2: {  	s31 =	sshll.u32 s1, $0xD;
	s1 =	sshrl.u32 s1, $0x2  }
0xc3: {  	s3 =	sand.u32 $0x4000, s31;
	s1 =	sadd.s32 s1, s30  }
0xc4: {  	s0 =	sor.u32 s3, s0;
	s1 =	sshll.u32 s1, $0x11  }
0xc5: {  	s0 =	sor.u32 s1, s0  }
0xc6: {  	s0 =	sadd.s32 $0x8F2B, s0  }
0xc7: {  	[sflag:s0] =	ssyncadd.remote.s32 $0x1  }
0xc8: {  	_ =	sfence.sel $0xFFFF  }
0xc9: {  	[dreg:$0x0] =	wrdreg $0xFFFFFFFF;
	(pc) =	sbr.abs _section_cstart, $3  }
0xca: {  	[dreg:$0x1] =	wrdreg $0xFFFFFFFF  }
0xcb: {  	_ =	task.clear_ibuf [dreg:s9], $0x2FFFF;
	_ =	strace $0x9FFFFFFF  }
0xcc: {  	(tm) =	ssettm $0x7FFFFFFF  }
0xcd: {  	_ =	shalt  }
tec
execute0_lowered:
.L_overlay_start_1:
0x0: {  	(tag) =	ssettag $0x1  }
0x1: {  	s1 =	rddreg [dreg:$0x0]  }
0x2: {  	s0 =	rddreg [dreg:$0x1]  }
0x3: {  	s9 =	rddreg [dreg:$0x2]  }
0x4: {  	s2 =	rddreg [dreg:$0x3]  }
0x5: {  	s3 =	rddreg [dreg:$0x4]  }
0x6: {  	s4 =	simm.s32 $0x0;
	s26 =	srdreg.scid;
	s8 =	stileid.u32  }
0x7: {  	s31 =	simm.s32 $0x80;
	[smem:$0x7FF] =	sst s4;
	s5 =	sadd.s32 $0x9C400, s0  }
0x8: {  	s6 =	sadd.s32 $0x73400, s0;
	s7 =	sadd.s32 $0x37400, s0;
	s24 =	sadd.s32 $0x5400, s0  }
0x9: {  	s25 =	sadd.s32 $0x41400, s0;
	s10 =	sadd.s32 $0x5F400, s0;
	s11 =	smul.u32 $0x27000, s8  }
0xa: {  	s12 =	sadd.s32 $0x4400, s0;
	s29 =	sadd.s32 $0xF400, s0;
	s16 =	smul.u32 $0x9C00, s8  }
0xb: {  	s0 =	sadd.s32 $0x9E400, s0;
	_ =	strace $0x8000005C;
	[dreg:$0x6] =	wrdreg s7  }
0xc: {  	s19 =	sshll.u32 s8, $0x6;
	s15 =	smul.u32 $0x5000, s8;
	[dreg:$0x7] =	wrdreg s24  }
0xd: {  	s22 =	sadd.s32 $0x9C000, s3;
	p0 =	sne.s32 s8, $0x0;
	[dreg:$0x8] =	wrdreg s25  }
0xe: {  	s7 =	sand.u32 $0x1, s26;
	[dreg:$0x9] =	wrdreg s12;
	s28 =	sor.u32 $0x1C03, s19  }
0xf: {  	[dreg:$0xd] =	wrdreg s22;
	s19 =	simm.s32 $0x1;
	s22 =	simm.s32 $0x580  }
0x10: {  	s12 =	simm.s32 $0x600;
	s13 =	ssub.s32 $0x2, s7;
	s17 =	smul.u32 $0x9C800, s7  }
0x11: {  	s11 =	sshrl.u32 s11, $0x2;
	s18 =	sshrl.u32 s16, $0x3;
	s7 =	smul.u32 $0x50000, s7  }
0x12: {  	[dreg:$0xc] =	wrdreg s28;
	s14 =	sshrl.u32 s13, $0x1;
	s30 =	sadd.s32 s11, s3  }
0x13: {  	s11 =	sadd.s32 s2, s18;
	s2 =	sadd.s32 $0x13800, s2;
	s18 =	simm.s32 $0xD400  }
0x14: {  	s13 =	ssub.s32 s13, s14;
	[dreg:$0xb] =	wrdreg s11;
	s20 =	sadd.s32 s16, s17  }
0x15: {  	s21 =	sshrl.u32 s17, $0x3;
	s17 =	sadd.s32 s7, s15;
	[dreg:$0x12] =	wrdreg s2  }
0x16: {  	s16 =	simm.s32 $0x9400;
	s2 =	simm.s32 $0x780;
	s11 =	sshrl.u32 s20, $0x3  }
0x17: {  	[dreg:$0xa] =	wrdreg s30;
	s14 =	sadd.s32 $0x13800, s21;
	s23 =	sadd.s32 s29, s11  }
0x18: {  	s26 =	sshrl.u32 s17, $0x3;
	s24 =	sadd.s32 s29, s14;
	[dreg:$0xe] =	wrdreg s23  }
0x19: {  	s20 =	simm.s32 $0x2;
	s25 =	sadd.s32 s0, s11;
	[dreg:$0xf] =	wrdreg s24  }
0x1a: {  	s21 =	simm.s32 $0x480;
	s0 =	sadd.s32 s0, s14;
	[dreg:$0x10] =	wrdreg s25  }
0x1b: {  	s29 =	smax.u32 s13, $0x1;
	s11 =	simm.s32 $0x5400;
	[dreg:$0x11] =	wrdreg s0  }
0x1c: {  	s13 =	simm.s32 $0x680;
	s14 =	simm.s32 $0x700;
	[dreg:$0x13] =	wrdreg s29  }
0x1d: {  	s24 =	sadd.s32 s26, s9;
	s25 =	simm.s32 $0x3;
	s26 =	simm.s32 $0x400  }
0x1e: {  	s0 =	simm.s32 $0x1400;
	s23 =	simm.s32 $0x500;
	s9 =	simm.s32 $0x0  }
.LBB2_1:
0x1f: {  	[dreg:$0x14] =	wrdreg s9  }
0x20: {  	s8 =	sshrl.u32 s30, $0x3;
	s7 =	rddreg [dreg:$0xb]  }
0x21: {  	[dreg:$0x15] =	wrdreg s8  }
0x22: {  	[spmem:s8], [sflag:s28] =	dma.local [hbm:s7], $0x1380  }
0x23: {  	_ =	swait.ge [sflag:s25], $0x1380  }
0x24: {  	s7 =	rddreg [dreg:$0xd]  }
0x25: {  	[sflag:s25] =	ssyncset.done $0x0;
	s8 =	sshrl.u32 @!p0 s7, $0x3;
	s7 =	rddreg [dreg:$0x12]  }
0x26: {  	[sflag:s25] =	ssyncadd.s32 $0xFFFFEC80;
	[dreg:$0x16] =	wrdreg s8  }
0x27: {  	[spmem:s8], [sflag:s28] =	dma.local @!p0 [hbm:s7], $0x100  }
0x28: {  	s7 =	simm.s32 @!p0 $0x3  }
0x29: {  	_ =	swait.ge @!p0 [sflag:s7], $0x100  }
0x2a: {  	[sflag:s7] =	ssyncset.done @!p0 $0x0  }
0x2b: {  	[sflag:s7] =	ssyncadd.s32 @!p0 $0xFFFFFF00  }
0x2c: {  	s28 =	simm.s32 $0x0;
	[bflag:$0x0] =	sbarrier.arrive $0xFFFF  }
.LBB2_2:
0x2d: {  	s7 =	sshll.u32 s28, $0xA  }
0x2e: {  	s8 =	sadd.s32 s15, s7  }
0x2f: {  	s9 =	rddreg [dreg:$0x6];
	s8 =	sshrl.u32 s8, $0x3  }
0x30: {  	s30 =	simm.s32 $0x0;
	s29 =	sadd.s32 s9, s8  }
0x31: {  	[tilespmem:s30], [sflag:$0x3] =	stream.linear.gather [hbm4b:s29+s30], $0x400, $0x38;
	[tilespmem:$0x1B080] =	vst v63  }
0x32: {  	_ =	swait.ge [sflag:s25], $0x400  }
0x33: {  	[sflag:s25] =	ssyncset.done $0x0  }
0x34: {  	s7 =	sadd.s32 s17, s7;
	[sflag:s25] =	ssyncadd.s32 $0xFFFFFC00  }
0x35: {  	s7 =	sshrl.u32 s7, $0x3;
	s9 =	rddreg [dreg:$0x2]  }
0x36: {  	s7 =	sadd.s32 s9, s7  }
0x37: {  	[tilespmem:s26], [sflag:$0x3] =	stream.linear.gather [hbm4b:s7+s30], $0x400, $0x38;
	[tilespmem:$0x1B080] =	vst v63  }
0x38: {  	_ =	swait.ge [sflag:s25], $0x400  }
0x39: {  	[sflag:s25] =	ssyncset.done $0x0;
	s9 =	rddreg [dreg:$0x7]  }
0x3a: {  	[sflag:s25] =	ssyncadd.s32 $0xFFFFFC00;
	s7 =	sadd.s32 s9, s8;
	s9 =	simm.s32 $0x800  }
0x3b: {  	[tilespmem:s9], [sflag:$0x3] =	stream.linear.gather [hbm4b:s7+s30], $0x400, $0x38;
	[tilespmem:$0x1B080] =	vst v63  }
0x3c: {  	_ =	swait.ge [sflag:s25], $0x400  }
0x3d: {  	[sflag:s25] =	ssyncset.done $0x0;
	s9 =	rddreg [dreg:$0x8]  }
0x3e: {  	[sflag:s25] =	ssyncadd.s32 $0xFFFFFC00;
	s7 =	sadd.s32 s9, s8;
	s9 =	simm.s32 $0xC00  }
0x3f: {  	[tilespmem:s9], [sflag:$0x3] =	stream.linear.gather [hbm4b:s7+s30], $0x400, $0x38;
	[tilespmem:$0x1B080] =	vst v63  }
0x40: {  	_ =	swait.ge [sflag:s25], $0x400  }
0x41: {  	[sflag:s25] =	ssyncset.done $0x0  }
0x42: {  	s8 =	sadd.s32 s10, s8;
	s9 =	simm.s32 $0x1000;
	[sflag:s25] =	ssyncadd.s32 $0xFFFFFC00  }
0x43: {  	[tilespmem:s9], [sflag:$0x3] =	stream.linear.gather [hbm4b:s8+s30], $0x400, $0x38;
	[tilespmem:$0x1B080] =	vst v63  }
0x44: {  	_ =	swait.ge [sflag:s25], $0x400  }
0x45: {  	[sflag:s25] =	ssyncset.done $0x0  }
0x46: {  	s9 =	simm.s32 $0x1000;
	[sflag:s25] =	ssyncadd.s32 $0xFFFFFC00  }
0x47: {  	[tilespmem:s0], [sflag:$0x1] =	stream.indirect.gather [hbm4b:s1+s31], $0x80, s9, s31, $0xb8;
	[tilespmem:$0x1B080] =	vst v63  }
0x48: {  	s30 =	simm.s32 $0x0  }
0x49: {  	[tilespmem:s11], [sflag:$0x1] =	stream.indirect.gather [hbm4b:s6+s31], $0x80, s30, s31, $0xb8;
	[tilespmem:$0x1B080] =	vst v63  }
0x4a: {  	s8 =	simm.s32 $0x800  }
0x4b: {  	[tilespmem:s16], [sflag:$0x1] =	stream.indirect.gather [hbm4b:s5+s31], $0x80, s8, s31, $0xb8;
	[tilespmem:$0x1B080] =	vst v63  }
0x4c: {  	s9 =	simm.s32 $0xC00  }
0x4d: {  	[tilespmem:s18], [sflag:$0x1] =	stream.indirect.gather [hbm4b:s5+s31], $0x80, s9, s31, $0xb8;
	[tilespmem:$0x1B080] =	vst v63  }
0x4e: {  	_ =	swait.ge [sflag:s19], $0x4000  }
0x4f: {  	[sflag:s19] =	ssyncset.done $0x0  }
0x50: {  	[sflag:s19] =	ssyncadd.s32 $0xFFFFC000  }
0x51: {  	_ =	swait.ge [sflag:s19], $0x4000  }
0x52: {  	[sflag:s19] =	ssyncset.done $0x0  }
0x53: {  	[sflag:s19] =	ssyncadd.s32 $0xFFFFC000  }
0x54: {  	_ =	swait.ge [sflag:s19], $0x4000  }
0x55: {  	[sflag:s19] =	ssyncset.done $0x0  }
0x56: {  	[sflag:s19] =	ssyncadd.s32 $0xFFFFC000  }
0x57: {  	_ =	swait.ge [sflag:s19], $0x4000  }
0x58: {  	[sflag:s19] =	ssyncset.done $0x0  }
0x59: {  	s30 =	simm.s32 $0x400;
	[sflag:s19] =	ssyncadd.s32 $0xFFFFC000  }
0x5a: {  	[spmem:s3] =	stream.indirect.scatter.add.f32 [tilespmem:s0], [sflag:$0x2], $0x80, s30, s31, $0xb8;
	[tilespmem:$0x1B080] =	vst v63  }
0x5b: {  	_ = 	snop  }
0x5c: {  	[spmem:s3] =	stream.indirect.scatter.add.f32 [tilespmem:s11], [sflag:$0x2], $0x80, s30, s31, $0xb8;
	[tilespmem:$0x1B080] =	vst v63  }
0x5d: {  	_ = 	snop  }
0x5e: {  	[spmem:s3] =	stream.indirect.scatter.add.f32 [tilespmem:s16], [sflag:$0x2], $0x80, s30, s31, $0xb8;
	[tilespmem:$0x1B080] =	vst v63  }
0x5f: {  	_ = 	snop  }
0x60: {  	[spmem:s3] =	stream.indirect.scatter.add.f32 [tilespmem:s18], [sflag:$0x2], $0x80, s30, s31, $0xb8;
	[tilespmem:$0x1B080] =	vst v63  }
0x61: {  	_ =	swait.ge [sflag:s20], $0x4000  }
0x62: {  	[sflag:s20] =	ssyncset.done $0x0  }
0x63: {  	[sflag:s20] =	ssyncadd.s32 $0xFFFFC000  }
0x64: {  	_ =	swait.ge [sflag:s20], $0x4000  }
0x65: {  	[sflag:s20] =	ssyncset.done $0x0  }
0x66: {  	[sflag:s20] =	ssyncadd.s32 $0xFFFFC000  }
0x67: {  	_ =	swait.ge [sflag:s20], $0x4000  }
0x68: {  	[sflag:s20] =	ssyncset.done $0x0  }
0x69: {  	[sflag:s20] =	ssyncadd.s32 $0xFFFFC000  }
0x6a: {  	_ =	swait.ge [sflag:s20], $0x4000  }
0x6b: {  	s29 =	simm.s32 $0x400;
	s7 =	simm.s32 $0x80;
	[sflag:s20] =	ssyncset.done $0x0  }
.LBB2_3:
0x6c: {  	s9 =	sadd.s32 $0x1000, s7  }
0x6d: {  	[sflag:s20] =	ssyncadd.s32 $0xFFFFC000;
	s30 =	smov.u32 s29;
	s8 =	sadd.s32 $0x200, s29  }
0x6e: {  	[tilespmem:s0], [sflag:$0x1] =	stream.indirect.gather [hbm4b:s1+s31], $0x80, s9, s31, $0xb8;
	[tilespmem:$0x1B080] =	vst v63  }
0x6f: {  	p1 =	sne.s32 s29, $0xE00  }
0x70: {  	[tilespmem:s11], [sflag:$0x1] =	stream.indirect.gather [hbm4b:s6+s31], $0x80, s7, s31, $0xb8;
	[tilespmem:$0x1B080] =	vst v63  }
0x71: {  	s9 =	sadd.s32 $0x800, s7  }
0x72: {  	[tilespmem:s16], [sflag:$0x1] =	stream.indirect.gather [hbm4b:s5+s31], $0x80, s9, s31, $0xb8;
	[tilespmem:$0x1B080] =	vst v63  }
0x73: {  	s9 =	sadd.s32 $0xC00, s7  }
0x74: {  	[tilespmem:s18], [sflag:$0x1] =	stream.indirect.gather [hbm4b:s5+s31], $0x80, s9, s31, $0xb8;
	[tilespmem:$0x1B080] =	vst v63  }
0x75: {  	_ =	swait.ge [sflag:s19], $0x4000  }
0x76: {  	[sflag:s19] =	ssyncset.done $0x0  }
0x77: {  	[sflag:s19] =	ssyncadd.s32 $0xFFFFC000  }
0x78: {  	_ =	swait.ge [sflag:s19], $0x4000  }
0x79: {  	[sflag:s19] =	ssyncset.done $0x0  }
0x7a: {  	[sflag:s19] =	ssyncadd.s32 $0xFFFFC000  }
0x7b: {  	_ =	swait.ge [sflag:s19], $0x4000  }
0x7c: {  	[sflag:s19] =	ssyncset.done $0x0  }
0x7d: {  	[sflag:s19] =	ssyncadd.s32 $0xFFFFC000  }
0x7e: {  	_ =	swait.ge [sflag:s19], $0x4000  }
0x7f: {  	[sflag:s19] =	ssyncset.done $0x0  }
0x80: {  	s7 =	sadd.s32 $0x400, s7;
	[sflag:s19] =	ssyncadd.s32 $0xFFFFC000  }
0x81: {  	[spmem:s3] =	stream.indirect.scatter.add.f32 [tilespmem:s0], [sflag:$0x2], $0x80, s7, s31, $0xb8;
	[tilespmem:$0x1B080] =	vst v63  }
0x82: {  	_ = 	snop  }
0x83: {  	[spmem:s3] =	stream.indirect.scatter.add.f32 [tilespmem:s11], [sflag:$0x2], $0x80, s7, s31, $0xb8;
	[tilespmem:$0x1B080] =	vst v63  }
0x84: {  	_ = 	snop  }
0x85: {  	[spmem:s3] =	stream.indirect.scatter.add.f32 [tilespmem:s16], [sflag:$0x2], $0x80, s7, s31, $0xb8;
	[tilespmem:$0x1B080] =	vst v63  }
0x86: {  	_ = 	snop  }
0x87: {  	[spmem:s3] =	stream.indirect.scatter.add.f32 [tilespmem:s18], [sflag:$0x2], $0x80, s7, s31, $0xb8;
	[tilespmem:$0x1B080] =	vst v63  }
0x88: {  	_ =	swait.ge [sflag:s20], $0x4000  }
0x89: {  	[sflag:s20] =	ssyncset.done $0x0  }
0x8a: {  	[sflag:s20] =	ssyncadd.s32 $0xFFFFC000  }
0x8b: {  	_ =	swait.ge [sflag:s20], $0x4000  }
0x8c: {  	[sflag:s20] =	ssyncset.done $0x0  }
0x8d: {  	[sflag:s20] =	ssyncadd.s32 $0xFFFFC000  }
.Ltmp0:
0x8e: {  	_ =	swait.ge [sflag:s20], $0x4000;
	(pc) =	sbr.rel @p1 .LBB2_3-.Ltmp0, $4  }
0x8f: {  	[sflag:s20] =	ssyncset.done $0x0  }
0x90: {  	[sflag:s20] =	ssyncadd.s32 $0xFFFFC000  }
0x91: {  	_ =	swait.ge [sflag:s20], $0x4000  }
0x92: {  	s29 =	smov.u32 s8;
	s7 =	sshra.s32 s30, $0x2;
	[sflag:s20] =	ssyncset.done $0x0  }
0x93: {  	s8 =	sadd.s32 $0x1000, s7;
	[sflag:s20] =	ssyncadd.s32 $0xFFFFC000  }
0x94: {  	[tilespmem:s0], [sflag:$0x1] =	stream.indirect.gather [hbm4b:s1+s31], $0x80, s8, s31, $0xb8;
	[tilespmem:$0x1B080] =	vst v63  }
0x95: {  	_ = 	snop  }
0x96: {  	[tilespmem:s11], [sflag:$0x1] =	stream.indirect.gather [hbm4b:s6+s31], $0x80, s7, s31, $0xb8;
	[tilespmem:$0x1B080] =	vst v63  }
0x97: {  	s9 =	sadd.s32 $0x800, s7  }
0x98: {  	[tilespmem:s16], [sflag:$0x1] =	stream.indirect.gather [hbm4b:s5+s31], $0x80, s9, s31, $0xb8;
	[tilespmem:$0x1B080] =	vst v63  }
0x99: {  	s29 =	sadd.s32 $0xC00, s7  }
0x9a: {  	[tilespmem:s18], [sflag:$0x1] =	stream.indirect.gather [hbm4b:s5+s31], $0x80, s29, s31, $0xb8;
	[tilespmem:$0x1B080] =	vst v63  }
0x9b: {  	_ =	swait.ge [sflag:s19], $0x4000  }
0x9c: {  	[sflag:s19] =	ssyncset.done $0x0  }
0x9d: {  	[sflag:s19] =	ssyncadd.s32 $0xFFFFC000  }
0x9e: {  	_ =	swait.ge [sflag:s19], $0x4000  }
0x9f: {  	[sflag:s19] =	ssyncset.done $0x0  }
0xa0: {  	[sflag:s19] =	ssyncadd.s32 $0xFFFFC000  }
0xa1: {  	_ =	swait.ge [sflag:s19], $0x4000  }
0xa2: {  	[sflag:s19] =	ssyncset.done $0x0  }
0xa3: {  	[sflag:s19] =	ssyncadd.s32 $0xFFFFC000  }
0xa4: {  	_ =	swait.ge [sflag:s19], $0x4000  }
0xa5: {  	[sflag:s19] =	ssyncset.done $0x0  }
0xa6: {  	s30 =	sadd.s32 $0x400, s7;
	[sflag:s19] =	ssyncadd.s32 $0xFFFFC000  }
0xa7: {  	[spmem:s3] =	stream.indirect.scatter.add.f32 [tilespmem:s0], [sflag:$0x2], $0x80, s30, s31, $0xb8;
	[tilespmem:$0x1B080] =	vst v63  }
0xa8: {  	_ = 	snop  }
0xa9: {  	[spmem:s3] =	stream.indirect.scatter.add.f32 [tilespmem:s11], [sflag:$0x2], $0x80, s30, s31, $0xb8;
	[tilespmem:$0x1B080] =	vst v63  }
0xaa: {  	_ = 	snop  }
0xab: {  	[spmem:s3] =	stream.indirect.scatter.add.f32 [tilespmem:s16], [sflag:$0x2], $0x80, s30, s31, $0xb8;
	[tilespmem:$0x1B080] =	vst v63  }
0xac: {  	_ = 	snop  }
0xad: {  	[spmem:s3] =	stream.indirect.scatter.add.f32 [tilespmem:s18], [sflag:$0x2], $0x80, s30, s31, $0xb8;
	[tilespmem:$0x1B080] =	vst v63  }
0xae: {  	_ =	swait.ge [sflag:s20], $0x4000  }
0xaf: {  	[sflag:s20] =	ssyncset.done $0x0  }
0xb0: {  	[sflag:s20] =	ssyncadd.s32 $0xFFFFC000  }
0xb1: {  	_ =	swait.ge [sflag:s20], $0x4000  }
0xb2: {  	[sflag:s20] =	ssyncset.done $0x0  }
0xb3: {  	s28 =	sadd.s32 $0x1, s28;
	[sflag:s20] =	ssyncadd.s32 $0xFFFFC000  }
0xb4: {  	p1 =	sne.s32 s28, $0x14;
	_ =	swait.ge [sflag:s20], $0x4000  }
.Ltmp1:
0xb5: {  	[sflag:s20] =	ssyncset.done $0x0;
	(pc) =	sbr.rel @p1 .LBB2_2-.Ltmp1, $4  }
0xb6: {  	[sflag:s20] =	ssyncadd.s32 $0xFFFFC000  }
0xb7: {  	_ =	swait.ge [sflag:s20], $0x4000  }
0xb8: {  	[sflag:s20] =	ssyncset.done $0x0  }
0xb9: {  	[sflag:s20] =	ssyncadd.s32 $0xFFFFC000  }
0xba: {  	[bflag:$0x0] =	sbarrier.arrive $0xFFFF  }
0xbb: {  	s28 =	rddreg [dreg:$0xc]  }
0xbc: {  	s7 =	rddreg [dreg:$0xe]  }
0xbd: {  	s8 =	rddreg [dreg:$0x15]  }
0xbe: {  	[hbm:s7], [sflag:s28] =	dma.local [spmem:s8], $0x1380  }
0xbf: {  	_ =	swait.ge [sflag:s25], $0x1380  }
0xc0: {  	[sflag:s25] =	ssyncset.done $0x0  }
0xc1: {  	[sflag:s25] =	ssyncadd.s32 $0xFFFFEC80  }
0xc2: {  	[bflag:$0x0] =	sbarrier.arrive @p0 $0xFFFF  }
0xc3: {  	s30 =	rddreg [dreg:$0xa]  }
0xc4: {  	s9 =	rddreg [dreg:$0xb];
	s7 =	sshrl.u32 @p0 s30, $0x3  }
0xc5: {  	[spmem:s7], [sflag:s28] =	dma.local @p0 [hbm:s9], $0x1380  }
0xc6: {  	s7 =	simm.s32 @p0 $0x3  }
0xc7: {  	_ =	swait.ge @p0 [sflag:s7], $0x1380  }
0xc8: {  	[sflag:s7] =	ssyncset.done @p0 $0x0;
	s29 =	rddreg [dreg:$0x16]  }
0xc9: {  	[sflag:s7] =	ssyncadd.s32 @p0 $0xFFFFEC80;
	s7 =	rddreg [dreg:$0xf]  }
0xca: {  	[hbm:s7], [sflag:s28] =	dma.local @!p0 [spmem:s29], $0x100  }
0xcb: {  	s7 =	simm.s32 @!p0 $0x3  }
0xcc: {  	_ =	swait.ge @!p0 [sflag:s7], $0x100  }
0xcd: {  	[sflag:s7] =	ssyncset.done @!p0 $0x0  }
0xce: {  	[sflag:s7] =	ssyncadd.s32 @!p0 $0xFFFFFF00  }
0xcf: {  	s8 =	sshrl.u32 @!p0 s30, $0x3;
	[bflag:$0x0] =	sbarrier.arrive @!p0 $0xFFFF  }
0xd0: {  	[spmem:s8], [sflag:s28] =	dma.local @!p0 [hbm:s9], $0x1380  }
0xd1: {  	_ =	swait.ge @!p0 [sflag:s7], $0x1380  }
0xd2: {  	[sflag:s7] =	ssyncset.done @!p0 $0x0  }
0xd3: {  	s8 =	rddreg [dreg:$0x12];
	[sflag:s7] =	ssyncadd.s32 @!p0 $0xFFFFEC80  }
0xd4: {  	[spmem:s29], [sflag:s28] =	dma.local @!p0 [hbm:s8], $0x100  }
0xd5: {  	_ =	swait.ge @!p0 [sflag:s7], $0x100  }
0xd6: {  	[sflag:s7] =	ssyncset.done @!p0 $0x0  }
0xd7: {  	[sflag:s7] =	ssyncadd.s32 @!p0 $0xFFFFFF00  }
0xd8: {  	[bflag:$0x0] =	sbarrier.arrive $0xFFFF  }
0xd9: {  	s8 =	simm.s32 $0x0;
	s9 =	rddreg [dreg:$0x9]  }
0xda: {  	[tilespmem:s0], [sflag:$0x3] =	stream.linear.gather [hbm4b:s9+s8], $0x4000, $0x38;
	[tilespmem:$0x1B080] =	vst v63  }
0xdb: {  	_ =	swait.ge [sflag:s25], $0x4000  }
0xdc: {  	[sflag:s25] =	ssyncset.done $0x0  }
0xdd: {  	s29 =	sadd.s32 $0x0, s24;
	[sflag:s25] =	ssyncadd.s32 $0xFFFFC000  }
0xde: {  	[tilespmem:s26], [sflag:$0x3] =	stream.linear.gather [hbm4b:s29+s4], $0x400, $0x38;
	[tilespmem:$0x1B080] =	vst v63  }
0xdf: {  	_ =	swait.ge [sflag:s25], $0x400  }
0xe0: {  	[sflag:s25] =	ssyncset.done $0x0  }
0xe1: {  	[sflag:s25] =	ssyncadd.s32 $0xFFFFFC00  }
0xe2: {  	[spmem:s3] =	stream.indirect.scatter.add.f32 [tilespmem:s0], [sflag:$0x2], $0x80, s26, s31, $0xb8;
	[tilespmem:$0x1B080] =	vst v63  }
0xe3: {  	_ = 	snop  }
0xe4: {  	[spmem:s3] =	stream.indirect.scatter.add.f32 [tilespmem:s0], [sflag:$0x2], $0x80, s21, s31, $0xb8;
	[tilespmem:$0x1B080] =	vst v63  }
0xe5: {  	_ = 	snop  }
0xe6: {  	[spmem:s3] =	stream.indirect.scatter.add.f32 [tilespmem:s0], [sflag:$0x2], $0x80, s23, s31, $0xb8;
	[tilespmem:$0x1B080] =	vst v63  }
0xe7: {  	_ = 	snop  }
0xe8: {  	[spmem:s3] =	stream.indirect.scatter.add.f32 [tilespmem:s0], [sflag:$0x2], $0x80, s22, s31, $0xb8;
	[tilespmem:$0x1B080] =	vst v63  }
0xe9: {  	_ = 	snop  }
0xea: {  	[spmem:s3] =	stream.indirect.scatter.add.f32 [tilespmem:s0], [sflag:$0x2], $0x80, s12, s31, $0xb8;
	[tilespmem:$0x1B080] =	vst v63  }
0xeb: {  	_ = 	snop  }
0xec: {  	[spmem:s3] =	stream.indirect.scatter.add.f32 [tilespmem:s0], [sflag:$0x2], $0x80, s13, s31, $0xb8;
	[tilespmem:$0x1B080] =	vst v63  }
0xed: {  	_ = 	snop  }
0xee: {  	[spmem:s3] =	stream.indirect.scatter.add.f32 [tilespmem:s0], [sflag:$0x2], $0x80, s14, s31, $0xb8;
	[tilespmem:$0x1B080] =	vst v63  }
0xef: {  	_ = 	snop  }
0xf0: {  	[spmem:s3] =	stream.indirect.scatter.add.f32 [tilespmem:s0], [sflag:$0x2], $0x80, s2, s31, $0xb8;
	[tilespmem:$0x1B080] =	vst v63  }
0xf1: {  	_ =	swait.ge [sflag:s20], $0x4000  }
0xf2: {  	[sflag:s20] =	ssyncset.done $0x0  }
0xf3: {  	[sflag:s20] =	ssyncadd.s32 $0xFFFFC000  }
0xf4: {  	_ =	swait.ge [sflag:s20], $0x4000  }
0xf5: {  	[sflag:s20] =	ssyncset.done $0x0  }
0xf6: {  	[sflag:s20] =	ssyncadd.s32 $0xFFFFC000  }
0xf7: {  	_ =	swait.ge [sflag:s20], $0x4000  }
0xf8: {  	[sflag:s20] =	ssyncset.done $0x0  }
0xf9: {  	[sflag:s20] =	ssyncadd.s32 $0xFFFFC000  }
0xfa: {  	_ =	swait.ge [sflag:s20], $0x4000  }
0xfb: {  	[sflag:s20] =	ssyncset.done $0x0  }
0xfc: {  	[sflag:s20] =	ssyncadd.s32 $0xFFFFC000  }
0xfd: {  	_ =	swait.ge [sflag:s20], $0x4000  }
0xfe: {  	[sflag:s20] =	ssyncset.done $0x0  }
0xff: {  	[sflag:s20] =	ssyncadd.s32 $0xFFFFC000  }
0x100: {  	_ =	swait.ge [sflag:s20], $0x4000  }
0x101: {  	[sflag:s20] =	ssyncset.done $0x0  }
0x102: {  	[sflag:s20] =	ssyncadd.s32 $0xFFFFC000  }
0x103: {  	_ =	swait.ge [sflag:s20], $0x4000  }
0x104: {  	[sflag:s20] =	ssyncset.done $0x0  }
0x105: {  	[sflag:s20] =	ssyncadd.s32 $0xFFFFC000  }
0x106: {  	_ =	swait.ge [sflag:s20], $0x4000  }
0x107: {  	s28 =	simm.s32 $0x80;
	s7 =	simm.s32 $0x100;
	[sflag:s20] =	ssyncset.done $0x0  }
.LBB2_6:
0x108: {  	s8 =	sadd.s32 s28, s24  }
0x109: {  	[sflag:s20] =	ssyncadd.s32 $0xFFFFC000;
	s28 =	smov.u32 s7;
	s29 =	sadd.s32 $0x80, s7  }
0x10a: {  	[tilespmem:s26], [sflag:$0x3] =	stream.linear.gather [hbm4b:s8+s4], $0x400, $0x38;
	[tilespmem:$0x1B080] =	vst v63  }
0x10b: {  	p1 =	sne.s32 s7, $0x980;
	_ =	swait.ge [sflag:s25], $0x400  }
0x10c: {  	[sflag:s25] =	ssyncset.done $0x0  }
0x10d: {  	[sflag:s25] =	ssyncadd.s32 $0xFFFFFC00  }
0x10e: {  	[spmem:s3] =	stream.indirect.scatter.add.f32 [tilespmem:s0], [sflag:$0x2], $0x80, s26, s31, $0xb8;
	[tilespmem:$0x1B080] =	vst v63  }
0x10f: {  	_ = 	snop  }
0x110: {  	[spmem:s3] =	stream.indirect.scatter.add.f32 [tilespmem:s0], [sflag:$0x2], $0x80, s21, s31, $0xb8;
	[tilespmem:$0x1B080] =	vst v63  }
0x111: {  	_ = 	snop  }
0x112: {  	[spmem:s3] =	stream.indirect.scatter.add.f32 [tilespmem:s0], [sflag:$0x2], $0x80, s23, s31, $0xb8;
	[tilespmem:$0x1B080] =	vst v63  }
0x113: {  	_ = 	snop  }
0x114: {  	[spmem:s3] =	stream.indirect.scatter.add.f32 [tilespmem:s0], [sflag:$0x2], $0x80, s22, s31, $0xb8;
	[tilespmem:$0x1B080] =	vst v63  }
0x115: {  	_ = 	snop  }
0x116: {  	[spmem:s3] =	stream.indirect.scatter.add.f32 [tilespmem:s0], [sflag:$0x2], $0x80, s12, s31, $0xb8;
	[tilespmem:$0x1B080] =	vst v63  }
0x117: {  	_ = 	snop  }
0x118: {  	[spmem:s3] =	stream.indirect.scatter.add.f32 [tilespmem:s0], [sflag:$0x2], $0x80, s13, s31, $0xb8;
	[tilespmem:$0x1B080] =	vst v63  }
0x119: {  	_ = 	snop  }
0x11a: {  	[spmem:s3] =	stream.indirect.scatter.add.f32 [tilespmem:s0], [sflag:$0x2], $0x80, s14, s31, $0xb8;
	[tilespmem:$0x1B080] =	vst v63  }
0x11b: {  	_ = 	snop  }
0x11c: {  	[spmem:s3] =	stream.indirect.scatter.add.f32 [tilespmem:s0], [sflag:$0x2], $0x80, s2, s31, $0xb8;
	[tilespmem:$0x1B080] =	vst v63  }
0x11d: {  	_ =	swait.ge [sflag:s20], $0x4000  }
0x11e: {  	[sflag:s20] =	ssyncset.done $0x0  }
0x11f: {  	[sflag:s20] =	ssyncadd.s32 $0xFFFFC000  }
0x120: {  	_ =	swait.ge [sflag:s20], $0x4000  }
0x121: {  	[sflag:s20] =	ssyncset.done $0x0  }
0x122: {  	[sflag:s20] =	ssyncadd.s32 $0xFFFFC000  }
0x123: {  	_ =	swait.ge [sflag:s20], $0x4000  }
0x124: {  	[sflag:s20] =	ssyncset.done $0x0  }
0x125: {  	[sflag:s20] =	ssyncadd.s32 $0xFFFFC000  }
0x126: {  	_ =	swait.ge [sflag:s20], $0x4000  }
0x127: {  	[sflag:s20] =	ssyncset.done $0x0  }
0x128: {  	[sflag:s20] =	ssyncadd.s32 $0xFFFFC000  }
0x129: {  	_ =	swait.ge [sflag:s20], $0x4000  }
0x12a: {  	[sflag:s20] =	ssyncset.done $0x0  }
0x12b: {  	[sflag:s20] =	ssyncadd.s32 $0xFFFFC000  }
0x12c: {  	_ =	swait.ge [sflag:s20], $0x4000  }
0x12d: {  	[sflag:s20] =	ssyncset.done $0x0  }
0x12e: {  	[sflag:s20] =	ssyncadd.s32 $0xFFFFC000  }
.Ltmp2:
0x12f: {  	_ =	swait.ge [sflag:s20], $0x4000;
	(pc) =	sbr.rel @p1 .LBB2_6-.Ltmp2, $4  }
0x130: {  	[sflag:s20] =	ssyncset.done $0x0  }
0x131: {  	[sflag:s20] =	ssyncadd.s32 $0xFFFFC000  }
0x132: {  	_ =	swait.ge [sflag:s20], $0x4000  }
0x133: {  	s7 =	smov.u32 s29;
	[sflag:s20] =	ssyncset.done $0x0  }
0x134: {  	s7 =	sadd.s32 s28, s24;
	[sflag:s20] =	ssyncadd.s32 $0xFFFFC000  }
0x135: {  	[tilespmem:s26], [sflag:$0x3] =	stream.linear.gather [hbm4b:s7+s4], $0x400, $0x38;
	[tilespmem:$0x1B080] =	vst v63  }
0x136: {  	_ =	swait.ge [sflag:s25], $0x400  }
0x137: {  	[sflag:s25] =	ssyncset.done $0x0  }
0x138: {  	[sflag:s25] =	ssyncadd.s32 $0xFFFFFC00  }
0x139: {  	[spmem:s3] =	stream.indirect.scatter.add.f32 [tilespmem:s0], [sflag:$0x2], $0x80, s26, s31, $0xb8;
	[tilespmem:$0x1B080] =	vst v63  }
0x13a: {  	_ = 	snop  }
0x13b: {  	[spmem:s3] =	stream.indirect.scatter.add.f32 [tilespmem:s0], [sflag:$0x2], $0x80, s21, s31, $0xb8;
	[tilespmem:$0x1B080] =	vst v63  }
0x13c: {  	_ = 	snop  }
0x13d: {  	[spmem:s3] =	stream.indirect.scatter.add.f32 [tilespmem:s0], [sflag:$0x2], $0x80, s23, s31, $0xb8;
	[tilespmem:$0x1B080] =	vst v63  }
0x13e: {  	_ = 	snop  }
0x13f: {  	[spmem:s3] =	stream.indirect.scatter.add.f32 [tilespmem:s0], [sflag:$0x2], $0x80, s22, s31, $0xb8;
	[tilespmem:$0x1B080] =	vst v63  }
0x140: {  	_ = 	snop  }
0x141: {  	[spmem:s3] =	stream.indirect.scatter.add.f32 [tilespmem:s0], [sflag:$0x2], $0x80, s12, s31, $0xb8;
	[tilespmem:$0x1B080] =	vst v63  }
0x142: {  	_ = 	snop  }
0x143: {  	[spmem:s3] =	stream.indirect.scatter.add.f32 [tilespmem:s0], [sflag:$0x2], $0x80, s13, s31, $0xb8;
	[tilespmem:$0x1B080] =	vst v63  }
0x144: {  	_ = 	snop  }
0x145: {  	[spmem:s3] =	stream.indirect.scatter.add.f32 [tilespmem:s0], [sflag:$0x2], $0x80, s14, s31, $0xb8;
	[tilespmem:$0x1B080] =	vst v63  }
0x146: {  	_ = 	snop  }
0x147: {  	[spmem:s3] =	stream.indirect.scatter.add.f32 [tilespmem:s0], [sflag:$0x2], $0x80, s2, s31, $0xb8;
	[tilespmem:$0x1B080] =	vst v63  }
0x148: {  	_ =	swait.ge [sflag:s20], $0x4000  }
0x149: {  	[sflag:s20] =	ssyncset.done $0x0  }
0x14a: {  	[sflag:s20] =	ssyncadd.s32 $0xFFFFC000  }
0x14b: {  	_ =	swait.ge [sflag:s20], $0x4000  }
0x14c: {  	[sflag:s20] =	ssyncset.done $0x0  }
0x14d: {  	[sflag:s20] =	ssyncadd.s32 $0xFFFFC000  }
0x14e: {  	_ =	swait.ge [sflag:s20], $0x4000  }
0x14f: {  	[sflag:s20] =	ssyncset.done $0x0  }
0x150: {  	[sflag:s20] =	ssyncadd.s32 $0xFFFFC000  }
0x151: {  	_ =	swait.ge [sflag:s20], $0x4000  }
0x152: {  	[sflag:s20] =	ssyncset.done $0x0  }
0x153: {  	[sflag:s20] =	ssyncadd.s32 $0xFFFFC000  }
0x154: {  	_ =	swait.ge [sflag:s20], $0x4000  }
0x155: {  	[sflag:s20] =	ssyncset.done $0x0  }
0x156: {  	[sflag:s20] =	ssyncadd.s32 $0xFFFFC000  }
0x157: {  	_ =	swait.ge [sflag:s20], $0x4000  }
0x158: {  	[sflag:s20] =	ssyncset.done $0x0  }
0x159: {  	[sflag:s20] =	ssyncadd.s32 $0xFFFFC000  }
0x15a: {  	_ =	swait.ge [sflag:s20], $0x4000  }
0x15b: {  	[sflag:s20] =	ssyncset.done $0x0  }
0x15c: {  	[sflag:s20] =	ssyncadd.s32 $0xFFFFC000  }
0x15d: {  	_ =	swait.ge [sflag:s20], $0x4000  }
0x15e: {  	[sflag:s20] =	ssyncset.done $0x0  }
0x15f: {  	[sflag:s20] =	ssyncadd.s32 $0xFFFFC000  }
0x160: {  	[bflag:$0x0] =	sbarrier.arrive $0xFFFF  }
0x161: {  	s28 =	rddreg [dreg:$0xc]  }
0x162: {  	s9 =	rddreg [dreg:$0x10]  }
0x163: {  	s8 =	rddreg [dreg:$0x15]  }
0x164: {  	[hbm:s9], [sflag:s28] =	dma.local [spmem:s8], $0x1380  }
0x165: {  	_ =	swait.ge [sflag:s25], $0x1380  }
0x166: {  	[sflag:s25] =	ssyncset.done $0x0;
	s7 =	rddreg [dreg:$0x11]  }
0x167: {  	s8 =	rddreg [dreg:$0x16];
	[sflag:s25] =	ssyncadd.s32 $0xFFFFEC80  }
0x168: {  	[hbm:s7], [sflag:s28] =	dma.local @!p0 [spmem:s8], $0x100  }
0x169: {  	s7 =	simm.s32 @!p0 $0x3  }
0x16a: {  	_ =	swait.ge @!p0 [sflag:s7], $0x100  }
0x16b: {  	s9 =	rddreg [dreg:$0x14]  }
0x16c: {  	s29 =	rddreg [dreg:$0x13];
	s9 =	sadd.s32 $0x1, s9  }
0x16d: {  	p1 =	sne.s32 s9, s29  }
.Ltmp3:
0x16e: {  	_ = 	snop;
	(pc) =	sbr.rel @p1 .LBB2_1-.Ltmp3, $3  }
0x16f: {  	_ =	sdelay $0x1  }
0x170: {  	[sflag:s7] =	ssyncset.done @!p0 $0x0  }
0x171: {  	[sflag:s7] =	ssyncadd.s32 @!p0 $0xFFFFFF00  }
0x172: {  	_ =	sfence.sel $0x180000  }
0x173: {  	[bflag:$0x0] =	sbarrier.arrive $0xFFFF  }
0x174: {  	_ =	strace $0x9000005C  }
0x175: {  	[bflag:$0x2] =	sbarrier.arrive $0xFFFF  }
0x176: {  	s0 =	rddreg [dreg:$0x5]  }
0x177: {  	s0 =	sadd.s32 @!p0 $0x100000, s0  }
0x178: {  	[sflag:s0] =	ssyncadd.tile.s32 @!p0 $0x1;
	_ =	shalt  }
.Lfunc_end2:
_tile_overlayer_lowered:
.L_overlay_start_2:
0x179: {  	(tag) =	ssettag $0x2  }
0x17a: {  	s0 =	rddreg [dreg:$0x0];
	s2 =	stileid.u32  }
0x17b: {  	s1 =	rddreg [dreg:$0x1];
	p0 =	sne.s32 s2, $0x0  }
0x17c: {  	s3 =	rddreg [dreg:$0x2];
	[bflag:$0x3] =	sbarrier.arrive $0xFFFF;
	s2 =	simm.s32 @!p0 $0x1C03  }
0x17d: {  	[timem:s3], [sflag:s2] =	dma.local @!p0 [hbm:s0], s1  }
0x17e: {  	s0 =	simm.s32 @!p0 $0x3  }
0x17f: {  	_ =	swait.ge @!p0 [sflag:s0], s1  }
0x180: {  	s1 =	ssub.s32 @!p0 $0x0, s1;
	[sflag:s0] =	ssyncset.done @!p0 $0x0  }
0x181: {  	[sflag:s0] =	ssyncadd.s32 @!p0 s1  }
0x182: {  	[bflag:$0x3] =	sbarrier.arrive $0xFFFF  }
0x183: {  	_ =	shalt  }

</sc_bundles>
